<compile_context>
chip_gen: v7x
topology: tpu7x:2x2x1
jax: 0.10.2.dev20260603
libtpu: 0.0.44.dev20260713+nightly
codegen_flags: <defaults>
</compile_context>

<pallas_src>
import functools

import jax
import jax.numpy as jnp
from jax import lax
from jax.experimental import pallas as pl
from jax.experimental.pallas import tpu as pltpu
from jax.experimental.pallas import tpu_sc as plsc

NW = 32
TPW = 64
RPW = 32
NTAB = 9
NBIT = 32
WSTR = 384
DPACK = NBIT * WSTR


def _level_idx(x, low, high, n):
    xc = jnp.clip(x, low, high)
    idx = jnp.round((xc - low) / (high - low) * (n - 1)).astype(jnp.int32)
    return jnp.clip(idx, 0, n - 1)


def _all_indices(input, n_lvl, n_time):
    SIGNAL_MIN, SIGNAL_MAX = -5.0, 5.0
    MAG_MIN, MAG_MAX = -10.0, 10.0
    ENERGY_MIN, ENERGY_MAX = -10.0, 10.0

    t = input[:, 0] - input[0, 0]
    xyz = input[:, 1:]

    idx_x = _level_idx(jnp.clip(xyz[:, 0], SIGNAL_MIN, SIGNAL_MAX), SIGNAL_MIN, SIGNAL_MAX, n_lvl)
    idx_y = _level_idx(jnp.clip(xyz[:, 1], SIGNAL_MIN, SIGNAL_MAX), SIGNAL_MIN, SIGNAL_MAX, n_lvl)
    idx_z = _level_idx(jnp.clip(xyz[:, 2], SIGNAL_MIN, SIGNAL_MAX), SIGNAL_MIN, SIGNAL_MAX, n_lvl)

    mags = jnp.sqrt(jnp.sum(jnp.square(xyz), axis=1))
    idx_mag = _level_idx(mags, MAG_MIN, MAG_MAX, n_lvl)

    dt = t[1:] - t[:-1]
    jerk_body = (xyz[1:] - xyz[:-1]) / dt[:, None]
    jerk = jnp.concatenate([jnp.zeros((1, 3), dtype=input.dtype), jerk_body], axis=0)

    idx_xj = _level_idx(jnp.clip(jerk[:, 0], SIGNAL_MIN, SIGNAL_MAX), SIGNAL_MIN, SIGNAL_MAX, n_lvl)
    idx_yj = _level_idx(jnp.clip(jerk[:, 1], SIGNAL_MIN, SIGNAL_MAX), SIGNAL_MIN, SIGNAL_MAX, n_lvl)
    idx_zj = _level_idx(jnp.clip(jerk[:, 2], SIGNAL_MIN, SIGNAL_MAX), SIGNAL_MIN, SIGNAL_MAX, n_lvl)

    jerk_mags = jnp.sqrt(jnp.sum(jnp.square(jerk), axis=1))
    idx_magj = _level_idx(jerk_mags, MAG_MIN, MAG_MAX, n_lvl)

    idx_time = _level_idx(t, 0.0, float(n_time), n_time)

    energy = jnp.sum(jnp.square(xyz), axis=0) / xyz.shape[0]
    T = input.shape[0]
    idx_ex = jnp.full((T,), _level_idx(energy[0], ENERGY_MIN, ENERGY_MAX, n_lvl), jnp.int32)
    idx_ey = jnp.full((T,), _level_idx(energy[1], ENERGY_MIN, ENERGY_MAX, n_lvl), jnp.int32)
    idx_ez = jnp.full((T,), _level_idx(energy[2], ENERGY_MIN, ENERGY_MAX, n_lvl), jnp.int32)

    return jnp.stack([idx_x, idx_y, idx_z, idx_mag, idx_xj, idx_yj, idx_zj,
                      idx_magj, idx_time, idx_ex, idx_ey, idx_ez], axis=0)


def _pack_body(in_ref, out_ref):
    x = in_ref[...]
    rows, d = x.shape
    pad = jnp.ones((rows, DPACK - d), x.dtype)
    xp = jnp.concatenate([x, pad], axis=1)
    w = jnp.zeros((rows, WSTR), jnp.int32)
    for j in range(NBIT):
        bit = (xp[:, WSTR * j:WSTR * (j + 1)] < 0).astype(jnp.int32)
        w = w | (bit << j)
    out_ref[...] = w


def _tc_pack(table):
    R, D = table.shape
    RB = 64
    return pl.pallas_call(
        _pack_body,
        grid=(R // RB,),
        in_specs=[pl.BlockSpec((RB, D), lambda i: (i, 0))],
        out_specs=pl.BlockSpec((RB, WSTR), lambda i: (i, 0)),
        out_shape=jax.ShapeDtypeStruct((R, WSTR), jnp.int32),
    )(table)


def _sc_gather_product(idx9, tabs_w):
    mesh = plsc.VectorSubcoreMesh(core_axis_name="c", subcore_axis_name="s")

    @functools.partial(
        pl.kernel,
        mesh=mesh,
        out_type=jax.ShapeDtypeStruct((NW, NBIT, WSTR), jnp.int32),
        compiler_params=pltpu.CompilerParams(use_tc_tiling_on_sc=True),
        scratch_types=[
            pltpu.VMEM((NTAB, RPW, 2), jnp.int32),
            pltpu.VMEM((2, NTAB, 2, WSTR), jnp.int32),
            pltpu.VMEM((NBIT, WSTR), jnp.int32),
            pltpu.SemaphoreType.DMA,
            pltpu.SemaphoreType.DMA,
        ],
    )
    def sc_k(idx_hbm, t0, t1, t2, t3, t4, t5, t6, t7, t8, out_hbm,
             idx_v, buf, acc, sem0, sem1):
        tabs = (t0, t1, t2, t3, t4, t5, t6, t7, t8)
        sems = (sem0, sem1)
        wid = lax.axis_index("s") * 2 + lax.axis_index("c")

        pltpu.sync_copy(idx_hbm.at[wid], idx_v)

        def zero_j(j, carry):
            def zg(g, c):
                acc[j, pl.ds(g * 16, 16)] = jnp.zeros((16,), jnp.int32)
                return c
            return lax.fori_loop(0, WSTR // 16, zg, carry)

        lax.fori_loop(0, NBIT, zero_j, 0)

        def src(k, r):
            return tabs[k].at[idx_v.at[k, r]]

        def dst(p, k):
            return buf.at[p, k]

        for p in (0, 1):
            for k in range(NTAB):
                pltpu.async_copy(src(k, p), dst(p, k), sems[p])

        def round_pair(i2, carry):
            for p in (0, 1):
                r = i2 * 2 + p
                for k in range(NTAB):
                    pltpu.make_async_copy(src(k, r), dst(p, k),
                                          sems[p]).wait()

                def grp(g, c2):
                    col = pl.ds(g * 16, 16)
                    w0 = buf[p, 0, 0, col]
                    w1 = buf[p, 0, 1, col]
                    for k in range(1, NTAB):
                        w0 = w0 ^ buf[p, k, 0, col]
                        w1 = w1 ^ buf[p, k, 1, col]
                    one = jnp.ones((16,), jnp.int32)
                    for j in range(NBIT):
                        b = ((w0 >> j) & one) + ((w1 >> j) & one)
                        acc[j, col] = acc[j, col] + b
                    return c2

                lax.fori_loop(0, WSTR // 16, grp, 0)

                rn = r + 2

                @pl.when(rn < RPW)
                def _():
                    for k in range(NTAB):
                        pltpu.async_copy(src(k, rn), dst(p, k), sems[p])
            return carry

        lax.fori_loop(0, RPW // 2, round_pair, 0)

        pltpu.sync_copy(acc, out_hbm.at[wid])

    return sc_k(idx9, *tabs_w)


def _finale_body(parts, erows, out_ref):
    cnt = jnp.sum(parts[...], axis=0, keepdims=True)
    T = 2048.0
    s = T - 2.0 * cnt.astype(jnp.float32)
    d = out_ref.shape[1]
    e = erows[0:1] * erows[1:2] * erows[2:3]
    out_ref[...] = jnp.tanh(s[:, :d] * e)


def _tc_finale(partials, e_rows, D):
    out = pl.pallas_call(
        _finale_body,
        grid=(1,),
        in_specs=[pl.BlockSpec((NW, DPACK), lambda i: (0, 0)),
                  pl.BlockSpec((3, D), lambda i: (0, 0))],
        out_specs=pl.BlockSpec((1, D), lambda i: (0, 0)),
        out_shape=jax.ShapeDtypeStruct((1, D), jnp.float32),
    )(partials, e_rows)
    return out[0]


def kernel(input, T_x, T_y, T_z, T_mag, T_xj, T_yj, T_zj, T_magj, T_ex, T_ey, T_ez, T_time):
    n_lvl = T_x.shape[0]
    n_time = T_time.shape[0]
    D = T_x.shape[1]

    idx_all = _all_indices(input, n_lvl, n_time)

    idx9 = idx_all[:NTAB].reshape(NTAB, NW, RPW, 2)
    idx9 = jnp.transpose(idx9, (1, 0, 2, 3)).astype(jnp.int32)

    tabs = (T_x, T_y, T_z, T_mag, T_xj, T_yj, T_zj, T_magj, T_time)
    tabs_w = tuple(_tc_pack(t) for t in tabs)

    partials = _sc_gather_product(idx9, tabs_w).reshape(NW, DPACK)

    e_rows = jnp.concatenate(
        [jnp.take(t, idx_all[NTAB + j, 0][None], axis=0)
         for j, t in enumerate((T_ex, T_ey, T_ez))], axis=0)

    out = _tc_finale(partials, e_rows, D)
    return out

# --- scband reference (transcript-rebuilt; emitter-appended) ---
"""Pipeline reference for scband-hdc-level-encoder-89773406421003 (READ-ONLY COPY).

The authoritative reference and input builder live on the scoring server;
editing this copy changes nothing except your own understanding.
"""

import jax, jax.numpy as jnp
import numpy as np

LEVELS = 1024
TIMESTAMPS = 2048
D = 10000

SIGNAL_MIN, SIGNAL_MAX = -5.0, 5.0
MAG_MIN, MAG_MAX = -10.0, 10.0
ENERGY_MIN, ENERGY_MAX = -10.0, 10.0


def _rand_hv(key, n):
    # MAP-style random bipolar hypervectors, as torchhd embeddings.Level weights
    return jax.random.randint(key, (n, D), 0, 2).astype(jnp.float32) * 2.0 - 1.0


def setup_inputs(seed: int = 0) -> dict:
    key = jax.random.key(seed)
    ks = jax.random.split(key, 14)
    sig = jax.random.normal(ks[0], (TIMESTAMPS, 3), dtype=jnp.float32) * 2.0
    # monotonically increasing timestamps so jerk division (t1 - t0) is never zero
    t = jnp.arange(TIMESTAMPS, dtype=jnp.float32) * 0.5 + 3.0
    inp = jnp.concatenate([t[:, None], sig], axis=1)
    names = ["T_x", "T_y", "T_z", "T_mag", "T_xj", "T_yj", "T_zj", "T_magj", "T_ex", "T_ey", "T_ez"]
    d = {"input": inp}
    for i, nm in enumerate(names):
        d[nm] = _rand_hv(ks[i + 1], LEVELS)
    d["T_time"] = _rand_hv(ks[13], TIMESTAMPS)
    return d


def _level_lookup(table, x, low, high):
    # torchhd embeddings.Level forward: clamp value into [low, high], map linearly to
    # an index in [0, num_levels-1], round, and gather the level hypervector.
    n = table.shape[0]
    xc = jnp.clip(x, low, high)
    idx = jnp.round((xc - low) / (high - low) * (n - 1)).astype(jnp.int32)
    idx = jnp.clip(idx, 0, n - 1)
    return jnp.take(table, idx, axis=0)


def reference(input, T_x, T_y, T_z, T_mag, T_xj, T_yj, T_zj, T_magj, T_ex, T_ey, T_ez, T_time):
    t = input[:, 0] - input[0, 0]
    xyz = input[:, 1:]

    x_signal = jnp.clip(xyz[:, 0], SIGNAL_MIN, SIGNAL_MAX)
    y_signal = jnp.clip(xyz[:, 1], SIGNAL_MIN, SIGNAL_MAX)
    z_signal = jnp.clip(xyz[:, 2], SIGNAL_MIN, SIGNAL_MAX)
    x_levels = _level_lookup(T_x, x_signal, SIGNAL_MIN, SIGNAL_MAX)
    y_levels = _level_lookup(T_y, y_signal, SIGNAL_MIN, SIGNAL_MAX)
    z_levels = _level_lookup(T_z, z_signal, SIGNAL_MIN, SIGNAL_MAX)

    mags = jnp.sqrt(jnp.sum(jnp.square(xyz), axis=1))
    mag_levels = _level_lookup(T_mag, mags, MAG_MIN, MAG_MAX)

    # calc_jerk: row 0 is zeros, rows 1..N-1 are finite differences / dt
    dt = t[1:] - t[:-1]
    jerk_body = (xyz[1:] - xyz[:-1]) / dt[:, None]
    jerk = jnp.concatenate([jnp.zeros((1, 3), dtype=input.dtype), jerk_body], axis=0)

    # NOTE: original code clamps y/z jerk with SIGNAL_X bounds (same values anyway)
    x_jerk_signal = jnp.clip(jerk[:, 0], SIGNAL_MIN, SIGNAL_MAX)
    y_jerk_signal = jnp.clip(jerk[:, 1], SIGNAL_MIN, SIGNAL_MAX)
    z_jerk_signal = jnp.clip(jerk[:, 2], SIGNAL_MIN, SIGNAL_MAX)
    x_jerk_levels = _level_lookup(T_xj, x_jerk_signal, SIGNAL_MIN, SIGNAL_MAX)
    y_jerk_levels = _level_lookup(T_yj, y_jerk_signal, SIGNAL_MIN, SIGNAL_MAX)
    z_jerk_levels = _level_lookup(T_zj, z_jerk_signal, SIGNAL_MIN, SIGNAL_MAX)

    jerk_mags = jnp.sqrt(jnp.sum(jnp.square(jerk), axis=1))
    jerk_mag_levels = _level_lookup(T_magj, jerk_mags, MAG_MIN, MAG_MAX)

    energy = jnp.sum(jnp.square(xyz), axis=0) / xyz.shape[0]
    x_energy_level = _level_lookup(T_ex, energy[0], ENERGY_MIN, ENERGY_MAX)
    y_energy_level = _level_lookup(T_ey, energy[1], ENERGY_MIN, ENERGY_MAX)
    z_energy_level = _level_lookup(T_ez, energy[2], ENERGY_MIN, ENERGY_MAX)

    times = _level_lookup(T_time, t, 0.0, float(TIMESTAMPS))

    sample_hvs = (x_levels * y_levels * z_levels * x_jerk_levels * y_jerk_levels
                  * z_jerk_levels * mag_levels * jerk_mag_levels * times)
    sample_hv = jnp.sum(sample_hvs, axis=0)  # torchhd.multiset = bundling (sum over dim -2)
    sample_hv = sample_hv * (x_energy_level * y_energy_level * z_energy_level)
    return jnp.tanh(sample_hv)

if __name__ == "__main__":
    import jax
    _d = setup_inputs()
    print(jax.jit(kernel)(*tuple(_d.values())))

</pallas_src>

<mosaic_0001>
#map = affine_map<(d0, d1) -> (0, 0, 0, 0)>
#map1 = affine_map<(d0, d1) -> (0, 0)>
#map2 = affine_map<(d0, d1) -> (0, 0, 0)>
module attributes {stable_mosaic.version = 14 : i64} {
  func.func @sc_k(%arg0: i32, %arg1: i32, %arg2: memref<32x9x32x2xi32, #tpu.memory_space<hbm>>, %arg3: memref<1024x384xi32, #tpu.memory_space<hbm>>, %arg4: memref<1024x384xi32, #tpu.memory_space<hbm>>, %arg5: memref<1024x384xi32, #tpu.memory_space<hbm>>, %arg6: memref<1024x384xi32, #tpu.memory_space<hbm>>, %arg7: memref<1024x384xi32, #tpu.memory_space<hbm>>, %arg8: memref<1024x384xi32, #tpu.memory_space<hbm>>, %arg9: memref<1024x384xi32, #tpu.memory_space<hbm>>, %arg10: memref<1024x384xi32, #tpu.memory_space<hbm>>, %arg11: memref<2048x384xi32, #tpu.memory_space<hbm>>, %arg12: memref<32x32x384xi32, #tpu.memory_space<hbm>>, %arg13: memref<9x32x2xi32, #tpu.memory_space<vmem>>, %arg14: memref<2x9x2x384xi32, #tpu.memory_space<vmem>>, %arg15: memref<32x384xi32, #tpu.memory_space<vmem>>, %arg16: memref<!tpu.dma_semaphore, #tpu.memory_space<semaphore_mem>>, %arg17: memref<!tpu.dma_semaphore, #tpu.memory_space<semaphore_mem>>) attributes {dimension_semantics = [#tpu.dimension_semantics<core_parallel>, #tpu.dimension_semantics<subcore_parallel>], iteration_bounds = array<i64: 2, 16>, scalar_prefetch = 0 : i64, scratch_operands = 5 : i64, tpu.core_type = #tpu.core_type<sc_vector_subcore>, window_params = [{transform_indices = #map}, {transform_indices = #map1}, {transform_indices = #map1}, {transform_indices = #map1}, {transform_indices = #map1}, {transform_indices = #map1}, {transform_indices = #map1}, {transform_indices = #map1}, {transform_indices = #map1}, {transform_indices = #map1}, {transform_indices = #map2}]} {
    %mul3A = arith.constant 2 : i32
    %mul3A_0 = arith.muli %arg1, %mul3A : i32
    %add3A = arith.addi %mul3A_0, %arg0 : i32
    "tpu.region"() ({
      %run_scoped3A = tpu.sem_alloc : memref<!tpu.dma_semaphore, #tpu.memory_space<semaphore_mem>>
      %dma_start3A_263 = arith.constant 0 : i32
      %dma_start3A_264 = arith.constant 0 : i32
      %dma_start3A_265 = arith.constant 0 : i32
      %dma_start3A_266 = tpu.memref_slice %arg2[%add3A, %dma_start3A_263, %dma_start3A_264, %dma_start3A_265] : memref<32x9x32x2xi32, #tpu.memory_space<hbm>> -> memref<1x9x32x2xi32, #tpu.memory_space<hbm>>
      %dma_start3A_267 = tpu.memref_squeeze %dma_start3A_266 : memref<1x9x32x2xi32, #tpu.memory_space<hbm>> -> memref<9x32x2xi32, #tpu.memory_space<hbm>>
      %dma_start3A_268 = arith.constant 0 : i32
      %dma_start3A_269 = arith.constant 0 : i32
      %dma_start3A_270 = arith.constant 0 : i32
      %dma_start3A_271 = tpu.memref_slice %arg2[%add3A, %dma_start3A_268, %dma_start3A_269, %dma_start3A_270] : memref<32x9x32x2xi32, #tpu.memory_space<hbm>> -> memref<1x9x32x2xi32, #tpu.memory_space<hbm>>
      %dma_start3A_272 = tpu.memref_squeeze %dma_start3A_271 : memref<1x9x32x2xi32, #tpu.memory_space<hbm>> -> memref<9x32x2xi32, #tpu.memory_space<hbm>>
      tpu.enqueue_dma source(%dma_start3A_272 : memref<9x32x2xi32, #tpu.memory_space<hbm>>) target(%arg13 : memref<9x32x2xi32, #tpu.memory_space<vmem>>) target_semaphore(%run_scoped3A : memref<!tpu.dma_semaphore, #tpu.memory_space<semaphore_mem>>)
      %dma_wait3A = arith.constant 0 : i32
      %dma_wait3A_273 = arith.constant 0 : i32
      %dma_wait3A_274 = arith.constant 0 : i32
      %dma_wait3A_275 = tpu.memref_slice %arg2[%add3A, %dma_wait3A, %dma_wait3A_273, %dma_wait3A_274] : memref<32x9x32x2xi32, #tpu.memory_space<hbm>> -> memref<1x9x32x2xi32, #tpu.memory_space<hbm>>
      %dma_wait3A_276 = tpu.memref_squeeze %dma_wait3A_275 : memref<1x9x32x2xi32, #tpu.memory_space<hbm>> -> memref<9x32x2xi32, #tpu.memory_space<hbm>>
      %dma_wait3A_277 = arith.constant 0 : i32
      %dma_wait3A_278 = arith.constant 0 : i32
      %dma_wait3A_279 = arith.constant 0 : i32
      %dma_wait3A_280 = tpu.memref_slice %arg2[%add3A, %dma_wait3A_277, %dma_wait3A_278, %dma_wait3A_279] : memref<32x9x32x2xi32, #tpu.memory_space<hbm>> -> memref<1x9x32x2xi32, #tpu.memory_space<hbm>>
      %dma_wait3A_281 = tpu.memref_squeeze %dma_wait3A_280 : memref<1x9x32x2xi32, #tpu.memory_space<hbm>> -> memref<9x32x2xi32, #tpu.memory_space<hbm>>
      tpu.wait_dma2 semaphore(%run_scoped3A : memref<!tpu.dma_semaphore, #tpu.memory_space<semaphore_mem>>) src(%dma_wait3A_281 : memref<9x32x2xi32, #tpu.memory_space<hbm>>) dst(%arg13 : memref<9x32x2xi32, #tpu.memory_space<vmem>>)
      tpu.yield
    }) : () -> ()
    %scan3A = arith.constant 0 : i32
    %scan3A_1 = arith.constant 0 : i32
    %scan3A_2 = arith.constant 32 : i32
    %scan3A_3 = arith.addi %scan3A_1, %scan3A_2 : i32
    %scan3A_4 = arith.constant 1 : i32
    scf.for %scan3A_263 = %scan3A_1 to %scan3A_3 step %scan3A_4  : i32 {
      %scan3A_264 = arith.constant 0 : i32
      %scan3A_265 = arith.constant 24 : i32
      %scan3A_266 = arith.addi %scan3A_264, %scan3A_265 : i32
      %scan3A_267 = arith.constant 1 : i32
      scf.for %scan3A_269 = %scan3A_264 to %scan3A_266 step %scan3A_267  : i32 {
        %broadcast_in_dim3A = arith.constant 0 : i32
        %broadcast_in_dim3A_270 = vector.broadcast %broadcast_in_dim3A : i32 to vector<16xi32>
        %mul3A_271 = arith.constant 16 : i32
        %mul3A_272 = arith.muli %scan3A_269, %mul3A_271 : i32
        %swap3A = arith.index_cast %scan3A_263 : i32 to index
        %swap3A_273 = arith.index_cast %mul3A_272 : i32 to index
        %swap3A_274 = tpu.vector_load %arg15[%swap3A, %swap3A_273] {strides = array<i32>} : memref<32x384xi32, #tpu.memory_space<vmem>>, vector<1x16xi32>,
        %swap3A_275 = vector.shape_cast %swap3A_274 : vector<1x16xi32> to vector<16xi32>
        %swap3A_276 = vector.shape_cast %broadcast_in_dim3A_270 : vector<16xi32> to vector<1x16xi32>
        tpu.vector_store %arg15[%swap3A, %swap3A_273], %swap3A_276 {strides = array<i32>} : memref<32x384xi32, #tpu.memory_space<vmem>>, vector<1x16xi32>,
      }
      %scan3A_268 = arith.constant 24 : i32
    }
    %scan3A_5 = arith.constant 32 : i32
    %dma_start3A = arith.constant 0 : i32
    %dma_start3A_6 = arith.constant 0 : i32
    %dma_start3A_7 = arith.constant 0 : i32
    %dma_start3A_8 = arith.constant 0 : i32
    %dma_start3A_9 = arith.constant 0 : i32
    %dma_start3A_10 = arith.constant 0 : i32
    %dma_start3A_11 = tpu.memref_slice %arg14[%dma_start3A_7, %dma_start3A_8, %dma_start3A_9, %dma_start3A_10] : memref<2x9x2x384xi32, #tpu.memory_space<vmem>> -> memref<1x1x2x384xi32, #tpu.memory_space<vmem>>
    %dma_start3A_12 = tpu.memref_squeeze %dma_start3A_11 : memref<1x1x2x384xi32, #tpu.memory_space<vmem>> -> memref<2x384xi32, #tpu.memory_space<vmem>>
    %dma_start3A_13 = arith.constant 0 : i32
    %dma_start3A_14 = tpu.memref_slice %arg13[%dma_start3A, %dma_start3A_6, %dma_start3A_13] : memref<9x32x2xi32, #tpu.memory_space<vmem>> -> memref<1x1x2xi32, #tpu.memory_space<vmem>>
    %dma_start3A_15 = tpu.memref_squeeze %dma_start3A_14 : memref<1x1x2xi32, #tpu.memory_space<vmem>> -> memref<2xi32, #tpu.memory_space<vmem>>
    %dma_start3A_16 = arith.constant 0 : i32
    %dma_start3A_17 = arith.constant 0 : i32
    %dma_start3A_18 = tpu.memref_slice %arg3[%dma_start3A_16, %dma_start3A_17] : memref<1024x384xi32, #tpu.memory_space<hbm>> -> memref<1024x384xi32, #tpu.memory_space<hbm>>
    tpu.enqueue_indirect_dma source(%dma_start3A_18 : memref<1024x384xi32, #tpu.memory_space<hbm>>) target(%dma_start3A_12 : memref<2x384xi32, #tpu.memory_space<vmem>>) offsets(%dma_start3A_15 : memref<2xi32, #tpu.memory_space<vmem>>) semaphore(%arg16 : memref<!tpu.dma_semaphore, #tpu.memory_space<semaphore_mem>>)
    %dma_start3A_19 = arith.constant 1 : i32
    %dma_start3A_20 = arith.constant 0 : i32
    %dma_start3A_21 = arith.constant 0 : i32
    %dma_start3A_22 = arith.constant 1 : i32
    %dma_start3A_23 = arith.constant 0 : i32
    %dma_start3A_24 = arith.constant 0 : i32
    %dma_start3A_25 = tpu.memref_slice %arg14[%dma_start3A_21, %dma_start3A_22, %dma_start3A_23, %dma_start3A_24] : memref<2x9x2x384xi32, #tpu.memory_space<vmem>> -> memref<1x1x2x384xi32, #tpu.memory_space<vmem>>
    %dma_start3A_26 = tpu.memref_squeeze %dma_start3A_25 : memref<1x1x2x384xi32, #tpu.memory_space<vmem>> -> memref<2x384xi32, #tpu.memory_space<vmem>>
    %dma_start3A_27 = arith.constant 0 : i32
    %dma_start3A_28 = tpu.memref_slice %arg13[%dma_start3A_19, %dma_start3A_20, %dma_start3A_27] : memref<9x32x2xi32, #tpu.memory_space<vmem>> -> memref<1x1x2xi32, #tpu.memory_space<vmem>>
    %dma_start3A_29 = tpu.memref_squeeze %dma_start3A_28 : memref<1x1x2xi32, #tpu.memory_space<vmem>> -> memref<2xi32, #tpu.memory_space<vmem>>
    %dma_start3A_30 = arith.constant 0 : i32
    %dma_start3A_31 = arith.constant 0 : i32
    %dma_start3A_32 = tpu.memref_slice %arg4[%dma_start3A_30, %dma_start3A_31] : memref<1024x384xi32, #tpu.memory_space<hbm>> -> memref<1024x384xi32, #tpu.memory_space<hbm>>
    tpu.enqueue_indirect_dma source(%dma_start3A_32 : memref<1024x384xi32, #tpu.memory_space<hbm>>) target(%dma_start3A_26 : memref<2x384xi32, #tpu.memory_space<vmem>>) offsets(%dma_start3A_29 : memref<2xi32, #tpu.memory_space<vmem>>) semaphore(%arg16 : memref<!tpu.dma_semaphore, #tpu.memory_space<semaphore_mem>>)
    %dma_start3A_33 = arith.constant 2 : i32
    %dma_start3A_34 = arith.constant 0 : i32
    %dma_start3A_35 = arith.constant 0 : i32
    %dma_start3A_36 = arith.constant 2 : i32
    %dma_start3A_37 = arith.constant 0 : i32
    %dma_start3A_38 = arith.constant 0 : i32
    %dma_start3A_39 = tpu.memref_slice %arg14[%dma_start3A_35, %dma_start3A_36, %dma_start3A_37, %dma_start3A_38] : memref<2x9x2x384xi32, #tpu.memory_space<vmem>> -> memref<1x1x2x384xi32, #tpu.memory_space<vmem>>
    %dma_start3A_40 = tpu.memref_squeeze %dma_start3A_39 : memref<1x1x2x384xi32, #tpu.memory_space<vmem>> -> memref<2x384xi32, #tpu.memory_space<vmem>>
    %dma_start3A_41 = arith.constant 0 : i32
    %dma_start3A_42 = tpu.memref_slice %arg13[%dma_start3A_33, %dma_start3A_34, %dma_start3A_41] : memref<9x32x2xi32, #tpu.memory_space<vmem>> -> memref<1x1x2xi32, #tpu.memory_space<vmem>>
    %dma_start3A_43 = tpu.memref_squeeze %dma_start3A_42 : memref<1x1x2xi32, #tpu.memory_space<vmem>> -> memref<2xi32, #tpu.memory_space<vmem>>
    %dma_start3A_44 = arith.constant 0 : i32
    %dma_start3A_45 = arith.constant 0 : i32
    %dma_start3A_46 = tpu.memref_slice %arg5[%dma_start3A_44, %dma_start3A_45] : memref<1024x384xi32, #tpu.memory_space<hbm>> -> memref<1024x384xi32, #tpu.memory_space<hbm>>
    tpu.enqueue_indirect_dma source(%dma_start3A_46 : memref<1024x384xi32, #tpu.memory_space<hbm>>) target(%dma_start3A_40 : memref<2x384xi32, #tpu.memory_space<vmem>>) offsets(%dma_start3A_43 : memref<2xi32, #tpu.memory_space<vmem>>) semaphore(%arg16 : memref<!tpu.dma_semaphore, #tpu.memory_space<semaphore_mem>>)
    %dma_start3A_47 = arith.constant 3 : i32
    %dma_start3A_48 = arith.constant 0 : i32
    %dma_start3A_49 = arith.constant 0 : i32
    %dma_start3A_50 = arith.constant 3 : i32
    %dma_start3A_51 = arith.constant 0 : i32
    %dma_start3A_52 = arith.constant 0 : i32
    %dma_start3A_53 = tpu.memref_slice %arg14[%dma_start3A_49, %dma_start3A_50, %dma_start3A_51, %dma_start3A_52] : memref<2x9x2x384xi32, #tpu.memory_space<vmem>> -> memref<1x1x2x384xi32, #tpu.memory_space<vmem>>
    %dma_start3A_54 = tpu.memref_squeeze %dma_start3A_53 : memref<1x1x2x384xi32, #tpu.memory_space<vmem>> -> memref<2x384xi32, #tpu.memory_space<vmem>>
    %dma_start3A_55 = arith.constant 0 : i32
    %dma_start3A_56 = tpu.memref_slice %arg13[%dma_start3A_47, %dma_start3A_48, %dma_start3A_55] : memref<9x32x2xi32, #tpu.memory_space<vmem>> -> memref<1x1x2xi32, #tpu.memory_space<vmem>>
    %dma_start3A_57 = tpu.memref_squeeze %dma_start3A_56 : memref<1x1x2xi32, #tpu.memory_space<vmem>> -> memref<2xi32, #tpu.memory_space<vmem>>
    %dma_start3A_58 = arith.constant 0 : i32
    %dma_start3A_59 = arith.constant 0 : i32
    %dma_start3A_60 = tpu.memref_slice %arg6[%dma_start3A_58, %dma_start3A_59] : memref<1024x384xi32, #tpu.memory_space<hbm>> -> memref<1024x384xi32, #tpu.memory_space<hbm>>
    tpu.enqueue_indirect_dma source(%dma_start3A_60 : memref<1024x384xi32, #tpu.memory_space<hbm>>) target(%dma_start3A_54 : memref<2x384xi32, #tpu.memory_space<vmem>>) offsets(%dma_start3A_57 : memref<2xi32, #tpu.memory_space<vmem>>) semaphore(%arg16 : memref<!tpu.dma_semaphore, #tpu.memory_space<semaphore_mem>>)
    %dma_start3A_61 = arith.constant 4 : i32
    %dma_start3A_62 = arith.constant 0 : i32
    %dma_start3A_63 = arith.constant 0 : i32
    %dma_start3A_64 = arith.constant 4 : i32
    %dma_start3A_65 = arith.constant 0 : i32
    %dma_start3A_66 = arith.constant 0 : i32
    %dma_start3A_67 = tpu.memref_slice %arg14[%dma_start3A_63, %dma_start3A_64, %dma_start3A_65, %dma_start3A_66] : memref<2x9x2x384xi32, #tpu.memory_space<vmem>> -> memref<1x1x2x384xi32, #tpu.memory_space<vmem>>
    %dma_start3A_68 = tpu.memref_squeeze %dma_start3A_67 : memref<1x1x2x384xi32, #tpu.memory_space<vmem>> -> memref<2x384xi32, #tpu.memory_space<vmem>>
    %dma_start3A_69 = arith.constant 0 : i32
    %dma_start3A_70 = tpu.memref_slice %arg13[%dma_start3A_61, %dma_start3A_62, %dma_start3A_69] : memref<9x32x2xi32, #tpu.memory_space<vmem>> -> memref<1x1x2xi32, #tpu.memory_space<vmem>>
    %dma_start3A_71 = tpu.memref_squeeze %dma_start3A_70 : memref<1x1x2xi32, #tpu.memory_space<vmem>> -> memref<2xi32, #tpu.memory_space<vmem>>
    %dma_start3A_72 = arith.constant 0 : i32
    %dma_start3A_73 = arith.constant 0 : i32
    %dma_start3A_74 = tpu.memref_slice %arg7[%dma_start3A_72, %dma_start3A_73] : memref<1024x384xi32, #tpu.memory_space<hbm>> -> memref<1024x384xi32, #tpu.memory_space<hbm>>
    tpu.enqueue_indirect_dma source(%dma_start3A_74 : memref<1024x384xi32, #tpu.memory_space<hbm>>) target(%dma_start3A_68 : memref<2x384xi32, #tpu.memory_space<vmem>>) offsets(%dma_start3A_71 : memref<2xi32, #tpu.memory_space<vmem>>) semaphore(%arg16 : memref<!tpu.dma_semaphore, #tpu.memory_space<semaphore_mem>>)
    %dma_start3A_75 = arith.constant 5 : i32
    %dma_start3A_76 = arith.constant 0 : i32
    %dma_start3A_77 = arith.constant 0 : i32
    %dma_start3A_78 = arith.constant 5 : i32
    %dma_start3A_79 = arith.constant 0 : i32
    %dma_start3A_80 = arith.constant 0 : i32
    %dma_start3A_81 = tpu.memref_slice %arg14[%dma_start3A_77, %dma_start3A_78, %dma_start3A_79, %dma_start3A_80] : memref<2x9x2x384xi32, #tpu.memory_space<vmem>> -> memref<1x1x2x384xi32, #tpu.memory_space<vmem>>
    %dma_start3A_82 = tpu.memref_squeeze %dma_start3A_81 : memref<1x1x2x384xi32, #tpu.memory_space<vmem>> -> memref<2x384xi32, #tpu.memory_space<vmem>>
    %dma_start3A_83 = arith.constant 0 : i32
    %dma_start3A_84 = tpu.memref_slice %arg13[%dma_start3A_75, %dma_start3A_76, %dma_start3A_83] : memref<9x32x2xi32, #tpu.memory_space<vmem>> -> memref<1x1x2xi32, #tpu.memory_space<vmem>>
    %dma_start3A_85 = tpu.memref_squeeze %dma_start3A_84 : memref<1x1x2xi32, #tpu.memory_space<vmem>> -> memref<2xi32, #tpu.memory_space<vmem>>
    %dma_start3A_86 = arith.constant 0 : i32
    %dma_start3A_87 = arith.constant 0 : i32
    %dma_start3A_88 = tpu.memref_slice %arg8[%dma_start3A_86, %dma_start3A_87] : memref<1024x384xi32, #tpu.memory_space<hbm>> -> memref<1024x384xi32, #tpu.memory_space<hbm>>
    tpu.enqueue_indirect_dma source(%dma_start3A_88 : memref<1024x384xi32, #tpu.memory_space<hbm>>) target(%dma_start3A_82 : memref<2x384xi32, #tpu.memory_space<vmem>>) offsets(%dma_start3A_85 : memref<2xi32, #tpu.memory_space<vmem>>) semaphore(%arg16 : memref<!tpu.dma_semaphore, #tpu.memory_space<semaphore_mem>>)
    %dma_start3A_89 = arith.constant 6 : i32
    %dma_start3A_90 = arith.constant 0 : i32
    %dma_start3A_91 = arith.constant 0 : i32
    %dma_start3A_92 = arith.constant 6 : i32
    %dma_start3A_93 = arith.constant 0 : i32
    %dma_start3A_94 = arith.constant 0 : i32
    %dma_start3A_95 = tpu.memref_slice %arg14[%dma_start3A_91, %dma_start3A_92, %dma_start3A_93, %dma_start3A_94] : memref<2x9x2x384xi32, #tpu.memory_space<vmem>> -> memref<1x1x2x384xi32, #tpu.memory_space<vmem>>
    %dma_start3A_96 = tpu.memref_squeeze %dma_start3A_95 : memref<1x1x2x384xi32, #tpu.memory_space<vmem>> -> memref<2x384xi32, #tpu.memory_space<vmem>>
    %dma_start3A_97 = arith.constant 0 : i32
    %dma_start3A_98 = tpu.memref_slice %arg13[%dma_start3A_89, %dma_start3A_90, %dma_start3A_97] : memref<9x32x2xi32, #tpu.memory_space<vmem>> -> memref<1x1x2xi32, #tpu.memory_space<vmem>>
    %dma_start3A_99 = tpu.memref_squeeze %dma_start3A_98 : memref<1x1x2xi32, #tpu.memory_space<vmem>> -> memref<2xi32, #tpu.memory_space<vmem>>
    %dma_start3A_100 = arith.constant 0 : i32
    %dma_start3A_101 = arith.constant 0 : i32
    %dma_start3A_102 = tpu.memref_slice %arg9[%dma_start3A_100, %dma_start3A_101] : memref<1024x384xi32, #tpu.memory_space<hbm>> -> memref<1024x384xi32, #tpu.memory_space<hbm>>
    tpu.enqueue_indirect_dma source(%dma_start3A_102 : memref<1024x384xi32, #tpu.memory_space<hbm>>) target(%dma_start3A_96 : memref<2x384xi32, #tpu.memory_space<vmem>>) offsets(%dma_start3A_99 : memref<2xi32, #tpu.memory_space<vmem>>) semaphore(%arg16 : memref<!tpu.dma_semaphore, #tpu.memory_space<semaphore_mem>>)
    %dma_start3A_103 = arith.constant 7 : i32
    %dma_start3A_104 = arith.constant 0 : i32
    %dma_start3A_105 = arith.constant 0 : i32
    %dma_start3A_106 = arith.constant 7 : i32
    %dma_start3A_107 = arith.constant 0 : i32
    %dma_start3A_108 = arith.constant 0 : i32
    %dma_start3A_109 = tpu.memref_slice %arg14[%dma_start3A_105, %dma_start3A_106, %dma_start3A_107, %dma_start3A_108] : memref<2x9x2x384xi32, #tpu.memory_space<vmem>> -> memref<1x1x2x384xi32, #tpu.memory_space<vmem>>
    %dma_start3A_110 = tpu.memref_squeeze %dma_start3A_109 : memref<1x1x2x384xi32, #tpu.memory_space<vmem>> -> memref<2x384xi32, #tpu.memory_space<vmem>>
    %dma_start3A_111 = arith.constant 0 : i32
    %dma_start3A_112 = tpu.memref_slice %arg13[%dma_start3A_103, %dma_start3A_104, %dma_start3A_111] : memref<9x32x2xi32, #tpu.memory_space<vmem>> -> memref<1x1x2xi32, #tpu.memory_space<vmem>>
    %dma_start3A_113 = tpu.memref_squeeze %dma_start3A_112 : memref<1x1x2xi32, #tpu.memory_space<vmem>> -> memref<2xi32, #tpu.memory_space<vmem>>
    %dma_start3A_114 = arith.constant 0 : i32
    %dma_start3A_115 = arith.constant 0 : i32
    %dma_start3A_116 = tpu.memref_slice %arg10[%dma_start3A_114, %dma_start3A_115] : memref<1024x384xi32, #tpu.memory_space<hbm>> -> memref<1024x384xi32, #tpu.memory_space<hbm>>
    tpu.enqueue_indirect_dma source(%dma_start3A_116 : memref<1024x384xi32, #tpu.memory_space<hbm>>) target(%dma_start3A_110 : memref<2x384xi32, #tpu.memory_space<vmem>>) offsets(%dma_start3A_113 : memref<2xi32, #tpu.memory_space<vmem>>) semaphore(%arg16 : memref<!tpu.dma_semaphore, #tpu.memory_space<semaphore_mem>>)
    %dma_start3A_117 = arith.constant 8 : i32
    %dma_start3A_118 = arith.constant 0 : i32
    %dma_start3A_119 = arith.constant 0 : i32
    %dma_start3A_120 = arith.constant 8 : i32
    %dma_start3A_121 = arith.constant 0 : i32
    %dma_start3A_122 = arith.constant 0 : i32
    %dma_start3A_123 = tpu.memref_slice %arg14[%dma_start3A_119, %dma_start3A_120, %dma_start3A_121, %dma_start3A_122] : memref<2x9x2x384xi32, #tpu.memory_space<vmem>> -> memref<1x1x2x384xi32, #tpu.memory_space<vmem>>
    %dma_start3A_124 = tpu.memref_squeeze %dma_start3A_123 : memref<1x1x2x384xi32, #tpu.memory_space<vmem>> -> memref<2x384xi32, #tpu.memory_space<vmem>>
    %dma_start3A_125 = arith.constant 0 : i32
    %dma_start3A_126 = tpu.memref_slice %arg13[%dma_start3A_117, %dma_start3A_118, %dma_start3A_125] : memref<9x32x2xi32, #tpu.memory_space<vmem>> -> memref<1x1x2xi32, #tpu.memory_space<vmem>>
    %dma_start3A_127 = tpu.memref_squeeze %dma_start3A_126 : memref<1x1x2xi32, #tpu.memory_space<vmem>> -> memref<2xi32, #tpu.memory_space<vmem>>
    %dma_start3A_128 = arith.constant 0 : i32
    %dma_start3A_129 = arith.constant 0 : i32
    %dma_start3A_130 = tpu.memref_slice %arg11[%dma_start3A_128, %dma_start3A_129] : memref<2048x384xi32, #tpu.memory_space<hbm>> -> memref<2048x384xi32, #tpu.memory_space<hbm>>
    tpu.enqueue_indirect_dma source(%dma_start3A_130 : memref<2048x384xi32, #tpu.memory_space<hbm>>) target(%dma_start3A_124 : memref<2x384xi32, #tpu.memory_space<vmem>>) offsets(%dma_start3A_127 : memref<2xi32, #tpu.memory_space<vmem>>) semaphore(%arg16 : memref<!tpu.dma_semaphore, #tpu.memory_space<semaphore_mem>>)
    %dma_start3A_131 = arith.constant 0 : i32
    %dma_start3A_132 = arith.constant 1 : i32
    %dma_start3A_133 = arith.constant 1 : i32
    %dma_start3A_134 = arith.constant 0 : i32
    %dma_start3A_135 = arith.constant 0 : i32
    %dma_start3A_136 = arith.constant 0 : i32
    %dma_start3A_137 = tpu.memref_slice %arg14[%dma_start3A_133, %dma_start3A_134, %dma_start3A_135, %dma_start3A_136] : memref<2x9x2x384xi32, #tpu.memory_space<vmem>> -> memref<1x1x2x384xi32, #tpu.memory_space<vmem>>
    %dma_start3A_138 = tpu.memref_squeeze %dma_start3A_137 : memref<1x1x2x384xi32, #tpu.memory_space<vmem>> -> memref<2x384xi32, #tpu.memory_space<vmem>>
    %dma_start3A_139 = arith.constant 0 : i32
    %dma_start3A_140 = tpu.memref_slice %arg13[%dma_start3A_131, %dma_start3A_132, %dma_start3A_139] : memref<9x32x2xi32, #tpu.memory_space<vmem>> -> memref<1x1x2xi32, #tpu.memory_space<vmem>>
    %dma_start3A_141 = tpu.memref_squeeze %dma_start3A_140 : memref<1x1x2xi32, #tpu.memory_space<vmem>> -> memref<2xi32, #tpu.memory_space<vmem>>
    %dma_start3A_142 = arith.constant 0 : i32
    %dma_start3A_143 = arith.constant 0 : i32
    %dma_start3A_144 = tpu.memref_slice %arg3[%dma_start3A_142, %dma_start3A_143] : memref<1024x384xi32, #tpu.memory_space<hbm>> -> memref<1024x384xi32, #tpu.memory_space<hbm>>
    tpu.enqueue_indirect_dma source(%dma_start3A_144 : memref<1024x384xi32, #tpu.memory_space<hbm>>) target(%dma_start3A_138 : memref<2x384xi32, #tpu.memory_space<vmem>>) offsets(%dma_start3A_141 : memref<2xi32, #tpu.memory_space<vmem>>) semaphore(%arg17 : memref<!tpu.dma_semaphore, #tpu.memory_space<semaphore_mem>>)
    %dma_start3A_145 = arith.constant 1 : i32
    %dma_start3A_146 = arith.constant 1 : i32
    %dma_start3A_147 = arith.constant 1 : i32
    %dma_start3A_148 = arith.constant 1 : i32
    %dma_start3A_149 = arith.constant 0 : i32
    %dma_start3A_150 = arith.constant 0 : i32
    %dma_start3A_151 = tpu.memref_slice %arg14[%dma_start3A_147, %dma_start3A_148, %dma_start3A_149, %dma_start3A_150] : memref<2x9x2x384xi32, #tpu.memory_space<vmem>> -> memref<1x1x2x384xi32, #tpu.memory_space<vmem>>
    %dma_start3A_152 = tpu.memref_squeeze %dma_start3A_151 : memref<1x1x2x384xi32, #tpu.memory_space<vmem>> -> memref<2x384xi32, #tpu.memory_space<vmem>>
    %dma_start3A_153 = arith.constant 0 : i32
    %dma_start3A_154 = tpu.memref_slice %arg13[%dma_start3A_145, %dma_start3A_146, %dma_start3A_153] : memref<9x32x2xi32, #tpu.memory_space<vmem>> -> memref<1x1x2xi32, #tpu.memory_space<vmem>>
    %dma_start3A_155 = tpu.memref_squeeze %dma_start3A_154 : memref<1x1x2xi32, #tpu.memory_space<vmem>> -> memref<2xi32, #tpu.memory_space<vmem>>
    %dma_start3A_156 = arith.constant 0 : i32
    %dma_start3A_157 = arith.constant 0 : i32
    %dma_start3A_158 = tpu.memref_slice %arg4[%dma_start3A_156, %dma_start3A_157] : memref<1024x384xi32, #tpu.memory_space<hbm>> -> memref<1024x384xi32, #tpu.memory_space<hbm>>
    tpu.enqueue_indirect_dma source(%dma_start3A_158 : memref<1024x384xi32, #tpu.memory_space<hbm>>) target(%dma_start3A_152 : memref<2x384xi32, #tpu.memory_space<vmem>>) offsets(%dma_start3A_155 : memref<2xi32, #tpu.memory_space<vmem>>) semaphore(%arg17 : memref<!tpu.dma_semaphore, #tpu.memory_space<semaphore_mem>>)
    %dma_start3A_159 = arith.constant 2 : i32
    %dma_start3A_160 = arith.constant 1 : i32
    %dma_start3A_161 = arith.constant 1 : i32
    %dma_start3A_162 = arith.constant 2 : i32
    %dma_start3A_163 = arith.constant 0 : i32
    %dma_start3A_164 = arith.constant 0 : i32
    %dma_start3A_165 = tpu.memref_slice %arg14[%dma_start3A_161, %dma_start3A_162, %dma_start3A_163, %dma_start3A_164] : memref<2x9x2x384xi32, #tpu.memory_space<vmem>> -> memref<1x1x2x384xi32, #tpu.memory_space<vmem>>
    %dma_start3A_166 = tpu.memref_squeeze %dma_start3A_165 : memref<1x1x2x384xi32, #tpu.memory_space<vmem>> -> memref<2x384xi32, #tpu.memory_space<vmem>>
    %dma_start3A_167 = arith.constant 0 : i32
    %dma_start3A_168 = tpu.memref_slice %arg13[%dma_start3A_159, %dma_start3A_160, %dma_start3A_167] : memref<9x32x2xi32, #tpu.memory_space<vmem>> -> memref<1x1x2xi32, #tpu.memory_space<vmem>>
    %dma_start3A_169 = tpu.memref_squeeze %dma_start3A_168 : memref<1x1x2xi32, #tpu.memory_space<vmem>> -> memref<2xi32, #tpu.memory_space<vmem>>
    %dma_start3A_170 = arith.constant 0 : i32
    %dma_start3A_171 = arith.constant 0 : i32
    %dma_start3A_172 = tpu.memref_slice %arg5[%dma_start3A_170, %dma_start3A_171] : memref<1024x384xi32, #tpu.memory_space<hbm>> -> memref<1024x384xi32, #tpu.memory_space<hbm>>
    tpu.enqueue_indirect_dma source(%dma_start3A_172 : memref<1024x384xi32, #tpu.memory_space<hbm>>) target(%dma_start3A_166 : memref<2x384xi32, #tpu.memory_space<vmem>>) offsets(%dma_start3A_169 : memref<2xi32, #tpu.memory_space<vmem>>) semaphore(%arg17 : memref<!tpu.dma_semaphore, #tpu.memory_space<semaphore_mem>>)
    %dma_start3A_173 = arith.constant 3 : i32
    %dma_start3A_174 = arith.constant 1 : i32
    %dma_start3A_175 = arith.constant 1 : i32
    %dma_start3A_176 = arith.constant 3 : i32
    %dma_start3A_177 = arith.constant 0 : i32
    %dma_start3A_178 = arith.constant 0 : i32
    %dma_start3A_179 = tpu.memref_slice %arg14[%dma_start3A_175, %dma_start3A_176, %dma_start3A_177, %dma_start3A_178] : memref<2x9x2x384xi32, #tpu.memory_space<vmem>> -> memref<1x1x2x384xi32, #tpu.memory_space<vmem>>
    %dma_start3A_180 = tpu.memref_squeeze %dma_start3A_179 : memref<1x1x2x384xi32, #tpu.memory_space<vmem>> -> memref<2x384xi32, #tpu.memory_space<vmem>>
    %dma_start3A_181 = arith.constant 0 : i32
    %dma_start3A_182 = tpu.memref_slice %arg13[%dma_start3A_173, %dma_start3A_174, %dma_start3A_181] : memref<9x32x2xi32, #tpu.memory_space<vmem>> -> memref<1x1x2xi32, #tpu.memory_space<vmem>>
    %dma_start3A_183 = tpu.memref_squeeze %dma_start3A_182 : memref<1x1x2xi32, #tpu.memory_space<vmem>> -> memref<2xi32, #tpu.memory_space<vmem>>
    %dma_start3A_184 = arith.constant 0 : i32
    %dma_start3A_185 = arith.constant 0 : i32
    %dma_start3A_186 = tpu.memref_slice %arg6[%dma_start3A_184, %dma_start3A_185] : memref<1024x384xi32, #tpu.memory_space<hbm>> -> memref<1024x384xi32, #tpu.memory_space<hbm>>
    tpu.enqueue_indirect_dma source(%dma_start3A_186 : memref<1024x384xi32, #tpu.memory_space<hbm>>) target(%dma_start3A_180 : memref<2x384xi32, #tpu.memory_space<vmem>>) offsets(%dma_start3A_183 : memref<2xi32, #tpu.memory_space<vmem>>) semaphore(%arg17 : memref<!tpu.dma_semaphore, #tpu.memory_space<semaphore_mem>>)
    %dma_start3A_187 = arith.constant 4 : i32
    %dma_start3A_188 = arith.constant 1 : i32
    %dma_start3A_189 = arith.constant 1 : i32
    %dma_start3A_190 = arith.constant 4 : i32
    %dma_start3A_191 = arith.constant 0 : i32
    %dma_start3A_192 = arith.constant 0 : i32
    %dma_start3A_193 = tpu.memref_slice %arg14[%dma_start3A_189, %dma_start3A_190, %dma_start3A_191, %dma_start3A_192] : memref<2x9x2x384xi32, #tpu.memory_space<vmem>> -> memref<1x1x2x384xi32, #tpu.memory_space<vmem>>
    %dma_start3A_194 = tpu.memref_squeeze %dma_start3A_193 : memref<1x1x2x384xi32, #tpu.memory_space<vmem>> -> memref<2x384xi32, #tpu.memory_space<vmem>>
    %dma_start3A_195 = arith.constant 0 : i32
    %dma_start3A_196 = tpu.memref_slice %arg13[%dma_start3A_187, %dma_start3A_188, %dma_start3A_195] : memref<9x32x2xi32, #tpu.memory_space<vmem>> -> memref<1x1x2xi32, #tpu.memory_space<vmem>>
    %dma_start3A_197 = tpu.memref_squeeze %dma_start3A_196 : memref<1x1x2xi32, #tpu.memory_space<vmem>> -> memref<2xi32, #tpu.memory_space<vmem>>
    %dma_start3A_198 = arith.constant 0 : i32
    %dma_start3A_199 = arith.constant 0 : i32
    %dma_start3A_200 = tpu.memref_slice %arg7[%dma_start3A_198, %dma_start3A_199] : memref<1024x384xi32, #tpu.memory_space<hbm>> -> memref<1024x384xi32, #tpu.memory_space<hbm>>
    tpu.enqueue_indirect_dma source(%dma_start3A_200 : memref<1024x384xi32, #tpu.memory_space<hbm>>) target(%dma_start3A_194 : memref<2x384xi32, #tpu.memory_space<vmem>>) offsets(%dma_start3A_197 : memref<2xi32, #tpu.memory_space<vmem>>) semaphore(%arg17 : memref<!tpu.dma_semaphore, #tpu.memory_space<semaphore_mem>>)
    %dma_start3A_201 = arith.constant 5 : i32
    %dma_start3A_202 = arith.constant 1 : i32
    %dma_start3A_203 = arith.constant 1 : i32
    %dma_start3A_204 = arith.constant 5 : i32
    %dma_start3A_205 = arith.constant 0 : i32
    %dma_start3A_206 = arith.constant 0 : i32
    %dma_start3A_207 = tpu.memref_slice %arg14[%dma_start3A_203, %dma_start3A_204, %dma_start3A_205, %dma_start3A_206] : memref<2x9x2x384xi32, #tpu.memory_space<vmem>> -> memref<1x1x2x384xi32, #tpu.memory_space<vmem>>
    %dma_start3A_208 = tpu.memref_squeeze %dma_start3A_207 : memref<1x1x2x384xi32, #tpu.memory_space<vmem>> -> memref<2x384xi32, #tpu.memory_space<vmem>>
    %dma_start3A_209 = arith.constant 0 : i32
    %dma_start3A_210 = tpu.memref_slice %arg13[%dma_start3A_201, %dma_start3A_202, %dma_start3A_209] : memref<9x32x2xi32, #tpu.memory_space<vmem>> -> memref<1x1x2xi32, #tpu.memory_space<vmem>>
    %dma_start3A_211 = tpu.memref_squeeze %dma_start3A_210 : memref<1x1x2xi32, #tpu.memory_space<vmem>> -> memref<2xi32, #tpu.memory_space<vmem>>
    %dma_start3A_212 = arith.constant 0 : i32
    %dma_start3A_213 = arith.constant 0 : i32
    %dma_start3A_214 = tpu.memref_slice %arg8[%dma_start3A_212, %dma_start3A_213] : memref<1024x384xi32, #tpu.memory_space<hbm>> -> memref<1024x384xi32, #tpu.memory_space<hbm>>
    tpu.enqueue_indirect_dma source(%dma_start3A_214 : memref<1024x384xi32, #tpu.memory_space<hbm>>) target(%dma_start3A_208 : memref<2x384xi32, #tpu.memory_space<vmem>>) offsets(%dma_start3A_211 : memref<2xi32, #tpu.memory_space<vmem>>) semaphore(%arg17 : memref<!tpu.dma_semaphore, #tpu.memory_space<semaphore_mem>>)
    %dma_start3A_215 = arith.constant 6 : i32
    %dma_start3A_216 = arith.constant 1 : i32
    %dma_start3A_217 = arith.constant 1 : i32
    %dma_start3A_218 = arith.constant 6 : i32
    %dma_start3A_219 = arith.constant 0 : i32
    %dma_start3A_220 = arith.constant 0 : i32
    %dma_start3A_221 = tpu.memref_slice %arg14[%dma_start3A_217, %dma_start3A_218, %dma_start3A_219, %dma_start3A_220] : memref<2x9x2x384xi32, #tpu.memory_space<vmem>> -> memref<1x1x2x384xi32, #tpu.memory_space<vmem>>
    %dma_start3A_222 = tpu.memref_squeeze %dma_start3A_221 : memref<1x1x2x384xi32, #tpu.memory_space<vmem>> -> memref<2x384xi32, #tpu.memory_space<vmem>>
    %dma_start3A_223 = arith.constant 0 : i32
    %dma_start3A_224 = tpu.memref_slice %arg13[%dma_start3A_215, %dma_start3A_216, %dma_start3A_223] : memref<9x32x2xi32, #tpu.memory_space<vmem>> -> memref<1x1x2xi32, #tpu.memory_space<vmem>>
    %dma_start3A_225 = tpu.memref_squeeze %dma_start3A_224 : memref<1x1x2xi32, #tpu.memory_space<vmem>> -> memref<2xi32, #tpu.memory_space<vmem>>
    %dma_start3A_226 = arith.constant 0 : i32
    %dma_start3A_227 = arith.constant 0 : i32
    %dma_start3A_228 = tpu.memref_slice %arg9[%dma_start3A_226, %dma_start3A_227] : memref<1024x384xi32, #tpu.memory_space<hbm>> -> memref<1024x384xi32, #tpu.memory_space<hbm>>
    tpu.enqueue_indirect_dma source(%dma_start3A_228 : memref<1024x384xi32, #tpu.memory_space<hbm>>) target(%dma_start3A_222 : memref<2x384xi32, #tpu.memory_space<vmem>>) offsets(%dma_start3A_225 : memref<2xi32, #tpu.memory_space<vmem>>) semaphore(%arg17 : memref<!tpu.dma_semaphore, #tpu.memory_space<semaphore_mem>>)
    %dma_start3A_229 = arith.constant 7 : i32
    %dma_start3A_230 = arith.constant 1 : i32
    %dma_start3A_231 = arith.constant 1 : i32
    %dma_start3A_232 = arith.constant 7 : i32
    %dma_start3A_233 = arith.constant 0 : i32
    %dma_start3A_234 = arith.constant 0 : i32
    %dma_start3A_235 = tpu.memref_slice %arg14[%dma_start3A_231, %dma_start3A_232, %dma_start3A_233, %dma_start3A_234] : memref<2x9x2x384xi32, #tpu.memory_space<vmem>> -> memref<1x1x2x384xi32, #tpu.memory_space<vmem>>
    %dma_start3A_236 = tpu.memref_squeeze %dma_start3A_235 : memref<1x1x2x384xi32, #tpu.memory_space<vmem>> -> memref<2x384xi32, #tpu.memory_space<vmem>>
    %dma_start3A_237 = arith.constant 0 : i32
    %dma_start3A_238 = tpu.memref_slice %arg13[%dma_start3A_229, %dma_start3A_230, %dma_start3A_237] : memref<9x32x2xi32, #tpu.memory_space<vmem>> -> memref<1x1x2xi32, #tpu.memory_space<vmem>>
    %dma_start3A_239 = tpu.memref_squeeze %dma_start3A_238 : memref<1x1x2xi32, #tpu.memory_space<vmem>> -> memref<2xi32, #tpu.memory_space<vmem>>
    %dma_start3A_240 = arith.constant 0 : i32
    %dma_start3A_241 = arith.constant 0 : i32
    %dma_start3A_242 = tpu.memref_slice %arg10[%dma_start3A_240, %dma_start3A_241] : memref<1024x384xi32, #tpu.memory_space<hbm>> -> memref<1024x384xi32, #tpu.memory_space<hbm>>
    tpu.enqueue_indirect_dma source(%dma_start3A_242 : memref<1024x384xi32, #tpu.memory_space<hbm>>) target(%dma_start3A_236 : memref<2x384xi32, #tpu.memory_space<vmem>>) offsets(%dma_start3A_239 : memref<2xi32, #tpu.memory_space<vmem>>) semaphore(%arg17 : memref<!tpu.dma_semaphore, #tpu.memory_space<semaphore_mem>>)
    %dma_start3A_243 = arith.constant 8 : i32
    %dma_start3A_244 = arith.constant 1 : i32
    %dma_start3A_245 = arith.constant 1 : i32
    %dma_start3A_246 = arith.constant 8 : i32
    %dma_start3A_247 = arith.constant 0 : i32
    %dma_start3A_248 = arith.constant 0 : i32
    %dma_start3A_249 = tpu.memref_slice %arg14[%dma_start3A_245, %dma_start3A_246, %dma_start3A_247, %dma_start3A_248] : memref<2x9x2x384xi32, #tpu.memory_space<vmem>> -> memref<1x1x2x384xi32, #tpu.memory_space<vmem>>
    %dma_start3A_250 = tpu.memref_squeeze %dma_start3A_249 : memref<1x1x2x384xi32, #tpu.memory_space<vmem>> -> memref<2x384xi32, #tpu.memory_space<vmem>>
    %dma_start3A_251 = arith.constant 0 : i32
    %dma_start3A_252 = tpu.memref_slice %arg13[%dma_start3A_243, %dma_start3A_244, %dma_start3A_251] : memref<9x32x2xi32, #tpu.memory_space<vmem>> -> memref<1x1x2xi32, #tpu.memory_space<vmem>>
    %dma_start3A_253 = tpu.memref_squeeze %dma_start3A_252 : memref<1x1x2xi32, #tpu.memory_space<vmem>> -> memref<2xi32, #tpu.memory_space<vmem>>
    %dma_start3A_254 = arith.constant 0 : i32
    %dma_start3A_255 = arith.constant 0 : i32
    %dma_start3A_256 = tpu.memref_slice %arg11[%dma_start3A_254, %dma_start3A_255] : memref<2048x384xi32, #tpu.memory_space<hbm>> -> memref<2048x384xi32, #tpu.memory_space<hbm>>
    tpu.enqueue_indirect_dma source(%dma_start3A_256 : memref<2048x384xi32, #tpu.memory_space<hbm>>) target(%dma_start3A_250 : memref<2x384xi32, #tpu.memory_space<vmem>>) offsets(%dma_start3A_253 : memref<2xi32, #tpu.memory_space<vmem>>) semaphore(%arg17 : memref<!tpu.dma_semaphore, #tpu.memory_space<semaphore_mem>>)
    %scan3A_257 = arith.constant 0 : i32
    %scan3A_258 = arith.constant 0 : i32
    %scan3A_259 = arith.constant 16 : i32
    %scan3A_260 = arith.addi %scan3A_258, %scan3A_259 : i32
    %scan3A_261 = arith.constant 1 : i32
    scf.for %scan3A_263 = %scan3A_258 to %scan3A_260 step %scan3A_261  : i32 {
      %mul3A_264 = arith.constant 2 : i32
      %mul3A_265 = arith.muli %scan3A_263, %mul3A_264 : i32
      %add3A_266 = arith.constant 0 : i32
      %add3A_267 = arith.addi %mul3A_265, %add3A_266 : i32
      %dma_wait3A = arith.constant 0 : i32
      %dma_wait3A_268 = arith.constant 0 : i32
      %dma_wait3A_269 = arith.constant 0 : i32
      %dma_wait3A_270 = arith.constant 0 : i32
      %dma_wait3A_271 = arith.constant 0 : i32
      %dma_wait3A_272 = tpu.memref_slice %arg14[%dma_wait3A_268, %dma_wait3A_269, %dma_wait3A_270, %dma_wait3A_271] : memref<2x9x2x384xi32, #tpu.memory_space<vmem>> -> memref<1x1x2x384xi32, #tpu.memory_space<vmem>>
      %dma_wait3A_273 = tpu.memref_squeeze %dma_wait3A_272 : memref<1x1x2x384xi32, #tpu.memory_space<vmem>> -> memref<2x384xi32, #tpu.memory_space<vmem>>
      %dma_wait3A_274 = arith.constant 0 : i32
      %dma_wait3A_275 = tpu.memref_slice %arg13[%dma_wait3A, %add3A_267, %dma_wait3A_274] : memref<9x32x2xi32, #tpu.memory_space<vmem>> -> memref<1x1x2xi32, #tpu.memory_space<vmem>>
      %dma_wait3A_276 = tpu.memref_squeeze %dma_wait3A_275 : memref<1x1x2xi32, #tpu.memory_space<vmem>> -> memref<2xi32, #tpu.memory_space<vmem>>
      %dma_wait3A_277 = arith.constant 0 : i32
      %dma_wait3A_278 = arith.constant 0 : i32
      %dma_wait3A_279 = tpu.memref_slice %arg3[%dma_wait3A_277, %dma_wait3A_278] : memref<1024x384xi32, #tpu.memory_space<hbm>> -> memref<1024x384xi32, #tpu.memory_space<hbm>>
      tpu.wait_indirect_dma semaphore(%arg16 : memref<!tpu.dma_semaphore, #tpu.memory_space<semaphore_mem>>) src(%dma_wait3A_279 : memref<1024x384xi32, #tpu.memory_space<hbm>>) dst(%dma_wait3A_273 : memref<2x384xi32, #tpu.memory_space<vmem>>)
      %dma_wait3A_280 = arith.constant 1 : i32
      %dma_wait3A_281 = arith.constant 0 : i32
      %dma_wait3A_282 = arith.constant 1 : i32
      %dma_wait3A_283 = arith.constant 0 : i32
      %dma_wait3A_284 = arith.constant 0 : i32
      %dma_wait3A_285 = tpu.memref_slice %arg14[%dma_wait3A_281, %dma_wait3A_282, %dma_wait3A_283, %dma_wait3A_284] : memref<2x9x2x384xi32, #tpu.memory_space<vmem>> -> memref<1x1x2x384xi32, #tpu.memory_space<vmem>>
      %dma_wait3A_286 = tpu.memref_squeeze %dma_wait3A_285 : memref<1x1x2x384xi32, #tpu.memory_space<vmem>> -> memref<2x384xi32, #tpu.memory_space<vmem>>
      %dma_wait3A_287 = arith.constant 0 : i32
      %dma_wait3A_288 = tpu.memref_slice %arg13[%dma_wait3A_280, %add3A_267, %dma_wait3A_287] : memref<9x32x2xi32, #tpu.memory_space<vmem>> -> memref<1x1x2xi32, #tpu.memory_space<vmem>>
      %dma_wait3A_289 = tpu.memref_squeeze %dma_wait3A_288 : memref<1x1x2xi32, #tpu.memory_space<vmem>> -> memref<2xi32, #tpu.memory_space<vmem>>
      %dma_wait3A_290 = arith.constant 0 : i32
      %dma_wait3A_291 = arith.constant 0 : i32
      %dma_wait3A_292 = tpu.memref_slice %arg4[%dma_wait3A_290, %dma_wait3A_291] : memref<1024x384xi32, #tpu.memory_space<hbm>> -> memref<1024x384xi32, #tpu.memory_space<hbm>>
      tpu.wait_indirect_dma semaphore(%arg16 : memref<!tpu.dma_semaphore, #tpu.memory_space<semaphore_mem>>) src(%dma_wait3A_292 : memref<1024x384xi32, #tpu.memory_space<hbm>>) dst(%dma_wait3A_286 : memref<2x384xi32, #tpu.memory_space<vmem>>)
      %dma_wait3A_293 = arith.constant 2 : i32
      %dma_wait3A_294 = arith.constant 0 : i32
      %dma_wait3A_295 = arith.constant 2 : i32
      %dma_wait3A_296 = arith.constant 0 : i32
      %dma_wait3A_297 = arith.constant 0 : i32
      %dma_wait3A_298 = tpu.memref_slice %arg14[%dma_wait3A_294, %dma_wait3A_295, %dma_wait3A_296, %dma_wait3A_297] : memref<2x9x2x384xi32, #tpu.memory_space<vmem>> -> memref<1x1x2x384xi32, #tpu.memory_space<vmem>>
      %dma_wait3A_299 = tpu.memref_squeeze %dma_wait3A_298 : memref<1x1x2x384xi32, #tpu.memory_space<vmem>> -> memref<2x384xi32, #tpu.memory_space<vmem>>
      %dma_wait3A_300 = arith.constant 0 : i32
      %dma_wait3A_301 = tpu.memref_slice %arg13[%dma_wait3A_293, %add3A_267, %dma_wait3A_300] : memref<9x32x2xi32, #tpu.memory_space<vmem>> -> memref<1x1x2xi32, #tpu.memory_space<vmem>>
      %dma_wait3A_302 = tpu.memref_squeeze %dma_wait3A_301 : memref<1x1x2xi32, #tpu.memory_space<vmem>> -> memref<2xi32, #tpu.memory_space<vmem>>
      %dma_wait3A_303 = arith.constant 0 : i32
      %dma_wait3A_304 = arith.constant 0 : i32
      %dma_wait3A_305 = tpu.memref_slice %arg5[%dma_wait3A_303, %dma_wait3A_304] : memref<1024x384xi32, #tpu.memory_space<hbm>> -> memref<1024x384xi32, #tpu.memory_space<hbm>>
      tpu.wait_indirect_dma semaphore(%arg16 : memref<!tpu.dma_semaphore, #tpu.memory_space<semaphore_mem>>) src(%dma_wait3A_305 : memref<1024x384xi32, #tpu.memory_space<hbm>>) dst(%dma_wait3A_299 : memref<2x384xi32, #tpu.memory_space<vmem>>)
      %dma_wait3A_306 = arith.constant 3 : i32
      %dma_wait3A_307 = arith.constant 0 : i32
      %dma_wait3A_308 = arith.constant 3 : i32
      %dma_wait3A_309 = arith.constant 0 : i32
      %dma_wait3A_310 = arith.constant 0 : i32
      %dma_wait3A_311 = tpu.memref_slice %arg14[%dma_wait3A_307, %dma_wait3A_308, %dma_wait3A_309, %dma_wait3A_310] : memref<2x9x2x384xi32, #tpu.memory_space<vmem>> -> memref<1x1x2x384xi32, #tpu.memory_space<vmem>>
      %dma_wait3A_312 = tpu.memref_squeeze %dma_wait3A_311 : memref<1x1x2x384xi32, #tpu.memory_space<vmem>> -> memref<2x384xi32, #tpu.memory_space<vmem>>
      %dma_wait3A_313 = arith.constant 0 : i32
      %dma_wait3A_314 = tpu.memref_slice %arg13[%dma_wait3A_306, %add3A_267, %dma_wait3A_313] : memref<9x32x2xi32, #tpu.memory_space<vmem>> -> memref<1x1x2xi32, #tpu.memory_space<vmem>>
      %dma_wait3A_315 = tpu.memref_squeeze %dma_wait3A_314 : memref<1x1x2xi32, #tpu.memory_space<vmem>> -> memref<2xi32, #tpu.memory_space<vmem>>
      %dma_wait3A_316 = arith.constant 0 : i32
      %dma_wait3A_317 = arith.constant 0 : i32
      %dma_wait3A_318 = tpu.memref_slice %arg6[%dma_wait3A_316, %dma_wait3A_317] : memref<1024x384xi32, #tpu.memory_space<hbm>> -> memref<1024x384xi32, #tpu.memory_space<hbm>>
      tpu.wait_indirect_dma semaphore(%arg16 : memref<!tpu.dma_semaphore, #tpu.memory_space<semaphore_mem>>) src(%dma_wait3A_318 : memref<1024x384xi32, #tpu.memory_space<hbm>>) dst(%dma_wait3A_312 : memref<2x384xi32, #tpu.memory_space<vmem>>)
      %dma_wait3A_319 = arith.constant 4 : i32
      %dma_wait3A_320 = arith.constant 0 : i32
      %dma_wait3A_321 = arith.constant 4 : i32
      %dma_wait3A_322 = arith.constant 0 : i32
      %dma_wait3A_323 = arith.constant 0 : i32
      %dma_wait3A_324 = tpu.memref_slice %arg14[%dma_wait3A_320, %dma_wait3A_321, %dma_wait3A_322, %dma_wait3A_323] : memref<2x9x2x384xi32, #tpu.memory_space<vmem>> -> memref<1x1x2x384xi32, #tpu.memory_space<vmem>>
      %dma_wait3A_325 = tpu.memref_squeeze %dma_wait3A_324 : memref<1x1x2x384xi32, #tpu.memory_space<vmem>> -> memref<2x384xi32, #tpu.memory_space<vmem>>
      %dma_wait3A_326 = arith.constant 0 : i32
      %dma_wait3A_327 = tpu.memref_slice %arg13[%dma_wait3A_319, %add3A_267, %dma_wait3A_326] : memref<9x32x2xi32, #tpu.memory_space<vmem>> -> memref<1x1x2xi32, #tpu.memory_space<vmem>>
      %dma_wait3A_328 = tpu.memref_squeeze %dma_wait3A_327 : memref<1x1x2xi32, #tpu.memory_space<vmem>> -> memref<2xi32, #tpu.memory_space<vmem>>
      %dma_wait3A_329 = arith.constant 0 : i32
      %dma_wait3A_330 = arith.constant 0 : i32
      %dma_wait3A_331 = tpu.memref_slice %arg7[%dma_wait3A_329, %dma_wait3A_330] : memref<1024x384xi32, #tpu.memory_space<hbm>> -> memref<1024x384xi32, #tpu.memory_space<hbm>>
      tpu.wait_indirect_dma semaphore(%arg16 : memref<!tpu.dma_semaphore, #tpu.memory_space<semaphore_mem>>) src(%dma_wait3A_331 : memref<1024x384xi32, #tpu.memory_space<hbm>>) dst(%dma_wait3A_325 : memref<2x384xi32, #tpu.memory_space<vmem>>)
      %dma_wait3A_332 = arith.constant 5 : i32
      %dma_wait3A_333 = arith.constant 0 : i32
      %dma_wait3A_334 = arith.constant 5 : i32
      %dma_wait3A_335 = arith.constant 0 : i32
      %dma_wait3A_336 = arith.constant 0 : i32
      %dma_wait3A_337 = tpu.memref_slice %arg14[%dma_wait3A_333, %dma_wait3A_334, %dma_wait3A_335, %dma_wait3A_336] : memref<2x9x2x384xi32, #tpu.memory_space<vmem>> -> memref<1x1x2x384xi32, #tpu.memory_space<vmem>>
      %dma_wait3A_338 = tpu.memref_squeeze %dma_wait3A_337 : memref<1x1x2x384xi32, #tpu.memory_space<vmem>> -> memref<2x384xi32, #tpu.memory_space<vmem>>
      %dma_wait3A_339 = arith.constant 0 : i32
      %dma_wait3A_340 = tpu.memref_slice %arg13[%dma_wait3A_332, %add3A_267, %dma_wait3A_339] : memref<9x32x2xi32, #tpu.memory_space<vmem>> -> memref<1x1x2xi32, #tpu.memory_space<vmem>>
      %dma_wait3A_341 = tpu.memref_squeeze %dma_wait3A_340 : memref<1x1x2xi32, #tpu.memory_space<vmem>> -> memref<2xi32, #tpu.memory_space<vmem>>
      %dma_wait3A_342 = arith.constant 0 : i32
      %dma_wait3A_343 = arith.constant 0 : i32
      %dma_wait3A_344 = tpu.memref_slice %arg8[%dma_wait3A_342, %dma_wait3A_343] : memref<1024x384xi32, #tpu.memory_space<hbm>> -> memref<1024x384xi32, #tpu.memory_space<hbm>>
      tpu.wait_indirect_dma semaphore(%arg16 : memref<!tpu.dma_semaphore, #tpu.memory_space<semaphore_mem>>) src(%dma_wait3A_344 : memref<1024x384xi32, #tpu.memory_space<hbm>>) dst(%dma_wait3A_338 : memref<2x384xi32, #tpu.memory_space<vmem>>)
      %dma_wait3A_345 = arith.constant 6 : i32
      %dma_wait3A_346 = arith.constant 0 : i32
      %dma_wait3A_347 = arith.constant 6 : i32
      %dma_wait3A_348 = arith.constant 0 : i32
      %dma_wait3A_349 = arith.constant 0 : i32
      %dma_wait3A_350 = tpu.memref_slice %arg14[%dma_wait3A_346, %dma_wait3A_347, %dma_wait3A_348, %dma_wait3A_349] : memref<2x9x2x384xi32, #tpu.memory_space<vmem>> -> memref<1x1x2x384xi32, #tpu.memory_space<vmem>>
      %dma_wait3A_351 = tpu.memref_squeeze %dma_wait3A_350 : memref<1x1x2x384xi32, #tpu.memory_space<vmem>> -> memref<2x384xi32, #tpu.memory_space<vmem>>
      %dma_wait3A_352 = arith.constant 0 : i32
      %dma_wait3A_353 = tpu.memref_slice %arg13[%dma_wait3A_345, %add3A_267, %dma_wait3A_352] : memref<9x32x2xi32, #tpu.memory_space<vmem>> -> memref<1x1x2xi32, #tpu.memory_space<vmem>>
      %dma_wait3A_354 = tpu.memref_squeeze %dma_wait3A_353 : memref<1x1x2xi32, #tpu.memory_space<vmem>> -> memref<2xi32, #tpu.memory_space<vmem>>
      %dma_wait3A_355 = arith.constant 0 : i32
      %dma_wait3A_356 = arith.constant 0 : i32
      %dma_wait3A_357 = tpu.memref_slice %arg9[%dma_wait3A_355, %dma_wait3A_356] : memref<1024x384xi32, #tpu.memory_space<hbm>> -> memref<1024x384xi32, #tpu.memory_space<hbm>>
      tpu.wait_indirect_dma semaphore(%arg16 : memref<!tpu.dma_semaphore, #tpu.memory_space<semaphore_mem>>) src(%dma_wait3A_357 : memref<1024x384xi32, #tpu.memory_space<hbm>>) dst(%dma_wait3A_351 : memref<2x384xi32, #tpu.memory_space<vmem>>)
      %dma_wait3A_358 = arith.constant 7 : i32
      %dma_wait3A_359 = arith.constant 0 : i32
      %dma_wait3A_360 = arith.constant 7 : i32
      %dma_wait3A_361 = arith.constant 0 : i32
      %dma_wait3A_362 = arith.constant 0 : i32
      %dma_wait3A_363 = tpu.memref_slice %arg14[%dma_wait3A_359, %dma_wait3A_360, %dma_wait3A_361, %dma_wait3A_362] : memref<2x9x2x384xi32, #tpu.memory_space<vmem>> -> memref<1x1x2x384xi32, #tpu.memory_space<vmem>>
      %dma_wait3A_364 = tpu.memref_squeeze %dma_wait3A_363 : memref<1x1x2x384xi32, #tpu.memory_space<vmem>> -> memref<2x384xi32, #tpu.memory_space<vmem>>
      %dma_wait3A_365 = arith.constant 0 : i32
      %dma_wait3A_366 = tpu.memref_slice %arg13[%dma_wait3A_358, %add3A_267, %dma_wait3A_365] : memref<9x32x2xi32, #tpu.memory_space<vmem>> -> memref<1x1x2xi32, #tpu.memory_space<vmem>>
      %dma_wait3A_367 = tpu.memref_squeeze %dma_wait3A_366 : memref<1x1x2xi32, #tpu.memory_space<vmem>> -> memref<2xi32, #tpu.memory_space<vmem>>
      %dma_wait3A_368 = arith.constant 0 : i32
      %dma_wait3A_369 = arith.constant 0 : i32
      %dma_wait3A_370 = tpu.memref_slice %arg10[%dma_wait3A_368, %dma_wait3A_369] : memref<1024x384xi32, #tpu.memory_space<hbm>> -> memref<1024x384xi32, #tpu.memory_space<hbm>>
      tpu.wait_indirect_dma semaphore(%arg16 : memref<!tpu.dma_semaphore, #tpu.memory_space<semaphore_mem>>) src(%dma_wait3A_370 : memref<1024x384xi32, #tpu.memory_space<hbm>>) dst(%dma_wait3A_364 : memref<2x384xi32, #tpu.memory_space<vmem>>)
      %dma_wait3A_371 = arith.constant 8 : i32
      %dma_wait3A_372 = arith.constant 0 : i32
      %dma_wait3A_373 = arith.constant 8 : i32
      %dma_wait3A_374 = arith.constant 0 : i32
      %dma_wait3A_375 = arith.constant 0 : i32
      %dma_wait3A_376 = tpu.memref_slice %arg14[%dma_wait3A_372, %dma_wait3A_373, %dma_wait3A_374, %dma_wait3A_375] : memref<2x9x2x384xi32, #tpu.memory_space<vmem>> -> memref<1x1x2x384xi32, #tpu.memory_space<vmem>>
      %dma_wait3A_377 = tpu.memref_squeeze %dma_wait3A_376 : memref<1x1x2x384xi32, #tpu.memory_space<vmem>> -> memref<2x384xi32, #tpu.memory_space<vmem>>
      %dma_wait3A_378 = arith.constant 0 : i32
      %dma_wait3A_379 = tpu.memref_slice %arg13[%dma_wait3A_371, %add3A_267, %dma_wait3A_378] : memref<9x32x2xi32, #tpu.memory_space<vmem>> -> memref<1x1x2xi32, #tpu.memory_space<vmem>>
      %dma_wait3A_380 = tpu.memref_squeeze %dma_wait3A_379 : memref<1x1x2xi32, #tpu.memory_space<vmem>> -> memref<2xi32, #tpu.memory_space<vmem>>
      %dma_wait3A_381 = arith.constant 0 : i32
      %dma_wait3A_382 = arith.constant 0 : i32
      %dma_wait3A_383 = tpu.memref_slice %arg11[%dma_wait3A_381, %dma_wait3A_382] : memref<2048x384xi32, #tpu.memory_space<hbm>> -> memref<2048x384xi32, #tpu.memory_space<hbm>>
      tpu.wait_indirect_dma semaphore(%arg16 : memref<!tpu.dma_semaphore, #tpu.memory_space<semaphore_mem>>) src(%dma_wait3A_383 : memref<2048x384xi32, #tpu.memory_space<hbm>>) dst(%dma_wait3A_377 : memref<2x384xi32, #tpu.memory_space<vmem>>)
      %scan3A_384 = arith.constant 0 : i32
      %scan3A_385 = arith.constant 0 : i32
      %scan3A_386 = arith.constant 24 : i32
      %scan3A_387 = arith.addi %scan3A_385, %scan3A_386 : i32
      %scan3A_388 = arith.constant 1 : i32
      scf.for %scan3A_528 = %scan3A_385 to %scan3A_387 step %scan3A_388  : i32 {
        %mul3A_529 = arith.constant 16 : i32
        %mul3A_530 = arith.muli %scan3A_528, %mul3A_529 : i32
        %get3A = arith.constant 0 : i32
        %get3A_531 = arith.constant 0 : i32
        %get3A_532 = arith.constant 0 : i32
        %get3A_533 = arith.index_cast %get3A : i32 to index
        %get3A_534 = arith.index_cast %get3A_531 : i32 to index
        %get3A_535 = arith.index_cast %get3A_532 : i32 to index
        %get3A_536 = arith.index_cast %mul3A_530 : i32 to index
        %get3A_537 = tpu.vector_load %arg14[%get3A_533, %get3A_534, %get3A_535, %get3A_536] {strides = array<i32>} : memref<2x9x2x384xi32, #tpu.memory_space<vmem>>, vector<1x1x1x16xi32>,
        %get3A_538 = vector.shape_cast %get3A_537 : vector<1x1x1x16xi32> to vector<16xi32>
        %get3A_539 = arith.constant 0 : i32
        %get3A_540 = arith.constant 0 : i32
        %get3A_541 = arith.constant 1 : i32
        %get3A_542 = arith.index_cast %get3A_539 : i32 to index
        %get3A_543 = arith.index_cast %get3A_540 : i32 to index
        %get3A_544 = arith.index_cast %get3A_541 : i32 to index
        %get3A_545 = arith.index_cast %mul3A_530 : i32 to index
        %get3A_546 = tpu.vector_load %arg14[%get3A_542, %get3A_543, %get3A_544, %get3A_545] {strides = array<i32>} : memref<2x9x2x384xi32, #tpu.memory_space<vmem>>, vector<1x1x1x16xi32>,
        %get3A_547 = vector.shape_cast %get3A_546 : vector<1x1x1x16xi32> to vector<16xi32>
        %get3A_548 = arith.constant 0 : i32
        %get3A_549 = arith.constant 1 : i32
        %get3A_550 = arith.constant 0 : i32
        %get3A_551 = arith.index_cast %get3A_548 : i32 to index
        %get3A_552 = arith.index_cast %get3A_549 : i32 to index
        %get3A_553 = arith.index_cast %get3A_550 : i32 to index
        %get3A_554 = arith.index_cast %mul3A_530 : i32 to index
        %get3A_555 = tpu.vector_load %arg14[%get3A_551, %get3A_552, %get3A_553, %get3A_554] {strides = array<i32>} : memref<2x9x2x384xi32, #tpu.memory_space<vmem>>, vector<1x1x1x16xi32>,
        %get3A_556 = vector.shape_cast %get3A_555 : vector<1x1x1x16xi32> to vector<16xi32>
        %xor3A = arith.xori %get3A_538, %get3A_556 : vector<16xi32>
        %get3A_557 = arith.constant 0 : i32
        %get3A_558 = arith.constant 1 : i32
        %get3A_559 = arith.constant 1 : i32
        %get3A_560 = arith.index_cast %get3A_557 : i32 to index
        %get3A_561 = arith.index_cast %get3A_558 : i32 to index
        %get3A_562 = arith.index_cast %get3A_559 : i32 to index
        %get3A_563 = arith.index_cast %mul3A_530 : i32 to index
        %get3A_564 = tpu.vector_load %arg14[%get3A_560, %get3A_561, %get3A_562, %get3A_563] {strides = array<i32>} : memref<2x9x2x384xi32, #tpu.memory_space<vmem>>, vector<1x1x1x16xi32>,
        %get3A_565 = vector.shape_cast %get3A_564 : vector<1x1x1x16xi32> to vector<16xi32>
        %xor3A_566 = arith.xori %get3A_547, %get3A_565 : vector<16xi32>
        %get3A_567 = arith.constant 0 : i32
        %get3A_568 = arith.constant 2 : i32
        %get3A_569 = arith.constant 0 : i32
        %get3A_570 = arith.index_cast %get3A_567 : i32 to index
        %get3A_571 = arith.index_cast %get3A_568 : i32 to index
        %get3A_572 = arith.index_cast %get3A_569 : i32 to index
        %get3A_573 = arith.index_cast %mul3A_530 : i32 to index
        %get3A_574 = tpu.vector_load %arg14[%get3A_570, %get3A_571, %get3A_572, %get3A_573] {strides = array<i32>} : memref<2x9x2x384xi32, #tpu.memory_space<vmem>>, vector<1x1x1x16xi32>,
        %get3A_575 = vector.shape_cast %get3A_574 : vector<1x1x1x16xi32> to vector<16xi32>
        %xor3A_576 = arith.xori %xor3A, %get3A_575 : vector<16xi32>
        %get3A_577 = arith.constant 0 : i32
        %get3A_578 = arith.constant 2 : i32
        %get3A_579 = arith.constant 1 : i32
        %get3A_580 = arith.index_cast %get3A_577 : i32 to index
        %get3A_581 = arith.index_cast %get3A_578 : i32 to index
        %get3A_582 = arith.index_cast %get3A_579 : i32 to index
        %get3A_583 = arith.index_cast %mul3A_530 : i32 to index
        %get3A_584 = tpu.vector_load %arg14[%get3A_580, %get3A_581, %get3A_582, %get3A_583] {strides = array<i32>} : memref<2x9x2x384xi32, #tpu.memory_space<vmem>>, vector<1x1x1x16xi32>,
        %get3A_585 = vector.shape_cast %get3A_584 : vector<1x1x1x16xi32> to vector<16xi32>
        %xor3A_586 = arith.xori %xor3A_566, %get3A_585 : vector<16xi32>
        %get3A_587 = arith.constant 0 : i32
        %get3A_588 = arith.constant 3 : i32
        %get3A_589 = arith.constant 0 : i32
        %get3A_590 = arith.index_cast %get3A_587 : i32 to index
        %get3A_591 = arith.index_cast %get3A_588 : i32 to index
        %get3A_592 = arith.index_cast %get3A_589 : i32 to index
        %get3A_593 = arith.index_cast %mul3A_530 : i32 to index
        %get3A_594 = tpu.vector_load %arg14[%get3A_590, %get3A_591, %get3A_592, %get3A_593] {strides = array<i32>} : memref<2x9x2x384xi32, #tpu.memory_space<vmem>>, vector<1x1x1x16xi32>,
        %get3A_595 = vector.shape_cast %get3A_594 : vector<1x1x1x16xi32> to vector<16xi32>
        %xor3A_596 = arith.xori %xor3A_576, %get3A_595 : vector<16xi32>
        %get3A_597 = arith.constant 0 : i32
        %get3A_598 = arith.constant 3 : i32
        %get3A_599 = arith.constant 1 : i32
        %get3A_600 = arith.index_cast %get3A_597 : i32 to index
        %get3A_601 = arith.index_cast %get3A_598 : i32 to index
        %get3A_602 = arith.index_cast %get3A_599 : i32 to index
        %get3A_603 = arith.index_cast %mul3A_530 : i32 to index
        %get3A_604 = tpu.vector_load %arg14[%get3A_600, %get3A_601, %get3A_602, %get3A_603] {strides = array<i32>} : memref<2x9x2x384xi32, #tpu.memory_space<vmem>>, vector<1x1x1x16xi32>,
        %get3A_605 = vector.shape_cast %get3A_604 : vector<1x1x1x16xi32> to vector<16xi32>
        %xor3A_606 = arith.xori %xor3A_586, %get3A_605 : vector<16xi32>
        %get3A_607 = arith.constant 0 : i32
        %get3A_608 = arith.constant 4 : i32
        %get3A_609 = arith.constant 0 : i32
        %get3A_610 = arith.index_cast %get3A_607 : i32 to index
        %get3A_611 = arith.index_cast %get3A_608 : i32 to index
        %get3A_612 = arith.index_cast %get3A_609 : i32 to index
        %get3A_613 = arith.index_cast %mul3A_530 : i32 to index
        %get3A_614 = tpu.vector_load %arg14[%get3A_610, %get3A_611, %get3A_612, %get3A_613] {strides = array<i32>} : memref<2x9x2x384xi32, #tpu.memory_space<vmem>>, vector<1x1x1x16xi32>,
        %get3A_615 = vector.shape_cast %get3A_614 : vector<1x1x1x16xi32> to vector<16xi32>
        %xor3A_616 = arith.xori %xor3A_596, %get3A_615 : vector<16xi32>
        %get3A_617 = arith.constant 0 : i32
        %get3A_618 = arith.constant 4 : i32
        %get3A_619 = arith.constant 1 : i32
        %get3A_620 = arith.index_cast %get3A_617 : i32 to index
        %get3A_621 = arith.index_cast %get3A_618 : i32 to index
        %get3A_622 = arith.index_cast %get3A_619 : i32 to index
        %get3A_623 = arith.index_cast %mul3A_530 : i32 to index
        %get3A_624 = tpu.vector_load %arg14[%get3A_620, %get3A_621, %get3A_622, %get3A_623] {strides = array<i32>} : memref<2x9x2x384xi32, #tpu.memory_space<vmem>>, vector<1x1x1x16xi32>,
        %get3A_625 = vector.shape_cast %get3A_624 : vector<1x1x1x16xi32> to vector<16xi32>
        %xor3A_626 = arith.xori %xor3A_606, %get3A_625 : vector<16xi32>
        %get3A_627 = arith.constant 0 : i32
        %get3A_628 = arith.constant 5 : i32
        %get3A_629 = arith.constant 0 : i32
        %get3A_630 = arith.index_cast %get3A_627 : i32 to index
        %get3A_631 = arith.index_cast %get3A_628 : i32 to index
        %get3A_632 = arith.index_cast %get3A_629 : i32 to index
        %get3A_633 = arith.index_cast %mul3A_530 : i32 to index
        %get3A_634 = tpu.vector_load %arg14[%get3A_630, %get3A_631, %get3A_632, %get3A_633] {strides = array<i32>} : memref<2x9x2x384xi32, #tpu.memory_space<vmem>>, vector<1x1x1x16xi32>,
        %get3A_635 = vector.shape_cast %get3A_634 : vector<1x1x1x16xi32> to vector<16xi32>
        %xor3A_636 = arith.xori %xor3A_616, %get3A_635 : vector<16xi32>
        %get3A_637 = arith.constant 0 : i32
        %get3A_638 = arith.constant 5 : i32
        %get3A_639 = arith.constant 1 : i32
        %get3A_640 = arith.index_cast %get3A_637 : i32 to index
        %get3A_641 = arith.index_cast %get3A_638 : i32 to index
        %get3A_642 = arith.index_cast %get3A_639 : i32 to index
        %get3A_643 = arith.index_cast %mul3A_530 : i32 to index
        %get3A_644 = tpu.vector_load %arg14[%get3A_640, %get3A_641, %get3A_642, %get3A_643] {strides = array<i32>} : memref<2x9x2x384xi32, #tpu.memory_space<vmem>>, vector<1x1x1x16xi32>,
        %get3A_645 = vector.shape_cast %get3A_644 : vector<1x1x1x16xi32> to vector<16xi32>
        %xor3A_646 = arith.xori %xor3A_626, %get3A_645 : vector<16xi32>
        %get3A_647 = arith.constant 0 : i32
        %get3A_648 = arith.constant 6 : i32
        %get3A_649 = arith.constant 0 : i32
        %get3A_650 = arith.index_cast %get3A_647 : i32 to index
        %get3A_651 = arith.index_cast %get3A_648 : i32 to index
        %get3A_652 = arith.index_cast %get3A_649 : i32 to index
        %get3A_653 = arith.index_cast %mul3A_530 : i32 to index
        %get3A_654 = tpu.vector_load %arg14[%get3A_650, %get3A_651, %get3A_652, %get3A_653] {strides = array<i32>} : memref<2x9x2x384xi32, #tpu.memory_space<vmem>>, vector<1x1x1x16xi32>,
        %get3A_655 = vector.shape_cast %get3A_654 : vector<1x1x1x16xi32> to vector<16xi32>
        %xor3A_656 = arith.xori %xor3A_636, %get3A_655 : vector<16xi32>
        %get3A_657 = arith.constant 0 : i32
        %get3A_658 = arith.constant 6 : i32
        %get3A_659 = arith.constant 1 : i32
        %get3A_660 = arith.index_cast %get3A_657 : i32 to index
        %get3A_661 = arith.index_cast %get3A_658 : i32 to index
        %get3A_662 = arith.index_cast %get3A_659 : i32 to index
        %get3A_663 = arith.index_cast %mul3A_530 : i32 to index
        %get3A_664 = tpu.vector_load %arg14[%get3A_660, %get3A_661, %get3A_662, %get3A_663] {strides = array<i32>} : memref<2x9x2x384xi32, #tpu.memory_space<vmem>>, vector<1x1x1x16xi32>,
        %get3A_665 = vector.shape_cast %get3A_664 : vector<1x1x1x16xi32> to vector<16xi32>
        %xor3A_666 = arith.xori %xor3A_646, %get3A_665 : vector<16xi32>
        %get3A_667 = arith.constant 0 : i32
        %get3A_668 = arith.constant 7 : i32
        %get3A_669 = arith.constant 0 : i32
        %get3A_670 = arith.index_cast %get3A_667 : i32 to index
        %get3A_671 = arith.index_cast %get3A_668 : i32 to index
        %get3A_672 = arith.index_cast %get3A_669 : i32 to index
        %get3A_673 = arith.index_cast %mul3A_530 : i32 to index
        %get3A_674 = tpu.vector_load %arg14[%get3A_670, %get3A_671, %get3A_672, %get3A_673] {strides = array<i32>} : memref<2x9x2x384xi32, #tpu.memory_space<vmem>>, vector<1x1x1x16xi32>,
        %get3A_675 = vector.shape_cast %get3A_674 : vector<1x1x1x16xi32> to vector<16xi32>
        %xor3A_676 = arith.xori %xor3A_656, %get3A_675 : vector<16xi32>
        %get3A_677 = arith.constant 0 : i32
        %get3A_678 = arith.constant 7 : i32
        %get3A_679 = arith.constant 1 : i32
        %get3A_680 = arith.index_cast %get3A_677 : i32 to index
        %get3A_681 = arith.index_cast %get3A_678 : i32 to index
        %get3A_682 = arith.index_cast %get3A_679 : i32 to index
        %get3A_683 = arith.index_cast %mul3A_530 : i32 to index
        %get3A_684 = tpu.vector_load %arg14[%get3A_680, %get3A_681, %get3A_682, %get3A_683] {strides = array<i32>} : memref<2x9x2x384xi32, #tpu.memory_space<vmem>>, vector<1x1x1x16xi32>,
        %get3A_685 = vector.shape_cast %get3A_684 : vector<1x1x1x16xi32> to vector<16xi32>
        %xor3A_686 = arith.xori %xor3A_666, %get3A_685 : vector<16xi32>
        %get3A_687 = arith.constant 0 : i32
        %get3A_688 = arith.constant 8 : i32
        %get3A_689 = arith.constant 0 : i32
        %get3A_690 = arith.index_cast %get3A_687 : i32 to index
        %get3A_691 = arith.index_cast %get3A_688 : i32 to index
        %get3A_692 = arith.index_cast %get3A_689 : i32 to index
        %get3A_693 = arith.index_cast %mul3A_530 : i32 to index
        %get3A_694 = tpu.vector_load %arg14[%get3A_690, %get3A_691, %get3A_692, %get3A_693] {strides = array<i32>} : memref<2x9x2x384xi32, #tpu.memory_space<vmem>>, vector<1x1x1x16xi32>,
        %get3A_695 = vector.shape_cast %get3A_694 : vector<1x1x1x16xi32> to vector<16xi32>
        %xor3A_696 = arith.xori %xor3A_676, %get3A_695 : vector<16xi32>
        %get3A_697 = arith.constant 0 : i32
        %get3A_698 = arith.constant 8 : i32
        %get3A_699 = arith.constant 1 : i32
        %get3A_700 = arith.index_cast %get3A_697 : i32 to index
        %get3A_701 = arith.index_cast %get3A_698 : i32 to index
        %get3A_702 = arith.index_cast %get3A_699 : i32 to index
        %get3A_703 = arith.index_cast %mul3A_530 : i32 to index
        %get3A_704 = tpu.vector_load %arg14[%get3A_700, %get3A_701, %get3A_702, %get3A_703] {strides = array<i32>} : memref<2x9x2x384xi32, #tpu.memory_space<vmem>>, vector<1x1x1x16xi32>,
        %get3A_705 = vector.shape_cast %get3A_704 : vector<1x1x1x16xi32> to vector<16xi32>
        %xor3A_706 = arith.xori %xor3A_686, %get3A_705 : vector<16xi32>
        %broadcast_in_dim3A = arith.constant 1 : i32
        %broadcast_in_dim3A_707 = vector.broadcast %broadcast_in_dim3A : i32 to vector<16xi32>
        %shift_right_arithmetic3A = arith.constant 0 : i32
        %shift_right_arithmetic3A_708 = vector.broadcast %shift_right_arithmetic3A : i32 to vector<16xi32>
        %shift_right_arithmetic3A_709 = arith.shrsi %xor3A_696, %shift_right_arithmetic3A_708 : vector<16xi32>
        %and3A = arith.andi %shift_right_arithmetic3A_709, %broadcast_in_dim3A_707 : vector<16xi32>
        %shift_right_arithmetic3A_710 = arith.constant 0 : i32
        %shift_right_arithmetic3A_711 = vector.broadcast %shift_right_arithmetic3A_710 : i32 to vector<16xi32>
        %shift_right_arithmetic3A_712 = arith.shrsi %xor3A_706, %shift_right_arithmetic3A_711 : vector<16xi32>
        %and3A_713 = arith.andi %shift_right_arithmetic3A_712, %broadcast_in_dim3A_707 : vector<16xi32>
        %add3A_714 = arith.addi %and3A, %and3A_713 : vector<16xi32>
        %get3A_715 = arith.constant 0 : i32
        %get3A_716 = arith.index_cast %get3A_715 : i32 to index
        %get3A_717 = arith.index_cast %mul3A_530 : i32 to index
        %get3A_718 = tpu.vector_load %arg15[%get3A_716, %get3A_717] {strides = array<i32>} : memref<32x384xi32, #tpu.memory_space<vmem>>, vector<1x16xi32>,
        %get3A_719 = vector.shape_cast %get3A_718 : vector<1x16xi32> to vector<16xi32>
        %add3A_720 = arith.addi %get3A_719, %add3A_714 : vector<16xi32>
        %swap3A = arith.constant 0 : i32
        %swap3A_721 = arith.index_cast %swap3A : i32 to index
        %swap3A_722 = arith.index_cast %mul3A_530 : i32 to index
        %swap3A_723 = tpu.vector_load %arg15[%swap3A_721, %swap3A_722] {strides = array<i32>} : memref<32x384xi32, #tpu.memory_space<vmem>>, vector<1x16xi32>,
        %swap3A_724 = vector.shape_cast %swap3A_723 : vector<1x16xi32> to vector<16xi32>
        %swap3A_725 = vector.shape_cast %add3A_720 : vector<16xi32> to vector<1x16xi32>
        tpu.vector_store %arg15[%swap3A_721, %swap3A_722], %swap3A_725 {strides = array<i32>} : memref<32x384xi32, #tpu.memory_space<vmem>>, vector<1x16xi32>,
        %shift_right_arithmetic3A_726 = arith.constant 1 : i32
        %shift_right_arithmetic3A_727 = vector.broadcast %shift_right_arithmetic3A_726 : i32 to vector<16xi32>
        %shift_right_arithmetic3A_728 = arith.shrsi %xor3A_696, %shift_right_arithmetic3A_727 : vector<16xi32>
        %and3A_729 = arith.andi %shift_right_arithmetic3A_728, %broadcast_in_dim3A_707 : vector<16xi32>
        %shift_right_arithmetic3A_730 = arith.constant 1 : i32
        %shift_right_arithmetic3A_731 = vector.broadcast %shift_right_arithmetic3A_730 : i32 to vector<16xi32>
        %shift_right_arithmetic3A_732 = arith.shrsi %xor3A_706, %shift_right_arithmetic3A_731 : vector<16xi32>
        %and3A_733 = arith.andi %shift_right_arithmetic3A_732, %broadcast_in_dim3A_707 : vector<16xi32>
        %add3A_734 = arith.addi %and3A_729, %and3A_733 : vector<16xi32>
        %get3A_735 = arith.constant 1 : i32
        %get3A_736 = arith.index_cast %get3A_735 : i32 to index
        %get3A_737 = arith.index_cast %mul3A_530 : i32 to index
        %get3A_738 = tpu.vector_load %arg15[%get3A_736, %get3A_737] {strides = array<i32>} : memref<32x384xi32, #tpu.memory_space<vmem>>, vector<1x16xi32>,
        %get3A_739 = vector.shape_cast %get3A_738 : vector<1x16xi32> to vector<16xi32>
        %add3A_740 = arith.addi %get3A_739, %add3A_734 : vector<16xi32>
        %swap3A_741 = arith.constant 1 : i32
        %swap3A_742 = arith.index_cast %swap3A_741 : i32 to index
        %swap3A_743 = arith.index_cast %mul3A_530 : i32 to index
        %swap3A_744 = tpu.vector_load %arg15[%swap3A_742, %swap3A_743] {strides = array<i32>} : memref<32x384xi32, #tpu.memory_space<vmem>>, vector<1x16xi32>,
        %swap3A_745 = vector.shape_cast %swap3A_744 : vector<1x16xi32> to vector<16xi32>
        %swap3A_746 = vector.shape_cast %add3A_740 : vector<16xi32> to vector<1x16xi32>
        tpu.vector_store %arg15[%swap3A_742, %swap3A_743], %swap3A_746 {strides = array<i32>} : memref<32x384xi32, #tpu.memory_space<vmem>>, vector<1x16xi32>,
        %shift_right_arithmetic3A_747 = arith.constant 2 : i32
        %shift_right_arithmetic3A_748 = vector.broadcast %shift_right_arithmetic3A_747 : i32 to vector<16xi32>
        %shift_right_arithmetic3A_749 = arith.shrsi %xor3A_696, %shift_right_arithmetic3A_748 : vector<16xi32>
        %and3A_750 = arith.andi %shift_right_arithmetic3A_749, %broadcast_in_dim3A_707 : vector<16xi32>
        %shift_right_arithmetic3A_751 = arith.constant 2 : i32
        %shift_right_arithmetic3A_752 = vector.broadcast %shift_right_arithmetic3A_751 : i32 to vector<16xi32>
        %shift_right_arithmetic3A_753 = arith.shrsi %xor3A_706, %shift_right_arithmetic3A_752 : vector<16xi32>
        %and3A_754 = arith.andi %shift_right_arithmetic3A_753, %broadcast_in_dim3A_707 : vector<16xi32>
        %add3A_755 = arith.addi %and3A_750, %and3A_754 : vector<16xi32>
        %get3A_756 = arith.constant 2 : i32
        %get3A_757 = arith.index_cast %get3A_756 : i32 to index
        %get3A_758 = arith.index_cast %mul3A_530 : i32 to index
        %get3A_759 = tpu.vector_load %arg15[%get3A_757, %get3A_758] {strides = array<i32>} : memref<32x384xi32, #tpu.memory_space<vmem>>, vector<1x16xi32>,
        %get3A_760 = vector.shape_cast %get3A_759 : vector<1x16xi32> to vector<16xi32>
        %add3A_761 = arith.addi %get3A_760, %add3A_755 : vector<16xi32>
        %swap3A_762 = arith.constant 2 : i32
        %swap3A_763 = arith.index_cast %swap3A_762 : i32 to index
        %swap3A_764 = arith.index_cast %mul3A_530 : i32 to index
        %swap3A_765 = tpu.vector_load %arg15[%swap3A_763, %swap3A_764] {strides = array<i32>} : memref<32x384xi32, #tpu.memory_space<vmem>>, vector<1x16xi32>,
        %swap3A_766 = vector.shape_cast %swap3A_765 : vector<1x16xi32> to vector<16xi32>
        %swap3A_767 = vector.shape_cast %add3A_761 : vector<16xi32> to vector<1x16xi32>
        tpu.vector_store %arg15[%swap3A_763, %swap3A_764], %swap3A_767 {strides = array<i32>} : memref<32x384xi32, #tpu.memory_space<vmem>>, vector<1x16xi32>,
        %shift_right_arithmetic3A_768 = arith.constant 3 : i32
        %shift_right_arithmetic3A_769 = vector.broadcast %shift_right_arithmetic3A_768 : i32 to vector<16xi32>
        %shift_right_arithmetic3A_770 = arith.shrsi %xor3A_696, %shift_right_arithmetic3A_769 : vector<16xi32>
        %and3A_771 = arith.andi %shift_right_arithmetic3A_770, %broadcast_in_dim3A_707 : vector<16xi32>
        %shift_right_arithmetic3A_772 = arith.constant 3 : i32
        %shift_right_arithmetic3A_773 = vector.broadcast %shift_right_arithmetic3A_772 : i32 to vector<16xi32>
        %shift_right_arithmetic3A_774 = arith.shrsi %xor3A_706, %shift_right_arithmetic3A_773 : vector<16xi32>
        %and3A_775 = arith.andi %shift_right_arithmetic3A_774, %broadcast_in_dim3A_707 : vector<16xi32>
        %add3A_776 = arith.addi %and3A_771, %and3A_775 : vector<16xi32>
        %get3A_777 = arith.constant 3 : i32
        %get3A_778 = arith.index_cast %get3A_777 : i32 to index
        %get3A_779 = arith.index_cast %mul3A_530 : i32 to index
        %get3A_780 = tpu.vector_load %arg15[%get3A_778, %get3A_779] {strides = array<i32>} : memref<32x384xi32, #tpu.memory_space<vmem>>, vector<1x16xi32>,
        %get3A_781 = vector.shape_cast %get3A_780 : vector<1x16xi32> to vector<16xi32>
        %add3A_782 = arith.addi %get3A_781, %add3A_776 : vector<16xi32>
        %swap3A_783 = arith.constant 3 : i32
        %swap3A_784 = arith.index_cast %swap3A_783 : i32 to index
        %swap3A_785 = arith.index_cast %mul3A_530 : i32 to index
        %swap3A_786 = tpu.vector_load %arg15[%swap3A_784, %swap3A_785] {strides = array<i32>} : memref<32x384xi32, #tpu.memory_space<vmem>>, vector<1x16xi32>,
        %swap3A_787 = vector.shape_cast %swap3A_786 : vector<1x16xi32> to vector<16xi32>
        %swap3A_788 = vector.shape_cast %add3A_782 : vector<16xi32> to vector<1x16xi32>
        tpu.vector_store %arg15[%swap3A_784, %swap3A_785], %swap3A_788 {strides = array<i32>} : memref<32x384xi32, #tpu.memory_space<vmem>>, vector<1x16xi32>,
        %shift_right_arithmetic3A_789 = arith.constant 4 : i32
        %shift_right_arithmetic3A_790 = vector.broadcast %shift_right_arithmetic3A_789 : i32 to vector<16xi32>
        %shift_right_arithmetic3A_791 = arith.shrsi %xor3A_696, %shift_right_arithmetic3A_790 : vector<16xi32>
        %and3A_792 = arith.andi %shift_right_arithmetic3A_791, %broadcast_in_dim3A_707 : vector<16xi32>
        %shift_right_arithmetic3A_793 = arith.constant 4 : i32
        %shift_right_arithmetic3A_794 = vector.broadcast %shift_right_arithmetic3A_793 : i32 to vector<16xi32>
        %shift_right_arithmetic3A_795 = arith.shrsi %xor3A_706, %shift_right_arithmetic3A_794 : vector<16xi32>
        %and3A_796 = arith.andi %shift_right_arithmetic3A_795, %broadcast_in_dim3A_707 : vector<16xi32>
        %add3A_797 = arith.addi %and3A_792, %and3A_796 : vector<16xi32>
        %get3A_798 = arith.constant 4 : i32
        %get3A_799 = arith.index_cast %get3A_798 : i32 to index
        %get3A_800 = arith.index_cast %mul3A_530 : i32 to index
        %get3A_801 = tpu.vector_load %arg15[%get3A_799, %get3A_800] {strides = array<i32>} : memref<32x384xi32, #tpu.memory_space<vmem>>, vector<1x16xi32>,
        %get3A_802 = vector.shape_cast %get3A_801 : vector<1x16xi32> to vector<16xi32>
        %add3A_803 = arith.addi %get3A_802, %add3A_797 : vector<16xi32>
        %swap3A_804 = arith.constant 4 : i32
        %swap3A_805 = arith.index_cast %swap3A_804 : i32 to index
        %swap3A_806 = arith.index_cast %mul3A_530 : i32 to index
        %swap3A_807 = tpu.vector_load %arg15[%swap3A_805, %swap3A_806] {strides = array<i32>} : memref<32x384xi32, #tpu.memory_space<vmem>>, vector<1x16xi32>,
        %swap3A_808 = vector.shape_cast %swap3A_807 : vector<1x16xi32> to vector<16xi32>
        %swap3A_809 = vector.shape_cast %add3A_803 : vector<16xi32> to vector<1x16xi32>
        tpu.vector_store %arg15[%swap3A_805, %swap3A_806], %swap3A_809 {strides = array<i32>} : memref<32x384xi32, #tpu.memory_space<vmem>>, vector<1x16xi32>,
        %shift_right_arithmetic3A_810 = arith.constant 5 : i32
        %shift_right_arithmetic3A_811 = vector.broadcast %shift_right_arithmetic3A_810 : i32 to vector<16xi32>
        %shift_right_arithmetic3A_812 = arith.shrsi %xor3A_696, %shift_right_arithmetic3A_811 : vector<16xi32>
        %and3A_813 = arith.andi %shift_right_arithmetic3A_812, %broadcast_in_dim3A_707 : vector<16xi32>
        %shift_right_arithmetic3A_814 = arith.constant 5 : i32
        %shift_right_arithmetic3A_815 = vector.broadcast %shift_right_arithmetic3A_814 : i32 to vector<16xi32>
        %shift_right_arithmetic3A_816 = arith.shrsi %xor3A_706, %shift_right_arithmetic3A_815 : vector<16xi32>
        %and3A_817 = arith.andi %shift_right_arithmetic3A_816, %broadcast_in_dim3A_707 : vector<16xi32>
        %add3A_818 = arith.addi %and3A_813, %and3A_817 : vector<16xi32>
        %get3A_819 = arith.constant 5 : i32
        %get3A_820 = arith.index_cast %get3A_819 : i32 to index
        %get3A_821 = arith.index_cast %mul3A_530 : i32 to index
        %get3A_822 = tpu.vector_load %arg15[%get3A_820, %get3A_821] {strides = array<i32>} : memref<32x384xi32, #tpu.memory_space<vmem>>, vector<1x16xi32>,
        %get3A_823 = vector.shape_cast %get3A_822 : vector<1x16xi32> to vector<16xi32>
        %add3A_824 = arith.addi %get3A_823, %add3A_818 : vector<16xi32>
        %swap3A_825 = arith.constant 5 : i32
        %swap3A_826 = arith.index_cast %swap3A_825 : i32 to index
        %swap3A_827 = arith.index_cast %mul3A_530 : i32 to index
        %swap3A_828 = tpu.vector_load %arg15[%swap3A_826, %swap3A_827] {strides = array<i32>} : memref<32x384xi32, #tpu.memory_space<vmem>>, vector<1x16xi32>,
        %swap3A_829 = vector.shape_cast %swap3A_828 : vector<1x16xi32> to vector<16xi32>
        %swap3A_830 = vector.shape_cast %add3A_824 : vector<16xi32> to vector<1x16xi32>
        tpu.vector_store %arg15[%swap3A_826, %swap3A_827], %swap3A_830 {strides = array<i32>} : memref<32x384xi32, #tpu.memory_space<vmem>>, vector<1x16xi32>,
        %shift_right_arithmetic3A_831 = arith.constant 6 : i32
        %shift_right_arithmetic3A_832 = vector.broadcast %shift_right_arithmetic3A_831 : i32 to vector<16xi32>
        %shift_right_arithmetic3A_833 = arith.shrsi %xor3A_696, %shift_right_arithmetic3A_832 : vector<16xi32>
        %and3A_834 = arith.andi %shift_right_arithmetic3A_833, %broadcast_in_dim3A_707 : vector<16xi32>
        %shift_right_arithmetic3A_835 = arith.constant 6 : i32
        %shift_right_arithmetic3A_836 = vector.broadcast %shift_right_arithmetic3A_835 : i32 to vector<16xi32>
        %shift_right_arithmetic3A_837 = arith.shrsi %xor3A_706, %shift_right_arithmetic3A_836 : vector<16xi32>
        %and3A_838 = arith.andi %shift_right_arithmetic3A_837, %broadcast_in_dim3A_707 : vector<16xi32>
        %add3A_839 = arith.addi %and3A_834, %and3A_838 : vector<16xi32>
        %get3A_840 = arith.constant 6 : i32
        %get3A_841 = arith.index_cast %get3A_840 : i32 to index
        %get3A_842 = arith.index_cast %mul3A_530 : i32 to index
        %get3A_843 = tpu.vector_load %arg15[%get3A_841, %get3A_842] {strides = array<i32>} : memref<32x384xi32, #tpu.memory_space<vmem>>, vector<1x16xi32>,
        %get3A_844 = vector.shape_cast %get3A_843 : vector<1x16xi32> to vector<16xi32>
        %add3A_845 = arith.addi %get3A_844, %add3A_839 : vector<16xi32>
        %swap3A_846 = arith.constant 6 : i32
        %swap3A_847 = arith.index_cast %swap3A_846 : i32 to index
        %swap3A_848 = arith.index_cast %mul3A_530 : i32 to index
        %swap3A_849 = tpu.vector_load %arg15[%swap3A_847, %swap3A_848] {strides = array<i32>} : memref<32x384xi32, #tpu.memory_space<vmem>>, vector<1x16xi32>,
        %swap3A_850 = vector.shape_cast %swap3A_849 : vector<1x16xi32> to vector<16xi32>
        %swap3A_851 = vector.shape_cast %add3A_845 : vector<16xi32> to vector<1x16xi32>
        tpu.vector_store %arg15[%swap3A_847, %swap3A_848], %swap3A_851 {strides = array<i32>} : memref<32x384xi32, #tpu.memory_space<vmem>>, vector<1x16xi32>,
        %shift_right_arithmetic3A_852 = arith.constant 7 : i32
        %shift_right_arithmetic3A_853 = vector.broadcast %shift_right_arithmetic3A_852 : i32 to vector<16xi32>
        %shift_right_arithmetic3A_854 = arith.shrsi %xor3A_696, %shift_right_arithmetic3A_853 : vector<16xi32>
        %and3A_855 = arith.andi %shift_right_arithmetic3A_854, %broadcast_in_dim3A_707 : vector<16xi32>
        %shift_right_arithmetic3A_856 = arith.constant 7 : i32
        %shift_right_arithmetic3A_857 = vector.broadcast %shift_right_arithmetic3A_856 : i32 to vector<16xi32>
        %shift_right_arithmetic3A_858 = arith.shrsi %xor3A_706, %shift_right_arithmetic3A_857 : vector<16xi32>
        %and3A_859 = arith.andi %shift_right_arithmetic3A_858, %broadcast_in_dim3A_707 : vector<16xi32>
        %add3A_860 = arith.addi %and3A_855, %and3A_859 : vector<16xi32>
        %get3A_861 = arith.constant 7 : i32
        %get3A_862 = arith.index_cast %get3A_861 : i32 to index
        %get3A_863 = arith.index_cast %mul3A_530 : i32 to index
        %get3A_864 = tpu.vector_load %arg15[%get3A_862, %get3A_863] {strides = array<i32>} : memref<32x384xi32, #tpu.memory_space<vmem>>, vector<1x16xi32>,
        %get3A_865 = vector.shape_cast %get3A_864 : vector<1x16xi32> to vector<16xi32>
        %add3A_866 = arith.addi %get3A_865, %add3A_860 : vector<16xi32>
        %swap3A_867 = arith.constant 7 : i32
        %swap3A_868 = arith.index_cast %swap3A_867 : i32 to index
        %swap3A_869 = arith.index_cast %mul3A_530 : i32 to index
        %swap3A_870 = tpu.vector_load %arg15[%swap3A_868, %swap3A_869] {strides = array<i32>} : memref<32x384xi32, #tpu.memory_space<vmem>>, vector<1x16xi32>,
        %swap3A_871 = vector.shape_cast %swap3A_870 : vector<1x16xi32> to vector<16xi32>
        %swap3A_872 = vector.shape_cast %add3A_866 : vector<16xi32> to vector<1x16xi32>
        tpu.vector_store %arg15[%swap3A_868, %swap3A_869], %swap3A_872 {strides = array<i32>} : memref<32x384xi32, #tpu.memory_space<vmem>>, vector<1x16xi32>,
        %shift_right_arithmetic3A_873 = arith.constant 8 : i32
        %shift_right_arithmetic3A_874 = vector.broadcast %shift_right_arithmetic3A_873 : i32 to vector<16xi32>
        %shift_right_arithmetic3A_875 = arith.shrsi %xor3A_696, %shift_right_arithmetic3A_874 : vector<16xi32>
        %and3A_876 = arith.andi %shift_right_arithmetic3A_875, %broadcast_in_dim3A_707 : vector<16xi32>
        %shift_right_arithmetic3A_877 = arith.constant 8 : i32
        %shift_right_arithmetic3A_878 = vector.broadcast %shift_right_arithmetic3A_877 : i32 to vector<16xi32>
        %shift_right_arithmetic3A_879 = arith.shrsi %xor3A_706, %shift_right_arithmetic3A_878 : vector<16xi32>
        %and3A_880 = arith.andi %shift_right_arithmetic3A_879, %broadcast_in_dim3A_707 : vector<16xi32>
        %add3A_881 = arith.addi %and3A_876, %and3A_880 : vector<16xi32>
        %get3A_882 = arith.constant 8 : i32
        %get3A_883 = arith.index_cast %get3A_882 : i32 to index
        %get3A_884 = arith.index_cast %mul3A_530 : i32 to index
        %get3A_885 = tpu.vector_load %arg15[%get3A_883, %get3A_884] {strides = array<i32>} : memref<32x384xi32, #tpu.memory_space<vmem>>, vector<1x16xi32>,
        %get3A_886 = vector.shape_cast %get3A_885 : vector<1x16xi32> to vector<16xi32>
        %add3A_887 = arith.addi %get3A_886, %add3A_881 : vector<16xi32>
        %swap3A_888 = arith.constant 8 : i32
        %swap3A_889 = arith.index_cast %swap3A_888 : i32 to index
        %swap3A_890 = arith.index_cast %mul3A_530 : i32 to index
        %swap3A_891 = tpu.vector_load %arg15[%swap3A_889, %swap3A_890] {strides = array<i32>} : memref<32x384xi32, #tpu.memory_space<vmem>>, vector<1x16xi32>,
        %swap3A_892 = vector.shape_cast %swap3A_891 : vector<1x16xi32> to vector<16xi32>
        %swap3A_893 = vector.shape_cast %add3A_887 : vector<16xi32> to vector<1x16xi32>
        tpu.vector_store %arg15[%swap3A_889, %swap3A_890], %swap3A_893 {strides = array<i32>} : memref<32x384xi32, #tpu.memory_space<vmem>>, vector<1x16xi32>,
        %shift_right_arithmetic3A_894 = arith.constant 9 : i32
        %shift_right_arithmetic3A_895 = vector.broadcast %shift_right_arithmetic3A_894 : i32 to vector<16xi32>
        %shift_right_arithmetic3A_896 = arith.shrsi %xor3A_696, %shift_right_arithmetic3A_895 : vector<16xi32>
        %and3A_897 = arith.andi %shift_right_arithmetic3A_896, %broadcast_in_dim3A_707 : vector<16xi32>
        %shift_right_arithmetic3A_898 = arith.constant 9 : i32
        %shift_right_arithmetic3A_899 = vector.broadcast %shift_right_arithmetic3A_898 : i32 to vector<16xi32>
        %shift_right_arithmetic3A_900 = arith.shrsi %xor3A_706, %shift_right_arithmetic3A_899 : vector<16xi32>
        %and3A_901 = arith.andi %shift_right_arithmetic3A_900, %broadcast_in_dim3A_707 : vector<16xi32>
        %add3A_902 = arith.addi %and3A_897, %and3A_901 : vector<16xi32>
        %get3A_903 = arith.constant 9 : i32
        %get3A_904 = arith.index_cast %get3A_903 : i32 to index
        %get3A_905 = arith.index_cast %mul3A_530 : i32 to index
        %get3A_906 = tpu.vector_load %arg15[%get3A_904, %get3A_905] {strides = array<i32>} : memref<32x384xi32, #tpu.memory_space<vmem>>, vector<1x16xi32>,
        %get3A_907 = vector.shape_cast %get3A_906 : vector<1x16xi32> to vector<16xi32>
        %add3A_908 = arith.addi %get3A_907, %add3A_902 : vector<16xi32>
        %swap3A_909 = arith.constant 9 : i32
        %swap3A_910 = arith.index_cast %swap3A_909 : i32 to index
        %swap3A_911 = arith.index_cast %mul3A_530 : i32 to index
        %swap3A_912 = tpu.vector_load %arg15[%swap3A_910, %swap3A_911] {strides = array<i32>} : memref<32x384xi32, #tpu.memory_space<vmem>>, vector<1x16xi32>,
        %swap3A_913 = vector.shape_cast %swap3A_912 : vector<1x16xi32> to vector<16xi32>
        %swap3A_914 = vector.shape_cast %add3A_908 : vector<16xi32> to vector<1x16xi32>
        tpu.vector_store %arg15[%swap3A_910, %swap3A_911], %swap3A_914 {strides = array<i32>} : memref<32x384xi32, #tpu.memory_space<vmem>>, vector<1x16xi32>,
        %shift_right_arithmetic3A_915 = arith.constant 10 : i32
        %shift_right_arithmetic3A_916 = vector.broadcast %shift_right_arithmetic3A_915 : i32 to vector<16xi32>
        %shift_right_arithmetic3A_917 = arith.shrsi %xor3A_696, %shift_right_arithmetic3A_916 : vector<16xi32>
        %and3A_918 = arith.andi %shift_right_arithmetic3A_917, %broadcast_in_dim3A_707 : vector<16xi32>
        %shift_right_arithmetic3A_919 = arith.constant 10 : i32
        %shift_right_arithmetic3A_920 = vector.broadcast %shift_right_arithmetic3A_919 : i32 to vector<16xi32>
        %shift_right_arithmetic3A_921 = arith.shrsi %xor3A_706, %shift_right_arithmetic3A_920 : vector<16xi32>
        %and3A_922 = arith.andi %shift_right_arithmetic3A_921, %broadcast_in_dim3A_707 : vector<16xi32>
        %add3A_923 = arith.addi %and3A_918, %and3A_922 : vector<16xi32>
        %get3A_924 = arith.constant 10 : i32
        %get3A_925 = arith.index_cast %get3A_924 : i32 to index
        %get3A_926 = arith.index_cast %mul3A_530 : i32 to index
        %get3A_927 = tpu.vector_load %arg15[%get3A_925, %get3A_926] {strides = array<i32>} : memref<32x384xi32, #tpu.memory_space<vmem>>, vector<1x16xi32>,
        %get3A_928 = vector.shape_cast %get3A_927 : vector<1x16xi32> to vector<16xi32>
        %add3A_929 = arith.addi %get3A_928, %add3A_923 : vector<16xi32>
        %swap3A_930 = arith.constant 10 : i32
        %swap3A_931 = arith.index_cast %swap3A_930 : i32 to index
        %swap3A_932 = arith.index_cast %mul3A_530 : i32 to index
        %swap3A_933 = tpu.vector_load %arg15[%swap3A_931, %swap3A_932] {strides = array<i32>} : memref<32x384xi32, #tpu.memory_space<vmem>>, vector<1x16xi32>,
        %swap3A_934 = vector.shape_cast %swap3A_933 : vector<1x16xi32> to vector<16xi32>
        %swap3A_935 = vector.shape_cast %add3A_929 : vector<16xi32> to vector<1x16xi32>
        tpu.vector_store %arg15[%swap3A_931, %swap3A_932], %swap3A_935 {strides = array<i32>} : memref<32x384xi32, #tpu.memory_space<vmem>>, vector<1x16xi32>,
        %shift_right_arithmetic3A_936 = arith.constant 11 : i32
        %shift_right_arithmetic3A_937 = vector.broadcast %shift_right_arithmetic3A_936 : i32 to vector<16xi32>
        %shift_right_arithmetic3A_938 = arith.shrsi %xor3A_696, %shift_right_arithmetic3A_937 : vector<16xi32>
        %and3A_939 = arith.andi %shift_right_arithmetic3A_938, %broadcast_in_dim3A_707 : vector<16xi32>
        %shift_right_arithmetic3A_940 = arith.constant 11 : i32
        %shift_right_arithmetic3A_941 = vector.broadcast %shift_right_arithmetic3A_940 : i32 to vector<16xi32>
        %shift_right_arithmetic3A_942 = arith.shrsi %xor3A_706, %shift_right_arithmetic3A_941 : vector<16xi32>
        %and3A_943 = arith.andi %shift_right_arithmetic3A_942, %broadcast_in_dim3A_707 : vector<16xi32>
        %add3A_944 = arith.addi %and3A_939, %and3A_943 : vector<16xi32>
        %get3A_945 = arith.constant 11 : i32
        %get3A_946 = arith.index_cast %get3A_945 : i32 to index
        %get3A_947 = arith.index_cast %mul3A_530 : i32 to index
        %get3A_948 = tpu.vector_load %arg15[%get3A_946, %get3A_947] {strides = array<i32>} : memref<32x384xi32, #tpu.memory_space<vmem>>, vector<1x16xi32>,
        %get3A_949 = vector.shape_cast %get3A_948 : vector<1x16xi32> to vector<16xi32>
        %add3A_950 = arith.addi %get3A_949, %add3A_944 : vector<16xi32>
        %swap3A_951 = arith.constant 11 : i32
        %swap3A_952 = arith.index_cast %swap3A_951 : i32 to index
        %swap3A_953 = arith.index_cast %mul3A_530 : i32 to index
        %swap3A_954 = tpu.vector_load %arg15[%swap3A_952, %swap3A_953] {strides = array<i32>} : memref<32x384xi32, #tpu.memory_space<vmem>>, vector<1x16xi32>,
        %swap3A_955 = vector.shape_cast %swap3A_954 : vector<1x16xi32> to vector<16xi32>
        %swap3A_956 = vector.shape_cast %add3A_950 : vector<16xi32> to vector<1x16xi32>
        tpu.vector_store %arg15[%swap3A_952, %swap3A_953], %swap3A_956 {strides = array<i32>} : memref<32x384xi32, #tpu.memory_space<vmem>>, vector<1x16xi32>,
        %shift_right_arithmetic3A_957 = arith.constant 12 : i32
        %shift_right_arithmetic3A_958 = vector.broadcast %shift_right_arithmetic3A_957 : i32 to vector<16xi32>
        %shift_right_arithmetic3A_959 = arith.shrsi %xor3A_696, %shift_right_arithmetic3A_958 : vector<16xi32>
        %and3A_960 = arith.andi %shift_right_arithmetic3A_959, %broadcast_in_dim3A_707 : vector<16xi32>
        %shift_right_arithmetic3A_961 = arith.constant 12 : i32
        %shift_right_arithmetic3A_962 = vector.broadcast %shift_right_arithmetic3A_961 : i32 to vector<16xi32>
        %shift_right_arithmetic3A_963 = arith.shrsi %xor3A_706, %shift_right_arithmetic3A_962 : vector<16xi32>
        %and3A_964 = arith.andi %shift_right_arithmetic3A_963, %broadcast_in_dim3A_707 : vector<16xi32>
        %add3A_965 = arith.addi %and3A_960, %and3A_964 : vector<16xi32>
        %get3A_966 = arith.constant 12 : i32
        %get3A_967 = arith.index_cast %get3A_966 : i32 to index
        %get3A_968 = arith.index_cast %mul3A_530 : i32 to index
        %get3A_969 = tpu.vector_load %arg15[%get3A_967, %get3A_968] {strides = array<i32>} : memref<32x384xi32, #tpu.memory_space<vmem>>, vector<1x16xi32>,
        %get3A_970 = vector.shape_cast %get3A_969 : vector<1x16xi32> to vector<16xi32>
        %add3A_971 = arith.addi %get3A_970, %add3A_965 : vector<16xi32>
        %swap3A_972 = arith.constant 12 : i32
        %swap3A_973 = arith.index_cast %swap3A_972 : i32 to index
        %swap3A_974 = arith.index_cast %mul3A_530 : i32 to index
        %swap3A_975 = tpu.vector_load %arg15[%swap3A_973, %swap3A_974] {strides = array<i32>} : memref<32x384xi32, #tpu.memory_space<vmem>>, vector<1x16xi32>,
        %swap3A_976 = vector.shape_cast %swap3A_975 : vector<1x16xi32> to vector<16xi32>
        %swap3A_977 = vector.shape_cast %add3A_971 : vector<16xi32> to vector<1x16xi32>
        tpu.vector_store %arg15[%swap3A_973, %swap3A_974], %swap3A_977 {strides = array<i32>} : memref<32x384xi32, #tpu.memory_space<vmem>>, vector<1x16xi32>,
        %shift_right_arithmetic3A_978 = arith.constant 13 : i32
        %shift_right_arithmetic3A_979 = vector.broadcast %shift_right_arithmetic3A_978 : i32 to vector<16xi32>
        %shift_right_arithmetic3A_980 = arith.shrsi %xor3A_696, %shift_right_arithmetic3A_979 : vector<16xi32>
        %and3A_981 = arith.andi %shift_right_arithmetic3A_980, %broadcast_in_dim3A_707 : vector<16xi32>
        %shift_right_arithmetic3A_982 = arith.constant 13 : i32
        %shift_right_arithmetic3A_983 = vector.broadcast %shift_right_arithmetic3A_982 : i32 to vector<16xi32>
        %shift_right_arithmetic3A_984 = arith.shrsi %xor3A_706, %shift_right_arithmetic3A_983 : vector<16xi32>
        %and3A_985 = arith.andi %shift_right_arithmetic3A_984, %broadcast_in_dim3A_707 : vector<16xi32>
        %add3A_986 = arith.addi %and3A_981, %and3A_985 : vector<16xi32>
        %get3A_987 = arith.constant 13 : i32
        %get3A_988 = arith.index_cast %get3A_987 : i32 to index
        %get3A_989 = arith.index_cast %mul3A_530 : i32 to index
        %get3A_990 = tpu.vector_load %arg15[%get3A_988, %get3A_989] {strides = array<i32>} : memref<32x384xi32, #tpu.memory_space<vmem>>, vector<1x16xi32>,
        %get3A_991 = vector.shape_cast %get3A_990 : vector<1x16xi32> to vector<16xi32>
        %add3A_992 = arith.addi %get3A_991, %add3A_986 : vector<16xi32>
        %swap3A_993 = arith.constant 13 : i32
        %swap3A_994 = arith.index_cast %swap3A_993 : i32 to index
        %swap3A_995 = arith.index_cast %mul3A_530 : i32 to index
        %swap3A_996 = tpu.vector_load %arg15[%swap3A_994, %swap3A_995] {strides = array<i32>} : memref<32x384xi32, #tpu.memory_space<vmem>>, vector<1x16xi32>,
        %swap3A_997 = vector.shape_cast %swap3A_996 : vector<1x16xi32> to vector<16xi32>
        %swap3A_998 = vector.shape_cast %add3A_992 : vector<16xi32> to vector<1x16xi32>
        tpu.vector_store %arg15[%swap3A_994, %swap3A_995], %swap3A_998 {strides = array<i32>} : memref<32x384xi32, #tpu.memory_space<vmem>>, vector<1x16xi32>,
        %shift_right_arithmetic3A_999 = arith.constant 14 : i32
        %shift_right_arithmetic3A_1000 = vector.broadcast %shift_right_arithmetic3A_999 : i32 to vector<16xi32>
        %shift_right_arithmetic3A_1001 = arith.shrsi %xor3A_696, %shift_right_arithmetic3A_1000 : vector<16xi32>
        %and3A_1002 = arith.andi %shift_right_arithmetic3A_1001, %broadcast_in_dim3A_707 : vector<16xi32>
        %shift_right_arithmetic3A_1003 = arith.constant 14 : i32
        %shift_right_arithmetic3A_1004 = vector.broadcast %shift_right_arithmetic3A_1003 : i32 to vector<16xi32>
        %shift_right_arithmetic3A_1005 = arith.shrsi %xor3A_706, %shift_right_arithmetic3A_1004 : vector<16xi32>
        %and3A_1006 = arith.andi %shift_right_arithmetic3A_1005, %broadcast_in_dim3A_707 : vector<16xi32>
        %add3A_1007 = arith.addi %and3A_1002, %and3A_1006 : vector<16xi32>
        %get3A_1008 = arith.constant 14 : i32
        %get3A_1009 = arith.index_cast %get3A_1008 : i32 to index
        %get3A_1010 = arith.index_cast %mul3A_530 : i32 to index
        %get3A_1011 = tpu.vector_load %arg15[%get3A_1009, %get3A_1010] {strides = array<i32>} : memref<32x384xi32, #tpu.memory_space<vmem>>, vector<1x16xi32>,
        %get3A_1012 = vector.shape_cast %get3A_1011 : vector<1x16xi32> to vector<16xi32>
        %add3A_1013 = arith.addi %get3A_1012, %add3A_1007 : vector<16xi32>
        %swap3A_1014 = arith.constant 14 : i32
        %swap3A_1015 = arith.index_cast %swap3A_1014 : i32 to index
        %swap3A_1016 = arith.index_cast %mul3A_530 : i32 to index
        %swap3A_1017 = tpu.vector_load %arg15[%swap3A_1015, %swap3A_1016] {strides = array<i32>} : memref<32x384xi32, #tpu.memory_space<vmem>>, vector<1x16xi32>,
        %swap3A_1018 = vector.shape_cast %swap3A_1017 : vector<1x16xi32> to vector<16xi32>
        %swap3A_1019 = vector.shape_cast %add3A_1013 : vector<16xi32> to vector<1x16xi32>
        tpu.vector_store %arg15[%swap3A_1015, %swap3A_1016], %swap3A_1019 {strides = array<i32>} : memref<32x384xi32, #tpu.memory_space<vmem>>, vector<1x16xi32>,
        %shift_right_arithmetic3A_1020 = arith.constant 15 : i32
        %shift_right_arithmetic3A_1021 = vector.broadcast %shift_right_arithmetic3A_1020 : i32 to vector<16xi32>
        %shift_right_arithmetic3A_1022 = arith.shrsi %xor3A_696, %shift_right_arithmetic3A_1021 : vector<16xi32>
        %and3A_1023 = arith.andi %shift_right_arithmetic3A_1022, %broadcast_in_dim3A_707 : vector<16xi32>
        %shift_right_arithmetic3A_1024 = arith.constant 15 : i32
        %shift_right_arithmetic3A_1025 = vector.broadcast %shift_right_arithmetic3A_1024 : i32 to vector<16xi32>
        %shift_right_arithmetic3A_1026 = arith.shrsi %xor3A_706, %shift_right_arithmetic3A_1025 : vector<16xi32>
        %and3A_1027 = arith.andi %shift_right_arithmetic3A_1026, %broadcast_in_dim3A_707 : vector<16xi32>
        %add3A_1028 = arith.addi %and3A_1023, %and3A_1027 : vector<16xi32>
        %get3A_1029 = arith.constant 15 : i32
        %get3A_1030 = arith.index_cast %get3A_1029 : i32 to index
        %get3A_1031 = arith.index_cast %mul3A_530 : i32 to index
        %get3A_1032 = tpu.vector_load %arg15[%get3A_1030, %get3A_1031] {strides = array<i32>} : memref<32x384xi32, #tpu.memory_space<vmem>>, vector<1x16xi32>,
        %get3A_1033 = vector.shape_cast %get3A_1032 : vector<1x16xi32> to vector<16xi32>
        %add3A_1034 = arith.addi %get3A_1033, %add3A_1028 : vector<16xi32>
        %swap3A_1035 = arith.constant 15 : i32
        %swap3A_1036 = arith.index_cast %swap3A_1035 : i32 to index
        %swap3A_1037 = arith.index_cast %mul3A_530 : i32 to index
        %swap3A_1038 = tpu.vector_load %arg15[%swap3A_1036, %swap3A_1037] {strides = array<i32>} : memref<32x384xi32, #tpu.memory_space<vmem>>, vector<1x16xi32>,
        %swap3A_1039 = vector.shape_cast %swap3A_1038 : vector<1x16xi32> to vector<16xi32>
        %swap3A_1040 = vector.shape_cast %add3A_1034 : vector<16xi32> to vector<1x16xi32>
        tpu.vector_store %arg15[%swap3A_1036, %swap3A_1037], %swap3A_1040 {strides = array<i32>} : memref<32x384xi32, #tpu.memory_space<vmem>>, vector<1x16xi32>,
        %shift_right_arithmetic3A_1041 = arith.constant 16 : i32
        %shift_right_arithmetic3A_1042 = vector.broadcast %shift_right_arithmetic3A_1041 : i32 to vector<16xi32>
        %shift_right_arithmetic3A_1043 = arith.shrsi %xor3A_696, %shift_right_arithmetic3A_1042 : vector<16xi32>
        %and3A_1044 = arith.andi %shift_right_arithmetic3A_1043, %broadcast_in_dim3A_707 : vector<16xi32>
        %shift_right_arithmetic3A_1045 = arith.constant 16 : i32
        %shift_right_arithmetic3A_1046 = vector.broadcast %shift_right_arithmetic3A_1045 : i32 to vector<16xi32>
        %shift_right_arithmetic3A_1047 = arith.shrsi %xor3A_706, %shift_right_arithmetic3A_1046 : vector<16xi32>
        %and3A_1048 = arith.andi %shift_right_arithmetic3A_1047, %broadcast_in_dim3A_707 : vector<16xi32>
        %add3A_1049 = arith.addi %and3A_1044, %and3A_1048 : vector<16xi32>
        %get3A_1050 = arith.constant 16 : i32
        %get3A_1051 = arith.index_cast %get3A_1050 : i32 to index
        %get3A_1052 = arith.index_cast %mul3A_530 : i32 to index
        %get3A_1053 = tpu.vector_load %arg15[%get3A_1051, %get3A_1052] {strides = array<i32>} : memref<32x384xi32, #tpu.memory_space<vmem>>, vector<1x16xi32>,
        %get3A_1054 = vector.shape_cast %get3A_1053 : vector<1x16xi32> to vector<16xi32>
        %add3A_1055 = arith.addi %get3A_1054, %add3A_1049 : vector<16xi32>
        %swap3A_1056 = arith.constant 16 : i32
        %swap3A_1057 = arith.index_cast %swap3A_1056 : i32 to index
        %swap3A_1058 = arith.index_cast %mul3A_530 : i32 to index
        %swap3A_1059 = tpu.vector_load %arg15[%swap3A_1057, %swap3A_1058] {strides = array<i32>} : memref<32x384xi32, #tpu.memory_space<vmem>>, vector<1x16xi32>,
        %swap3A_1060 = vector.shape_cast %swap3A_1059 : vector<1x16xi32> to vector<16xi32>
        %swap3A_1061 = vector.shape_cast %add3A_1055 : vector<16xi32> to vector<1x16xi32>
        tpu.vector_store %arg15[%swap3A_1057, %swap3A_1058], %swap3A_1061 {strides = array<i32>} : memref<32x384xi32, #tpu.memory_space<vmem>>, vector<1x16xi32>,
        %shift_right_arithmetic3A_1062 = arith.constant 17 : i32
        %shift_right_arithmetic3A_1063 = vector.broadcast %shift_right_arithmetic3A_1062 : i32 to vector<16xi32>
        %shift_right_arithmetic3A_1064 = arith.shrsi %xor3A_696, %shift_right_arithmetic3A_1063 : vector<16xi32>
        %and3A_1065 = arith.andi %shift_right_arithmetic3A_1064, %broadcast_in_dim3A_707 : vector<16xi32>
        %shift_right_arithmetic3A_1066 = arith.constant 17 : i32
        %shift_right_arithmetic3A_1067 = vector.broadcast %shift_right_arithmetic3A_1066 : i32 to vector<16xi32>
        %shift_right_arithmetic3A_1068 = arith.shrsi %xor3A_706, %shift_right_arithmetic3A_1067 : vector<16xi32>
        %and3A_1069 = arith.andi %shift_right_arithmetic3A_1068, %broadcast_in_dim3A_707 : vector<16xi32>
        %add3A_1070 = arith.addi %and3A_1065, %and3A_1069 : vector<16xi32>
        %get3A_1071 = arith.constant 17 : i32
        %get3A_1072 = arith.index_cast %get3A_1071 : i32 to index
        %get3A_1073 = arith.index_cast %mul3A_530 : i32 to index
        %get3A_1074 = tpu.vector_load %arg15[%get3A_1072, %get3A_1073] {strides = array<i32>} : memref<32x384xi32, #tpu.memory_space<vmem>>, vector<1x16xi32>,
        %get3A_1075 = vector.shape_cast %get3A_1074 : vector<1x16xi32> to vector<16xi32>
        %add3A_1076 = arith.addi %get3A_1075, %add3A_1070 : vector<16xi32>
        %swap3A_1077 = arith.constant 17 : i32
        %swap3A_1078 = arith.index_cast %swap3A_1077 : i32 to index
        %swap3A_1079 = arith.index_cast %mul3A_530 : i32 to index
        %swap3A_1080 = tpu.vector_load %arg15[%swap3A_1078, %swap3A_1079] {strides = array<i32>} : memref<32x384xi32, #tpu.memory_space<vmem>>, vector<1x16xi32>,
        %swap3A_1081 = vector.shape_cast %swap3A_1080 : vector<1x16xi32> to vector<16xi32>
        %swap3A_1082 = vector.shape_cast %add3A_1076 : vector<16xi32> to vector<1x16xi32>
        tpu.vector_store %arg15[%swap3A_1078, %swap3A_1079], %swap3A_1082 {strides = array<i32>} : memref<32x384xi32, #tpu.memory_space<vmem>>, vector<1x16xi32>,
        %shift_right_arithmetic3A_1083 = arith.constant 18 : i32
        %shift_right_arithmetic3A_1084 = vector.broadcast %shift_right_arithmetic3A_1083 : i32 to vector<16xi32>
        %shift_right_arithmetic3A_1085 = arith.shrsi %xor3A_696, %shift_right_arithmetic3A_1084 : vector<16xi32>
        %and3A_1086 = arith.andi %shift_right_arithmetic3A_1085, %broadcast_in_dim3A_707 : vector<16xi32>
        %shift_right_arithmetic3A_1087 = arith.constant 18 : i32
        %shift_right_arithmetic3A_1088 = vector.broadcast %shift_right_arithmetic3A_1087 : i32 to vector<16xi32>
        %shift_right_arithmetic3A_1089 = arith.shrsi %xor3A_706, %shift_right_arithmetic3A_1088 : vector<16xi32>
        %and3A_1090 = arith.andi %shift_right_arithmetic3A_1089, %broadcast_in_dim3A_707 : vector<16xi32>
        %add3A_1091 = arith.addi %and3A_1086, %and3A_1090 : vector<16xi32>
        %get3A_1092 = arith.constant 18 : i32
        %get3A_1093 = arith.index_cast %get3A_1092 : i32 to index
        %get3A_1094 = arith.index_cast %mul3A_530 : i32 to index
        %get3A_1095 = tpu.vector_load %arg15[%get3A_1093, %get3A_1094] {strides = array<i32>} : memref<32x384xi32, #tpu.memory_space<vmem>>, vector<1x16xi32>,
        %get3A_1096 = vector.shape_cast %get3A_1095 : vector<1x16xi32> to vector<16xi32>
        %add3A_1097 = arith.addi %get3A_1096, %add3A_1091 : vector<16xi32>
        %swap3A_1098 = arith.constant 18 : i32
        %swap3A_1099 = arith.index_cast %swap3A_1098 : i32 to index
        %swap3A_1100 = arith.index_cast %mul3A_530 : i32 to index
        %swap3A_1101 = tpu.vector_load %arg15[%swap3A_1099, %swap3A_1100] {strides = array<i32>} : memref<32x384xi32, #tpu.memory_space<vmem>>, vector<1x16xi32>,
        %swap3A_1102 = vector.shape_cast %swap3A_1101 : vector<1x16xi32> to vector<16xi32>
        %swap3A_1103 = vector.shape_cast %add3A_1097 : vector<16xi32> to vector<1x16xi32>
        tpu.vector_store %arg15[%swap3A_1099, %swap3A_1100], %swap3A_1103 {strides = array<i32>} : memref<32x384xi32, #tpu.memory_space<vmem>>, vector<1x16xi32>,
        %shift_right_arithmetic3A_1104 = arith.constant 19 : i32
        %shift_right_arithmetic3A_1105 = vector.broadcast %shift_right_arithmetic3A_1104 : i32 to vector<16xi32>
        %shift_right_arithmetic3A_1106 = arith.shrsi %xor3A_696, %shift_right_arithmetic3A_1105 : vector<16xi32>
        %and3A_1107 = arith.andi %shift_right_arithmetic3A_1106, %broadcast_in_dim3A_707 : vector<16xi32>
        %shift_right_arithmetic3A_1108 = arith.constant 19 : i32
        %shift_right_arithmetic3A_1109 = vector.broadcast %shift_right_arithmetic3A_1108 : i32 to vector<16xi32>
        %shift_right_arithmetic3A_1110 = arith.shrsi %xor3A_706, %shift_right_arithmetic3A_1109 : vector<16xi32>
        %and3A_1111 = arith.andi %shift_right_arithmetic3A_1110, %broadcast_in_dim3A_707 : vector<16xi32>
        %add3A_1112 = arith.addi %and3A_1107, %and3A_1111 : vector<16xi32>
        %get3A_1113 = arith.constant 19 : i32
        %get3A_1114 = arith.index_cast %get3A_1113 : i32 to index
        %get3A_1115 = arith.index_cast %mul3A_530 : i32 to index
        %get3A_1116 = tpu.vector_load %arg15[%get3A_1114, %get3A_1115] {strides = array<i32>} : memref<32x384xi32, #tpu.memory_space<vmem>>, vector<1x16xi32>,
        %get3A_1117 = vector.shape_cast %get3A_1116 : vector<1x16xi32> to vector<16xi32>
        %add3A_1118 = arith.addi %get3A_1117, %add3A_1112 : vector<16xi32>
        %swap3A_1119 = arith.constant 19 : i32
        %swap3A_1120 = arith.index_cast %swap3A_1119 : i32 to index
        %swap3A_1121 = arith.index_cast %mul3A_530 : i32 to index
        %swap3A_1122 = tpu.vector_load %arg15[%swap3A_1120, %swap3A_1121] {strides = array<i32>} : memref<32x384xi32, #tpu.memory_space<vmem>>, vector<1x16xi32>,
        %swap3A_1123 = vector.shape_cast %swap3A_1122 : vector<1x16xi32> to vector<16xi32>
        %swap3A_1124 = vector.shape_cast %add3A_1118 : vector<16xi32> to vector<1x16xi32>
        tpu.vector_store %arg15[%swap3A_1120, %swap3A_1121], %swap3A_1124 {strides = array<i32>} : memref<32x384xi32, #tpu.memory_space<vmem>>, vector<1x16xi32>,
        %shift_right_arithmetic3A_1125 = arith.constant 20 : i32
        %shift_right_arithmetic3A_1126 = vector.broadcast %shift_right_arithmetic3A_1125 : i32 to vector<16xi32>
        %shift_right_arithmetic3A_1127 = arith.shrsi %xor3A_696, %shift_right_arithmetic3A_1126 : vector<16xi32>
        %and3A_1128 = arith.andi %shift_right_arithmetic3A_1127, %broadcast_in_dim3A_707 : vector<16xi32>
        %shift_right_arithmetic3A_1129 = arith.constant 20 : i32
        %shift_right_arithmetic3A_1130 = vector.broadcast %shift_right_arithmetic3A_1129 : i32 to vector<16xi32>
        %shift_right_arithmetic3A_1131 = arith.shrsi %xor3A_706, %shift_right_arithmetic3A_1130 : vector<16xi32>
        %and3A_1132 = arith.andi %shift_right_arithmetic3A_1131, %broadcast_in_dim3A_707 : vector<16xi32>
        %add3A_1133 = arith.addi %and3A_1128, %and3A_1132 : vector<16xi32>
        %get3A_1134 = arith.constant 20 : i32
        %get3A_1135 = arith.index_cast %get3A_1134 : i32 to index
        %get3A_1136 = arith.index_cast %mul3A_530 : i32 to index
        %get3A_1137 = tpu.vector_load %arg15[%get3A_1135, %get3A_1136] {strides = array<i32>} : memref<32x384xi32, #tpu.memory_space<vmem>>, vector<1x16xi32>,
        %get3A_1138 = vector.shape_cast %get3A_1137 : vector<1x16xi32> to vector<16xi32>
        %add3A_1139 = arith.addi %get3A_1138, %add3A_1133 : vector<16xi32>
        %swap3A_1140 = arith.constant 20 : i32
        %swap3A_1141 = arith.index_cast %swap3A_1140 : i32 to index
        %swap3A_1142 = arith.index_cast %mul3A_530 : i32 to index
        %swap3A_1143 = tpu.vector_load %arg15[%swap3A_1141, %swap3A_1142] {strides = array<i32>} : memref<32x384xi32, #tpu.memory_space<vmem>>, vector<1x16xi32>,
        %swap3A_1144 = vector.shape_cast %swap3A_1143 : vector<1x16xi32> to vector<16xi32>
        %swap3A_1145 = vector.shape_cast %add3A_1139 : vector<16xi32> to vector<1x16xi32>
        tpu.vector_store %arg15[%swap3A_1141, %swap3A_1142], %swap3A_1145 {strides = array<i32>} : memref<32x384xi32, #tpu.memory_space<vmem>>, vector<1x16xi32>,
        %shift_right_arithmetic3A_1146 = arith.constant 21 : i32
        %shift_right_arithmetic3A_1147 = vector.broadcast %shift_right_arithmetic3A_1146 : i32 to vector<16xi32>
        %shift_right_arithmetic3A_1148 = arith.shrsi %xor3A_696, %shift_right_arithmetic3A_1147 : vector<16xi32>
        %and3A_1149 = arith.andi %shift_right_arithmetic3A_1148, %broadcast_in_dim3A_707 : vector<16xi32>
        %shift_right_arithmetic3A_1150 = arith.constant 21 : i32
        %shift_right_arithmetic3A_1151 = vector.broadcast %shift_right_arithmetic3A_1150 : i32 to vector<16xi32>
        %shift_right_arithmetic3A_1152 = arith.shrsi %xor3A_706, %shift_right_arithmetic3A_1151 : vector<16xi32>
        %and3A_1153 = arith.andi %shift_right_arithmetic3A_1152, %broadcast_in_dim3A_707 : vector<16xi32>
        %add3A_1154 = arith.addi %and3A_1149, %and3A_1153 : vector<16xi32>
        %get3A_1155 = arith.constant 21 : i32
        %get3A_1156 = arith.index_cast %get3A_1155 : i32 to index
        %get3A_1157 = arith.index_cast %mul3A_530 : i32 to index
        %get3A_1158 = tpu.vector_load %arg15[%get3A_1156, %get3A_1157] {strides = array<i32>} : memref<32x384xi32, #tpu.memory_space<vmem>>, vector<1x16xi32>,
        %get3A_1159 = vector.shape_cast %get3A_1158 : vector<1x16xi32> to vector<16xi32>
        %add3A_1160 = arith.addi %get3A_1159, %add3A_1154 : vector<16xi32>
        %swap3A_1161 = arith.constant 21 : i32
        %swap3A_1162 = arith.index_cast %swap3A_1161 : i32 to index
        %swap3A_1163 = arith.index_cast %mul3A_530 : i32 to index
        %swap3A_1164 = tpu.vector_load %arg15[%swap3A_1162, %swap3A_1163] {strides = array<i32>} : memref<32x384xi32, #tpu.memory_space<vmem>>, vector<1x16xi32>,
        %swap3A_1165 = vector.shape_cast %swap3A_1164 : vector<1x16xi32> to vector<16xi32>
        %swap3A_1166 = vector.shape_cast %add3A_1160 : vector<16xi32> to vector<1x16xi32>
        tpu.vector_store %arg15[%swap3A_1162, %swap3A_1163], %swap3A_1166 {strides = array<i32>} : memref<32x384xi32, #tpu.memory_space<vmem>>, vector<1x16xi32>,
        %shift_right_arithmetic3A_1167 = arith.constant 22 : i32
        %shift_right_arithmetic3A_1168 = vector.broadcast %shift_right_arithmetic3A_1167 : i32 to vector<16xi32>
        %shift_right_arithmetic3A_1169 = arith.shrsi %xor3A_696, %shift_right_arithmetic3A_1168 : vector<16xi32>
        %and3A_1170 = arith.andi %shift_right_arithmetic3A_1169, %broadcast_in_dim3A_707 : vector<16xi32>
        %shift_right_arithmetic3A_1171 = arith.constant 22 : i32
        %shift_right_arithmetic3A_1172 = vector.broadcast %shift_right_arithmetic3A_1171 : i32 to vector<16xi32>
        %shift_right_arithmetic3A_1173 = arith.shrsi %xor3A_706, %shift_right_arithmetic3A_1172 : vector<16xi32>
        %and3A_1174 = arith.andi %shift_right_arithmetic3A_1173, %broadcast_in_dim3A_707 : vector<16xi32>
        %add3A_1175 = arith.addi %and3A_1170, %and3A_1174 : vector<16xi32>
        %get3A_1176 = arith.constant 22 : i32
        %get3A_1177 = arith.index_cast %get3A_1176 : i32 to index
        %get3A_1178 = arith.index_cast %mul3A_530 : i32 to index
        %get3A_1179 = tpu.vector_load %arg15[%get3A_1177, %get3A_1178] {strides = array<i32>} : memref<32x384xi32, #tpu.memory_space<vmem>>, vector<1x16xi32>,
        %get3A_1180 = vector.shape_cast %get3A_1179 : vector<1x16xi32> to vector<16xi32>
        %add3A_1181 = arith.addi %get3A_1180, %add3A_1175 : vector<16xi32>
        %swap3A_1182 = arith.constant 22 : i32
        %swap3A_1183 = arith.index_cast %swap3A_1182 : i32 to index
        %swap3A_1184 = arith.index_cast %mul3A_530 : i32 to index
        %swap3A_1185 = tpu.vector_load %arg15[%swap3A_1183, %swap3A_1184] {strides = array<i32>} : memref<32x384xi32, #tpu.memory_space<vmem>>, vector<1x16xi32>,
        %swap3A_1186 = vector.shape_cast %swap3A_1185 : vector<1x16xi32> to vector<16xi32>
        %swap3A_1187 = vector.shape_cast %add3A_1181 : vector<16xi32> to vector<1x16xi32>
        tpu.vector_store %arg15[%swap3A_1183, %swap3A_1184], %swap3A_1187 {strides = array<i32>} : memref<32x384xi32, #tpu.memory_space<vmem>>, vector<1x16xi32>,
        %shift_right_arithmetic3A_1188 = arith.constant 23 : i32
        %shift_right_arithmetic3A_1189 = vector.broadcast %shift_right_arithmetic3A_1188 : i32 to vector<16xi32>
        %shift_right_arithmetic3A_1190 = arith.shrsi %xor3A_696, %shift_right_arithmetic3A_1189 : vector<16xi32>
        %and3A_1191 = arith.andi %shift_right_arithmetic3A_1190, %broadcast_in_dim3A_707 : vector<16xi32>
        %shift_right_arithmetic3A_1192 = arith.constant 23 : i32
        %shift_right_arithmetic3A_1193 = vector.broadcast %shift_right_arithmetic3A_1192 : i32 to vector<16xi32>
        %shift_right_arithmetic3A_1194 = arith.shrsi %xor3A_706, %shift_right_arithmetic3A_1193 : vector<16xi32>
        %and3A_1195 = arith.andi %shift_right_arithmetic3A_1194, %broadcast_in_dim3A_707 : vector<16xi32>
        %add3A_1196 = arith.addi %and3A_1191, %and3A_1195 : vector<16xi32>
        %get3A_1197 = arith.constant 23 : i32
        %get3A_1198 = arith.index_cast %get3A_1197 : i32 to index
        %get3A_1199 = arith.index_cast %mul3A_530 : i32 to index
        %get3A_1200 = tpu.vector_load %arg15[%get3A_1198, %get3A_1199] {strides = array<i32>} : memref<32x384xi32, #tpu.memory_space<vmem>>, vector<1x16xi32>,
        %get3A_1201 = vector.shape_cast %get3A_1200 : vector<1x16xi32> to vector<16xi32>
        %add3A_1202 = arith.addi %get3A_1201, %add3A_1196 : vector<16xi32>
        %swap3A_1203 = arith.constant 23 : i32
        %swap3A_1204 = arith.index_cast %swap3A_1203 : i32 to index
        %swap3A_1205 = arith.index_cast %mul3A_530 : i32 to index
        %swap3A_1206 = tpu.vector_load %arg15[%swap3A_1204, %swap3A_1205] {strides = array<i32>} : memref<32x384xi32, #tpu.memory_space<vmem>>, vector<1x16xi32>,
        %swap3A_1207 = vector.shape_cast %swap3A_1206 : vector<1x16xi32> to vector<16xi32>
        %swap3A_1208 = vector.shape_cast %add3A_1202 : vector<16xi32> to vector<1x16xi32>
        tpu.vector_store %arg15[%swap3A_1204, %swap3A_1205], %swap3A_1208 {strides = array<i32>} : memref<32x384xi32, #tpu.memory_space<vmem>>, vector<1x16xi32>,
        %shift_right_arithmetic3A_1209 = arith.constant 24 : i32
        %shift_right_arithmetic3A_1210 = vector.broadcast %shift_right_arithmetic3A_1209 : i32 to vector<16xi32>
        %shift_right_arithmetic3A_1211 = arith.shrsi %xor3A_696, %shift_right_arithmetic3A_1210 : vector<16xi32>
        %and3A_1212 = arith.andi %shift_right_arithmetic3A_1211, %broadcast_in_dim3A_707 : vector<16xi32>
        %shift_right_arithmetic3A_1213 = arith.constant 24 : i32
        %shift_right_arithmetic3A_1214 = vector.broadcast %shift_right_arithmetic3A_1213 : i32 to vector<16xi32>
        %shift_right_arithmetic3A_1215 = arith.shrsi %xor3A_706, %shift_right_arithmetic3A_1214 : vector<16xi32>
        %and3A_1216 = arith.andi %shift_right_arithmetic3A_1215, %broadcast_in_dim3A_707 : vector<16xi32>
        %add3A_1217 = arith.addi %and3A_1212, %and3A_1216 : vector<16xi32>
        %get3A_1218 = arith.constant 24 : i32
        %get3A_1219 = arith.index_cast %get3A_1218 : i32 to index
        %get3A_1220 = arith.index_cast %mul3A_530 : i32 to index
        %get3A_1221 = tpu.vector_load %arg15[%get3A_1219, %get3A_1220] {strides = array<i32>} : memref<32x384xi32, #tpu.memory_space<vmem>>, vector<1x16xi32>,
        %get3A_1222 = vector.shape_cast %get3A_1221 : vector<1x16xi32> to vector<16xi32>
        %add3A_1223 = arith.addi %get3A_1222, %add3A_1217 : vector<16xi32>
        %swap3A_1224 = arith.constant 24 : i32
        %swap3A_1225 = arith.index_cast %swap3A_1224 : i32 to index
        %swap3A_1226 = arith.index_cast %mul3A_530 : i32 to index
        %swap3A_1227 = tpu.vector_load %arg15[%swap3A_1225, %swap3A_1226] {strides = array<i32>} : memref<32x384xi32, #tpu.memory_space<vmem>>, vector<1x16xi32>,
        %swap3A_1228 = vector.shape_cast %swap3A_1227 : vector<1x16xi32> to vector<16xi32>
        %swap3A_1229 = vector.shape_cast %add3A_1223 : vector<16xi32> to vector<1x16xi32>
        tpu.vector_store %arg15[%swap3A_1225, %swap3A_1226], %swap3A_1229 {strides = array<i32>} : memref<32x384xi32, #tpu.memory_space<vmem>>, vector<1x16xi32>,
        %shift_right_arithmetic3A_1230 = arith.constant 25 : i32
        %shift_right_arithmetic3A_1231 = vector.broadcast %shift_right_arithmetic3A_1230 : i32 to vector<16xi32>
        %shift_right_arithmetic3A_1232 = arith.shrsi %xor3A_696, %shift_right_arithmetic3A_1231 : vector<16xi32>
        %and3A_1233 = arith.andi %shift_right_arithmetic3A_1232, %broadcast_in_dim3A_707 : vector<16xi32>
        %shift_right_arithmetic3A_1234 = arith.constant 25 : i32
        %shift_right_arithmetic3A_1235 = vector.broadcast %shift_right_arithmetic3A_1234 : i32 to vector<16xi32>
        %shift_right_arithmetic3A_1236 = arith.shrsi %xor3A_706, %shift_right_arithmetic3A_1235 : vector<16xi32>
        %and3A_1237 = arith.andi %shift_right_arithmetic3A_1236, %broadcast_in_dim3A_707 : vector<16xi32>
        %add3A_1238 = arith.addi %and3A_1233, %and3A_1237 : vector<16xi32>
        %get3A_1239 = arith.constant 25 : i32
        %get3A_1240 = arith.index_cast %get3A_1239 : i32 to index
        %get3A_1241 = arith.index_cast %mul3A_530 : i32 to index
        %get3A_1242 = tpu.vector_load %arg15[%get3A_1240, %get3A_1241] {strides = array<i32>} : memref<32x384xi32, #tpu.memory_space<vmem>>, vector<1x16xi32>,
        %get3A_1243 = vector.shape_cast %get3A_1242 : vector<1x16xi32> to vector<16xi32>
        %add3A_1244 = arith.addi %get3A_1243, %add3A_1238 : vector<16xi32>
        %swap3A_1245 = arith.constant 25 : i32
        %swap3A_1246 = arith.index_cast %swap3A_1245 : i32 to index
        %swap3A_1247 = arith.index_cast %mul3A_530 : i32 to index
        %swap3A_1248 = tpu.vector_load %arg15[%swap3A_1246, %swap3A_1247] {strides = array<i32>} : memref<32x384xi32, #tpu.memory_space<vmem>>, vector<1x16xi32>,
        %swap3A_1249 = vector.shape_cast %swap3A_1248 : vector<1x16xi32> to vector<16xi32>
        %swap3A_1250 = vector.shape_cast %add3A_1244 : vector<16xi32> to vector<1x16xi32>
        tpu.vector_store %arg15[%swap3A_1246, %swap3A_1247], %swap3A_1250 {strides = array<i32>} : memref<32x384xi32, #tpu.memory_space<vmem>>, vector<1x16xi32>,
        %shift_right_arithmetic3A_1251 = arith.constant 26 : i32
        %shift_right_arithmetic3A_1252 = vector.broadcast %shift_right_arithmetic3A_1251 : i32 to vector<16xi32>
        %shift_right_arithmetic3A_1253 = arith.shrsi %xor3A_696, %shift_right_arithmetic3A_1252 : vector<16xi32>
        %and3A_1254 = arith.andi %shift_right_arithmetic3A_1253, %broadcast_in_dim3A_707 : vector<16xi32>
        %shift_right_arithmetic3A_1255 = arith.constant 26 : i32
        %shift_right_arithmetic3A_1256 = vector.broadcast %shift_right_arithmetic3A_1255 : i32 to vector<16xi32>
        %shift_right_arithmetic3A_1257 = arith.shrsi %xor3A_706, %shift_right_arithmetic3A_1256 : vector<16xi32>
        %and3A_1258 = arith.andi %shift_right_arithmetic3A_1257, %broadcast_in_dim3A_707 : vector<16xi32>
        %add3A_1259 = arith.addi %and3A_1254, %and3A_1258 : vector<16xi32>
        %get3A_1260 = arith.constant 26 : i32
        %get3A_1261 = arith.index_cast %get3A_1260 : i32 to index
        %get3A_1262 = arith.index_cast %mul3A_530 : i32 to index
        %get3A_1263 = tpu.vector_load %arg15[%get3A_1261, %get3A_1262] {strides = array<i32>} : memref<32x384xi32, #tpu.memory_space<vmem>>, vector<1x16xi32>,
        %get3A_1264 = vector.shape_cast %get3A_1263 : vector<1x16xi32> to vector<16xi32>
        %add3A_1265 = arith.addi %get3A_1264, %add3A_1259 : vector<16xi32>
        %swap3A_1266 = arith.constant 26 : i32
        %swap3A_1267 = arith.index_cast %swap3A_1266 : i32 to index
        %swap3A_1268 = arith.index_cast %mul3A_530 : i32 to index
        %swap3A_1269 = tpu.vector_load %arg15[%swap3A_1267, %swap3A_1268] {strides = array<i32>} : memref<32x384xi32, #tpu.memory_space<vmem>>, vector<1x16xi32>,
        %swap3A_1270 = vector.shape_cast %swap3A_1269 : vector<1x16xi32> to vector<16xi32>
        %swap3A_1271 = vector.shape_cast %add3A_1265 : vector<16xi32> to vector<1x16xi32>
        tpu.vector_store %arg15[%swap3A_1267, %swap3A_1268], %swap3A_1271 {strides = array<i32>} : memref<32x384xi32, #tpu.memory_space<vmem>>, vector<1x16xi32>,
        %shift_right_arithmetic3A_1272 = arith.constant 27 : i32
        %shift_right_arithmetic3A_1273 = vector.broadcast %shift_right_arithmetic3A_1272 : i32 to vector<16xi32>
        %shift_right_arithmetic3A_1274 = arith.shrsi %xor3A_696, %shift_right_arithmetic3A_1273 : vector<16xi32>
        %and3A_1275 = arith.andi %shift_right_arithmetic3A_1274, %broadcast_in_dim3A_707 : vector<16xi32>
        %shift_right_arithmetic3A_1276 = arith.constant 27 : i32
        %shift_right_arithmetic3A_1277 = vector.broadcast %shift_right_arithmetic3A_1276 : i32 to vector<16xi32>
        %shift_right_arithmetic3A_1278 = arith.shrsi %xor3A_706, %shift_right_arithmetic3A_1277 : vector<16xi32>
        %and3A_1279 = arith.andi %shift_right_arithmetic3A_1278, %broadcast_in_dim3A_707 : vector<16xi32>
        %add3A_1280 = arith.addi %and3A_1275, %and3A_1279 : vector<16xi32>
        %get3A_1281 = arith.constant 27 : i32
        %get3A_1282 = arith.index_cast %get3A_1281 : i32 to index
        %get3A_1283 = arith.index_cast %mul3A_530 : i32 to index
        %get3A_1284 = tpu.vector_load %arg15[%get3A_1282, %get3A_1283] {strides = array<i32>} : memref<32x384xi32, #tpu.memory_space<vmem>>, vector<1x16xi32>,
        %get3A_1285 = vector.shape_cast %get3A_1284 : vector<1x16xi32> to vector<16xi32>
        %add3A_1286 = arith.addi %get3A_1285, %add3A_1280 : vector<16xi32>
        %swap3A_1287 = arith.constant 27 : i32
        %swap3A_1288 = arith.index_cast %swap3A_1287 : i32 to index
        %swap3A_1289 = arith.index_cast %mul3A_530 : i32 to index
        %swap3A_1290 = tpu.vector_load %arg15[%swap3A_1288, %swap3A_1289] {strides = array<i32>} : memref<32x384xi32, #tpu.memory_space<vmem>>, vector<1x16xi32>,
        %swap3A_1291 = vector.shape_cast %swap3A_1290 : vector<1x16xi32> to vector<16xi32>
        %swap3A_1292 = vector.shape_cast %add3A_1286 : vector<16xi32> to vector<1x16xi32>
        tpu.vector_store %arg15[%swap3A_1288, %swap3A_1289], %swap3A_1292 {strides = array<i32>} : memref<32x384xi32, #tpu.memory_space<vmem>>, vector<1x16xi32>,
        %shift_right_arithmetic3A_1293 = arith.constant 28 : i32
        %shift_right_arithmetic3A_1294 = vector.broadcast %shift_right_arithmetic3A_1293 : i32 to vector<16xi32>
        %shift_right_arithmetic3A_1295 = arith.shrsi %xor3A_696, %shift_right_arithmetic3A_1294 : vector<16xi32>
        %and3A_1296 = arith.andi %shift_right_arithmetic3A_1295, %broadcast_in_dim3A_707 : vector<16xi32>
        %shift_right_arithmetic3A_1297 = arith.constant 28 : i32
        %shift_right_arithmetic3A_1298 = vector.broadcast %shift_right_arithmetic3A_1297 : i32 to vector<16xi32>
        %shift_right_arithmetic3A_1299 = arith.shrsi %xor3A_706, %shift_right_arithmetic3A_1298 : vector<16xi32>
        %and3A_1300 = arith.andi %shift_right_arithmetic3A_1299, %broadcast_in_dim3A_707 : vector<16xi32>
        %add3A_1301 = arith.addi %and3A_1296, %and3A_1300 : vector<16xi32>
        %get3A_1302 = arith.constant 28 : i32
        %get3A_1303 = arith.index_cast %get3A_1302 : i32 to index
        %get3A_1304 = arith.index_cast %mul3A_530 : i32 to index
        %get3A_1305 = tpu.vector_load %arg15[%get3A_1303, %get3A_1304] {strides = array<i32>} : memref<32x384xi32, #tpu.memory_space<vmem>>, vector<1x16xi32>,
        %get3A_1306 = vector.shape_cast %get3A_1305 : vector<1x16xi32> to vector<16xi32>
        %add3A_1307 = arith.addi %get3A_1306, %add3A_1301 : vector<16xi32>
        %swap3A_1308 = arith.constant 28 : i32
        %swap3A_1309 = arith.index_cast %swap3A_1308 : i32 to index
        %swap3A_1310 = arith.index_cast %mul3A_530 : i32 to index
        %swap3A_1311 = tpu.vector_load %arg15[%swap3A_1309, %swap3A_1310] {strides = array<i32>} : memref<32x384xi32, #tpu.memory_space<vmem>>, vector<1x16xi32>,
        %swap3A_1312 = vector.shape_cast %swap3A_1311 : vector<1x16xi32> to vector<16xi32>
        %swap3A_1313 = vector.shape_cast %add3A_1307 : vector<16xi32> to vector<1x16xi32>
        tpu.vector_store %arg15[%swap3A_1309, %swap3A_1310], %swap3A_1313 {strides = array<i32>} : memref<32x384xi32, #tpu.memory_space<vmem>>, vector<1x16xi32>,
        %shift_right_arithmetic3A_1314 = arith.constant 29 : i32
        %shift_right_arithmetic3A_1315 = vector.broadcast %shift_right_arithmetic3A_1314 : i32 to vector<16xi32>
        %shift_right_arithmetic3A_1316 = arith.shrsi %xor3A_696, %shift_right_arithmetic3A_1315 : vector<16xi32>
        %and3A_1317 = arith.andi %shift_right_arithmetic3A_1316, %broadcast_in_dim3A_707 : vector<16xi32>
        %shift_right_arithmetic3A_1318 = arith.constant 29 : i32
        %shift_right_arithmetic3A_1319 = vector.broadcast %shift_right_arithmetic3A_1318 : i32 to vector<16xi32>
        %shift_right_arithmetic3A_1320 = arith.shrsi %xor3A_706, %shift_right_arithmetic3A_1319 : vector<16xi32>
        %and3A_1321 = arith.andi %shift_right_arithmetic3A_1320, %broadcast_in_dim3A_707 : vector<16xi32>
        %add3A_1322 = arith.addi %and3A_1317, %and3A_1321 : vector<16xi32>
        %get3A_1323 = arith.constant 29 : i32
        %get3A_1324 = arith.index_cast %get3A_1323 : i32 to index
        %get3A_1325 = arith.index_cast %mul3A_530 : i32 to index
        %get3A_1326 = tpu.vector_load %arg15[%get3A_1324, %get3A_1325] {strides = array<i32>} : memref<32x384xi32, #tpu.memory_space<vmem>>, vector<1x16xi32>,
        %get3A_1327 = vector.shape_cast %get3A_1326 : vector<1x16xi32> to vector<16xi32>
        %add3A_1328 = arith.addi %get3A_1327, %add3A_1322 : vector<16xi32>
        %swap3A_1329 = arith.constant 29 : i32
        %swap3A_1330 = arith.index_cast %swap3A_1329 : i32 to index
        %swap3A_1331 = arith.index_cast %mul3A_530 : i32 to index
        %swap3A_1332 = tpu.vector_load %arg15[%swap3A_1330, %swap3A_1331] {strides = array<i32>} : memref<32x384xi32, #tpu.memory_space<vmem>>, vector<1x16xi32>,
        %swap3A_1333 = vector.shape_cast %swap3A_1332 : vector<1x16xi32> to vector<16xi32>
        %swap3A_1334 = vector.shape_cast %add3A_1328 : vector<16xi32> to vector<1x16xi32>
        tpu.vector_store %arg15[%swap3A_1330, %swap3A_1331], %swap3A_1334 {strides = array<i32>} : memref<32x384xi32, #tpu.memory_space<vmem>>, vector<1x16xi32>,
        %shift_right_arithmetic3A_1335 = arith.constant 30 : i32
        %shift_right_arithmetic3A_1336 = vector.broadcast %shift_right_arithmetic3A_1335 : i32 to vector<16xi32>
        %shift_right_arithmetic3A_1337 = arith.shrsi %xor3A_696, %shift_right_arithmetic3A_1336 : vector<16xi32>
        %and3A_1338 = arith.andi %shift_right_arithmetic3A_1337, %broadcast_in_dim3A_707 : vector<16xi32>
        %shift_right_arithmetic3A_1339 = arith.constant 30 : i32
        %shift_right_arithmetic3A_1340 = vector.broadcast %shift_right_arithmetic3A_1339 : i32 to vector<16xi32>
        %shift_right_arithmetic3A_1341 = arith.shrsi %xor3A_706, %shift_right_arithmetic3A_1340 : vector<16xi32>
        %and3A_1342 = arith.andi %shift_right_arithmetic3A_1341, %broadcast_in_dim3A_707 : vector<16xi32>
        %add3A_1343 = arith.addi %and3A_1338, %and3A_1342 : vector<16xi32>
        %get3A_1344 = arith.constant 30 : i32
        %get3A_1345 = arith.index_cast %get3A_1344 : i32 to index
        %get3A_1346 = arith.index_cast %mul3A_530 : i32 to index
        %get3A_1347 = tpu.vector_load %arg15[%get3A_1345, %get3A_1346] {strides = array<i32>} : memref<32x384xi32, #tpu.memory_space<vmem>>, vector<1x16xi32>,
        %get3A_1348 = vector.shape_cast %get3A_1347 : vector<1x16xi32> to vector<16xi32>
        %add3A_1349 = arith.addi %get3A_1348, %add3A_1343 : vector<16xi32>
        %swap3A_1350 = arith.constant 30 : i32
        %swap3A_1351 = arith.index_cast %swap3A_1350 : i32 to index
        %swap3A_1352 = arith.index_cast %mul3A_530 : i32 to index
        %swap3A_1353 = tpu.vector_load %arg15[%swap3A_1351, %swap3A_1352] {strides = array<i32>} : memref<32x384xi32, #tpu.memory_space<vmem>>, vector<1x16xi32>,
        %swap3A_1354 = vector.shape_cast %swap3A_1353 : vector<1x16xi32> to vector<16xi32>
        %swap3A_1355 = vector.shape_cast %add3A_1349 : vector<16xi32> to vector<1x16xi32>
        tpu.vector_store %arg15[%swap3A_1351, %swap3A_1352], %swap3A_1355 {strides = array<i32>} : memref<32x384xi32, #tpu.memory_space<vmem>>, vector<1x16xi32>,
        %shift_right_arithmetic3A_1356 = arith.constant 31 : i32
        %shift_right_arithmetic3A_1357 = vector.broadcast %shift_right_arithmetic3A_1356 : i32 to vector<16xi32>
        %shift_right_arithmetic3A_1358 = arith.shrsi %xor3A_696, %shift_right_arithmetic3A_1357 : vector<16xi32>
        %and3A_1359 = arith.andi %shift_right_arithmetic3A_1358, %broadcast_in_dim3A_707 : vector<16xi32>
        %shift_right_arithmetic3A_1360 = arith.constant 31 : i32
        %shift_right_arithmetic3A_1361 = vector.broadcast %shift_right_arithmetic3A_1360 : i32 to vector<16xi32>
        %shift_right_arithmetic3A_1362 = arith.shrsi %xor3A_706, %shift_right_arithmetic3A_1361 : vector<16xi32>
        %and3A_1363 = arith.andi %shift_right_arithmetic3A_1362, %broadcast_in_dim3A_707 : vector<16xi32>
        %add3A_1364 = arith.addi %and3A_1359, %and3A_1363 : vector<16xi32>
        %get3A_1365 = arith.constant 31 : i32
        %get3A_1366 = arith.index_cast %get3A_1365 : i32 to index
        %get3A_1367 = arith.index_cast %mul3A_530 : i32 to index
        %get3A_1368 = tpu.vector_load %arg15[%get3A_1366, %get3A_1367] {strides = array<i32>} : memref<32x384xi32, #tpu.memory_space<vmem>>, vector<1x16xi32>,
        %get3A_1369 = vector.shape_cast %get3A_1368 : vector<1x16xi32> to vector<16xi32>
        %add3A_1370 = arith.addi %get3A_1369, %add3A_1364 : vector<16xi32>
        %swap3A_1371 = arith.constant 31 : i32
        %swap3A_1372 = arith.index_cast %swap3A_1371 : i32 to index
        %swap3A_1373 = arith.index_cast %mul3A_530 : i32 to index
        %swap3A_1374 = tpu.vector_load %arg15[%swap3A_1372, %swap3A_1373] {strides = array<i32>} : memref<32x384xi32, #tpu.memory_space<vmem>>, vector<1x16xi32>,
        %swap3A_1375 = vector.shape_cast %swap3A_1374 : vector<1x16xi32> to vector<16xi32>
        %swap3A_1376 = vector.shape_cast %add3A_1370 : vector<16xi32> to vector<1x16xi32>
        tpu.vector_store %arg15[%swap3A_1372, %swap3A_1373], %swap3A_1376 {strides = array<i32>} : memref<32x384xi32, #tpu.memory_space<vmem>>, vector<1x16xi32>,
      }
      %scan3A_389 = arith.constant 24 : i32
      %add3A_390 = arith.constant 2 : i32
      %add3A_391 = arith.addi %add3A_267, %add3A_390 : i32
      %lt3A = arith.constant 32 : i32
      %lt3A_392 = arith.cmpi slt, %add3A_391, %lt3A : i32
      %convert_element_type3A = arith.extui %lt3A_392 : i1 to i32
      %cond3A = arith.constant 0 : i32
      %cond3A_393 = arith.cmpi ne, %convert_element_type3A, %cond3A : i32
      scf.if %cond3A_393 {
        %dma_start3A_528 = arith.constant 0 : i32
        %dma_start3A_529 = arith.constant 0 : i32
        %dma_start3A_530 = arith.constant 0 : i32
        %dma_start3A_531 = arith.constant 0 : i32
        %dma_start3A_532 = arith.constant 0 : i32
        %dma_start3A_533 = tpu.memref_slice %arg14[%dma_start3A_529, %dma_start3A_530, %dma_start3A_531, %dma_start3A_532] : memref<2x9x2x384xi32, #tpu.memory_space<vmem>> -> memref<1x1x2x384xi32, #tpu.memory_space<vmem>>
        %dma_start3A_534 = tpu.memref_squeeze %dma_start3A_533 : memref<1x1x2x384xi32, #tpu.memory_space<vmem>> -> memref<2x384xi32, #tpu.memory_space<vmem>>
        %dma_start3A_535 = arith.constant 0 : i32
        %dma_start3A_536 = tpu.memref_slice %arg13[%dma_start3A_528, %add3A_391, %dma_start3A_535] : memref<9x32x2xi32, #tpu.memory_space<vmem>> -> memref<1x1x2xi32, #tpu.memory_space<vmem>>
        %dma_start3A_537 = tpu.memref_squeeze %dma_start3A_536 : memref<1x1x2xi32, #tpu.memory_space<vmem>> -> memref<2xi32, #tpu.memory_space<vmem>>
        %dma_start3A_538 = arith.constant 0 : i32
        %dma_start3A_539 = arith.constant 0 : i32
        %dma_start3A_540 = tpu.memref_slice %arg3[%dma_start3A_538, %dma_start3A_539] : memref<1024x384xi32, #tpu.memory_space<hbm>> -> memref<1024x384xi32, #tpu.memory_space<hbm>>
        tpu.enqueue_indirect_dma source(%dma_start3A_540 : memref<1024x384xi32, #tpu.memory_space<hbm>>) target(%dma_start3A_534 : memref<2x384xi32, #tpu.memory_space<vmem>>) offsets(%dma_start3A_537 : memref<2xi32, #tpu.memory_space<vmem>>) semaphore(%arg16 : memref<!tpu.dma_semaphore, #tpu.memory_space<semaphore_mem>>)
        %dma_start3A_541 = arith.constant 1 : i32
        %dma_start3A_542 = arith.constant 0 : i32
        %dma_start3A_543 = arith.constant 1 : i32
        %dma_start3A_544 = arith.constant 0 : i32
        %dma_start3A_545 = arith.constant 0 : i32
        %dma_start3A_546 = tpu.memref_slice %arg14[%dma_start3A_542, %dma_start3A_543, %dma_start3A_544, %dma_start3A_545] : memref<2x9x2x384xi32, #tpu.memory_space<vmem>> -> memref<1x1x2x384xi32, #tpu.memory_space<vmem>>
        %dma_start3A_547 = tpu.memref_squeeze %dma_start3A_546 : memref<1x1x2x384xi32, #tpu.memory_space<vmem>> -> memref<2x384xi32, #tpu.memory_space<vmem>>
        %dma_start3A_548 = arith.constant 0 : i32
        %dma_start3A_549 = tpu.memref_slice %arg13[%dma_start3A_541, %add3A_391, %dma_start3A_548] : memref<9x32x2xi32, #tpu.memory_space<vmem>> -> memref<1x1x2xi32, #tpu.memory_space<vmem>>
        %dma_start3A_550 = tpu.memref_squeeze %dma_start3A_549 : memref<1x1x2xi32, #tpu.memory_space<vmem>> -> memref<2xi32, #tpu.memory_space<vmem>>
        %dma_start3A_551 = arith.constant 0 : i32
        %dma_start3A_552 = arith.constant 0 : i32
        %dma_start3A_553 = tpu.memref_slice %arg4[%dma_start3A_551, %dma_start3A_552] : memref<1024x384xi32, #tpu.memory_space<hbm>> -> memref<1024x384xi32, #tpu.memory_space<hbm>>
        tpu.enqueue_indirect_dma source(%dma_start3A_553 : memref<1024x384xi32, #tpu.memory_space<hbm>>) target(%dma_start3A_547 : memref<2x384xi32, #tpu.memory_space<vmem>>) offsets(%dma_start3A_550 : memref<2xi32, #tpu.memory_space<vmem>>) semaphore(%arg16 : memref<!tpu.dma_semaphore, #tpu.memory_space<semaphore_mem>>)
        %dma_start3A_554 = arith.constant 2 : i32
        %dma_start3A_555 = arith.constant 0 : i32
        %dma_start3A_556 = arith.constant 2 : i32
        %dma_start3A_557 = arith.constant 0 : i32
        %dma_start3A_558 = arith.constant 0 : i32
        %dma_start3A_559 = tpu.memref_slice %arg14[%dma_start3A_555, %dma_start3A_556, %dma_start3A_557, %dma_start3A_558] : memref<2x9x2x384xi32, #tpu.memory_space<vmem>> -> memref<1x1x2x384xi32, #tpu.memory_space<vmem>>
        %dma_start3A_560 = tpu.memref_squeeze %dma_start3A_559 : memref<1x1x2x384xi32, #tpu.memory_space<vmem>> -> memref<2x384xi32, #tpu.memory_space<vmem>>
        %dma_start3A_561 = arith.constant 0 : i32
        %dma_start3A_562 = tpu.memref_slice %arg13[%dma_start3A_554, %add3A_391, %dma_start3A_561] : memref<9x32x2xi32, #tpu.memory_space<vmem>> -> memref<1x1x2xi32, #tpu.memory_space<vmem>>
        %dma_start3A_563 = tpu.memref_squeeze %dma_start3A_562 : memref<1x1x2xi32, #tpu.memory_space<vmem>> -> memref<2xi32, #tpu.memory_space<vmem>>
        %dma_start3A_564 = arith.constant 0 : i32
        %dma_start3A_565 = arith.constant 0 : i32
        %dma_start3A_566 = tpu.memref_slice %arg5[%dma_start3A_564, %dma_start3A_565] : memref<1024x384xi32, #tpu.memory_space<hbm>> -> memref<1024x384xi32, #tpu.memory_space<hbm>>
        tpu.enqueue_indirect_dma source(%dma_start3A_566 : memref<1024x384xi32, #tpu.memory_space<hbm>>) target(%dma_start3A_560 : memref<2x384xi32, #tpu.memory_space<vmem>>) offsets(%dma_start3A_563 : memref<2xi32, #tpu.memory_space<vmem>>) semaphore(%arg16 : memref<!tpu.dma_semaphore, #tpu.memory_space<semaphore_mem>>)
        %dma_start3A_567 = arith.constant 3 : i32
        %dma_start3A_568 = arith.constant 0 : i32
        %dma_start3A_569 = arith.constant 3 : i32
        %dma_start3A_570 = arith.constant 0 : i32
        %dma_start3A_571 = arith.constant 0 : i32
        %dma_start3A_572 = tpu.memref_slice %arg14[%dma_start3A_568, %dma_start3A_569, %dma_start3A_570, %dma_start3A_571] : memref<2x9x2x384xi32, #tpu.memory_space<vmem>> -> memref<1x1x2x384xi32, #tpu.memory_space<vmem>>
        %dma_start3A_573 = tpu.memref_squeeze %dma_start3A_572 : memref<1x1x2x384xi32, #tpu.memory_space<vmem>> -> memref<2x384xi32, #tpu.memory_space<vmem>>
        %dma_start3A_574 = arith.constant 0 : i32
        %dma_start3A_575 = tpu.memref_slice %arg13[%dma_start3A_567, %add3A_391, %dma_start3A_574] : memref<9x32x2xi32, #tpu.memory_space<vmem>> -> memref<1x1x2xi32, #tpu.memory_space<vmem>>
        %dma_start3A_576 = tpu.memref_squeeze %dma_start3A_575 : memref<1x1x2xi32, #tpu.memory_space<vmem>> -> memref<2xi32, #tpu.memory_space<vmem>>
        %dma_start3A_577 = arith.constant 0 : i32
        %dma_start3A_578 = arith.constant 0 : i32
        %dma_start3A_579 = tpu.memref_slice %arg6[%dma_start3A_577, %dma_start3A_578] : memref<1024x384xi32, #tpu.memory_space<hbm>> -> memref<1024x384xi32, #tpu.memory_space<hbm>>
        tpu.enqueue_indirect_dma source(%dma_start3A_579 : memref<1024x384xi32, #tpu.memory_space<hbm>>) target(%dma_start3A_573 : memref<2x384xi32, #tpu.memory_space<vmem>>) offsets(%dma_start3A_576 : memref<2xi32, #tpu.memory_space<vmem>>) semaphore(%arg16 : memref<!tpu.dma_semaphore, #tpu.memory_space<semaphore_mem>>)
        %dma_start3A_580 = arith.constant 4 : i32
        %dma_start3A_581 = arith.constant 0 : i32
        %dma_start3A_582 = arith.constant 4 : i32
        %dma_start3A_583 = arith.constant 0 : i32
        %dma_start3A_584 = arith.constant 0 : i32
        %dma_start3A_585 = tpu.memref_slice %arg14[%dma_start3A_581, %dma_start3A_582, %dma_start3A_583, %dma_start3A_584] : memref<2x9x2x384xi32, #tpu.memory_space<vmem>> -> memref<1x1x2x384xi32, #tpu.memory_space<vmem>>
        %dma_start3A_586 = tpu.memref_squeeze %dma_start3A_585 : memref<1x1x2x384xi32, #tpu.memory_space<vmem>> -> memref<2x384xi32, #tpu.memory_space<vmem>>
        %dma_start3A_587 = arith.constant 0 : i32
        %dma_start3A_588 = tpu.memref_slice %arg13[%dma_start3A_580, %add3A_391, %dma_start3A_587] : memref<9x32x2xi32, #tpu.memory_space<vmem>> -> memref<1x1x2xi32, #tpu.memory_space<vmem>>
        %dma_start3A_589 = tpu.memref_squeeze %dma_start3A_588 : memref<1x1x2xi32, #tpu.memory_space<vmem>> -> memref<2xi32, #tpu.memory_space<vmem>>
        %dma_start3A_590 = arith.constant 0 : i32
        %dma_start3A_591 = arith.constant 0 : i32
        %dma_start3A_592 = tpu.memref_slice %arg7[%dma_start3A_590, %dma_start3A_591] : memref<1024x384xi32, #tpu.memory_space<hbm>> -> memref<1024x384xi32, #tpu.memory_space<hbm>>
        tpu.enqueue_indirect_dma source(%dma_start3A_592 : memref<1024x384xi32, #tpu.memory_space<hbm>>) target(%dma_start3A_586 : memref<2x384xi32, #tpu.memory_space<vmem>>) offsets(%dma_start3A_589 : memref<2xi32, #tpu.memory_space<vmem>>) semaphore(%arg16 : memref<!tpu.dma_semaphore, #tpu.memory_space<semaphore_mem>>)
        %dma_start3A_593 = arith.constant 5 : i32
        %dma_start3A_594 = arith.constant 0 : i32
        %dma_start3A_595 = arith.constant 5 : i32
        %dma_start3A_596 = arith.constant 0 : i32
        %dma_start3A_597 = arith.constant 0 : i32
        %dma_start3A_598 = tpu.memref_slice %arg14[%dma_start3A_594, %dma_start3A_595, %dma_start3A_596, %dma_start3A_597] : memref<2x9x2x384xi32, #tpu.memory_space<vmem>> -> memref<1x1x2x384xi32, #tpu.memory_space<vmem>>
        %dma_start3A_599 = tpu.memref_squeeze %dma_start3A_598 : memref<1x1x2x384xi32, #tpu.memory_space<vmem>> -> memref<2x384xi32, #tpu.memory_space<vmem>>
        %dma_start3A_600 = arith.constant 0 : i32
        %dma_start3A_601 = tpu.memref_slice %arg13[%dma_start3A_593, %add3A_391, %dma_start3A_600] : memref<9x32x2xi32, #tpu.memory_space<vmem>> -> memref<1x1x2xi32, #tpu.memory_space<vmem>>
        %dma_start3A_602 = tpu.memref_squeeze %dma_start3A_601 : memref<1x1x2xi32, #tpu.memory_space<vmem>> -> memref<2xi32, #tpu.memory_space<vmem>>
        %dma_start3A_603 = arith.constant 0 : i32
        %dma_start3A_604 = arith.constant 0 : i32
        %dma_start3A_605 = tpu.memref_slice %arg8[%dma_start3A_603, %dma_start3A_604] : memref<1024x384xi32, #tpu.memory_space<hbm>> -> memref<1024x384xi32, #tpu.memory_space<hbm>>
        tpu.enqueue_indirect_dma source(%dma_start3A_605 : memref<1024x384xi32, #tpu.memory_space<hbm>>) target(%dma_start3A_599 : memref<2x384xi32, #tpu.memory_space<vmem>>) offsets(%dma_start3A_602 : memref<2xi32, #tpu.memory_space<vmem>>) semaphore(%arg16 : memref<!tpu.dma_semaphore, #tpu.memory_space<semaphore_mem>>)
        %dma_start3A_606 = arith.constant 6 : i32
        %dma_start3A_607 = arith.constant 0 : i32
        %dma_start3A_608 = arith.constant 6 : i32
        %dma_start3A_609 = arith.constant 0 : i32
        %dma_start3A_610 = arith.constant 0 : i32
        %dma_start3A_611 = tpu.memref_slice %arg14[%dma_start3A_607, %dma_start3A_608, %dma_start3A_609, %dma_start3A_610] : memref<2x9x2x384xi32, #tpu.memory_space<vmem>> -> memref<1x1x2x384xi32, #tpu.memory_space<vmem>>
        %dma_start3A_612 = tpu.memref_squeeze %dma_start3A_611 : memref<1x1x2x384xi32, #tpu.memory_space<vmem>> -> memref<2x384xi32, #tpu.memory_space<vmem>>
        %dma_start3A_613 = arith.constant 0 : i32
        %dma_start3A_614 = tpu.memref_slice %arg13[%dma_start3A_606, %add3A_391, %dma_start3A_613] : memref<9x32x2xi32, #tpu.memory_space<vmem>> -> memref<1x1x2xi32, #tpu.memory_space<vmem>>
        %dma_start3A_615 = tpu.memref_squeeze %dma_start3A_614 : memref<1x1x2xi32, #tpu.memory_space<vmem>> -> memref<2xi32, #tpu.memory_space<vmem>>
        %dma_start3A_616 = arith.constant 0 : i32
        %dma_start3A_617 = arith.constant 0 : i32
        %dma_start3A_618 = tpu.memref_slice %arg9[%dma_start3A_616, %dma_start3A_617] : memref<1024x384xi32, #tpu.memory_space<hbm>> -> memref<1024x384xi32, #tpu.memory_space<hbm>>
        tpu.enqueue_indirect_dma source(%dma_start3A_618 : memref<1024x384xi32, #tpu.memory_space<hbm>>) target(%dma_start3A_612 : memref<2x384xi32, #tpu.memory_space<vmem>>) offsets(%dma_start3A_615 : memref<2xi32, #tpu.memory_space<vmem>>) semaphore(%arg16 : memref<!tpu.dma_semaphore, #tpu.memory_space<semaphore_mem>>)
        %dma_start3A_619 = arith.constant 7 : i32
        %dma_start3A_620 = arith.constant 0 : i32
        %dma_start3A_621 = arith.constant 7 : i32
        %dma_start3A_622 = arith.constant 0 : i32
        %dma_start3A_623 = arith.constant 0 : i32
        %dma_start3A_624 = tpu.memref_slice %arg14[%dma_start3A_620, %dma_start3A_621, %dma_start3A_622, %dma_start3A_623] : memref<2x9x2x384xi32, #tpu.memory_space<vmem>> -> memref<1x1x2x384xi32, #tpu.memory_space<vmem>>
        %dma_start3A_625 = tpu.memref_squeeze %dma_start3A_624 : memref<1x1x2x384xi32, #tpu.memory_space<vmem>> -> memref<2x384xi32, #tpu.memory_space<vmem>>
        %dma_start3A_626 = arith.constant 0 : i32
        %dma_start3A_627 = tpu.memref_slice %arg13[%dma_start3A_619, %add3A_391, %dma_start3A_626] : memref<9x32x2xi32, #tpu.memory_space<vmem>> -> memref<1x1x2xi32, #tpu.memory_space<vmem>>
        %dma_start3A_628 = tpu.memref_squeeze %dma_start3A_627 : memref<1x1x2xi32, #tpu.memory_space<vmem>> -> memref<2xi32, #tpu.memory_space<vmem>>
        %dma_start3A_629 = arith.constant 0 : i32
        %dma_start3A_630 = arith.constant 0 : i32
        %dma_start3A_631 = tpu.memref_slice %arg10[%dma_start3A_629, %dma_start3A_630] : memref<1024x384xi32, #tpu.memory_space<hbm>> -> memref<1024x384xi32, #tpu.memory_space<hbm>>
        tpu.enqueue_indirect_dma source(%dma_start3A_631 : memref<1024x384xi32, #tpu.memory_space<hbm>>) target(%dma_start3A_625 : memref<2x384xi32, #tpu.memory_space<vmem>>) offsets(%dma_start3A_628 : memref<2xi32, #tpu.memory_space<vmem>>) semaphore(%arg16 : memref<!tpu.dma_semaphore, #tpu.memory_space<semaphore_mem>>)
        %dma_start3A_632 = arith.constant 8 : i32
        %dma_start3A_633 = arith.constant 0 : i32
        %dma_start3A_634 = arith.constant 8 : i32
        %dma_start3A_635 = arith.constant 0 : i32
        %dma_start3A_636 = arith.constant 0 : i32
        %dma_start3A_637 = tpu.memref_slice %arg14[%dma_start3A_633, %dma_start3A_634, %dma_start3A_635, %dma_start3A_636] : memref<2x9x2x384xi32, #tpu.memory_space<vmem>> -> memref<1x1x2x384xi32, #tpu.memory_space<vmem>>
        %dma_start3A_638 = tpu.memref_squeeze %dma_start3A_637 : memref<1x1x2x384xi32, #tpu.memory_space<vmem>> -> memref<2x384xi32, #tpu.memory_space<vmem>>
        %dma_start3A_639 = arith.constant 0 : i32
        %dma_start3A_640 = tpu.memref_slice %arg13[%dma_start3A_632, %add3A_391, %dma_start3A_639] : memref<9x32x2xi32, #tpu.memory_space<vmem>> -> memref<1x1x2xi32, #tpu.memory_space<vmem>>
        %dma_start3A_641 = tpu.memref_squeeze %dma_start3A_640 : memref<1x1x2xi32, #tpu.memory_space<vmem>> -> memref<2xi32, #tpu.memory_space<vmem>>
        %dma_start3A_642 = arith.constant 0 : i32
        %dma_start3A_643 = arith.constant 0 : i32
        %dma_start3A_644 = tpu.memref_slice %arg11[%dma_start3A_642, %dma_start3A_643] : memref<2048x384xi32, #tpu.memory_space<hbm>> -> memref<2048x384xi32, #tpu.memory_space<hbm>>
        tpu.enqueue_indirect_dma source(%dma_start3A_644 : memref<2048x384xi32, #tpu.memory_space<hbm>>) target(%dma_start3A_638 : memref<2x384xi32, #tpu.memory_space<vmem>>) offsets(%dma_start3A_641 : memref<2xi32, #tpu.memory_space<vmem>>) semaphore(%arg16 : memref<!tpu.dma_semaphore, #tpu.memory_space<semaphore_mem>>)
      } else {
      }
      %mul3A_394 = arith.constant 2 : i32
      %mul3A_395 = arith.muli %scan3A_263, %mul3A_394 : i32
      %add3A_396 = arith.constant 1 : i32
      %add3A_397 = arith.addi %mul3A_395, %add3A_396 : i32
      %dma_wait3A_398 = arith.constant 0 : i32
      %dma_wait3A_399 = arith.constant 1 : i32
      %dma_wait3A_400 = arith.constant 0 : i32
      %dma_wait3A_401 = arith.constant 0 : i32
      %dma_wait3A_402 = arith.constant 0 : i32
      %dma_wait3A_403 = tpu.memref_slice %arg14[%dma_wait3A_399, %dma_wait3A_400, %dma_wait3A_401, %dma_wait3A_402] : memref<2x9x2x384xi32, #tpu.memory_space<vmem>> -> memref<1x1x2x384xi32, #tpu.memory_space<vmem>>
      %dma_wait3A_404 = tpu.memref_squeeze %dma_wait3A_403 : memref<1x1x2x384xi32, #tpu.memory_space<vmem>> -> memref<2x384xi32, #tpu.memory_space<vmem>>
      %dma_wait3A_405 = arith.constant 0 : i32
      %dma_wait3A_406 = tpu.memref_slice %arg13[%dma_wait3A_398, %add3A_397, %dma_wait3A_405] : memref<9x32x2xi32, #tpu.memory_space<vmem>> -> memref<1x1x2xi32, #tpu.memory_space<vmem>>
      %dma_wait3A_407 = tpu.memref_squeeze %dma_wait3A_406 : memref<1x1x2xi32, #tpu.memory_space<vmem>> -> memref<2xi32, #tpu.memory_space<vmem>>
      %dma_wait3A_408 = arith.constant 0 : i32
      %dma_wait3A_409 = arith.constant 0 : i32
      %dma_wait3A_410 = tpu.memref_slice %arg3[%dma_wait3A_408, %dma_wait3A_409] : memref<1024x384xi32, #tpu.memory_space<hbm>> -> memref<1024x384xi32, #tpu.memory_space<hbm>>
      tpu.wait_indirect_dma semaphore(%arg17 : memref<!tpu.dma_semaphore, #tpu.memory_space<semaphore_mem>>) src(%dma_wait3A_410 : memref<1024x384xi32, #tpu.memory_space<hbm>>) dst(%dma_wait3A_404 : memref<2x384xi32, #tpu.memory_space<vmem>>)
      %dma_wait3A_411 = arith.constant 1 : i32
      %dma_wait3A_412 = arith.constant 1 : i32
      %dma_wait3A_413 = arith.constant 1 : i32
      %dma_wait3A_414 = arith.constant 0 : i32
      %dma_wait3A_415 = arith.constant 0 : i32
      %dma_wait3A_416 = tpu.memref_slice %arg14[%dma_wait3A_412, %dma_wait3A_413, %dma_wait3A_414, %dma_wait3A_415] : memref<2x9x2x384xi32, #tpu.memory_space<vmem>> -> memref<1x1x2x384xi32, #tpu.memory_space<vmem>>
      %dma_wait3A_417 = tpu.memref_squeeze %dma_wait3A_416 : memref<1x1x2x384xi32, #tpu.memory_space<vmem>> -> memref<2x384xi32, #tpu.memory_space<vmem>>
      %dma_wait3A_418 = arith.constant 0 : i32
      %dma_wait3A_419 = tpu.memref_slice %arg13[%dma_wait3A_411, %add3A_397, %dma_wait3A_418] : memref<9x32x2xi32, #tpu.memory_space<vmem>> -> memref<1x1x2xi32, #tpu.memory_space<vmem>>
      %dma_wait3A_420 = tpu.memref_squeeze %dma_wait3A_419 : memref<1x1x2xi32, #tpu.memory_space<vmem>> -> memref<2xi32, #tpu.memory_space<vmem>>
      %dma_wait3A_421 = arith.constant 0 : i32
      %dma_wait3A_422 = arith.constant 0 : i32
      %dma_wait3A_423 = tpu.memref_slice %arg4[%dma_wait3A_421, %dma_wait3A_422] : memref<1024x384xi32, #tpu.memory_space<hbm>> -> memref<1024x384xi32, #tpu.memory_space<hbm>>
      tpu.wait_indirect_dma semaphore(%arg17 : memref<!tpu.dma_semaphore, #tpu.memory_space<semaphore_mem>>) src(%dma_wait3A_423 : memref<1024x384xi32, #tpu.memory_space<hbm>>) dst(%dma_wait3A_417 : memref<2x384xi32, #tpu.memory_space<vmem>>)
      %dma_wait3A_424 = arith.constant 2 : i32
      %dma_wait3A_425 = arith.constant 1 : i32
      %dma_wait3A_426 = arith.constant 2 : i32
      %dma_wait3A_427 = arith.constant 0 : i32
      %dma_wait3A_428 = arith.constant 0 : i32
      %dma_wait3A_429 = tpu.memref_slice %arg14[%dma_wait3A_425, %dma_wait3A_426, %dma_wait3A_427, %dma_wait3A_428] : memref<2x9x2x384xi32, #tpu.memory_space<vmem>> -> memref<1x1x2x384xi32, #tpu.memory_space<vmem>>
      %dma_wait3A_430 = tpu.memref_squeeze %dma_wait3A_429 : memref<1x1x2x384xi32, #tpu.memory_space<vmem>> -> memref<2x384xi32, #tpu.memory_space<vmem>>
      %dma_wait3A_431 = arith.constant 0 : i32
      %dma_wait3A_432 = tpu.memref_slice %arg13[%dma_wait3A_424, %add3A_397, %dma_wait3A_431] : memref<9x32x2xi32, #tpu.memory_space<vmem>> -> memref<1x1x2xi32, #tpu.memory_space<vmem>>
      %dma_wait3A_433 = tpu.memref_squeeze %dma_wait3A_432 : memref<1x1x2xi32, #tpu.memory_space<vmem>> -> memref<2xi32, #tpu.memory_space<vmem>>
      %dma_wait3A_434 = arith.constant 0 : i32
      %dma_wait3A_435 = arith.constant 0 : i32
      %dma_wait3A_436 = tpu.memref_slice %arg5[%dma_wait3A_434, %dma_wait3A_435] : memref<1024x384xi32, #tpu.memory_space<hbm>> -> memref<1024x384xi32, #tpu.memory_space<hbm>>
      tpu.wait_indirect_dma semaphore(%arg17 : memref<!tpu.dma_semaphore, #tpu.memory_space<semaphore_mem>>) src(%dma_wait3A_436 : memref<1024x384xi32, #tpu.memory_space<hbm>>) dst(%dma_wait3A_430 : memref<2x384xi32, #tpu.memory_space<vmem>>)
      %dma_wait3A_437 = arith.constant 3 : i32
      %dma_wait3A_438 = arith.constant 1 : i32
      %dma_wait3A_439 = arith.constant 3 : i32
      %dma_wait3A_440 = arith.constant 0 : i32
      %dma_wait3A_441 = arith.constant 0 : i32
      %dma_wait3A_442 = tpu.memref_slice %arg14[%dma_wait3A_438, %dma_wait3A_439, %dma_wait3A_440, %dma_wait3A_441] : memref<2x9x2x384xi32, #tpu.memory_space<vmem>> -> memref<1x1x2x384xi32, #tpu.memory_space<vmem>>
      %dma_wait3A_443 = tpu.memref_squeeze %dma_wait3A_442 : memref<1x1x2x384xi32, #tpu.memory_space<vmem>> -> memref<2x384xi32, #tpu.memory_space<vmem>>
      %dma_wait3A_444 = arith.constant 0 : i32
      %dma_wait3A_445 = tpu.memref_slice %arg13[%dma_wait3A_437, %add3A_397, %dma_wait3A_444] : memref<9x32x2xi32, #tpu.memory_space<vmem>> -> memref<1x1x2xi32, #tpu.memory_space<vmem>>
      %dma_wait3A_446 = tpu.memref_squeeze %dma_wait3A_445 : memref<1x1x2xi32, #tpu.memory_space<vmem>> -> memref<2xi32, #tpu.memory_space<vmem>>
      %dma_wait3A_447 = arith.constant 0 : i32
      %dma_wait3A_448 = arith.constant 0 : i32
      %dma_wait3A_449 = tpu.memref_slice %arg6[%dma_wait3A_447, %dma_wait3A_448] : memref<1024x384xi32, #tpu.memory_space<hbm>> -> memref<1024x384xi32, #tpu.memory_space<hbm>>
      tpu.wait_indirect_dma semaphore(%arg17 : memref<!tpu.dma_semaphore, #tpu.memory_space<semaphore_mem>>) src(%dma_wait3A_449 : memref<1024x384xi32, #tpu.memory_space<hbm>>) dst(%dma_wait3A_443 : memref<2x384xi32, #tpu.memory_space<vmem>>)
      %dma_wait3A_450 = arith.constant 4 : i32
      %dma_wait3A_451 = arith.constant 1 : i32
      %dma_wait3A_452 = arith.constant 4 : i32
      %dma_wait3A_453 = arith.constant 0 : i32
      %dma_wait3A_454 = arith.constant 0 : i32
      %dma_wait3A_455 = tpu.memref_slice %arg14[%dma_wait3A_451, %dma_wait3A_452, %dma_wait3A_453, %dma_wait3A_454] : memref<2x9x2x384xi32, #tpu.memory_space<vmem>> -> memref<1x1x2x384xi32, #tpu.memory_space<vmem>>
      %dma_wait3A_456 = tpu.memref_squeeze %dma_wait3A_455 : memref<1x1x2x384xi32, #tpu.memory_space<vmem>> -> memref<2x384xi32, #tpu.memory_space<vmem>>
      %dma_wait3A_457 = arith.constant 0 : i32
      %dma_wait3A_458 = tpu.memref_slice %arg13[%dma_wait3A_450, %add3A_397, %dma_wait3A_457] : memref<9x32x2xi32, #tpu.memory_space<vmem>> -> memref<1x1x2xi32, #tpu.memory_space<vmem>>
      %dma_wait3A_459 = tpu.memref_squeeze %dma_wait3A_458 : memref<1x1x2xi32, #tpu.memory_space<vmem>> -> memref<2xi32, #tpu.memory_space<vmem>>
      %dma_wait3A_460 = arith.constant 0 : i32
      %dma_wait3A_461 = arith.constant 0 : i32
      %dma_wait3A_462 = tpu.memref_slice %arg7[%dma_wait3A_460, %dma_wait3A_461] : memref<1024x384xi32, #tpu.memory_space<hbm>> -> memref<1024x384xi32, #tpu.memory_space<hbm>>
      tpu.wait_indirect_dma semaphore(%arg17 : memref<!tpu.dma_semaphore, #tpu.memory_space<semaphore_mem>>) src(%dma_wait3A_462 : memref<1024x384xi32, #tpu.memory_space<hbm>>) dst(%dma_wait3A_456 : memref<2x384xi32, #tpu.memory_space<vmem>>)
      %dma_wait3A_463 = arith.constant 5 : i32
      %dma_wait3A_464 = arith.constant 1 : i32
      %dma_wait3A_465 = arith.constant 5 : i32
      %dma_wait3A_466 = arith.constant 0 : i32
      %dma_wait3A_467 = arith.constant 0 : i32
      %dma_wait3A_468 = tpu.memref_slice %arg14[%dma_wait3A_464, %dma_wait3A_465, %dma_wait3A_466, %dma_wait3A_467] : memref<2x9x2x384xi32, #tpu.memory_space<vmem>> -> memref<1x1x2x384xi32, #tpu.memory_space<vmem>>
      %dma_wait3A_469 = tpu.memref_squeeze %dma_wait3A_468 : memref<1x1x2x384xi32, #tpu.memory_space<vmem>> -> memref<2x384xi32, #tpu.memory_space<vmem>>
      %dma_wait3A_470 = arith.constant 0 : i32
      %dma_wait3A_471 = tpu.memref_slice %arg13[%dma_wait3A_463, %add3A_397, %dma_wait3A_470] : memref<9x32x2xi32, #tpu.memory_space<vmem>> -> memref<1x1x2xi32, #tpu.memory_space<vmem>>
      %dma_wait3A_472 = tpu.memref_squeeze %dma_wait3A_471 : memref<1x1x2xi32, #tpu.memory_space<vmem>> -> memref<2xi32, #tpu.memory_space<vmem>>
      %dma_wait3A_473 = arith.constant 0 : i32
      %dma_wait3A_474 = arith.constant 0 : i32
      %dma_wait3A_475 = tpu.memref_slice %arg8[%dma_wait3A_473, %dma_wait3A_474] : memref<1024x384xi32, #tpu.memory_space<hbm>> -> memref<1024x384xi32, #tpu.memory_space<hbm>>
      tpu.wait_indirect_dma semaphore(%arg17 : memref<!tpu.dma_semaphore, #tpu.memory_space<semaphore_mem>>) src(%dma_wait3A_475 : memref<1024x384xi32, #tpu.memory_space<hbm>>) dst(%dma_wait3A_469 : memref<2x384xi32, #tpu.memory_space<vmem>>)
      %dma_wait3A_476 = arith.constant 6 : i32
      %dma_wait3A_477 = arith.constant 1 : i32
      %dma_wait3A_478 = arith.constant 6 : i32
      %dma_wait3A_479 = arith.constant 0 : i32
      %dma_wait3A_480 = arith.constant 0 : i32
      %dma_wait3A_481 = tpu.memref_slice %arg14[%dma_wait3A_477, %dma_wait3A_478, %dma_wait3A_479, %dma_wait3A_480] : memref<2x9x2x384xi32, #tpu.memory_space<vmem>> -> memref<1x1x2x384xi32, #tpu.memory_space<vmem>>
      %dma_wait3A_482 = tpu.memref_squeeze %dma_wait3A_481 : memref<1x1x2x384xi32, #tpu.memory_space<vmem>> -> memref<2x384xi32, #tpu.memory_space<vmem>>
      %dma_wait3A_483 = arith.constant 0 : i32
      %dma_wait3A_484 = tpu.memref_slice %arg13[%dma_wait3A_476, %add3A_397, %dma_wait3A_483] : memref<9x32x2xi32, #tpu.memory_space<vmem>> -> memref<1x1x2xi32, #tpu.memory_space<vmem>>
      %dma_wait3A_485 = tpu.memref_squeeze %dma_wait3A_484 : memref<1x1x2xi32, #tpu.memory_space<vmem>> -> memref<2xi32, #tpu.memory_space<vmem>>
      %dma_wait3A_486 = arith.constant 0 : i32
      %dma_wait3A_487 = arith.constant 0 : i32
      %dma_wait3A_488 = tpu.memref_slice %arg9[%dma_wait3A_486, %dma_wait3A_487] : memref<1024x384xi32, #tpu.memory_space<hbm>> -> memref<1024x384xi32, #tpu.memory_space<hbm>>
      tpu.wait_indirect_dma semaphore(%arg17 : memref<!tpu.dma_semaphore, #tpu.memory_space<semaphore_mem>>) src(%dma_wait3A_488 : memref<1024x384xi32, #tpu.memory_space<hbm>>) dst(%dma_wait3A_482 : memref<2x384xi32, #tpu.memory_space<vmem>>)
      %dma_wait3A_489 = arith.constant 7 : i32
      %dma_wait3A_490 = arith.constant 1 : i32
      %dma_wait3A_491 = arith.constant 7 : i32
      %dma_wait3A_492 = arith.constant 0 : i32
      %dma_wait3A_493 = arith.constant 0 : i32
      %dma_wait3A_494 = tpu.memref_slice %arg14[%dma_wait3A_490, %dma_wait3A_491, %dma_wait3A_492, %dma_wait3A_493] : memref<2x9x2x384xi32, #tpu.memory_space<vmem>> -> memref<1x1x2x384xi32, #tpu.memory_space<vmem>>
      %dma_wait3A_495 = tpu.memref_squeeze %dma_wait3A_494 : memref<1x1x2x384xi32, #tpu.memory_space<vmem>> -> memref<2x384xi32, #tpu.memory_space<vmem>>
      %dma_wait3A_496 = arith.constant 0 : i32
      %dma_wait3A_497 = tpu.memref_slice %arg13[%dma_wait3A_489, %add3A_397, %dma_wait3A_496] : memref<9x32x2xi32, #tpu.memory_space<vmem>> -> memref<1x1x2xi32, #tpu.memory_space<vmem>>
      %dma_wait3A_498 = tpu.memref_squeeze %dma_wait3A_497 : memref<1x1x2xi32, #tpu.memory_space<vmem>> -> memref<2xi32, #tpu.memory_space<vmem>>
      %dma_wait3A_499 = arith.constant 0 : i32
      %dma_wait3A_500 = arith.constant 0 : i32
      %dma_wait3A_501 = tpu.memref_slice %arg10[%dma_wait3A_499, %dma_wait3A_500] : memref<1024x384xi32, #tpu.memory_space<hbm>> -> memref<1024x384xi32, #tpu.memory_space<hbm>>
      tpu.wait_indirect_dma semaphore(%arg17 : memref<!tpu.dma_semaphore, #tpu.memory_space<semaphore_mem>>) src(%dma_wait3A_501 : memref<1024x384xi32, #tpu.memory_space<hbm>>) dst(%dma_wait3A_495 : memref<2x384xi32, #tpu.memory_space<vmem>>)
      %dma_wait3A_502 = arith.constant 8 : i32
      %dma_wait3A_503 = arith.constant 1 : i32
      %dma_wait3A_504 = arith.constant 8 : i32
      %dma_wait3A_505 = arith.constant 0 : i32
      %dma_wait3A_506 = arith.constant 0 : i32
      %dma_wait3A_507 = tpu.memref_slice %arg14[%dma_wait3A_503, %dma_wait3A_504, %dma_wait3A_505, %dma_wait3A_506] : memref<2x9x2x384xi32, #tpu.memory_space<vmem>> -> memref<1x1x2x384xi32, #tpu.memory_space<vmem>>
      %dma_wait3A_508 = tpu.memref_squeeze %dma_wait3A_507 : memref<1x1x2x384xi32, #tpu.memory_space<vmem>> -> memref<2x384xi32, #tpu.memory_space<vmem>>
      %dma_wait3A_509 = arith.constant 0 : i32
      %dma_wait3A_510 = tpu.memref_slice %arg13[%dma_wait3A_502, %add3A_397, %dma_wait3A_509] : memref<9x32x2xi32, #tpu.memory_space<vmem>> -> memref<1x1x2xi32, #tpu.memory_space<vmem>>
      %dma_wait3A_511 = tpu.memref_squeeze %dma_wait3A_510 : memref<1x1x2xi32, #tpu.memory_space<vmem>> -> memref<2xi32, #tpu.memory_space<vmem>>
      %dma_wait3A_512 = arith.constant 0 : i32
      %dma_wait3A_513 = arith.constant 0 : i32
      %dma_wait3A_514 = tpu.memref_slice %arg11[%dma_wait3A_512, %dma_wait3A_513] : memref<2048x384xi32, #tpu.memory_space<hbm>> -> memref<2048x384xi32, #tpu.memory_space<hbm>>
      tpu.wait_indirect_dma semaphore(%arg17 : memref<!tpu.dma_semaphore, #tpu.memory_space<semaphore_mem>>) src(%dma_wait3A_514 : memref<2048x384xi32, #tpu.memory_space<hbm>>) dst(%dma_wait3A_508 : memref<2x384xi32, #tpu.memory_space<vmem>>)
      %scan3A_515 = arith.constant 0 : i32
      %scan3A_516 = arith.constant 0 : i32
      %scan3A_517 = arith.constant 24 : i32
      %scan3A_518 = arith.addi %scan3A_516, %scan3A_517 : i32
      %scan3A_519 = arith.constant 1 : i32
      scf.for %scan3A_528 = %scan3A_516 to %scan3A_518 step %scan3A_519  : i32 {
        %mul3A_529 = arith.constant 16 : i32
        %mul3A_530 = arith.muli %scan3A_528, %mul3A_529 : i32
        %get3A = arith.constant 1 : i32
        %get3A_531 = arith.constant 0 : i32
        %get3A_532 = arith.constant 0 : i32
        %get3A_533 = arith.index_cast %get3A : i32 to index
        %get3A_534 = arith.index_cast %get3A_531 : i32 to index
        %get3A_535 = arith.index_cast %get3A_532 : i32 to index
        %get3A_536 = arith.index_cast %mul3A_530 : i32 to index
        %get3A_537 = tpu.vector_load %arg14[%get3A_533, %get3A_534, %get3A_535, %get3A_536] {strides = array<i32>} : memref<2x9x2x384xi32, #tpu.memory_space<vmem>>, vector<1x1x1x16xi32>,
        %get3A_538 = vector.shape_cast %get3A_537 : vector<1x1x1x16xi32> to vector<16xi32>
        %get3A_539 = arith.constant 1 : i32
        %get3A_540 = arith.constant 0 : i32
        %get3A_541 = arith.constant 1 : i32
        %get3A_542 = arith.index_cast %get3A_539 : i32 to index
        %get3A_543 = arith.index_cast %get3A_540 : i32 to index
        %get3A_544 = arith.index_cast %get3A_541 : i32 to index
        %get3A_545 = arith.index_cast %mul3A_530 : i32 to index
        %get3A_546 = tpu.vector_load %arg14[%get3A_542, %get3A_543, %get3A_544, %get3A_545] {strides = array<i32>} : memref<2x9x2x384xi32, #tpu.memory_space<vmem>>, vector<1x1x1x16xi32>,
        %get3A_547 = vector.shape_cast %get3A_546 : vector<1x1x1x16xi32> to vector<16xi32>
        %get3A_548 = arith.constant 1 : i32
        %get3A_549 = arith.constant 1 : i32
        %get3A_550 = arith.constant 0 : i32
        %get3A_551 = arith.index_cast %get3A_548 : i32 to index
        %get3A_552 = arith.index_cast %get3A_549 : i32 to index
        %get3A_553 = arith.index_cast %get3A_550 : i32 to index
        %get3A_554 = arith.index_cast %mul3A_530 : i32 to index
        %get3A_555 = tpu.vector_load %arg14[%get3A_551, %get3A_552, %get3A_553, %get3A_554] {strides = array<i32>} : memref<2x9x2x384xi32, #tpu.memory_space<vmem>>, vector<1x1x1x16xi32>,
        %get3A_556 = vector.shape_cast %get3A_555 : vector<1x1x1x16xi32> to vector<16xi32>
        %xor3A = arith.xori %get3A_538, %get3A_556 : vector<16xi32>
        %get3A_557 = arith.constant 1 : i32
        %get3A_558 = arith.constant 1 : i32
        %get3A_559 = arith.constant 1 : i32
        %get3A_560 = arith.index_cast %get3A_557 : i32 to index
        %get3A_561 = arith.index_cast %get3A_558 : i32 to index
        %get3A_562 = arith.index_cast %get3A_559 : i32 to index
        %get3A_563 = arith.index_cast %mul3A_530 : i32 to index
        %get3A_564 = tpu.vector_load %arg14[%get3A_560, %get3A_561, %get3A_562, %get3A_563] {strides = array<i32>} : memref<2x9x2x384xi32, #tpu.memory_space<vmem>>, vector<1x1x1x16xi32>,
        %get3A_565 = vector.shape_cast %get3A_564 : vector<1x1x1x16xi32> to vector<16xi32>
        %xor3A_566 = arith.xori %get3A_547, %get3A_565 : vector<16xi32>
        %get3A_567 = arith.constant 1 : i32
        %get3A_568 = arith.constant 2 : i32
        %get3A_569 = arith.constant 0 : i32
        %get3A_570 = arith.index_cast %get3A_567 : i32 to index
        %get3A_571 = arith.index_cast %get3A_568 : i32 to index
        %get3A_572 = arith.index_cast %get3A_569 : i32 to index
        %get3A_573 = arith.index_cast %mul3A_530 : i32 to index
        %get3A_574 = tpu.vector_load %arg14[%get3A_570, %get3A_571, %get3A_572, %get3A_573] {strides = array<i32>} : memref<2x9x2x384xi32, #tpu.memory_space<vmem>>, vector<1x1x1x16xi32>,
        %get3A_575 = vector.shape_cast %get3A_574 : vector<1x1x1x16xi32> to vector<16xi32>
        %xor3A_576 = arith.xori %xor3A, %get3A_575 : vector<16xi32>
        %get3A_577 = arith.constant 1 : i32
        %get3A_578 = arith.constant 2 : i32
        %get3A_579 = arith.constant 1 : i32
        %get3A_580 = arith.index_cast %get3A_577 : i32 to index
        %get3A_581 = arith.index_cast %get3A_578 : i32 to index
        %get3A_582 = arith.index_cast %get3A_579 : i32 to index
        %get3A_583 = arith.index_cast %mul3A_530 : i32 to index
        %get3A_584 = tpu.vector_load %arg14[%get3A_580, %get3A_581, %get3A_582, %get3A_583] {strides = array<i32>} : memref<2x9x2x384xi32, #tpu.memory_space<vmem>>, vector<1x1x1x16xi32>,
        %get3A_585 = vector.shape_cast %get3A_584 : vector<1x1x1x16xi32> to vector<16xi32>
        %xor3A_586 = arith.xori %xor3A_566, %get3A_585 : vector<16xi32>
        %get3A_587 = arith.constant 1 : i32
        %get3A_588 = arith.constant 3 : i32
        %get3A_589 = arith.constant 0 : i32
        %get3A_590 = arith.index_cast %get3A_587 : i32 to index
        %get3A_591 = arith.index_cast %get3A_588 : i32 to index
        %get3A_592 = arith.index_cast %get3A_589 : i32 to index
        %get3A_593 = arith.index_cast %mul3A_530 : i32 to index
        %get3A_594 = tpu.vector_load %arg14[%get3A_590, %get3A_591, %get3A_592, %get3A_593] {strides = array<i32>} : memref<2x9x2x384xi32, #tpu.memory_space<vmem>>, vector<1x1x1x16xi32>,
        %get3A_595 = vector.shape_cast %get3A_594 : vector<1x1x1x16xi32> to vector<16xi32>
        %xor3A_596 = arith.xori %xor3A_576, %get3A_595 : vector<16xi32>
        %get3A_597 = arith.constant 1 : i32
        %get3A_598 = arith.constant 3 : i32
        %get3A_599 = arith.constant 1 : i32
        %get3A_600 = arith.index_cast %get3A_597 : i32 to index
        %get3A_601 = arith.index_cast %get3A_598 : i32 to index
        %get3A_602 = arith.index_cast %get3A_599 : i32 to index
        %get3A_603 = arith.index_cast %mul3A_530 : i32 to index
        %get3A_604 = tpu.vector_load %arg14[%get3A_600, %get3A_601, %get3A_602, %get3A_603] {strides = array<i32>} : memref<2x9x2x384xi32, #tpu.memory_space<vmem>>, vector<1x1x1x16xi32>,
        %get3A_605 = vector.shape_cast %get3A_604 : vector<1x1x1x16xi32> to vector<16xi32>
        %xor3A_606 = arith.xori %xor3A_586, %get3A_605 : vector<16xi32>
        %get3A_607 = arith.constant 1 : i32
        %get3A_608 = arith.constant 4 : i32
        %get3A_609 = arith.constant 0 : i32
        %get3A_610 = arith.index_cast %get3A_607 : i32 to index
        %get3A_611 = arith.index_cast %get3A_608 : i32 to index
        %get3A_612 = arith.index_cast %get3A_609 : i32 to index
        %get3A_613 = arith.index_cast %mul3A_530 : i32 to index
        %get3A_614 = tpu.vector_load %arg14[%get3A_610, %get3A_611, %get3A_612, %get3A_613] {strides = array<i32>} : memref<2x9x2x384xi32, #tpu.memory_space<vmem>>, vector<1x1x1x16xi32>,
        %get3A_615 = vector.shape_cast %get3A_614 : vector<1x1x1x16xi32> to vector<16xi32>
        %xor3A_616 = arith.xori %xor3A_596, %get3A_615 : vector<16xi32>
        %get3A_617 = arith.constant 1 : i32
        %get3A_618 = arith.constant 4 : i32
        %get3A_619 = arith.constant 1 : i32
        %get3A_620 = arith.index_cast %get3A_617 : i32 to index
        %get3A_621 = arith.index_cast %get3A_618 : i32 to index
        %get3A_622 = arith.index_cast %get3A_619 : i32 to index
        %get3A_623 = arith.index_cast %mul3A_530 : i32 to index
        %get3A_624 = tpu.vector_load %arg14[%get3A_620, %get3A_621, %get3A_622, %get3A_623] {strides = array<i32>} : memref<2x9x2x384xi32, #tpu.memory_space<vmem>>, vector<1x1x1x16xi32>,
        %get3A_625 = vector.shape_cast %get3A_624 : vector<1x1x1x16xi32> to vector<16xi32>
        %xor3A_626 = arith.xori %xor3A_606, %get3A_625 : vector<16xi32>
        %get3A_627 = arith.constant 1 : i32
        %get3A_628 = arith.constant 5 : i32
        %get3A_629 = arith.constant 0 : i32
        %get3A_630 = arith.index_cast %get3A_627 : i32 to index
        %get3A_631 = arith.index_cast %get3A_628 : i32 to index
        %get3A_632 = arith.index_cast %get3A_629 : i32 to index
        %get3A_633 = arith.index_cast %mul3A_530 : i32 to index
        %get3A_634 = tpu.vector_load %arg14[%get3A_630, %get3A_631, %get3A_632, %get3A_633] {strides = array<i32>} : memref<2x9x2x384xi32, #tpu.memory_space<vmem>>, vector<1x1x1x16xi32>,
        %get3A_635 = vector.shape_cast %get3A_634 : vector<1x1x1x16xi32> to vector<16xi32>
        %xor3A_636 = arith.xori %xor3A_616, %get3A_635 : vector<16xi32>
        %get3A_637 = arith.constant 1 : i32
        %get3A_638 = arith.constant 5 : i32
        %get3A_639 = arith.constant 1 : i32
        %get3A_640 = arith.index_cast %get3A_637 : i32 to index
        %get3A_641 = arith.index_cast %get3A_638 : i32 to index
        %get3A_642 = arith.index_cast %get3A_639 : i32 to index
        %get3A_643 = arith.index_cast %mul3A_530 : i32 to index
        %get3A_644 = tpu.vector_load %arg14[%get3A_640, %get3A_641, %get3A_642, %get3A_643] {strides = array<i32>} : memref<2x9x2x384xi32, #tpu.memory_space<vmem>>, vector<1x1x1x16xi32>,
        %get3A_645 = vector.shape_cast %get3A_644 : vector<1x1x1x16xi32> to vector<16xi32>
        %xor3A_646 = arith.xori %xor3A_626, %get3A_645 : vector<16xi32>
        %get3A_647 = arith.constant 1 : i32
        %get3A_648 = arith.constant 6 : i32
        %get3A_649 = arith.constant 0 : i32
        %get3A_650 = arith.index_cast %get3A_647 : i32 to index
        %get3A_651 = arith.index_cast %get3A_648 : i32 to index
        %get3A_652 = arith.index_cast %get3A_649 : i32 to index
        %get3A_653 = arith.index_cast %mul3A_530 : i32 to index
        %get3A_654 = tpu.vector_load %arg14[%get3A_650, %get3A_651, %get3A_652, %get3A_653] {strides = array<i32>} : memref<2x9x2x384xi32, #tpu.memory_space<vmem>>, vector<1x1x1x16xi32>,
        %get3A_655 = vector.shape_cast %get3A_654 : vector<1x1x1x16xi32> to vector<16xi32>
        %xor3A_656 = arith.xori %xor3A_636, %get3A_655 : vector<16xi32>
        %get3A_657 = arith.constant 1 : i32
        %get3A_658 = arith.constant 6 : i32
        %get3A_659 = arith.constant 1 : i32
        %get3A_660 = arith.index_cast %get3A_657 : i32 to index
        %get3A_661 = arith.index_cast %get3A_658 : i32 to index
        %get3A_662 = arith.index_cast %get3A_659 : i32 to index
        %get3A_663 = arith.index_cast %mul3A_530 : i32 to index
        %get3A_664 = tpu.vector_load %arg14[%get3A_660, %get3A_661, %get3A_662, %get3A_663] {strides = array<i32>} : memref<2x9x2x384xi32, #tpu.memory_space<vmem>>, vector<1x1x1x16xi32>,
        %get3A_665 = vector.shape_cast %get3A_664 : vector<1x1x1x16xi32> to vector<16xi32>
        %xor3A_666 = arith.xori %xor3A_646, %get3A_665 : vector<16xi32>
        %get3A_667 = arith.constant 1 : i32
        %get3A_668 = arith.constant 7 : i32
        %get3A_669 = arith.constant 0 : i32
        %get3A_670 = arith.index_cast %get3A_667 : i32 to index
        %get3A_671 = arith.index_cast %get3A_668 : i32 to index
        %get3A_672 = arith.index_cast %get3A_669 : i32 to index
        %get3A_673 = arith.index_cast %mul3A_530 : i32 to index
        %get3A_674 = tpu.vector_load %arg14[%get3A_670, %get3A_671, %get3A_672, %get3A_673] {strides = array<i32>} : memref<2x9x2x384xi32, #tpu.memory_space<vmem>>, vector<1x1x1x16xi32>,
        %get3A_675 = vector.shape_cast %get3A_674 : vector<1x1x1x16xi32> to vector<16xi32>
        %xor3A_676 = arith.xori %xor3A_656, %get3A_675 : vector<16xi32>
        %get3A_677 = arith.constant 1 : i32
        %get3A_678 = arith.constant 7 : i32
        %get3A_679 = arith.constant 1 : i32
        %get3A_680 = arith.index_cast %get3A_677 : i32 to index
        %get3A_681 = arith.index_cast %get3A_678 : i32 to index
        %get3A_682 = arith.index_cast %get3A_679 : i32 to index
        %get3A_683 = arith.index_cast %mul3A_530 : i32 to index
        %get3A_684 = tpu.vector_load %arg14[%get3A_680, %get3A_681, %get3A_682, %get3A_683] {strides = array<i32>} : memref<2x9x2x384xi32, #tpu.memory_space<vmem>>, vector<1x1x1x16xi32>,
        %get3A_685 = vector.shape_cast %get3A_684 : vector<1x1x1x16xi32> to vector<16xi32>
        %xor3A_686 = arith.xori %xor3A_666, %get3A_685 : vector<16xi32>
        %get3A_687 = arith.constant 1 : i32
        %get3A_688 = arith.constant 8 : i32
        %get3A_689 = arith.constant 0 : i32
        %get3A_690 = arith.index_cast %get3A_687 : i32 to index
        %get3A_691 = arith.index_cast %get3A_688 : i32 to index
        %get3A_692 = arith.index_cast %get3A_689 : i32 to index
        %get3A_693 = arith.index_cast %mul3A_530 : i32 to index
        %get3A_694 = tpu.vector_load %arg14[%get3A_690, %get3A_691, %get3A_692, %get3A_693] {strides = array<i32>} : memref<2x9x2x384xi32, #tpu.memory_space<vmem>>, vector<1x1x1x16xi32>,
        %get3A_695 = vector.shape_cast %get3A_694 : vector<1x1x1x16xi32> to vector<16xi32>
        %xor3A_696 = arith.xori %xor3A_676, %get3A_695 : vector<16xi32>
        %get3A_697 = arith.constant 1 : i32
        %get3A_698 = arith.constant 8 : i32
        %get3A_699 = arith.constant 1 : i32
        %get3A_700 = arith.index_cast %get3A_697 : i32 to index
        %get3A_701 = arith.index_cast %get3A_698 : i32 to index
        %get3A_702 = arith.index_cast %get3A_699 : i32 to index
        %get3A_703 = arith.index_cast %mul3A_530 : i32 to index
        %get3A_704 = tpu.vector_load %arg14[%get3A_700, %get3A_701, %get3A_702, %get3A_703] {strides = array<i32>} : memref<2x9x2x384xi32, #tpu.memory_space<vmem>>, vector<1x1x1x16xi32>,
        %get3A_705 = vector.shape_cast %get3A_704 : vector<1x1x1x16xi32> to vector<16xi32>
        %xor3A_706 = arith.xori %xor3A_686, %get3A_705 : vector<16xi32>
        %broadcast_in_dim3A = arith.constant 1 : i32
        %broadcast_in_dim3A_707 = vector.broadcast %broadcast_in_dim3A : i32 to vector<16xi32>
        %shift_right_arithmetic3A = arith.constant 0 : i32
        %shift_right_arithmetic3A_708 = vector.broadcast %shift_right_arithmetic3A : i32 to vector<16xi32>
        %shift_right_arithmetic3A_709 = arith.shrsi %xor3A_696, %shift_right_arithmetic3A_708 : vector<16xi32>
        %and3A = arith.andi %shift_right_arithmetic3A_709, %broadcast_in_dim3A_707 : vector<16xi32>
        %shift_right_arithmetic3A_710 = arith.constant 0 : i32
        %shift_right_arithmetic3A_711 = vector.broadcast %shift_right_arithmetic3A_710 : i32 to vector<16xi32>
        %shift_right_arithmetic3A_712 = arith.shrsi %xor3A_706, %shift_right_arithmetic3A_711 : vector<16xi32>
        %and3A_713 = arith.andi %shift_right_arithmetic3A_712, %broadcast_in_dim3A_707 : vector<16xi32>
        %add3A_714 = arith.addi %and3A, %and3A_713 : vector<16xi32>
        %get3A_715 = arith.constant 0 : i32
        %get3A_716 = arith.index_cast %get3A_715 : i32 to index
        %get3A_717 = arith.index_cast %mul3A_530 : i32 to index
        %get3A_718 = tpu.vector_load %arg15[%get3A_716, %get3A_717] {strides = array<i32>} : memref<32x384xi32, #tpu.memory_space<vmem>>, vector<1x16xi32>,
        %get3A_719 = vector.shape_cast %get3A_718 : vector<1x16xi32> to vector<16xi32>
        %add3A_720 = arith.addi %get3A_719, %add3A_714 : vector<16xi32>
        %swap3A = arith.constant 0 : i32
        %swap3A_721 = arith.index_cast %swap3A : i32 to index
        %swap3A_722 = arith.index_cast %mul3A_530 : i32 to index
        %swap3A_723 = tpu.vector_load %arg15[%swap3A_721, %swap3A_722] {strides = array<i32>} : memref<32x384xi32, #tpu.memory_space<vmem>>, vector<1x16xi32>,
        %swap3A_724 = vector.shape_cast %swap3A_723 : vector<1x16xi32> to vector<16xi32>
        %swap3A_725 = vector.shape_cast %add3A_720 : vector<16xi32> to vector<1x16xi32>
        tpu.vector_store %arg15[%swap3A_721, %swap3A_722], %swap3A_725 {strides = array<i32>} : memref<32x384xi32, #tpu.memory_space<vmem>>, vector<1x16xi32>,
        %shift_right_arithmetic3A_726 = arith.constant 1 : i32
        %shift_right_arithmetic3A_727 = vector.broadcast %shift_right_arithmetic3A_726 : i32 to vector<16xi32>
        %shift_right_arithmetic3A_728 = arith.shrsi %xor3A_696, %shift_right_arithmetic3A_727 : vector<16xi32>
        %and3A_729 = arith.andi %shift_right_arithmetic3A_728, %broadcast_in_dim3A_707 : vector<16xi32>
        %shift_right_arithmetic3A_730 = arith.constant 1 : i32
        %shift_right_arithmetic3A_731 = vector.broadcast %shift_right_arithmetic3A_730 : i32 to vector<16xi32>
        %shift_right_arithmetic3A_732 = arith.shrsi %xor3A_706, %shift_right_arithmetic3A_731 : vector<16xi32>
        %and3A_733 = arith.andi %shift_right_arithmetic3A_732, %broadcast_in_dim3A_707 : vector<16xi32>
        %add3A_734 = arith.addi %and3A_729, %and3A_733 : vector<16xi32>
        %get3A_735 = arith.constant 1 : i32
        %get3A_736 = arith.index_cast %get3A_735 : i32 to index
        %get3A_737 = arith.index_cast %mul3A_530 : i32 to index
        %get3A_738 = tpu.vector_load %arg15[%get3A_736, %get3A_737] {strides = array<i32>} : memref<32x384xi32, #tpu.memory_space<vmem>>, vector<1x16xi32>,
        %get3A_739 = vector.shape_cast %get3A_738 : vector<1x16xi32> to vector<16xi32>
        %add3A_740 = arith.addi %get3A_739, %add3A_734 : vector<16xi32>
        %swap3A_741 = arith.constant 1 : i32
        %swap3A_742 = arith.index_cast %swap3A_741 : i32 to index
        %swap3A_743 = arith.index_cast %mul3A_530 : i32 to index
        %swap3A_744 = tpu.vector_load %arg15[%swap3A_742, %swap3A_743] {strides = array<i32>} : memref<32x384xi32, #tpu.memory_space<vmem>>, vector<1x16xi32>,
        %swap3A_745 = vector.shape_cast %swap3A_744 : vector<1x16xi32> to vector<16xi32>
        %swap3A_746 = vector.shape_cast %add3A_740 : vector<16xi32> to vector<1x16xi32>
        tpu.vector_store %arg15[%swap3A_742, %swap3A_743], %swap3A_746 {strides = array<i32>} : memref<32x384xi32, #tpu.memory_space<vmem>>, vector<1x16xi32>,
        %shift_right_arithmetic3A_747 = arith.constant 2 : i32
        %shift_right_arithmetic3A_748 = vector.broadcast %shift_right_arithmetic3A_747 : i32 to vector<16xi32>
        %shift_right_arithmetic3A_749 = arith.shrsi %xor3A_696, %shift_right_arithmetic3A_748 : vector<16xi32>
        %and3A_750 = arith.andi %shift_right_arithmetic3A_749, %broadcast_in_dim3A_707 : vector<16xi32>
        %shift_right_arithmetic3A_751 = arith.constant 2 : i32
        %shift_right_arithmetic3A_752 = vector.broadcast %shift_right_arithmetic3A_751 : i32 to vector<16xi32>
        %shift_right_arithmetic3A_753 = arith.shrsi %xor3A_706, %shift_right_arithmetic3A_752 : vector<16xi32>
        %and3A_754 = arith.andi %shift_right_arithmetic3A_753, %broadcast_in_dim3A_707 : vector<16xi32>
        %add3A_755 = arith.addi %and3A_750, %and3A_754 : vector<16xi32>
        %get3A_756 = arith.constant 2 : i32
        %get3A_757 = arith.index_cast %get3A_756 : i32 to index
        %get3A_758 = arith.index_cast %mul3A_530 : i32 to index
        %get3A_759 = tpu.vector_load %arg15[%get3A_757, %get3A_758] {strides = array<i32>} : memref<32x384xi32, #tpu.memory_space<vmem>>, vector<1x16xi32>,
        %get3A_760 = vector.shape_cast %get3A_759 : vector<1x16xi32> to vector<16xi32>
        %add3A_761 = arith.addi %get3A_760, %add3A_755 : vector<16xi32>
        %swap3A_762 = arith.constant 2 : i32
        %swap3A_763 = arith.index_cast %swap3A_762 : i32 to index
        %swap3A_764 = arith.index_cast %mul3A_530 : i32 to index
        %swap3A_765 = tpu.vector_load %arg15[%swap3A_763, %swap3A_764] {strides = array<i32>} : memref<32x384xi32, #tpu.memory_space<vmem>>, vector<1x16xi32>,
        %swap3A_766 = vector.shape_cast %swap3A_765 : vector<1x16xi32> to vector<16xi32>
        %swap3A_767 = vector.shape_cast %add3A_761 : vector<16xi32> to vector<1x16xi32>
        tpu.vector_store %arg15[%swap3A_763, %swap3A_764], %swap3A_767 {strides = array<i32>} : memref<32x384xi32, #tpu.memory_space<vmem>>, vector<1x16xi32>,
        %shift_right_arithmetic3A_768 = arith.constant 3 : i32
        %shift_right_arithmetic3A_769 = vector.broadcast %shift_right_arithmetic3A_768 : i32 to vector<16xi32>
        %shift_right_arithmetic3A_770 = arith.shrsi %xor3A_696, %shift_right_arithmetic3A_769 : vector<16xi32>
        %and3A_771 = arith.andi %shift_right_arithmetic3A_770, %broadcast_in_dim3A_707 : vector<16xi32>
        %shift_right_arithmetic3A_772 = arith.constant 3 : i32
        %shift_right_arithmetic3A_773 = vector.broadcast %shift_right_arithmetic3A_772 : i32 to vector<16xi32>
        %shift_right_arithmetic3A_774 = arith.shrsi %xor3A_706, %shift_right_arithmetic3A_773 : vector<16xi32>
        %and3A_775 = arith.andi %shift_right_arithmetic3A_774, %broadcast_in_dim3A_707 : vector<16xi32>
        %add3A_776 = arith.addi %and3A_771, %and3A_775 : vector<16xi32>
        %get3A_777 = arith.constant 3 : i32
        %get3A_778 = arith.index_cast %get3A_777 : i32 to index
        %get3A_779 = arith.index_cast %mul3A_530 : i32 to index
        %get3A_780 = tpu.vector_load %arg15[%get3A_778, %get3A_779] {strides = array<i32>} : memref<32x384xi32, #tpu.memory_space<vmem>>, vector<1x16xi32>,
        %get3A_781 = vector.shape_cast %get3A_780 : vector<1x16xi32> to vector<16xi32>
        %add3A_782 = arith.addi %get3A_781, %add3A_776 : vector<16xi32>
        %swap3A_783 = arith.constant 3 : i32
        %swap3A_784 = arith.index_cast %swap3A_783 : i32 to index
        %swap3A_785 = arith.index_cast %mul3A_530 : i32 to index
        %swap3A_786 = tpu.vector_load %arg15[%swap3A_784, %swap3A_785] {strides = array<i32>} : memref<32x384xi32, #tpu.memory_space<vmem>>, vector<1x16xi32>,
        %swap3A_787 = vector.shape_cast %swap3A_786 : vector<1x16xi32> to vector<16xi32>
        %swap3A_788 = vector.shape_cast %add3A_782 : vector<16xi32> to vector<1x16xi32>
        tpu.vector_store %arg15[%swap3A_784, %swap3A_785], %swap3A_788 {strides = array<i32>} : memref<32x384xi32, #tpu.memory_space<vmem>>, vector<1x16xi32>,
        %shift_right_arithmetic3A_789 = arith.constant 4 : i32
        %shift_right_arithmetic3A_790 = vector.broadcast %shift_right_arithmetic3A_789 : i32 to vector<16xi32>
        %shift_right_arithmetic3A_791 = arith.shrsi %xor3A_696, %shift_right_arithmetic3A_790 : vector<16xi32>
        %and3A_792 = arith.andi %shift_right_arithmetic3A_791, %broadcast_in_dim3A_707 : vector<16xi32>
        %shift_right_arithmetic3A_793 = arith.constant 4 : i32
        %shift_right_arithmetic3A_794 = vector.broadcast %shift_right_arithmetic3A_793 : i32 to vector<16xi32>
        %shift_right_arithmetic3A_795 = arith.shrsi %xor3A_706, %shift_right_arithmetic3A_794 : vector<16xi32>
        %and3A_796 = arith.andi %shift_right_arithmetic3A_795, %broadcast_in_dim3A_707 : vector<16xi32>
        %add3A_797 = arith.addi %and3A_792, %and3A_796 : vector<16xi32>
        %get3A_798 = arith.constant 4 : i32
        %get3A_799 = arith.index_cast %get3A_798 : i32 to index
        %get3A_800 = arith.index_cast %mul3A_530 : i32 to index
        %get3A_801 = tpu.vector_load %arg15[%get3A_799, %get3A_800] {strides = array<i32>} : memref<32x384xi32, #tpu.memory_space<vmem>>, vector<1x16xi32>,
        %get3A_802 = vector.shape_cast %get3A_801 : vector<1x16xi32> to vector<16xi32>
        %add3A_803 = arith.addi %get3A_802, %add3A_797 : vector<16xi32>
        %swap3A_804 = arith.constant 4 : i32
        %swap3A_805 = arith.index_cast %swap3A_804 : i32 to index
        %swap3A_806 = arith.index_cast %mul3A_530 : i32 to index
        %swap3A_807 = tpu.vector_load %arg15[%swap3A_805, %swap3A_806] {strides = array<i32>} : memref<32x384xi32, #tpu.memory_space<vmem>>, vector<1x16xi32>,
        %swap3A_808 = vector.shape_cast %swap3A_807 : vector<1x16xi32> to vector<16xi32>
        %swap3A_809 = vector.shape_cast %add3A_803 : vector<16xi32> to vector<1x16xi32>
        tpu.vector_store %arg15[%swap3A_805, %swap3A_806], %swap3A_809 {strides = array<i32>} : memref<32x384xi32, #tpu.memory_space<vmem>>, vector<1x16xi32>,
        %shift_right_arithmetic3A_810 = arith.constant 5 : i32
        %shift_right_arithmetic3A_811 = vector.broadcast %shift_right_arithmetic3A_810 : i32 to vector<16xi32>
        %shift_right_arithmetic3A_812 = arith.shrsi %xor3A_696, %shift_right_arithmetic3A_811 : vector<16xi32>
        %and3A_813 = arith.andi %shift_right_arithmetic3A_812, %broadcast_in_dim3A_707 : vector<16xi32>
        %shift_right_arithmetic3A_814 = arith.constant 5 : i32
        %shift_right_arithmetic3A_815 = vector.broadcast %shift_right_arithmetic3A_814 : i32 to vector<16xi32>
        %shift_right_arithmetic3A_816 = arith.shrsi %xor3A_706, %shift_right_arithmetic3A_815 : vector<16xi32>
        %and3A_817 = arith.andi %shift_right_arithmetic3A_816, %broadcast_in_dim3A_707 : vector<16xi32>
        %add3A_818 = arith.addi %and3A_813, %and3A_817 : vector<16xi32>
        %get3A_819 = arith.constant 5 : i32
        %get3A_820 = arith.index_cast %get3A_819 : i32 to index
        %get3A_821 = arith.index_cast %mul3A_530 : i32 to index
        %get3A_822 = tpu.vector_load %arg15[%get3A_820, %get3A_821] {strides = array<i32>} : memref<32x384xi32, #tpu.memory_space<vmem>>, vector<1x16xi32>,
        %get3A_823 = vector.shape_cast %get3A_822 : vector<1x16xi32> to vector<16xi32>
        %add3A_824 = arith.addi %get3A_823, %add3A_818 : vector<16xi32>
        %swap3A_825 = arith.constant 5 : i32
        %swap3A_826 = arith.index_cast %swap3A_825 : i32 to index
        %swap3A_827 = arith.index_cast %mul3A_530 : i32 to index
        %swap3A_828 = tpu.vector_load %arg15[%swap3A_826, %swap3A_827] {strides = array<i32>} : memref<32x384xi32, #tpu.memory_space<vmem>>, vector<1x16xi32>,
        %swap3A_829 = vector.shape_cast %swap3A_828 : vector<1x16xi32> to vector<16xi32>
        %swap3A_830 = vector.shape_cast %add3A_824 : vector<16xi32> to vector<1x16xi32>
        tpu.vector_store %arg15[%swap3A_826, %swap3A_827], %swap3A_830 {strides = array<i32>} : memref<32x384xi32, #tpu.memory_space<vmem>>, vector<1x16xi32>,
        %shift_right_arithmetic3A_831 = arith.constant 6 : i32
        %shift_right_arithmetic3A_832 = vector.broadcast %shift_right_arithmetic3A_831 : i32 to vector<16xi32>
        %shift_right_arithmetic3A_833 = arith.shrsi %xor3A_696, %shift_right_arithmetic3A_832 : vector<16xi32>
        %and3A_834 = arith.andi %shift_right_arithmetic3A_833, %broadcast_in_dim3A_707 : vector<16xi32>
        %shift_right_arithmetic3A_835 = arith.constant 6 : i32
        %shift_right_arithmetic3A_836 = vector.broadcast %shift_right_arithmetic3A_835 : i32 to vector<16xi32>
        %shift_right_arithmetic3A_837 = arith.shrsi %xor3A_706, %shift_right_arithmetic3A_836 : vector<16xi32>
        %and3A_838 = arith.andi %shift_right_arithmetic3A_837, %broadcast_in_dim3A_707 : vector<16xi32>
        %add3A_839 = arith.addi %and3A_834, %and3A_838 : vector<16xi32>
        %get3A_840 = arith.constant 6 : i32
        %get3A_841 = arith.index_cast %get3A_840 : i32 to index
        %get3A_842 = arith.index_cast %mul3A_530 : i32 to index
        %get3A_843 = tpu.vector_load %arg15[%get3A_841, %get3A_842] {strides = array<i32>} : memref<32x384xi32, #tpu.memory_space<vmem>>, vector<1x16xi32>,
        %get3A_844 = vector.shape_cast %get3A_843 : vector<1x16xi32> to vector<16xi32>
        %add3A_845 = arith.addi %get3A_844, %add3A_839 : vector<16xi32>
        %swap3A_846 = arith.constant 6 : i32
        %swap3A_847 = arith.index_cast %swap3A_846 : i32 to index
        %swap3A_848 = arith.index_cast %mul3A_530 : i32 to index
        %swap3A_849 = tpu.vector_load %arg15[%swap3A_847, %swap3A_848] {strides = array<i32>} : memref<32x384xi32, #tpu.memory_space<vmem>>, vector<1x16xi32>,
        %swap3A_850 = vector.shape_cast %swap3A_849 : vector<1x16xi32> to vector<16xi32>
        %swap3A_851 = vector.shape_cast %add3A_845 : vector<16xi32> to vector<1x16xi32>
        tpu.vector_store %arg15[%swap3A_847, %swap3A_848], %swap3A_851 {strides = array<i32>} : memref<32x384xi32, #tpu.memory_space<vmem>>, vector<1x16xi32>,
        %shift_right_arithmetic3A_852 = arith.constant 7 : i32
        %shift_right_arithmetic3A_853 = vector.broadcast %shift_right_arithmetic3A_852 : i32 to vector<16xi32>
        %shift_right_arithmetic3A_854 = arith.shrsi %xor3A_696, %shift_right_arithmetic3A_853 : vector<16xi32>
        %and3A_855 = arith.andi %shift_right_arithmetic3A_854, %broadcast_in_dim3A_707 : vector<16xi32>
        %shift_right_arithmetic3A_856 = arith.constant 7 : i32
        %shift_right_arithmetic3A_857 = vector.broadcast %shift_right_arithmetic3A_856 : i32 to vector<16xi32>
        %shift_right_arithmetic3A_858 = arith.shrsi %xor3A_706, %shift_right_arithmetic3A_857 : vector<16xi32>
        %and3A_859 = arith.andi %shift_right_arithmetic3A_858, %broadcast_in_dim3A_707 : vector<16xi32>
        %add3A_860 = arith.addi %and3A_855, %and3A_859 : vector<16xi32>
        %get3A_861 = arith.constant 7 : i32
        %get3A_862 = arith.index_cast %get3A_861 : i32 to index
        %get3A_863 = arith.index_cast %mul3A_530 : i32 to index
        %get3A_864 = tpu.vector_load %arg15[%get3A_862, %get3A_863] {strides = array<i32>} : memref<32x384xi32, #tpu.memory_space<vmem>>, vector<1x16xi32>,
        %get3A_865 = vector.shape_cast %get3A_864 : vector<1x16xi32> to vector<16xi32>
        %add3A_866 = arith.addi %get3A_865, %add3A_860 : vector<16xi32>
        %swap3A_867 = arith.constant 7 : i32
        %swap3A_868 = arith.index_cast %swap3A_867 : i32 to index
        %swap3A_869 = arith.index_cast %mul3A_530 : i32 to index
        %swap3A_870 = tpu.vector_load %arg15[%swap3A_868, %swap3A_869] {strides = array<i32>} : memref<32x384xi32, #tpu.memory_space<vmem>>, vector<1x16xi32>,
        %swap3A_871 = vector.shape_cast %swap3A_870 : vector<1x16xi32> to vector<16xi32>
        %swap3A_872 = vector.shape_cast %add3A_866 : vector<16xi32> to vector<1x16xi32>
        tpu.vector_store %arg15[%swap3A_868, %swap3A_869], %swap3A_872 {strides = array<i32>} : memref<32x384xi32, #tpu.memory_space<vmem>>, vector<1x16xi32>,
        %shift_right_arithmetic3A_873 = arith.constant 8 : i32
        %shift_right_arithmetic3A_874 = vector.broadcast %shift_right_arithmetic3A_873 : i32 to vector<16xi32>
        %shift_right_arithmetic3A_875 = arith.shrsi %xor3A_696, %shift_right_arithmetic3A_874 : vector<16xi32>
        %and3A_876 = arith.andi %shift_right_arithmetic3A_875, %broadcast_in_dim3A_707 : vector<16xi32>
        %shift_right_arithmetic3A_877 = arith.constant 8 : i32
        %shift_right_arithmetic3A_878 = vector.broadcast %shift_right_arithmetic3A_877 : i32 to vector<16xi32>
        %shift_right_arithmetic3A_879 = arith.shrsi %xor3A_706, %shift_right_arithmetic3A_878 : vector<16xi32>
        %and3A_880 = arith.andi %shift_right_arithmetic3A_879, %broadcast_in_dim3A_707 : vector<16xi32>
        %add3A_881 = arith.addi %and3A_876, %and3A_880 : vector<16xi32>
        %get3A_882 = arith.constant 8 : i32
        %get3A_883 = arith.index_cast %get3A_882 : i32 to index
        %get3A_884 = arith.index_cast %mul3A_530 : i32 to index
        %get3A_885 = tpu.vector_load %arg15[%get3A_883, %get3A_884] {strides = array<i32>} : memref<32x384xi32, #tpu.memory_space<vmem>>, vector<1x16xi32>,
        %get3A_886 = vector.shape_cast %get3A_885 : vector<1x16xi32> to vector<16xi32>
        %add3A_887 = arith.addi %get3A_886, %add3A_881 : vector<16xi32>
        %swap3A_888 = arith.constant 8 : i32
        %swap3A_889 = arith.index_cast %swap3A_888 : i32 to index
        %swap3A_890 = arith.index_cast %mul3A_530 : i32 to index
        %swap3A_891 = tpu.vector_load %arg15[%swap3A_889, %swap3A_890] {strides = array<i32>} : memref<32x384xi32, #tpu.memory_space<vmem>>, vector<1x16xi32>,
        %swap3A_892 = vector.shape_cast %swap3A_891 : vector<1x16xi32> to vector<16xi32>
        %swap3A_893 = vector.shape_cast %add3A_887 : vector<16xi32> to vector<1x16xi32>
        tpu.vector_store %arg15[%swap3A_889, %swap3A_890], %swap3A_893 {strides = array<i32>} : memref<32x384xi32, #tpu.memory_space<vmem>>, vector<1x16xi32>,
        %shift_right_arithmetic3A_894 = arith.constant 9 : i32
        %shift_right_arithmetic3A_895 = vector.broadcast %shift_right_arithmetic3A_894 : i32 to vector<16xi32>
        %shift_right_arithmetic3A_896 = arith.shrsi %xor3A_696, %shift_right_arithmetic3A_895 : vector<16xi32>
        %and3A_897 = arith.andi %shift_right_arithmetic3A_896, %broadcast_in_dim3A_707 : vector<16xi32>
        %shift_right_arithmetic3A_898 = arith.constant 9 : i32
        %shift_right_arithmetic3A_899 = vector.broadcast %shift_right_arithmetic3A_898 : i32 to vector<16xi32>
        %shift_right_arithmetic3A_900 = arith.shrsi %xor3A_706, %shift_right_arithmetic3A_899 : vector<16xi32>
        %and3A_901 = arith.andi %shift_right_arithmetic3A_900, %broadcast_in_dim3A_707 : vector<16xi32>
        %add3A_902 = arith.addi %and3A_897, %and3A_901 : vector<16xi32>
        %get3A_903 = arith.constant 9 : i32
        %get3A_904 = arith.index_cast %get3A_903 : i32 to index
        %get3A_905 = arith.index_cast %mul3A_530 : i32 to index
        %get3A_906 = tpu.vector_load %arg15[%get3A_904, %get3A_905] {strides = array<i32>} : memref<32x384xi32, #tpu.memory_space<vmem>>, vector<1x16xi32>,
        %get3A_907 = vector.shape_cast %get3A_906 : vector<1x16xi32> to vector<16xi32>
        %add3A_908 = arith.addi %get3A_907, %add3A_902 : vector<16xi32>
        %swap3A_909 = arith.constant 9 : i32
        %swap3A_910 = arith.index_cast %swap3A_909 : i32 to index
        %swap3A_911 = arith.index_cast %mul3A_530 : i32 to index
        %swap3A_912 = tpu.vector_load %arg15[%swap3A_910, %swap3A_911] {strides = array<i32>} : memref<32x384xi32, #tpu.memory_space<vmem>>, vector<1x16xi32>,
        %swap3A_913 = vector.shape_cast %swap3A_912 : vector<1x16xi32> to vector<16xi32>
        %swap3A_914 = vector.shape_cast %add3A_908 : vector<16xi32> to vector<1x16xi32>
        tpu.vector_store %arg15[%swap3A_910, %swap3A_911], %swap3A_914 {strides = array<i32>} : memref<32x384xi32, #tpu.memory_space<vmem>>, vector<1x16xi32>,
        %shift_right_arithmetic3A_915 = arith.constant 10 : i32
        %shift_right_arithmetic3A_916 = vector.broadcast %shift_right_arithmetic3A_915 : i32 to vector<16xi32>
        %shift_right_arithmetic3A_917 = arith.shrsi %xor3A_696, %shift_right_arithmetic3A_916 : vector<16xi32>
        %and3A_918 = arith.andi %shift_right_arithmetic3A_917, %broadcast_in_dim3A_707 : vector<16xi32>
        %shift_right_arithmetic3A_919 = arith.constant 10 : i32
        %shift_right_arithmetic3A_920 = vector.broadcast %shift_right_arithmetic3A_919 : i32 to vector<16xi32>
        %shift_right_arithmetic3A_921 = arith.shrsi %xor3A_706, %shift_right_arithmetic3A_920 : vector<16xi32>
        %and3A_922 = arith.andi %shift_right_arithmetic3A_921, %broadcast_in_dim3A_707 : vector<16xi32>
        %add3A_923 = arith.addi %and3A_918, %and3A_922 : vector<16xi32>
        %get3A_924 = arith.constant 10 : i32
        %get3A_925 = arith.index_cast %get3A_924 : i32 to index
        %get3A_926 = arith.index_cast %mul3A_530 : i32 to index
        %get3A_927 = tpu.vector_load %arg15[%get3A_925, %get3A_926] {strides = array<i32>} : memref<32x384xi32, #tpu.memory_space<vmem>>, vector<1x16xi32>,
        %get3A_928 = vector.shape_cast %get3A_927 : vector<1x16xi32> to vector<16xi32>
        %add3A_929 = arith.addi %get3A_928, %add3A_923 : vector<16xi32>
        %swap3A_930 = arith.constant 10 : i32
        %swap3A_931 = arith.index_cast %swap3A_930 : i32 to index
        %swap3A_932 = arith.index_cast %mul3A_530 : i32 to index
        %swap3A_933 = tpu.vector_load %arg15[%swap3A_931, %swap3A_932] {strides = array<i32>} : memref<32x384xi32, #tpu.memory_space<vmem>>, vector<1x16xi32>,
        %swap3A_934 = vector.shape_cast %swap3A_933 : vector<1x16xi32> to vector<16xi32>
        %swap3A_935 = vector.shape_cast %add3A_929 : vector<16xi32> to vector<1x16xi32>
        tpu.vector_store %arg15[%swap3A_931, %swap3A_932], %swap3A_935 {strides = array<i32>} : memref<32x384xi32, #tpu.memory_space<vmem>>, vector<1x16xi32>,
        %shift_right_arithmetic3A_936 = arith.constant 11 : i32
        %shift_right_arithmetic3A_937 = vector.broadcast %shift_right_arithmetic3A_936 : i32 to vector<16xi32>
        %shift_right_arithmetic3A_938 = arith.shrsi %xor3A_696, %shift_right_arithmetic3A_937 : vector<16xi32>
        %and3A_939 = arith.andi %shift_right_arithmetic3A_938, %broadcast_in_dim3A_707 : vector<16xi32>
        %shift_right_arithmetic3A_940 = arith.constant 11 : i32
        %shift_right_arithmetic3A_941 = vector.broadcast %shift_right_arithmetic3A_940 : i32 to vector<16xi32>
        %shift_right_arithmetic3A_942 = arith.shrsi %xor3A_706, %shift_right_arithmetic3A_941 : vector<16xi32>
        %and3A_943 = arith.andi %shift_right_arithmetic3A_942, %broadcast_in_dim3A_707 : vector<16xi32>
        %add3A_944 = arith.addi %and3A_939, %and3A_943 : vector<16xi32>
        %get3A_945 = arith.constant 11 : i32
        %get3A_946 = arith.index_cast %get3A_945 : i32 to index
        %get3A_947 = arith.index_cast %mul3A_530 : i32 to index
        %get3A_948 = tpu.vector_load %arg15[%get3A_946, %get3A_947] {strides = array<i32>} : memref<32x384xi32, #tpu.memory_space<vmem>>, vector<1x16xi32>,
        %get3A_949 = vector.shape_cast %get3A_948 : vector<1x16xi32> to vector<16xi32>
        %add3A_950 = arith.addi %get3A_949, %add3A_944 : vector<16xi32>
        %swap3A_951 = arith.constant 11 : i32
        %swap3A_952 = arith.index_cast %swap3A_951 : i32 to index
        %swap3A_953 = arith.index_cast %mul3A_530 : i32 to index
        %swap3A_954 = tpu.vector_load %arg15[%swap3A_952, %swap3A_953] {strides = array<i32>} : memref<32x384xi32, #tpu.memory_space<vmem>>, vector<1x16xi32>,
        %swap3A_955 = vector.shape_cast %swap3A_954 : vector<1x16xi32> to vector<16xi32>
        %swap3A_956 = vector.shape_cast %add3A_950 : vector<16xi32> to vector<1x16xi32>
        tpu.vector_store %arg15[%swap3A_952, %swap3A_953], %swap3A_956 {strides = array<i32>} : memref<32x384xi32, #tpu.memory_space<vmem>>, vector<1x16xi32>,
        %shift_right_arithmetic3A_957 = arith.constant 12 : i32
        %shift_right_arithmetic3A_958 = vector.broadcast %shift_right_arithmetic3A_957 : i32 to vector<16xi32>
        %shift_right_arithmetic3A_959 = arith.shrsi %xor3A_696, %shift_right_arithmetic3A_958 : vector<16xi32>
        %and3A_960 = arith.andi %shift_right_arithmetic3A_959, %broadcast_in_dim3A_707 : vector<16xi32>
        %shift_right_arithmetic3A_961 = arith.constant 12 : i32
        %shift_right_arithmetic3A_962 = vector.broadcast %shift_right_arithmetic3A_961 : i32 to vector<16xi32>
        %shift_right_arithmetic3A_963 = arith.shrsi %xor3A_706, %shift_right_arithmetic3A_962 : vector<16xi32>
        %and3A_964 = arith.andi %shift_right_arithmetic3A_963, %broadcast_in_dim3A_707 : vector<16xi32>
        %add3A_965 = arith.addi %and3A_960, %and3A_964 : vector<16xi32>
        %get3A_966 = arith.constant 12 : i32
        %get3A_967 = arith.index_cast %get3A_966 : i32 to index
        %get3A_968 = arith.index_cast %mul3A_530 : i32 to index
        %get3A_969 = tpu.vector_load %arg15[%get3A_967, %get3A_968] {strides = array<i32>} : memref<32x384xi32, #tpu.memory_space<vmem>>, vector<1x16xi32>,
        %get3A_970 = vector.shape_cast %get3A_969 : vector<1x16xi32> to vector<16xi32>
        %add3A_971 = arith.addi %get3A_970, %add3A_965 : vector<16xi32>
        %swap3A_972 = arith.constant 12 : i32
        %swap3A_973 = arith.index_cast %swap3A_972 : i32 to index
        %swap3A_974 = arith.index_cast %mul3A_530 : i32 to index
        %swap3A_975 = tpu.vector_load %arg15[%swap3A_973, %swap3A_974] {strides = array<i32>} : memref<32x384xi32, #tpu.memory_space<vmem>>, vector<1x16xi32>,
        %swap3A_976 = vector.shape_cast %swap3A_975 : vector<1x16xi32> to vector<16xi32>
        %swap3A_977 = vector.shape_cast %add3A_971 : vector<16xi32> to vector<1x16xi32>
        tpu.vector_store %arg15[%swap3A_973, %swap3A_974], %swap3A_977 {strides = array<i32>} : memref<32x384xi32, #tpu.memory_space<vmem>>, vector<1x16xi32>,
        %shift_right_arithmetic3A_978 = arith.constant 13 : i32
        %shift_right_arithmetic3A_979 = vector.broadcast %shift_right_arithmetic3A_978 : i32 to vector<16xi32>
        %shift_right_arithmetic3A_980 = arith.shrsi %xor3A_696, %shift_right_arithmetic3A_979 : vector<16xi32>
        %and3A_981 = arith.andi %shift_right_arithmetic3A_980, %broadcast_in_dim3A_707 : vector<16xi32>
        %shift_right_arithmetic3A_982 = arith.constant 13 : i32
        %shift_right_arithmetic3A_983 = vector.broadcast %shift_right_arithmetic3A_982 : i32 to vector<16xi32>
        %shift_right_arithmetic3A_984 = arith.shrsi %xor3A_706, %shift_right_arithmetic3A_983 : vector<16xi32>
        %and3A_985 = arith.andi %shift_right_arithmetic3A_984, %broadcast_in_dim3A_707 : vector<16xi32>
        %add3A_986 = arith.addi %and3A_981, %and3A_985 : vector<16xi32>
        %get3A_987 = arith.constant 13 : i32
        %get3A_988 = arith.index_cast %get3A_987 : i32 to index
        %get3A_989 = arith.index_cast %mul3A_530 : i32 to index
        %get3A_990 = tpu.vector_load %arg15[%get3A_988, %get3A_989] {strides = array<i32>} : memref<32x384xi32, #tpu.memory_space<vmem>>, vector<1x16xi32>,
        %get3A_991 = vector.shape_cast %get3A_990 : vector<1x16xi32> to vector<16xi32>
        %add3A_992 = arith.addi %get3A_991, %add3A_986 : vector<16xi32>
        %swap3A_993 = arith.constant 13 : i32
        %swap3A_994 = arith.index_cast %swap3A_993 : i32 to index
        %swap3A_995 = arith.index_cast %mul3A_530 : i32 to index
        %swap3A_996 = tpu.vector_load %arg15[%swap3A_994, %swap3A_995] {strides = array<i32>} : memref<32x384xi32, #tpu.memory_space<vmem>>, vector<1x16xi32>,
        %swap3A_997 = vector.shape_cast %swap3A_996 : vector<1x16xi32> to vector<16xi32>
        %swap3A_998 = vector.shape_cast %add3A_992 : vector<16xi32> to vector<1x16xi32>
        tpu.vector_store %arg15[%swap3A_994, %swap3A_995], %swap3A_998 {strides = array<i32>} : memref<32x384xi32, #tpu.memory_space<vmem>>, vector<1x16xi32>,
        %shift_right_arithmetic3A_999 = arith.constant 14 : i32
        %shift_right_arithmetic3A_1000 = vector.broadcast %shift_right_arithmetic3A_999 : i32 to vector<16xi32>
        %shift_right_arithmetic3A_1001 = arith.shrsi %xor3A_696, %shift_right_arithmetic3A_1000 : vector<16xi32>
        %and3A_1002 = arith.andi %shift_right_arithmetic3A_1001, %broadcast_in_dim3A_707 : vector<16xi32>
        %shift_right_arithmetic3A_1003 = arith.constant 14 : i32
        %shift_right_arithmetic3A_1004 = vector.broadcast %shift_right_arithmetic3A_1003 : i32 to vector<16xi32>
        %shift_right_arithmetic3A_1005 = arith.shrsi %xor3A_706, %shift_right_arithmetic3A_1004 : vector<16xi32>
        %and3A_1006 = arith.andi %shift_right_arithmetic3A_1005, %broadcast_in_dim3A_707 : vector<16xi32>
        %add3A_1007 = arith.addi %and3A_1002, %and3A_1006 : vector<16xi32>
        %get3A_1008 = arith.constant 14 : i32
        %get3A_1009 = arith.index_cast %get3A_1008 : i32 to index
        %get3A_1010 = arith.index_cast %mul3A_530 : i32 to index
        %get3A_1011 = tpu.vector_load %arg15[%get3A_1009, %get3A_1010] {strides = array<i32>} : memref<32x384xi32, #tpu.memory_space<vmem>>, vector<1x16xi32>,
        %get3A_1012 = vector.shape_cast %get3A_1011 : vector<1x16xi32> to vector<16xi32>
        %add3A_1013 = arith.addi %get3A_1012, %add3A_1007 : vector<16xi32>
        %swap3A_1014 = arith.constant 14 : i32
        %swap3A_1015 = arith.index_cast %swap3A_1014 : i32 to index
        %swap3A_1016 = arith.index_cast %mul3A_530 : i32 to index
        %swap3A_1017 = tpu.vector_load %arg15[%swap3A_1015, %swap3A_1016] {strides = array<i32>} : memref<32x384xi32, #tpu.memory_space<vmem>>, vector<1x16xi32>,
        %swap3A_1018 = vector.shape_cast %swap3A_1017 : vector<1x16xi32> to vector<16xi32>
        %swap3A_1019 = vector.shape_cast %add3A_1013 : vector<16xi32> to vector<1x16xi32>
        tpu.vector_store %arg15[%swap3A_1015, %swap3A_1016], %swap3A_1019 {strides = array<i32>} : memref<32x384xi32, #tpu.memory_space<vmem>>, vector<1x16xi32>,
        %shift_right_arithmetic3A_1020 = arith.constant 15 : i32
        %shift_right_arithmetic3A_1021 = vector.broadcast %shift_right_arithmetic3A_1020 : i32 to vector<16xi32>
        %shift_right_arithmetic3A_1022 = arith.shrsi %xor3A_696, %shift_right_arithmetic3A_1021 : vector<16xi32>
        %and3A_1023 = arith.andi %shift_right_arithmetic3A_1022, %broadcast_in_dim3A_707 : vector<16xi32>
        %shift_right_arithmetic3A_1024 = arith.constant 15 : i32
        %shift_right_arithmetic3A_1025 = vector.broadcast %shift_right_arithmetic3A_1024 : i32 to vector<16xi32>
        %shift_right_arithmetic3A_1026 = arith.shrsi %xor3A_706, %shift_right_arithmetic3A_1025 : vector<16xi32>
        %and3A_1027 = arith.andi %shift_right_arithmetic3A_1026, %broadcast_in_dim3A_707 : vector<16xi32>
        %add3A_1028 = arith.addi %and3A_1023, %and3A_1027 : vector<16xi32>
        %get3A_1029 = arith.constant 15 : i32
        %get3A_1030 = arith.index_cast %get3A_1029 : i32 to index
        %get3A_1031 = arith.index_cast %mul3A_530 : i32 to index
        %get3A_1032 = tpu.vector_load %arg15[%get3A_1030, %get3A_1031] {strides = array<i32>} : memref<32x384xi32, #tpu.memory_space<vmem>>, vector<1x16xi32>,
        %get3A_1033 = vector.shape_cast %get3A_1032 : vector<1x16xi32> to vector<16xi32>
        %add3A_1034 = arith.addi %get3A_1033, %add3A_1028 : vector<16xi32>
        %swap3A_1035 = arith.constant 15 : i32
        %swap3A_1036 = arith.index_cast %swap3A_1035 : i32 to index
        %swap3A_1037 = arith.index_cast %mul3A_530 : i32 to index
        %swap3A_1038 = tpu.vector_load %arg15[%swap3A_1036, %swap3A_1037] {strides = array<i32>} : memref<32x384xi32, #tpu.memory_space<vmem>>, vector<1x16xi32>,
        %swap3A_1039 = vector.shape_cast %swap3A_1038 : vector<1x16xi32> to vector<16xi32>
        %swap3A_1040 = vector.shape_cast %add3A_1034 : vector<16xi32> to vector<1x16xi32>
        tpu.vector_store %arg15[%swap3A_1036, %swap3A_1037], %swap3A_1040 {strides = array<i32>} : memref<32x384xi32, #tpu.memory_space<vmem>>, vector<1x16xi32>,
        %shift_right_arithmetic3A_1041 = arith.constant 16 : i32
        %shift_right_arithmetic3A_1042 = vector.broadcast %shift_right_arithmetic3A_1041 : i32 to vector<16xi32>
        %shift_right_arithmetic3A_1043 = arith.shrsi %xor3A_696, %shift_right_arithmetic3A_1042 : vector<16xi32>
        %and3A_1044 = arith.andi %shift_right_arithmetic3A_1043, %broadcast_in_dim3A_707 : vector<16xi32>
        %shift_right_arithmetic3A_1045 = arith.constant 16 : i32
        %shift_right_arithmetic3A_1046 = vector.broadcast %shift_right_arithmetic3A_1045 : i32 to vector<16xi32>
        %shift_right_arithmetic3A_1047 = arith.shrsi %xor3A_706, %shift_right_arithmetic3A_1046 : vector<16xi32>
        %and3A_1048 = arith.andi %shift_right_arithmetic3A_1047, %broadcast_in_dim3A_707 : vector<16xi32>
        %add3A_1049 = arith.addi %and3A_1044, %and3A_1048 : vector<16xi32>
        %get3A_1050 = arith.constant 16 : i32
        %get3A_1051 = arith.index_cast %get3A_1050 : i32 to index
        %get3A_1052 = arith.index_cast %mul3A_530 : i32 to index
        %get3A_1053 = tpu.vector_load %arg15[%get3A_1051, %get3A_1052] {strides = array<i32>} : memref<32x384xi32, #tpu.memory_space<vmem>>, vector<1x16xi32>,
        %get3A_1054 = vector.shape_cast %get3A_1053 : vector<1x16xi32> to vector<16xi32>
        %add3A_1055 = arith.addi %get3A_1054, %add3A_1049 : vector<16xi32>
        %swap3A_1056 = arith.constant 16 : i32
        %swap3A_1057 = arith.index_cast %swap3A_1056 : i32 to index
        %swap3A_1058 = arith.index_cast %mul3A_530 : i32 to index
        %swap3A_1059 = tpu.vector_load %arg15[%swap3A_1057, %swap3A_1058] {strides = array<i32>} : memref<32x384xi32, #tpu.memory_space<vmem>>, vector<1x16xi32>,
        %swap3A_1060 = vector.shape_cast %swap3A_1059 : vector<1x16xi32> to vector<16xi32>
        %swap3A_1061 = vector.shape_cast %add3A_1055 : vector<16xi32> to vector<1x16xi32>
        tpu.vector_store %arg15[%swap3A_1057, %swap3A_1058], %swap3A_1061 {strides = array<i32>} : memref<32x384xi32, #tpu.memory_space<vmem>>, vector<1x16xi32>,
        %shift_right_arithmetic3A_1062 = arith.constant 17 : i32
        %shift_right_arithmetic3A_1063 = vector.broadcast %shift_right_arithmetic3A_1062 : i32 to vector<16xi32>
        %shift_right_arithmetic3A_1064 = arith.shrsi %xor3A_696, %shift_right_arithmetic3A_1063 : vector<16xi32>
        %and3A_1065 = arith.andi %shift_right_arithmetic3A_1064, %broadcast_in_dim3A_707 : vector<16xi32>
        %shift_right_arithmetic3A_1066 = arith.constant 17 : i32
        %shift_right_arithmetic3A_1067 = vector.broadcast %shift_right_arithmetic3A_1066 : i32 to vector<16xi32>
        %shift_right_arithmetic3A_1068 = arith.shrsi %xor3A_706, %shift_right_arithmetic3A_1067 : vector<16xi32>
        %and3A_1069 = arith.andi %shift_right_arithmetic3A_1068, %broadcast_in_dim3A_707 : vector<16xi32>
        %add3A_1070 = arith.addi %and3A_1065, %and3A_1069 : vector<16xi32>
        %get3A_1071 = arith.constant 17 : i32
        %get3A_1072 = arith.index_cast %get3A_1071 : i32 to index
        %get3A_1073 = arith.index_cast %mul3A_530 : i32 to index
        %get3A_1074 = tpu.vector_load %arg15[%get3A_1072, %get3A_1073] {strides = array<i32>} : memref<32x384xi32, #tpu.memory_space<vmem>>, vector<1x16xi32>,
        %get3A_1075 = vector.shape_cast %get3A_1074 : vector<1x16xi32> to vector<16xi32>
        %add3A_1076 = arith.addi %get3A_1075, %add3A_1070 : vector<16xi32>
        %swap3A_1077 = arith.constant 17 : i32
        %swap3A_1078 = arith.index_cast %swap3A_1077 : i32 to index
        %swap3A_1079 = arith.index_cast %mul3A_530 : i32 to index
        %swap3A_1080 = tpu.vector_load %arg15[%swap3A_1078, %swap3A_1079] {strides = array<i32>} : memref<32x384xi32, #tpu.memory_space<vmem>>, vector<1x16xi32>,
        %swap3A_1081 = vector.shape_cast %swap3A_1080 : vector<1x16xi32> to vector<16xi32>
        %swap3A_1082 = vector.shape_cast %add3A_1076 : vector<16xi32> to vector<1x16xi32>
        tpu.vector_store %arg15[%swap3A_1078, %swap3A_1079], %swap3A_1082 {strides = array<i32>} : memref<32x384xi32, #tpu.memory_space<vmem>>, vector<1x16xi32>,
        %shift_right_arithmetic3A_1083 = arith.constant 18 : i32
        %shift_right_arithmetic3A_1084 = vector.broadcast %shift_right_arithmetic3A_1083 : i32 to vector<16xi32>
        %shift_right_arithmetic3A_1085 = arith.shrsi %xor3A_696, %shift_right_arithmetic3A_1084 : vector<16xi32>
        %and3A_1086 = arith.andi %shift_right_arithmetic3A_1085, %broadcast_in_dim3A_707 : vector<16xi32>
        %shift_right_arithmetic3A_1087 = arith.constant 18 : i32
        %shift_right_arithmetic3A_1088 = vector.broadcast %shift_right_arithmetic3A_1087 : i32 to vector<16xi32>
        %shift_right_arithmetic3A_1089 = arith.shrsi %xor3A_706, %shift_right_arithmetic3A_1088 : vector<16xi32>
        %and3A_1090 = arith.andi %shift_right_arithmetic3A_1089, %broadcast_in_dim3A_707 : vector<16xi32>
        %add3A_1091 = arith.addi %and3A_1086, %and3A_1090 : vector<16xi32>
        %get3A_1092 = arith.constant 18 : i32
        %get3A_1093 = arith.index_cast %get3A_1092 : i32 to index
        %get3A_1094 = arith.index_cast %mul3A_530 : i32 to index
        %get3A_1095 = tpu.vector_load %arg15[%get3A_1093, %get3A_1094] {strides = array<i32>} : memref<32x384xi32, #tpu.memory_space<vmem>>, vector<1x16xi32>,
        %get3A_1096 = vector.shape_cast %get3A_1095 : vector<1x16xi32> to vector<16xi32>
        %add3A_1097 = arith.addi %get3A_1096, %add3A_1091 : vector<16xi32>
        %swap3A_1098 = arith.constant 18 : i32
        %swap3A_1099 = arith.index_cast %swap3A_1098 : i32 to index
        %swap3A_1100 = arith.index_cast %mul3A_530 : i32 to index
        %swap3A_1101 = tpu.vector_load %arg15[%swap3A_1099, %swap3A_1100] {strides = array<i32>} : memref<32x384xi32, #tpu.memory_space<vmem>>, vector<1x16xi32>,
        %swap3A_1102 = vector.shape_cast %swap3A_1101 : vector<1x16xi32> to vector<16xi32>
        %swap3A_1103 = vector.shape_cast %add3A_1097 : vector<16xi32> to vector<1x16xi32>
        tpu.vector_store %arg15[%swap3A_1099, %swap3A_1100], %swap3A_1103 {strides = array<i32>} : memref<32x384xi32, #tpu.memory_space<vmem>>, vector<1x16xi32>,
        %shift_right_arithmetic3A_1104 = arith.constant 19 : i32
        %shift_right_arithmetic3A_1105 = vector.broadcast %shift_right_arithmetic3A_1104 : i32 to vector<16xi32>
        %shift_right_arithmetic3A_1106 = arith.shrsi %xor3A_696, %shift_right_arithmetic3A_1105 : vector<16xi32>
        %and3A_1107 = arith.andi %shift_right_arithmetic3A_1106, %broadcast_in_dim3A_707 : vector<16xi32>
        %shift_right_arithmetic3A_1108 = arith.constant 19 : i32
        %shift_right_arithmetic3A_1109 = vector.broadcast %shift_right_arithmetic3A_1108 : i32 to vector<16xi32>
        %shift_right_arithmetic3A_1110 = arith.shrsi %xor3A_706, %shift_right_arithmetic3A_1109 : vector<16xi32>
        %and3A_1111 = arith.andi %shift_right_arithmetic3A_1110, %broadcast_in_dim3A_707 : vector<16xi32>
        %add3A_1112 = arith.addi %and3A_1107, %and3A_1111 : vector<16xi32>
        %get3A_1113 = arith.constant 19 : i32
        %get3A_1114 = arith.index_cast %get3A_1113 : i32 to index
        %get3A_1115 = arith.index_cast %mul3A_530 : i32 to index
        %get3A_1116 = tpu.vector_load %arg15[%get3A_1114, %get3A_1115] {strides = array<i32>} : memref<32x384xi32, #tpu.memory_space<vmem>>, vector<1x16xi32>,
        %get3A_1117 = vector.shape_cast %get3A_1116 : vector<1x16xi32> to vector<16xi32>
        %add3A_1118 = arith.addi %get3A_1117, %add3A_1112 : vector<16xi32>
        %swap3A_1119 = arith.constant 19 : i32
        %swap3A_1120 = arith.index_cast %swap3A_1119 : i32 to index
        %swap3A_1121 = arith.index_cast %mul3A_530 : i32 to index
        %swap3A_1122 = tpu.vector_load %arg15[%swap3A_1120, %swap3A_1121] {strides = array<i32>} : memref<32x384xi32, #tpu.memory_space<vmem>>, vector<1x16xi32>,
        %swap3A_1123 = vector.shape_cast %swap3A_1122 : vector<1x16xi32> to vector<16xi32>
        %swap3A_1124 = vector.shape_cast %add3A_1118 : vector<16xi32> to vector<1x16xi32>
        tpu.vector_store %arg15[%swap3A_1120, %swap3A_1121], %swap3A_1124 {strides = array<i32>} : memref<32x384xi32, #tpu.memory_space<vmem>>, vector<1x16xi32>,
        %shift_right_arithmetic3A_1125 = arith.constant 20 : i32
        %shift_right_arithmetic3A_1126 = vector.broadcast %shift_right_arithmetic3A_1125 : i32 to vector<16xi32>
        %shift_right_arithmetic3A_1127 = arith.shrsi %xor3A_696, %shift_right_arithmetic3A_1126 : vector<16xi32>
        %and3A_1128 = arith.andi %shift_right_arithmetic3A_1127, %broadcast_in_dim3A_707 : vector<16xi32>
        %shift_right_arithmetic3A_1129 = arith.constant 20 : i32
        %shift_right_arithmetic3A_1130 = vector.broadcast %shift_right_arithmetic3A_1129 : i32 to vector<16xi32>
        %shift_right_arithmetic3A_1131 = arith.shrsi %xor3A_706, %shift_right_arithmetic3A_1130 : vector<16xi32>
        %and3A_1132 = arith.andi %shift_right_arithmetic3A_1131, %broadcast_in_dim3A_707 : vector<16xi32>
        %add3A_1133 = arith.addi %and3A_1128, %and3A_1132 : vector<16xi32>
        %get3A_1134 = arith.constant 20 : i32
        %get3A_1135 = arith.index_cast %get3A_1134 : i32 to index
        %get3A_1136 = arith.index_cast %mul3A_530 : i32 to index
        %get3A_1137 = tpu.vector_load %arg15[%get3A_1135, %get3A_1136] {strides = array<i32>} : memref<32x384xi32, #tpu.memory_space<vmem>>, vector<1x16xi32>,
        %get3A_1138 = vector.shape_cast %get3A_1137 : vector<1x16xi32> to vector<16xi32>
        %add3A_1139 = arith.addi %get3A_1138, %add3A_1133 : vector<16xi32>
        %swap3A_1140 = arith.constant 20 : i32
        %swap3A_1141 = arith.index_cast %swap3A_1140 : i32 to index
        %swap3A_1142 = arith.index_cast %mul3A_530 : i32 to index
        %swap3A_1143 = tpu.vector_load %arg15[%swap3A_1141, %swap3A_1142] {strides = array<i32>} : memref<32x384xi32, #tpu.memory_space<vmem>>, vector<1x16xi32>,
        %swap3A_1144 = vector.shape_cast %swap3A_1143 : vector<1x16xi32> to vector<16xi32>
        %swap3A_1145 = vector.shape_cast %add3A_1139 : vector<16xi32> to vector<1x16xi32>
        tpu.vector_store %arg15[%swap3A_1141, %swap3A_1142], %swap3A_1145 {strides = array<i32>} : memref<32x384xi32, #tpu.memory_space<vmem>>, vector<1x16xi32>,
        %shift_right_arithmetic3A_1146 = arith.constant 21 : i32
        %shift_right_arithmetic3A_1147 = vector.broadcast %shift_right_arithmetic3A_1146 : i32 to vector<16xi32>
        %shift_right_arithmetic3A_1148 = arith.shrsi %xor3A_696, %shift_right_arithmetic3A_1147 : vector<16xi32>
        %and3A_1149 = arith.andi %shift_right_arithmetic3A_1148, %broadcast_in_dim3A_707 : vector<16xi32>
        %shift_right_arithmetic3A_1150 = arith.constant 21 : i32
        %shift_right_arithmetic3A_1151 = vector.broadcast %shift_right_arithmetic3A_1150 : i32 to vector<16xi32>
        %shift_right_arithmetic3A_1152 = arith.shrsi %xor3A_706, %shift_right_arithmetic3A_1151 : vector<16xi32>
        %and3A_1153 = arith.andi %shift_right_arithmetic3A_1152, %broadcast_in_dim3A_707 : vector<16xi32>
        %add3A_1154 = arith.addi %and3A_1149, %and3A_1153 : vector<16xi32>
        %get3A_1155 = arith.constant 21 : i32
        %get3A_1156 = arith.index_cast %get3A_1155 : i32 to index
        %get3A_1157 = arith.index_cast %mul3A_530 : i32 to index
        %get3A_1158 = tpu.vector_load %arg15[%get3A_1156, %get3A_1157] {strides = array<i32>} : memref<32x384xi32, #tpu.memory_space<vmem>>, vector<1x16xi32>,
        %get3A_1159 = vector.shape_cast %get3A_1158 : vector<1x16xi32> to vector<16xi32>
        %add3A_1160 = arith.addi %get3A_1159, %add3A_1154 : vector<16xi32>
        %swap3A_1161 = arith.constant 21 : i32
        %swap3A_1162 = arith.index_cast %swap3A_1161 : i32 to index
        %swap3A_1163 = arith.index_cast %mul3A_530 : i32 to index
        %swap3A_1164 = tpu.vector_load %arg15[%swap3A_1162, %swap3A_1163] {strides = array<i32>} : memref<32x384xi32, #tpu.memory_space<vmem>>, vector<1x16xi32>,
        %swap3A_1165 = vector.shape_cast %swap3A_1164 : vector<1x16xi32> to vector<16xi32>
        %swap3A_1166 = vector.shape_cast %add3A_1160 : vector<16xi32> to vector<1x16xi32>
        tpu.vector_store %arg15[%swap3A_1162, %swap3A_1163], %swap3A_1166 {strides = array<i32>} : memref<32x384xi32, #tpu.memory_space<vmem>>, vector<1x16xi32>,
        %shift_right_arithmetic3A_1167 = arith.constant 22 : i32
        %shift_right_arithmetic3A_1168 = vector.broadcast %shift_right_arithmetic3A_1167 : i32 to vector<16xi32>
        %shift_right_arithmetic3A_1169 = arith.shrsi %xor3A_696, %shift_right_arithmetic3A_1168 : vector<16xi32>
        %and3A_1170 = arith.andi %shift_right_arithmetic3A_1169, %broadcast_in_dim3A_707 : vector<16xi32>
        %shift_right_arithmetic3A_1171 = arith.constant 22 : i32
        %shift_right_arithmetic3A_1172 = vector.broadcast %shift_right_arithmetic3A_1171 : i32 to vector<16xi32>
        %shift_right_arithmetic3A_1173 = arith.shrsi %xor3A_706, %shift_right_arithmetic3A_1172 : vector<16xi32>
        %and3A_1174 = arith.andi %shift_right_arithmetic3A_1173, %broadcast_in_dim3A_707 : vector<16xi32>
        %add3A_1175 = arith.addi %and3A_1170, %and3A_1174 : vector<16xi32>
        %get3A_1176 = arith.constant 22 : i32
        %get3A_1177 = arith.index_cast %get3A_1176 : i32 to index
        %get3A_1178 = arith.index_cast %mul3A_530 : i32 to index
        %get3A_1179 = tpu.vector_load %arg15[%get3A_1177, %get3A_1178] {strides = array<i32>} : memref<32x384xi32, #tpu.memory_space<vmem>>, vector<1x16xi32>,
        %get3A_1180 = vector.shape_cast %get3A_1179 : vector<1x16xi32> to vector<16xi32>
        %add3A_1181 = arith.addi %get3A_1180, %add3A_1175 : vector<16xi32>
        %swap3A_1182 = arith.constant 22 : i32
        %swap3A_1183 = arith.index_cast %swap3A_1182 : i32 to index
        %swap3A_1184 = arith.index_cast %mul3A_530 : i32 to index
        %swap3A_1185 = tpu.vector_load %arg15[%swap3A_1183, %swap3A_1184] {strides = array<i32>} : memref<32x384xi32, #tpu.memory_space<vmem>>, vector<1x16xi32>,
        %swap3A_1186 = vector.shape_cast %swap3A_1185 : vector<1x16xi32> to vector<16xi32>
        %swap3A_1187 = vector.shape_cast %add3A_1181 : vector<16xi32> to vector<1x16xi32>
        tpu.vector_store %arg15[%swap3A_1183, %swap3A_1184], %swap3A_1187 {strides = array<i32>} : memref<32x384xi32, #tpu.memory_space<vmem>>, vector<1x16xi32>,
        %shift_right_arithmetic3A_1188 = arith.constant 23 : i32
        %shift_right_arithmetic3A_1189 = vector.broadcast %shift_right_arithmetic3A_1188 : i32 to vector<16xi32>
        %shift_right_arithmetic3A_1190 = arith.shrsi %xor3A_696, %shift_right_arithmetic3A_1189 : vector<16xi32>
        %and3A_1191 = arith.andi %shift_right_arithmetic3A_1190, %broadcast_in_dim3A_707 : vector<16xi32>
        %shift_right_arithmetic3A_1192 = arith.constant 23 : i32
        %shift_right_arithmetic3A_1193 = vector.broadcast %shift_right_arithmetic3A_1192 : i32 to vector<16xi32>
        %shift_right_arithmetic3A_1194 = arith.shrsi %xor3A_706, %shift_right_arithmetic3A_1193 : vector<16xi32>
        %and3A_1195 = arith.andi %shift_right_arithmetic3A_1194, %broadcast_in_dim3A_707 : vector<16xi32>
        %add3A_1196 = arith.addi %and3A_1191, %and3A_1195 : vector<16xi32>
        %get3A_1197 = arith.constant 23 : i32
        %get3A_1198 = arith.index_cast %get3A_1197 : i32 to index
        %get3A_1199 = arith.index_cast %mul3A_530 : i32 to index
        %get3A_1200 = tpu.vector_load %arg15[%get3A_1198, %get3A_1199] {strides = array<i32>} : memref<32x384xi32, #tpu.memory_space<vmem>>, vector<1x16xi32>,
        %get3A_1201 = vector.shape_cast %get3A_1200 : vector<1x16xi32> to vector<16xi32>
        %add3A_1202 = arith.addi %get3A_1201, %add3A_1196 : vector<16xi32>
        %swap3A_1203 = arith.constant 23 : i32
        %swap3A_1204 = arith.index_cast %swap3A_1203 : i32 to index
        %swap3A_1205 = arith.index_cast %mul3A_530 : i32 to index
        %swap3A_1206 = tpu.vector_load %arg15[%swap3A_1204, %swap3A_1205] {strides = array<i32>} : memref<32x384xi32, #tpu.memory_space<vmem>>, vector<1x16xi32>,
        %swap3A_1207 = vector.shape_cast %swap3A_1206 : vector<1x16xi32> to vector<16xi32>
        %swap3A_1208 = vector.shape_cast %add3A_1202 : vector<16xi32> to vector<1x16xi32>
        tpu.vector_store %arg15[%swap3A_1204, %swap3A_1205], %swap3A_1208 {strides = array<i32>} : memref<32x384xi32, #tpu.memory_space<vmem>>, vector<1x16xi32>,
        %shift_right_arithmetic3A_1209 = arith.constant 24 : i32
        %shift_right_arithmetic3A_1210 = vector.broadcast %shift_right_arithmetic3A_1209 : i32 to vector<16xi32>
        %shift_right_arithmetic3A_1211 = arith.shrsi %xor3A_696, %shift_right_arithmetic3A_1210 : vector<16xi32>
        %and3A_1212 = arith.andi %shift_right_arithmetic3A_1211, %broadcast_in_dim3A_707 : vector<16xi32>
        %shift_right_arithmetic3A_1213 = arith.constant 24 : i32
        %shift_right_arithmetic3A_1214 = vector.broadcast %shift_right_arithmetic3A_1213 : i32 to vector<16xi32>
        %shift_right_arithmetic3A_1215 = arith.shrsi %xor3A_706, %shift_right_arithmetic3A_1214 : vector<16xi32>
        %and3A_1216 = arith.andi %shift_right_arithmetic3A_1215, %broadcast_in_dim3A_707 : vector<16xi32>
        %add3A_1217 = arith.addi %and3A_1212, %and3A_1216 : vector<16xi32>
        %get3A_1218 = arith.constant 24 : i32
        %get3A_1219 = arith.index_cast %get3A_1218 : i32 to index
        %get3A_1220 = arith.index_cast %mul3A_530 : i32 to index
        %get3A_1221 = tpu.vector_load %arg15[%get3A_1219, %get3A_1220] {strides = array<i32>} : memref<32x384xi32, #tpu.memory_space<vmem>>, vector<1x16xi32>,
        %get3A_1222 = vector.shape_cast %get3A_1221 : vector<1x16xi32> to vector<16xi32>
        %add3A_1223 = arith.addi %get3A_1222, %add3A_1217 : vector<16xi32>
        %swap3A_1224 = arith.constant 24 : i32
        %swap3A_1225 = arith.index_cast %swap3A_1224 : i32 to index
        %swap3A_1226 = arith.index_cast %mul3A_530 : i32 to index
        %swap3A_1227 = tpu.vector_load %arg15[%swap3A_1225, %swap3A_1226] {strides = array<i32>} : memref<32x384xi32, #tpu.memory_space<vmem>>, vector<1x16xi32>,
        %swap3A_1228 = vector.shape_cast %swap3A_1227 : vector<1x16xi32> to vector<16xi32>
        %swap3A_1229 = vector.shape_cast %add3A_1223 : vector<16xi32> to vector<1x16xi32>
        tpu.vector_store %arg15[%swap3A_1225, %swap3A_1226], %swap3A_1229 {strides = array<i32>} : memref<32x384xi32, #tpu.memory_space<vmem>>, vector<1x16xi32>,
        %shift_right_arithmetic3A_1230 = arith.constant 25 : i32
        %shift_right_arithmetic3A_1231 = vector.broadcast %shift_right_arithmetic3A_1230 : i32 to vector<16xi32>
        %shift_right_arithmetic3A_1232 = arith.shrsi %xor3A_696, %shift_right_arithmetic3A_1231 : vector<16xi32>
        %and3A_1233 = arith.andi %shift_right_arithmetic3A_1232, %broadcast_in_dim3A_707 : vector<16xi32>
        %shift_right_arithmetic3A_1234 = arith.constant 25 : i32
        %shift_right_arithmetic3A_1235 = vector.broadcast %shift_right_arithmetic3A_1234 : i32 to vector<16xi32>
        %shift_right_arithmetic3A_1236 = arith.shrsi %xor3A_706, %shift_right_arithmetic3A_1235 : vector<16xi32>
        %and3A_1237 = arith.andi %shift_right_arithmetic3A_1236, %broadcast_in_dim3A_707 : vector<16xi32>
        %add3A_1238 = arith.addi %and3A_1233, %and3A_1237 : vector<16xi32>
        %get3A_1239 = arith.constant 25 : i32
        %get3A_1240 = arith.index_cast %get3A_1239 : i32 to index
        %get3A_1241 = arith.index_cast %mul3A_530 : i32 to index
        %get3A_1242 = tpu.vector_load %arg15[%get3A_1240, %get3A_1241] {strides = array<i32>} : memref<32x384xi32, #tpu.memory_space<vmem>>, vector<1x16xi32>,
        %get3A_1243 = vector.shape_cast %get3A_1242 : vector<1x16xi32> to vector<16xi32>
        %add3A_1244 = arith.addi %get3A_1243, %add3A_1238 : vector<16xi32>
        %swap3A_1245 = arith.constant 25 : i32
        %swap3A_1246 = arith.index_cast %swap3A_1245 : i32 to index
        %swap3A_1247 = arith.index_cast %mul3A_530 : i32 to index
        %swap3A_1248 = tpu.vector_load %arg15[%swap3A_1246, %swap3A_1247] {strides = array<i32>} : memref<32x384xi32, #tpu.memory_space<vmem>>, vector<1x16xi32>,
        %swap3A_1249 = vector.shape_cast %swap3A_1248 : vector<1x16xi32> to vector<16xi32>
        %swap3A_1250 = vector.shape_cast %add3A_1244 : vector<16xi32> to vector<1x16xi32>
        tpu.vector_store %arg15[%swap3A_1246, %swap3A_1247], %swap3A_1250 {strides = array<i32>} : memref<32x384xi32, #tpu.memory_space<vmem>>, vector<1x16xi32>,
        %shift_right_arithmetic3A_1251 = arith.constant 26 : i32
        %shift_right_arithmetic3A_1252 = vector.broadcast %shift_right_arithmetic3A_1251 : i32 to vector<16xi32>
        %shift_right_arithmetic3A_1253 = arith.shrsi %xor3A_696, %shift_right_arithmetic3A_1252 : vector<16xi32>
        %and3A_1254 = arith.andi %shift_right_arithmetic3A_1253, %broadcast_in_dim3A_707 : vector<16xi32>
        %shift_right_arithmetic3A_1255 = arith.constant 26 : i32
        %shift_right_arithmetic3A_1256 = vector.broadcast %shift_right_arithmetic3A_1255 : i32 to vector<16xi32>
        %shift_right_arithmetic3A_1257 = arith.shrsi %xor3A_706, %shift_right_arithmetic3A_1256 : vector<16xi32>
        %and3A_1258 = arith.andi %shift_right_arithmetic3A_1257, %broadcast_in_dim3A_707 : vector<16xi32>
        %add3A_1259 = arith.addi %and3A_1254, %and3A_1258 : vector<16xi32>
        %get3A_1260 = arith.constant 26 : i32
        %get3A_1261 = arith.index_cast %get3A_1260 : i32 to index
        %get3A_1262 = arith.index_cast %mul3A_530 : i32 to index
        %get3A_1263 = tpu.vector_load %arg15[%get3A_1261, %get3A_1262] {strides = array<i32>} : memref<32x384xi32, #tpu.memory_space<vmem>>, vector<1x16xi32>,
        %get3A_1264 = vector.shape_cast %get3A_1263 : vector<1x16xi32> to vector<16xi32>
        %add3A_1265 = arith.addi %get3A_1264, %add3A_1259 : vector<16xi32>
        %swap3A_1266 = arith.constant 26 : i32
        %swap3A_1267 = arith.index_cast %swap3A_1266 : i32 to index
        %swap3A_1268 = arith.index_cast %mul3A_530 : i32 to index
        %swap3A_1269 = tpu.vector_load %arg15[%swap3A_1267, %swap3A_1268] {strides = array<i32>} : memref<32x384xi32, #tpu.memory_space<vmem>>, vector<1x16xi32>,
        %swap3A_1270 = vector.shape_cast %swap3A_1269 : vector<1x16xi32> to vector<16xi32>
        %swap3A_1271 = vector.shape_cast %add3A_1265 : vector<16xi32> to vector<1x16xi32>
        tpu.vector_store %arg15[%swap3A_1267, %swap3A_1268], %swap3A_1271 {strides = array<i32>} : memref<32x384xi32, #tpu.memory_space<vmem>>, vector<1x16xi32>,
        %shift_right_arithmetic3A_1272 = arith.constant 27 : i32
        %shift_right_arithmetic3A_1273 = vector.broadcast %shift_right_arithmetic3A_1272 : i32 to vector<16xi32>
        %shift_right_arithmetic3A_1274 = arith.shrsi %xor3A_696, %shift_right_arithmetic3A_1273 : vector<16xi32>
        %and3A_1275 = arith.andi %shift_right_arithmetic3A_1274, %broadcast_in_dim3A_707 : vector<16xi32>
        %shift_right_arithmetic3A_1276 = arith.constant 27 : i32
        %shift_right_arithmetic3A_1277 = vector.broadcast %shift_right_arithmetic3A_1276 : i32 to vector<16xi32>
        %shift_right_arithmetic3A_1278 = arith.shrsi %xor3A_706, %shift_right_arithmetic3A_1277 : vector<16xi32>
        %and3A_1279 = arith.andi %shift_right_arithmetic3A_1278, %broadcast_in_dim3A_707 : vector<16xi32>
        %add3A_1280 = arith.addi %and3A_1275, %and3A_1279 : vector<16xi32>
        %get3A_1281 = arith.constant 27 : i32
        %get3A_1282 = arith.index_cast %get3A_1281 : i32 to index
        %get3A_1283 = arith.index_cast %mul3A_530 : i32 to index
        %get3A_1284 = tpu.vector_load %arg15[%get3A_1282, %get3A_1283] {strides = array<i32>} : memref<32x384xi32, #tpu.memory_space<vmem>>, vector<1x16xi32>,
        %get3A_1285 = vector.shape_cast %get3A_1284 : vector<1x16xi32> to vector<16xi32>
        %add3A_1286 = arith.addi %get3A_1285, %add3A_1280 : vector<16xi32>
        %swap3A_1287 = arith.constant 27 : i32
        %swap3A_1288 = arith.index_cast %swap3A_1287 : i32 to index
        %swap3A_1289 = arith.index_cast %mul3A_530 : i32 to index
        %swap3A_1290 = tpu.vector_load %arg15[%swap3A_1288, %swap3A_1289] {strides = array<i32>} : memref<32x384xi32, #tpu.memory_space<vmem>>, vector<1x16xi32>,
        %swap3A_1291 = vector.shape_cast %swap3A_1290 : vector<1x16xi32> to vector<16xi32>
        %swap3A_1292 = vector.shape_cast %add3A_1286 : vector<16xi32> to vector<1x16xi32>
        tpu.vector_store %arg15[%swap3A_1288, %swap3A_1289], %swap3A_1292 {strides = array<i32>} : memref<32x384xi32, #tpu.memory_space<vmem>>, vector<1x16xi32>,
        %shift_right_arithmetic3A_1293 = arith.constant 28 : i32
        %shift_right_arithmetic3A_1294 = vector.broadcast %shift_right_arithmetic3A_1293 : i32 to vector<16xi32>
        %shift_right_arithmetic3A_1295 = arith.shrsi %xor3A_696, %shift_right_arithmetic3A_1294 : vector<16xi32>
        %and3A_1296 = arith.andi %shift_right_arithmetic3A_1295, %broadcast_in_dim3A_707 : vector<16xi32>
        %shift_right_arithmetic3A_1297 = arith.constant 28 : i32
        %shift_right_arithmetic3A_1298 = vector.broadcast %shift_right_arithmetic3A_1297 : i32 to vector<16xi32>
        %shift_right_arithmetic3A_1299 = arith.shrsi %xor3A_706, %shift_right_arithmetic3A_1298 : vector<16xi32>
        %and3A_1300 = arith.andi %shift_right_arithmetic3A_1299, %broadcast_in_dim3A_707 : vector<16xi32>
        %add3A_1301 = arith.addi %and3A_1296, %and3A_1300 : vector<16xi32>
        %get3A_1302 = arith.constant 28 : i32
        %get3A_1303 = arith.index_cast %get3A_1302 : i32 to index
        %get3A_1304 = arith.index_cast %mul3A_530 : i32 to index
        %get3A_1305 = tpu.vector_load %arg15[%get3A_1303, %get3A_1304] {strides = array<i32>} : memref<32x384xi32, #tpu.memory_space<vmem>>, vector<1x16xi32>,
        %get3A_1306 = vector.shape_cast %get3A_1305 : vector<1x16xi32> to vector<16xi32>
        %add3A_1307 = arith.addi %get3A_1306, %add3A_1301 : vector<16xi32>
        %swap3A_1308 = arith.constant 28 : i32
        %swap3A_1309 = arith.index_cast %swap3A_1308 : i32 to index
        %swap3A_1310 = arith.index_cast %mul3A_530 : i32 to index
        %swap3A_1311 = tpu.vector_load %arg15[%swap3A_1309, %swap3A_1310] {strides = array<i32>} : memref<32x384xi32, #tpu.memory_space<vmem>>, vector<1x16xi32>,
        %swap3A_1312 = vector.shape_cast %swap3A_1311 : vector<1x16xi32> to vector<16xi32>
        %swap3A_1313 = vector.shape_cast %add3A_1307 : vector<16xi32> to vector<1x16xi32>
        tpu.vector_store %arg15[%swap3A_1309, %swap3A_1310], %swap3A_1313 {strides = array<i32>} : memref<32x384xi32, #tpu.memory_space<vmem>>, vector<1x16xi32>,
        %shift_right_arithmetic3A_1314 = arith.constant 29 : i32
        %shift_right_arithmetic3A_1315 = vector.broadcast %shift_right_arithmetic3A_1314 : i32 to vector<16xi32>
        %shift_right_arithmetic3A_1316 = arith.shrsi %xor3A_696, %shift_right_arithmetic3A_1315 : vector<16xi32>
        %and3A_1317 = arith.andi %shift_right_arithmetic3A_1316, %broadcast_in_dim3A_707 : vector<16xi32>
        %shift_right_arithmetic3A_1318 = arith.constant 29 : i32
        %shift_right_arithmetic3A_1319 = vector.broadcast %shift_right_arithmetic3A_1318 : i32 to vector<16xi32>
        %shift_right_arithmetic3A_1320 = arith.shrsi %xor3A_706, %shift_right_arithmetic3A_1319 : vector<16xi32>
        %and3A_1321 = arith.andi %shift_right_arithmetic3A_1320, %broadcast_in_dim3A_707 : vector<16xi32>
        %add3A_1322 = arith.addi %and3A_1317, %and3A_1321 : vector<16xi32>
        %get3A_1323 = arith.constant 29 : i32
        %get3A_1324 = arith.index_cast %get3A_1323 : i32 to index
        %get3A_1325 = arith.index_cast %mul3A_530 : i32 to index
        %get3A_1326 = tpu.vector_load %arg15[%get3A_1324, %get3A_1325] {strides = array<i32>} : memref<32x384xi32, #tpu.memory_space<vmem>>, vector<1x16xi32>,
        %get3A_1327 = vector.shape_cast %get3A_1326 : vector<1x16xi32> to vector<16xi32>
        %add3A_1328 = arith.addi %get3A_1327, %add3A_1322 : vector<16xi32>
        %swap3A_1329 = arith.constant 29 : i32
        %swap3A_1330 = arith.index_cast %swap3A_1329 : i32 to index
        %swap3A_1331 = arith.index_cast %mul3A_530 : i32 to index
        %swap3A_1332 = tpu.vector_load %arg15[%swap3A_1330, %swap3A_1331] {strides = array<i32>} : memref<32x384xi32, #tpu.memory_space<vmem>>, vector<1x16xi32>,
        %swap3A_1333 = vector.shape_cast %swap3A_1332 : vector<1x16xi32> to vector<16xi32>
        %swap3A_1334 = vector.shape_cast %add3A_1328 : vector<16xi32> to vector<1x16xi32>
        tpu.vector_store %arg15[%swap3A_1330, %swap3A_1331], %swap3A_1334 {strides = array<i32>} : memref<32x384xi32, #tpu.memory_space<vmem>>, vector<1x16xi32>,
        %shift_right_arithmetic3A_1335 = arith.constant 30 : i32
        %shift_right_arithmetic3A_1336 = vector.broadcast %shift_right_arithmetic3A_1335 : i32 to vector<16xi32>
        %shift_right_arithmetic3A_1337 = arith.shrsi %xor3A_696, %shift_right_arithmetic3A_1336 : vector<16xi32>
        %and3A_1338 = arith.andi %shift_right_arithmetic3A_1337, %broadcast_in_dim3A_707 : vector<16xi32>
        %shift_right_arithmetic3A_1339 = arith.constant 30 : i32
        %shift_right_arithmetic3A_1340 = vector.broadcast %shift_right_arithmetic3A_1339 : i32 to vector<16xi32>
        %shift_right_arithmetic3A_1341 = arith.shrsi %xor3A_706, %shift_right_arithmetic3A_1340 : vector<16xi32>
        %and3A_1342 = arith.andi %shift_right_arithmetic3A_1341, %broadcast_in_dim3A_707 : vector<16xi32>
        %add3A_1343 = arith.addi %and3A_1338, %and3A_1342 : vector<16xi32>
        %get3A_1344 = arith.constant 30 : i32
        %get3A_1345 = arith.index_cast %get3A_1344 : i32 to index
        %get3A_1346 = arith.index_cast %mul3A_530 : i32 to index
        %get3A_1347 = tpu.vector_load %arg15[%get3A_1345, %get3A_1346] {strides = array<i32>} : memref<32x384xi32, #tpu.memory_space<vmem>>, vector<1x16xi32>,
        %get3A_1348 = vector.shape_cast %get3A_1347 : vector<1x16xi32> to vector<16xi32>
        %add3A_1349 = arith.addi %get3A_1348, %add3A_1343 : vector<16xi32>
        %swap3A_1350 = arith.constant 30 : i32
        %swap3A_1351 = arith.index_cast %swap3A_1350 : i32 to index
        %swap3A_1352 = arith.index_cast %mul3A_530 : i32 to index
        %swap3A_1353 = tpu.vector_load %arg15[%swap3A_1351, %swap3A_1352] {strides = array<i32>} : memref<32x384xi32, #tpu.memory_space<vmem>>, vector<1x16xi32>,
        %swap3A_1354 = vector.shape_cast %swap3A_1353 : vector<1x16xi32> to vector<16xi32>
        %swap3A_1355 = vector.shape_cast %add3A_1349 : vector<16xi32> to vector<1x16xi32>
        tpu.vector_store %arg15[%swap3A_1351, %swap3A_1352], %swap3A_1355 {strides = array<i32>} : memref<32x384xi32, #tpu.memory_space<vmem>>, vector<1x16xi32>,
        %shift_right_arithmetic3A_1356 = arith.constant 31 : i32
        %shift_right_arithmetic3A_1357 = vector.broadcast %shift_right_arithmetic3A_1356 : i32 to vector<16xi32>
        %shift_right_arithmetic3A_1358 = arith.shrsi %xor3A_696, %shift_right_arithmetic3A_1357 : vector<16xi32>
        %and3A_1359 = arith.andi %shift_right_arithmetic3A_1358, %broadcast_in_dim3A_707 : vector<16xi32>
        %shift_right_arithmetic3A_1360 = arith.constant 31 : i32
        %shift_right_arithmetic3A_1361 = vector.broadcast %shift_right_arithmetic3A_1360 : i32 to vector<16xi32>
        %shift_right_arithmetic3A_1362 = arith.shrsi %xor3A_706, %shift_right_arithmetic3A_1361 : vector<16xi32>
        %and3A_1363 = arith.andi %shift_right_arithmetic3A_1362, %broadcast_in_dim3A_707 : vector<16xi32>
        %add3A_1364 = arith.addi %and3A_1359, %and3A_1363 : vector<16xi32>
        %get3A_1365 = arith.constant 31 : i32
        %get3A_1366 = arith.index_cast %get3A_1365 : i32 to index
        %get3A_1367 = arith.index_cast %mul3A_530 : i32 to index
        %get3A_1368 = tpu.vector_load %arg15[%get3A_1366, %get3A_1367] {strides = array<i32>} : memref<32x384xi32, #tpu.memory_space<vmem>>, vector<1x16xi32>,
        %get3A_1369 = vector.shape_cast %get3A_1368 : vector<1x16xi32> to vector<16xi32>
        %add3A_1370 = arith.addi %get3A_1369, %add3A_1364 : vector<16xi32>
        %swap3A_1371 = arith.constant 31 : i32
        %swap3A_1372 = arith.index_cast %swap3A_1371 : i32 to index
        %swap3A_1373 = arith.index_cast %mul3A_530 : i32 to index
        %swap3A_1374 = tpu.vector_load %arg15[%swap3A_1372, %swap3A_1373] {strides = array<i32>} : memref<32x384xi32, #tpu.memory_space<vmem>>, vector<1x16xi32>,
        %swap3A_1375 = vector.shape_cast %swap3A_1374 : vector<1x16xi32> to vector<16xi32>
        %swap3A_1376 = vector.shape_cast %add3A_1370 : vector<16xi32> to vector<1x16xi32>
        tpu.vector_store %arg15[%swap3A_1372, %swap3A_1373], %swap3A_1376 {strides = array<i32>} : memref<32x384xi32, #tpu.memory_space<vmem>>, vector<1x16xi32>,
      }
      %scan3A_520 = arith.constant 24 : i32
      %add3A_521 = arith.constant 2 : i32
      %add3A_522 = arith.addi %add3A_397, %add3A_521 : i32
      %lt3A_523 = arith.constant 32 : i32
      %lt3A_524 = arith.cmpi slt, %add3A_522, %lt3A_523 : i32
      %convert_element_type3A_525 = arith.extui %lt3A_524 : i1 to i32
      %cond3A_526 = arith.constant 0 : i32
      %cond3A_527 = arith.cmpi ne, %convert_element_type3A_525, %cond3A_526 : i32
      scf.if %cond3A_527 {
        %dma_start3A_528 = arith.constant 0 : i32
        %dma_start3A_529 = arith.constant 1 : i32
        %dma_start3A_530 = arith.constant 0 : i32
        %dma_start3A_531 = arith.constant 0 : i32
        %dma_start3A_532 = arith.constant 0 : i32
        %dma_start3A_533 = tpu.memref_slice %arg14[%dma_start3A_529, %dma_start3A_530, %dma_start3A_531, %dma_start3A_532] : memref<2x9x2x384xi32, #tpu.memory_space<vmem>> -> memref<1x1x2x384xi32, #tpu.memory_space<vmem>>
        %dma_start3A_534 = tpu.memref_squeeze %dma_start3A_533 : memref<1x1x2x384xi32, #tpu.memory_space<vmem>> -> memref<2x384xi32, #tpu.memory_space<vmem>>
        %dma_start3A_535 = arith.constant 0 : i32
        %dma_start3A_536 = tpu.memref_slice %arg13[%dma_start3A_528, %add3A_522, %dma_start3A_535] : memref<9x32x2xi32, #tpu.memory_space<vmem>> -> memref<1x1x2xi32, #tpu.memory_space<vmem>>
        %dma_start3A_537 = tpu.memref_squeeze %dma_start3A_536 : memref<1x1x2xi32, #tpu.memory_space<vmem>> -> memref<2xi32, #tpu.memory_space<vmem>>
        %dma_start3A_538 = arith.constant 0 : i32
        %dma_start3A_539 = arith.constant 0 : i32
        %dma_start3A_540 = tpu.memref_slice %arg3[%dma_start3A_538, %dma_start3A_539] : memref<1024x384xi32, #tpu.memory_space<hbm>> -> memref<1024x384xi32, #tpu.memory_space<hbm>>
        tpu.enqueue_indirect_dma source(%dma_start3A_540 : memref<1024x384xi32, #tpu.memory_space<hbm>>) target(%dma_start3A_534 : memref<2x384xi32, #tpu.memory_space<vmem>>) offsets(%dma_start3A_537 : memref<2xi32, #tpu.memory_space<vmem>>) semaphore(%arg17 : memref<!tpu.dma_semaphore, #tpu.memory_space<semaphore_mem>>)
        %dma_start3A_541 = arith.constant 1 : i32
        %dma_start3A_542 = arith.constant 1 : i32
        %dma_start3A_543 = arith.constant 1 : i32
        %dma_start3A_544 = arith.constant 0 : i32
        %dma_start3A_545 = arith.constant 0 : i32
        %dma_start3A_546 = tpu.memref_slice %arg14[%dma_start3A_542, %dma_start3A_543, %dma_start3A_544, %dma_start3A_545] : memref<2x9x2x384xi32, #tpu.memory_space<vmem>> -> memref<1x1x2x384xi32, #tpu.memory_space<vmem>>
        %dma_start3A_547 = tpu.memref_squeeze %dma_start3A_546 : memref<1x1x2x384xi32, #tpu.memory_space<vmem>> -> memref<2x384xi32, #tpu.memory_space<vmem>>
        %dma_start3A_548 = arith.constant 0 : i32
        %dma_start3A_549 = tpu.memref_slice %arg13[%dma_start3A_541, %add3A_522, %dma_start3A_548] : memref<9x32x2xi32, #tpu.memory_space<vmem>> -> memref<1x1x2xi32, #tpu.memory_space<vmem>>
        %dma_start3A_550 = tpu.memref_squeeze %dma_start3A_549 : memref<1x1x2xi32, #tpu.memory_space<vmem>> -> memref<2xi32, #tpu.memory_space<vmem>>
        %dma_start3A_551 = arith.constant 0 : i32
        %dma_start3A_552 = arith.constant 0 : i32
        %dma_start3A_553 = tpu.memref_slice %arg4[%dma_start3A_551, %dma_start3A_552] : memref<1024x384xi32, #tpu.memory_space<hbm>> -> memref<1024x384xi32, #tpu.memory_space<hbm>>
        tpu.enqueue_indirect_dma source(%dma_start3A_553 : memref<1024x384xi32, #tpu.memory_space<hbm>>) target(%dma_start3A_547 : memref<2x384xi32, #tpu.memory_space<vmem>>) offsets(%dma_start3A_550 : memref<2xi32, #tpu.memory_space<vmem>>) semaphore(%arg17 : memref<!tpu.dma_semaphore, #tpu.memory_space<semaphore_mem>>)
        %dma_start3A_554 = arith.constant 2 : i32
        %dma_start3A_555 = arith.constant 1 : i32
        %dma_start3A_556 = arith.constant 2 : i32
        %dma_start3A_557 = arith.constant 0 : i32
        %dma_start3A_558 = arith.constant 0 : i32
        %dma_start3A_559 = tpu.memref_slice %arg14[%dma_start3A_555, %dma_start3A_556, %dma_start3A_557, %dma_start3A_558] : memref<2x9x2x384xi32, #tpu.memory_space<vmem>> -> memref<1x1x2x384xi32, #tpu.memory_space<vmem>>
        %dma_start3A_560 = tpu.memref_squeeze %dma_start3A_559 : memref<1x1x2x384xi32, #tpu.memory_space<vmem>> -> memref<2x384xi32, #tpu.memory_space<vmem>>
        %dma_start3A_561 = arith.constant 0 : i32
        %dma_start3A_562 = tpu.memref_slice %arg13[%dma_start3A_554, %add3A_522, %dma_start3A_561] : memref<9x32x2xi32, #tpu.memory_space<vmem>> -> memref<1x1x2xi32, #tpu.memory_space<vmem>>
        %dma_start3A_563 = tpu.memref_squeeze %dma_start3A_562 : memref<1x1x2xi32, #tpu.memory_space<vmem>> -> memref<2xi32, #tpu.memory_space<vmem>>
        %dma_start3A_564 = arith.constant 0 : i32
        %dma_start3A_565 = arith.constant 0 : i32
        %dma_start3A_566 = tpu.memref_slice %arg5[%dma_start3A_564, %dma_start3A_565] : memref<1024x384xi32, #tpu.memory_space<hbm>> -> memref<1024x384xi32, #tpu.memory_space<hbm>>
        tpu.enqueue_indirect_dma source(%dma_start3A_566 : memref<1024x384xi32, #tpu.memory_space<hbm>>) target(%dma_start3A_560 : memref<2x384xi32, #tpu.memory_space<vmem>>) offsets(%dma_start3A_563 : memref<2xi32, #tpu.memory_space<vmem>>) semaphore(%arg17 : memref<!tpu.dma_semaphore, #tpu.memory_space<semaphore_mem>>)
        %dma_start3A_567 = arith.constant 3 : i32
        %dma_start3A_568 = arith.constant 1 : i32
        %dma_start3A_569 = arith.constant 3 : i32
        %dma_start3A_570 = arith.constant 0 : i32
        %dma_start3A_571 = arith.constant 0 : i32
        %dma_start3A_572 = tpu.memref_slice %arg14[%dma_start3A_568, %dma_start3A_569, %dma_start3A_570, %dma_start3A_571] : memref<2x9x2x384xi32, #tpu.memory_space<vmem>> -> memref<1x1x2x384xi32, #tpu.memory_space<vmem>>
        %dma_start3A_573 = tpu.memref_squeeze %dma_start3A_572 : memref<1x1x2x384xi32, #tpu.memory_space<vmem>> -> memref<2x384xi32, #tpu.memory_space<vmem>>
        %dma_start3A_574 = arith.constant 0 : i32
        %dma_start3A_575 = tpu.memref_slice %arg13[%dma_start3A_567, %add3A_522, %dma_start3A_574] : memref<9x32x2xi32, #tpu.memory_space<vmem>> -> memref<1x1x2xi32, #tpu.memory_space<vmem>>
        %dma_start3A_576 = tpu.memref_squeeze %dma_start3A_575 : memref<1x1x2xi32, #tpu.memory_space<vmem>> -> memref<2xi32, #tpu.memory_space<vmem>>
        %dma_start3A_577 = arith.constant 0 : i32
        %dma_start3A_578 = arith.constant 0 : i32
        %dma_start3A_579 = tpu.memref_slice %arg6[%dma_start3A_577, %dma_start3A_578] : memref<1024x384xi32, #tpu.memory_space<hbm>> -> memref<1024x384xi32, #tpu.memory_space<hbm>>
        tpu.enqueue_indirect_dma source(%dma_start3A_579 : memref<1024x384xi32, #tpu.memory_space<hbm>>) target(%dma_start3A_573 : memref<2x384xi32, #tpu.memory_space<vmem>>) offsets(%dma_start3A_576 : memref<2xi32, #tpu.memory_space<vmem>>) semaphore(%arg17 : memref<!tpu.dma_semaphore, #tpu.memory_space<semaphore_mem>>)
        %dma_start3A_580 = arith.constant 4 : i32
        %dma_start3A_581 = arith.constant 1 : i32
        %dma_start3A_582 = arith.constant 4 : i32
        %dma_start3A_583 = arith.constant 0 : i32
        %dma_start3A_584 = arith.constant 0 : i32
        %dma_start3A_585 = tpu.memref_slice %arg14[%dma_start3A_581, %dma_start3A_582, %dma_start3A_583, %dma_start3A_584] : memref<2x9x2x384xi32, #tpu.memory_space<vmem>> -> memref<1x1x2x384xi32, #tpu.memory_space<vmem>>
        %dma_start3A_586 = tpu.memref_squeeze %dma_start3A_585 : memref<1x1x2x384xi32, #tpu.memory_space<vmem>> -> memref<2x384xi32, #tpu.memory_space<vmem>>
        %dma_start3A_587 = arith.constant 0 : i32
        %dma_start3A_588 = tpu.memref_slice %arg13[%dma_start3A_580, %add3A_522, %dma_start3A_587] : memref<9x32x2xi32, #tpu.memory_space<vmem>> -> memref<1x1x2xi32, #tpu.memory_space<vmem>>
        %dma_start3A_589 = tpu.memref_squeeze %dma_start3A_588 : memref<1x1x2xi32, #tpu.memory_space<vmem>> -> memref<2xi32, #tpu.memory_space<vmem>>
        %dma_start3A_590 = arith.constant 0 : i32
        %dma_start3A_591 = arith.constant 0 : i32
        %dma_start3A_592 = tpu.memref_slice %arg7[%dma_start3A_590, %dma_start3A_591] : memref<1024x384xi32, #tpu.memory_space<hbm>> -> memref<1024x384xi32, #tpu.memory_space<hbm>>
        tpu.enqueue_indirect_dma source(%dma_start3A_592 : memref<1024x384xi32, #tpu.memory_space<hbm>>) target(%dma_start3A_586 : memref<2x384xi32, #tpu.memory_space<vmem>>) offsets(%dma_start3A_589 : memref<2xi32, #tpu.memory_space<vmem>>) semaphore(%arg17 : memref<!tpu.dma_semaphore, #tpu.memory_space<semaphore_mem>>)
        %dma_start3A_593 = arith.constant 5 : i32
        %dma_start3A_594 = arith.constant 1 : i32
        %dma_start3A_595 = arith.constant 5 : i32
        %dma_start3A_596 = arith.constant 0 : i32
        %dma_start3A_597 = arith.constant 0 : i32
        %dma_start3A_598 = tpu.memref_slice %arg14[%dma_start3A_594, %dma_start3A_595, %dma_start3A_596, %dma_start3A_597] : memref<2x9x2x384xi32, #tpu.memory_space<vmem>> -> memref<1x1x2x384xi32, #tpu.memory_space<vmem>>
        %dma_start3A_599 = tpu.memref_squeeze %dma_start3A_598 : memref<1x1x2x384xi32, #tpu.memory_space<vmem>> -> memref<2x384xi32, #tpu.memory_space<vmem>>
        %dma_start3A_600 = arith.constant 0 : i32
        %dma_start3A_601 = tpu.memref_slice %arg13[%dma_start3A_593, %add3A_522, %dma_start3A_600] : memref<9x32x2xi32, #tpu.memory_space<vmem>> -> memref<1x1x2xi32, #tpu.memory_space<vmem>>
        %dma_start3A_602 = tpu.memref_squeeze %dma_start3A_601 : memref<1x1x2xi32, #tpu.memory_space<vmem>> -> memref<2xi32, #tpu.memory_space<vmem>>
        %dma_start3A_603 = arith.constant 0 : i32
        %dma_start3A_604 = arith.constant 0 : i32
        %dma_start3A_605 = tpu.memref_slice %arg8[%dma_start3A_603, %dma_start3A_604] : memref<1024x384xi32, #tpu.memory_space<hbm>> -> memref<1024x384xi32, #tpu.memory_space<hbm>>
        tpu.enqueue_indirect_dma source(%dma_start3A_605 : memref<1024x384xi32, #tpu.memory_space<hbm>>) target(%dma_start3A_599 : memref<2x384xi32, #tpu.memory_space<vmem>>) offsets(%dma_start3A_602 : memref<2xi32, #tpu.memory_space<vmem>>) semaphore(%arg17 : memref<!tpu.dma_semaphore, #tpu.memory_space<semaphore_mem>>)
        %dma_start3A_606 = arith.constant 6 : i32
        %dma_start3A_607 = arith.constant 1 : i32
        %dma_start3A_608 = arith.constant 6 : i32
        %dma_start3A_609 = arith.constant 0 : i32
        %dma_start3A_610 = arith.constant 0 : i32
        %dma_start3A_611 = tpu.memref_slice %arg14[%dma_start3A_607, %dma_start3A_608, %dma_start3A_609, %dma_start3A_610] : memref<2x9x2x384xi32, #tpu.memory_space<vmem>> -> memref<1x1x2x384xi32, #tpu.memory_space<vmem>>
        %dma_start3A_612 = tpu.memref_squeeze %dma_start3A_611 : memref<1x1x2x384xi32, #tpu.memory_space<vmem>> -> memref<2x384xi32, #tpu.memory_space<vmem>>
        %dma_start3A_613 = arith.constant 0 : i32
        %dma_start3A_614 = tpu.memref_slice %arg13[%dma_start3A_606, %add3A_522, %dma_start3A_613] : memref<9x32x2xi32, #tpu.memory_space<vmem>> -> memref<1x1x2xi32, #tpu.memory_space<vmem>>
        %dma_start3A_615 = tpu.memref_squeeze %dma_start3A_614 : memref<1x1x2xi32, #tpu.memory_space<vmem>> -> memref<2xi32, #tpu.memory_space<vmem>>
        %dma_start3A_616 = arith.constant 0 : i32
        %dma_start3A_617 = arith.constant 0 : i32
        %dma_start3A_618 = tpu.memref_slice %arg9[%dma_start3A_616, %dma_start3A_617] : memref<1024x384xi32, #tpu.memory_space<hbm>> -> memref<1024x384xi32, #tpu.memory_space<hbm>>
        tpu.enqueue_indirect_dma source(%dma_start3A_618 : memref<1024x384xi32, #tpu.memory_space<hbm>>) target(%dma_start3A_612 : memref<2x384xi32, #tpu.memory_space<vmem>>) offsets(%dma_start3A_615 : memref<2xi32, #tpu.memory_space<vmem>>) semaphore(%arg17 : memref<!tpu.dma_semaphore, #tpu.memory_space<semaphore_mem>>)
        %dma_start3A_619 = arith.constant 7 : i32
        %dma_start3A_620 = arith.constant 1 : i32
        %dma_start3A_621 = arith.constant 7 : i32
        %dma_start3A_622 = arith.constant 0 : i32
        %dma_start3A_623 = arith.constant 0 : i32
        %dma_start3A_624 = tpu.memref_slice %arg14[%dma_start3A_620, %dma_start3A_621, %dma_start3A_622, %dma_start3A_623] : memref<2x9x2x384xi32, #tpu.memory_space<vmem>> -> memref<1x1x2x384xi32, #tpu.memory_space<vmem>>
        %dma_start3A_625 = tpu.memref_squeeze %dma_start3A_624 : memref<1x1x2x384xi32, #tpu.memory_space<vmem>> -> memref<2x384xi32, #tpu.memory_space<vmem>>
        %dma_start3A_626 = arith.constant 0 : i32
        %dma_start3A_627 = tpu.memref_slice %arg13[%dma_start3A_619, %add3A_522, %dma_start3A_626] : memref<9x32x2xi32, #tpu.memory_space<vmem>> -> memref<1x1x2xi32, #tpu.memory_space<vmem>>
        %dma_start3A_628 = tpu.memref_squeeze %dma_start3A_627 : memref<1x1x2xi32, #tpu.memory_space<vmem>> -> memref<2xi32, #tpu.memory_space<vmem>>
        %dma_start3A_629 = arith.constant 0 : i32
        %dma_start3A_630 = arith.constant 0 : i32
        %dma_start3A_631 = tpu.memref_slice %arg10[%dma_start3A_629, %dma_start3A_630] : memref<1024x384xi32, #tpu.memory_space<hbm>> -> memref<1024x384xi32, #tpu.memory_space<hbm>>
        tpu.enqueue_indirect_dma source(%dma_start3A_631 : memref<1024x384xi32, #tpu.memory_space<hbm>>) target(%dma_start3A_625 : memref<2x384xi32, #tpu.memory_space<vmem>>) offsets(%dma_start3A_628 : memref<2xi32, #tpu.memory_space<vmem>>) semaphore(%arg17 : memref<!tpu.dma_semaphore, #tpu.memory_space<semaphore_mem>>)
        %dma_start3A_632 = arith.constant 8 : i32
        %dma_start3A_633 = arith.constant 1 : i32
        %dma_start3A_634 = arith.constant 8 : i32
        %dma_start3A_635 = arith.constant 0 : i32
        %dma_start3A_636 = arith.constant 0 : i32
        %dma_start3A_637 = tpu.memref_slice %arg14[%dma_start3A_633, %dma_start3A_634, %dma_start3A_635, %dma_start3A_636] : memref<2x9x2x384xi32, #tpu.memory_space<vmem>> -> memref<1x1x2x384xi32, #tpu.memory_space<vmem>>
        %dma_start3A_638 = tpu.memref_squeeze %dma_start3A_637 : memref<1x1x2x384xi32, #tpu.memory_space<vmem>> -> memref<2x384xi32, #tpu.memory_space<vmem>>
        %dma_start3A_639 = arith.constant 0 : i32
        %dma_start3A_640 = tpu.memref_slice %arg13[%dma_start3A_632, %add3A_522, %dma_start3A_639] : memref<9x32x2xi32, #tpu.memory_space<vmem>> -> memref<1x1x2xi32, #tpu.memory_space<vmem>>
        %dma_start3A_641 = tpu.memref_squeeze %dma_start3A_640 : memref<1x1x2xi32, #tpu.memory_space<vmem>> -> memref<2xi32, #tpu.memory_space<vmem>>
        %dma_start3A_642 = arith.constant 0 : i32
        %dma_start3A_643 = arith.constant 0 : i32
        %dma_start3A_644 = tpu.memref_slice %arg11[%dma_start3A_642, %dma_start3A_643] : memref<2048x384xi32, #tpu.memory_space<hbm>> -> memref<2048x384xi32, #tpu.memory_space<hbm>>
        tpu.enqueue_indirect_dma source(%dma_start3A_644 : memref<2048x384xi32, #tpu.memory_space<hbm>>) target(%dma_start3A_638 : memref<2x384xi32, #tpu.memory_space<vmem>>) offsets(%dma_start3A_641 : memref<2xi32, #tpu.memory_space<vmem>>) semaphore(%arg17 : memref<!tpu.dma_semaphore, #tpu.memory_space<semaphore_mem>>)
      } else {
      }
    }
    %scan3A_262 = arith.constant 16 : i32
    "tpu.region"() ({
      %run_scoped3A = tpu.sem_alloc : memref<!tpu.dma_semaphore, #tpu.memory_space<semaphore_mem>>
      %dma_start3A_263 = arith.constant 0 : i32
      %dma_start3A_264 = arith.constant 0 : i32
      %dma_start3A_265 = tpu.memref_slice %arg12[%add3A, %dma_start3A_263, %dma_start3A_264] : memref<32x32x384xi32, #tpu.memory_space<hbm>> -> memref<1x32x384xi32, #tpu.memory_space<hbm>>
      %dma_start3A_266 = tpu.memref_squeeze %dma_start3A_265 : memref<1x32x384xi32, #tpu.memory_space<hbm>> -> memref<32x384xi32, #tpu.memory_space<hbm>>
      %dma_start3A_267 = arith.constant 0 : i32
      %dma_start3A_268 = arith.constant 0 : i32
      %dma_start3A_269 = tpu.memref_slice %arg12[%add3A, %dma_start3A_267, %dma_start3A_268] : memref<32x32x384xi32, #tpu.memory_space<hbm>> -> memref<1x32x384xi32, #tpu.memory_space<hbm>>
      %dma_start3A_270 = tpu.memref_squeeze %dma_start3A_269 : memref<1x32x384xi32, #tpu.memory_space<hbm>> -> memref<32x384xi32, #tpu.memory_space<hbm>>
      tpu.enqueue_dma source(%arg15 : memref<32x384xi32, #tpu.memory_space<vmem>>) target(%dma_start3A_270 : memref<32x384xi32, #tpu.memory_space<hbm>>) target_semaphore(%run_scoped3A : memref<!tpu.dma_semaphore, #tpu.memory_space<semaphore_mem>>)
      %dma_wait3A = arith.constant 0 : i32
      %dma_wait3A_271 = arith.constant 0 : i32
      %dma_wait3A_272 = tpu.memref_slice %arg12[%add3A, %dma_wait3A, %dma_wait3A_271] : memref<32x32x384xi32, #tpu.memory_space<hbm>> -> memref<1x32x384xi32, #tpu.memory_space<hbm>>
      %dma_wait3A_273 = tpu.memref_squeeze %dma_wait3A_272 : memref<1x32x384xi32, #tpu.memory_space<hbm>> -> memref<32x384xi32, #tpu.memory_space<hbm>>
      %dma_wait3A_274 = arith.constant 0 : i32
      %dma_wait3A_275 = arith.constant 0 : i32
      %dma_wait3A_276 = tpu.memref_slice %arg12[%add3A, %dma_wait3A_274, %dma_wait3A_275] : memref<32x32x384xi32, #tpu.memory_space<hbm>> -> memref<1x32x384xi32, #tpu.memory_space<hbm>>
      %dma_wait3A_277 = tpu.memref_squeeze %dma_wait3A_276 : memref<1x32x384xi32, #tpu.memory_space<hbm>> -> memref<32x384xi32, #tpu.memory_space<hbm>>
      tpu.wait_dma2 semaphore(%run_scoped3A : memref<!tpu.dma_semaphore, #tpu.memory_space<semaphore_mem>>) src(%arg15 : memref<32x384xi32, #tpu.memory_space<vmem>>) dst(%dma_wait3A_277 : memref<32x384xi32, #tpu.memory_space<hbm>>)
      tpu.yield
    }) : () -> ()
    return
  }
}

module attributes {stable_mosaic.version = 14 : i64} {
  func.func @_pack_body(%arg0: i32, %arg1: memref<64x10000xf32, #tpu.memory_space<vmem>>, %arg2: memref<64x384xi32, #tpu.memory_space<vmem>>) attributes {dimension_semantics = [#tpu.dimension_semantics<arbitrary>], iteration_bounds = array<i64: 16>, scalar_prefetch = 0 : i64, scratch_operands = 0 : i64, tpu.core_type = #tpu.core_type<tc>, window_params = [{transform_indices = @transform_0, window_bounds = array<i64: 64, 10000>}, {transform_indices = @transform_1, window_bounds = array<i64: 64, 384>}]} {
    %get3A = arith.constant 0 : index
    %get3A_0 = arith.constant 0 : index
    %get3A_1 = vector.load %arg1[%get3A, %get3A_0] : memref<64x10000xf32, #tpu.memory_space<vmem>>, vector<64x10000xf32>
    %broadcast_in_dim3A = arith.constant 1.000000e+00 : f32
    %broadcast_in_dim3A_2 = vector.broadcast %broadcast_in_dim3A : f32 to vector<64x2288xf32>
    %concatenate3A = tpu.concatenate %get3A_1, %broadcast_in_dim3A_2 in 1 : vector<64x10000xf32>, vector<64x2288xf32> -> vector<64x12288xf32>
    %broadcast_in_dim3A_3 = arith.constant 0 : i32
    %broadcast_in_dim3A_4 = vector.broadcast %broadcast_in_dim3A_3 : i32 to vector<64x384xi32>
    %slice3A = vector.extract_strided_slice %concatenate3A {offsets = [0, 0], sizes = [64, 384], strides = [1, 1]} : vector<64x12288xf32> to vector<64x384xf32>
    %lt3A = arith.constant 0.000000e+00 : f32
    %lt3A_5 = vector.broadcast %lt3A : f32 to vector<64x384xf32>
    %lt3A_6 = arith.cmpf olt, %slice3A, %lt3A_5 : vector<64x384xf32>
    %convert_element_type3A = arith.extui %lt3A_6 : vector<64x384xi1> to vector<64x384xi32>
    %shift_left3A = arith.constant 0 : i32
    %shift_left3A_7 = vector.broadcast %shift_left3A : i32 to vector<64x384xi32>
    %shift_left3A_8 = arith.shli %convert_element_type3A, %shift_left3A_7 : vector<64x384xi32>
    %or3A = arith.ori %broadcast_in_dim3A_4, %shift_left3A_8 : vector<64x384xi32>
    %slice3A_9 = vector.extract_strided_slice %concatenate3A {offsets = [0, 384], sizes = [64, 384], strides = [1, 1]} : vector<64x12288xf32> to vector<64x384xf32>
    %lt3A_10 = arith.constant 0.000000e+00 : f32
    %lt3A_11 = vector.broadcast %lt3A_10 : f32 to vector<64x384xf32>
    %lt3A_12 = arith.cmpf olt, %slice3A_9, %lt3A_11 : vector<64x384xf32>
    %convert_element_type3A_13 = arith.extui %lt3A_12 : vector<64x384xi1> to vector<64x384xi32>
    %shift_left3A_14 = arith.constant 1 : i32
    %shift_left3A_15 = vector.broadcast %shift_left3A_14 : i32 to vector<64x384xi32>
    %shift_left3A_16 = arith.shli %convert_element_type3A_13, %shift_left3A_15 : vector<64x384xi32>
    %or3A_17 = arith.ori %or3A, %shift_left3A_16 : vector<64x384xi32>
    %slice3A_18 = vector.extract_strided_slice %concatenate3A {offsets = [0, 768], sizes = [64, 384], strides = [1, 1]} : vector<64x12288xf32> to vector<64x384xf32>
    %lt3A_19 = arith.constant 0.000000e+00 : f32
    %lt3A_20 = vector.broadcast %lt3A_19 : f32 to vector<64x384xf32>
    %lt3A_21 = arith.cmpf olt, %slice3A_18, %lt3A_20 : vector<64x384xf32>
    %convert_element_type3A_22 = arith.extui %lt3A_21 : vector<64x384xi1> to vector<64x384xi32>
    %shift_left3A_23 = arith.constant 2 : i32
    %shift_left3A_24 = vector.broadcast %shift_left3A_23 : i32 to vector<64x384xi32>
    %shift_left3A_25 = arith.shli %convert_element_type3A_22, %shift_left3A_24 : vector<64x384xi32>
    %or3A_26 = arith.ori %or3A_17, %shift_left3A_25 : vector<64x384xi32>
    %slice3A_27 = vector.extract_strided_slice %concatenate3A {offsets = [0, 1152], sizes = [64, 384], strides = [1, 1]} : vector<64x12288xf32> to vector<64x384xf32>
    %lt3A_28 = arith.constant 0.000000e+00 : f32
    %lt3A_29 = vector.broadcast %lt3A_28 : f32 to vector<64x384xf32>
    %lt3A_30 = arith.cmpf olt, %slice3A_27, %lt3A_29 : vector<64x384xf32>
    %convert_element_type3A_31 = arith.extui %lt3A_30 : vector<64x384xi1> to vector<64x384xi32>
    %shift_left3A_32 = arith.constant 3 : i32
    %shift_left3A_33 = vector.broadcast %shift_left3A_32 : i32 to vector<64x384xi32>
    %shift_left3A_34 = arith.shli %convert_element_type3A_31, %shift_left3A_33 : vector<64x384xi32>
    %or3A_35 = arith.ori %or3A_26, %shift_left3A_34 : vector<64x384xi32>
    %slice3A_36 = vector.extract_strided_slice %concatenate3A {offsets = [0, 1536], sizes = [64, 384], strides = [1, 1]} : vector<64x12288xf32> to vector<64x384xf32>
    %lt3A_37 = arith.constant 0.000000e+00 : f32
    %lt3A_38 = vector.broadcast %lt3A_37 : f32 to vector<64x384xf32>
    %lt3A_39 = arith.cmpf olt, %slice3A_36, %lt3A_38 : vector<64x384xf32>
    %convert_element_type3A_40 = arith.extui %lt3A_39 : vector<64x384xi1> to vector<64x384xi32>
    %shift_left3A_41 = arith.constant 4 : i32
    %shift_left3A_42 = vector.broadcast %shift_left3A_41 : i32 to vector<64x384xi32>
    %shift_left3A_43 = arith.shli %convert_element_type3A_40, %shift_left3A_42 : vector<64x384xi32>
    %or3A_44 = arith.ori %or3A_35, %shift_left3A_43 : vector<64x384xi32>
    %slice3A_45 = vector.extract_strided_slice %concatenate3A {offsets = [0, 1920], sizes = [64, 384], strides = [1, 1]} : vector<64x12288xf32> to vector<64x384xf32>
    %lt3A_46 = arith.constant 0.000000e+00 : f32
    %lt3A_47 = vector.broadcast %lt3A_46 : f32 to vector<64x384xf32>
    %lt3A_48 = arith.cmpf olt, %slice3A_45, %lt3A_47 : vector<64x384xf32>
    %convert_element_type3A_49 = arith.extui %lt3A_48 : vector<64x384xi1> to vector<64x384xi32>
    %shift_left3A_50 = arith.constant 5 : i32
    %shift_left3A_51 = vector.broadcast %shift_left3A_50 : i32 to vector<64x384xi32>
    %shift_left3A_52 = arith.shli %convert_element_type3A_49, %shift_left3A_51 : vector<64x384xi32>
    %or3A_53 = arith.ori %or3A_44, %shift_left3A_52 : vector<64x384xi32>
    %slice3A_54 = vector.extract_strided_slice %concatenate3A {offsets = [0, 2304], sizes = [64, 384], strides = [1, 1]} : vector<64x12288xf32> to vector<64x384xf32>
    %lt3A_55 = arith.constant 0.000000e+00 : f32
    %lt3A_56 = vector.broadcast %lt3A_55 : f32 to vector<64x384xf32>
    %lt3A_57 = arith.cmpf olt, %slice3A_54, %lt3A_56 : vector<64x384xf32>
    %convert_element_type3A_58 = arith.extui %lt3A_57 : vector<64x384xi1> to vector<64x384xi32>
    %shift_left3A_59 = arith.constant 6 : i32
    %shift_left3A_60 = vector.broadcast %shift_left3A_59 : i32 to vector<64x384xi32>
    %shift_left3A_61 = arith.shli %convert_element_type3A_58, %shift_left3A_60 : vector<64x384xi32>
    %or3A_62 = arith.ori %or3A_53, %shift_left3A_61 : vector<64x384xi32>
    %slice3A_63 = vector.extract_strided_slice %concatenate3A {offsets = [0, 2688], sizes = [64, 384], strides = [1, 1]} : vector<64x12288xf32> to vector<64x384xf32>
    %lt3A_64 = arith.constant 0.000000e+00 : f32
    %lt3A_65 = vector.broadcast %lt3A_64 : f32 to vector<64x384xf32>
    %lt3A_66 = arith.cmpf olt, %slice3A_63, %lt3A_65 : vector<64x384xf32>
    %convert_element_type3A_67 = arith.extui %lt3A_66 : vector<64x384xi1> to vector<64x384xi32>
    %shift_left3A_68 = arith.constant 7 : i32
    %shift_left3A_69 = vector.broadcast %shift_left3A_68 : i32 to vector<64x384xi32>
    %shift_left3A_70 = arith.shli %convert_element_type3A_67, %shift_left3A_69 : vector<64x384xi32>
    %or3A_71 = arith.ori %or3A_62, %shift_left3A_70 : vector<64x384xi32>
    %slice3A_72 = vector.extract_strided_slice %concatenate3A {offsets = [0, 3072], sizes = [64, 384], strides = [1, 1]} : vector<64x12288xf32> to vector<64x384xf32>
    %lt3A_73 = arith.constant 0.000000e+00 : f32
    %lt3A_74 = vector.broadcast %lt3A_73 : f32 to vector<64x384xf32>
    %lt3A_75 = arith.cmpf olt, %slice3A_72, %lt3A_74 : vector<64x384xf32>
    %convert_element_type3A_76 = arith.extui %lt3A_75 : vector<64x384xi1> to vector<64x384xi32>
    %shift_left3A_77 = arith.constant 8 : i32
    %shift_left3A_78 = vector.broadcast %shift_left3A_77 : i32 to vector<64x384xi32>
    %shift_left3A_79 = arith.shli %convert_element_type3A_76, %shift_left3A_78 : vector<64x384xi32>
    %or3A_80 = arith.ori %or3A_71, %shift_left3A_79 : vector<64x384xi32>
    %slice3A_81 = vector.extract_strided_slice %concatenate3A {offsets = [0, 3456], sizes = [64, 384], strides = [1, 1]} : vector<64x12288xf32> to vector<64x384xf32>
    %lt3A_82 = arith.constant 0.000000e+00 : f32
    %lt3A_83 = vector.broadcast %lt3A_82 : f32 to vector<64x384xf32>
    %lt3A_84 = arith.cmpf olt, %slice3A_81, %lt3A_83 : vector<64x384xf32>
    %convert_element_type3A_85 = arith.extui %lt3A_84 : vector<64x384xi1> to vector<64x384xi32>
    %shift_left3A_86 = arith.constant 9 : i32
    %shift_left3A_87 = vector.broadcast %shift_left3A_86 : i32 to vector<64x384xi32>
    %shift_left3A_88 = arith.shli %convert_element_type3A_85, %shift_left3A_87 : vector<64x384xi32>
    %or3A_89 = arith.ori %or3A_80, %shift_left3A_88 : vector<64x384xi32>
    %slice3A_90 = vector.extract_strided_slice %concatenate3A {offsets = [0, 3840], sizes = [64, 384], strides = [1, 1]} : vector<64x12288xf32> to vector<64x384xf32>
    %lt3A_91 = arith.constant 0.000000e+00 : f32
    %lt3A_92 = vector.broadcast %lt3A_91 : f32 to vector<64x384xf32>
    %lt3A_93 = arith.cmpf olt, %slice3A_90, %lt3A_92 : vector<64x384xf32>
    %convert_element_type3A_94 = arith.extui %lt3A_93 : vector<64x384xi1> to vector<64x384xi32>
    %shift_left3A_95 = arith.constant 10 : i32
    %shift_left3A_96 = vector.broadcast %shift_left3A_95 : i32 to vector<64x384xi32>
    %shift_left3A_97 = arith.shli %convert_element_type3A_94, %shift_left3A_96 : vector<64x384xi32>
    %or3A_98 = arith.ori %or3A_89, %shift_left3A_97 : vector<64x384xi32>
    %slice3A_99 = vector.extract_strided_slice %concatenate3A {offsets = [0, 4224], sizes = [64, 384], strides = [1, 1]} : vector<64x12288xf32> to vector<64x384xf32>
    %lt3A_100 = arith.constant 0.000000e+00 : f32
    %lt3A_101 = vector.broadcast %lt3A_100 : f32 to vector<64x384xf32>
    %lt3A_102 = arith.cmpf olt, %slice3A_99, %lt3A_101 : vector<64x384xf32>
    %convert_element_type3A_103 = arith.extui %lt3A_102 : vector<64x384xi1> to vector<64x384xi32>
    %shift_left3A_104 = arith.constant 11 : i32
    %shift_left3A_105 = vector.broadcast %shift_left3A_104 : i32 to vector<64x384xi32>
    %shift_left3A_106 = arith.shli %convert_element_type3A_103, %shift_left3A_105 : vector<64x384xi32>
    %or3A_107 = arith.ori %or3A_98, %shift_left3A_106 : vector<64x384xi32>
    %slice3A_108 = vector.extract_strided_slice %concatenate3A {offsets = [0, 4608], sizes = [64, 384], strides = [1, 1]} : vector<64x12288xf32> to vector<64x384xf32>
    %lt3A_109 = arith.constant 0.000000e+00 : f32
    %lt3A_110 = vector.broadcast %lt3A_109 : f32 to vector<64x384xf32>
    %lt3A_111 = arith.cmpf olt, %slice3A_108, %lt3A_110 : vector<64x384xf32>
    %convert_element_type3A_112 = arith.extui %lt3A_111 : vector<64x384xi1> to vector<64x384xi32>
    %shift_left3A_113 = arith.constant 12 : i32
    %shift_left3A_114 = vector.broadcast %shift_left3A_113 : i32 to vector<64x384xi32>
    %shift_left3A_115 = arith.shli %convert_element_type3A_112, %shift_left3A_114 : vector<64x384xi32>
    %or3A_116 = arith.ori %or3A_107, %shift_left3A_115 : vector<64x384xi32>
    %slice3A_117 = vector.extract_strided_slice %concatenate3A {offsets = [0, 4992], sizes = [64, 384], strides = [1, 1]} : vector<64x12288xf32> to vector<64x384xf32>
    %lt3A_118 = arith.constant 0.000000e+00 : f32
    %lt3A_119 = vector.broadcast %lt3A_118 : f32 to vector<64x384xf32>
    %lt3A_120 = arith.cmpf olt, %slice3A_117, %lt3A_119 : vector<64x384xf32>
    %convert_element_type3A_121 = arith.extui %lt3A_120 : vector<64x384xi1> to vector<64x384xi32>
    %shift_left3A_122 = arith.constant 13 : i32
    %shift_left3A_123 = vector.broadcast %shift_left3A_122 : i32 to vector<64x384xi32>
    %shift_left3A_124 = arith.shli %convert_element_type3A_121, %shift_left3A_123 : vector<64x384xi32>
    %or3A_125 = arith.ori %or3A_116, %shift_left3A_124 : vector<64x384xi32>
    %slice3A_126 = vector.extract_strided_slice %concatenate3A {offsets = [0, 5376], sizes = [64, 384], strides = [1, 1]} : vector<64x12288xf32> to vector<64x384xf32>
    %lt3A_127 = arith.constant 0.000000e+00 : f32
    %lt3A_128 = vector.broadcast %lt3A_127 : f32 to vector<64x384xf32>
    %lt3A_129 = arith.cmpf olt, %slice3A_126, %lt3A_128 : vector<64x384xf32>
    %convert_element_type3A_130 = arith.extui %lt3A_129 : vector<64x384xi1> to vector<64x384xi32>
    %shift_left3A_131 = arith.constant 14 : i32
    %shift_left3A_132 = vector.broadcast %shift_left3A_131 : i32 to vector<64x384xi32>
    %shift_left3A_133 = arith.shli %convert_element_type3A_130, %shift_left3A_132 : vector<64x384xi32>
    %or3A_134 = arith.ori %or3A_125, %shift_left3A_133 : vector<64x384xi32>
    %slice3A_135 = vector.extract_strided_slice %concatenate3A {offsets = [0, 5760], sizes = [64, 384], strides = [1, 1]} : vector<64x12288xf32> to vector<64x384xf32>
    %lt3A_136 = arith.constant 0.000000e+00 : f32
    %lt3A_137 = vector.broadcast %lt3A_136 : f32 to vector<64x384xf32>
    %lt3A_138 = arith.cmpf olt, %slice3A_135, %lt3A_137 : vector<64x384xf32>
    %convert_element_type3A_139 = arith.extui %lt3A_138 : vector<64x384xi1> to vector<64x384xi32>
    %shift_left3A_140 = arith.constant 15 : i32
    %shift_left3A_141 = vector.broadcast %shift_left3A_140 : i32 to vector<64x384xi32>
    %shift_left3A_142 = arith.shli %convert_element_type3A_139, %shift_left3A_141 : vector<64x384xi32>
    %or3A_143 = arith.ori %or3A_134, %shift_left3A_142 : vector<64x384xi32>
    %slice3A_144 = vector.extract_strided_slice %concatenate3A {offsets = [0, 6144], sizes = [64, 384], strides = [1, 1]} : vector<64x12288xf32> to vector<64x384xf32>
    %lt3A_145 = arith.constant 0.000000e+00 : f32
    %lt3A_146 = vector.broadcast %lt3A_145 : f32 to vector<64x384xf32>
    %lt3A_147 = arith.cmpf olt, %slice3A_144, %lt3A_146 : vector<64x384xf32>
    %convert_element_type3A_148 = arith.extui %lt3A_147 : vector<64x384xi1> to vector<64x384xi32>
    %shift_left3A_149 = arith.constant 16 : i32
    %shift_left3A_150 = vector.broadcast %shift_left3A_149 : i32 to vector<64x384xi32>
    %shift_left3A_151 = arith.shli %convert_element_type3A_148, %shift_left3A_150 : vector<64x384xi32>
    %or3A_152 = arith.ori %or3A_143, %shift_left3A_151 : vector<64x384xi32>
    %slice3A_153 = vector.extract_strided_slice %concatenate3A {offsets = [0, 6528], sizes = [64, 384], strides = [1, 1]} : vector<64x12288xf32> to vector<64x384xf32>
    %lt3A_154 = arith.constant 0.000000e+00 : f32
    %lt3A_155 = vector.broadcast %lt3A_154 : f32 to vector<64x384xf32>
    %lt3A_156 = arith.cmpf olt, %slice3A_153, %lt3A_155 : vector<64x384xf32>
    %convert_element_type3A_157 = arith.extui %lt3A_156 : vector<64x384xi1> to vector<64x384xi32>
    %shift_left3A_158 = arith.constant 17 : i32
    %shift_left3A_159 = vector.broadcast %shift_left3A_158 : i32 to vector<64x384xi32>
    %shift_left3A_160 = arith.shli %convert_element_type3A_157, %shift_left3A_159 : vector<64x384xi32>
    %or3A_161 = arith.ori %or3A_152, %shift_left3A_160 : vector<64x384xi32>
    %slice3A_162 = vector.extract_strided_slice %concatenate3A {offsets = [0, 6912], sizes = [64, 384], strides = [1, 1]} : vector<64x12288xf32> to vector<64x384xf32>
    %lt3A_163 = arith.constant 0.000000e+00 : f32
    %lt3A_164 = vector.broadcast %lt3A_163 : f32 to vector<64x384xf32>
    %lt3A_165 = arith.cmpf olt, %slice3A_162, %lt3A_164 : vector<64x384xf32>
    %convert_element_type3A_166 = arith.extui %lt3A_165 : vector<64x384xi1> to vector<64x384xi32>
    %shift_left3A_167 = arith.constant 18 : i32
    %shift_left3A_168 = vector.broadcast %shift_left3A_167 : i32 to vector<64x384xi32>
    %shift_left3A_169 = arith.shli %convert_element_type3A_166, %shift_left3A_168 : vector<64x384xi32>
    %or3A_170 = arith.ori %or3A_161, %shift_left3A_169 : vector<64x384xi32>
    %slice3A_171 = vector.extract_strided_slice %concatenate3A {offsets = [0, 7296], sizes = [64, 384], strides = [1, 1]} : vector<64x12288xf32> to vector<64x384xf32>
    %lt3A_172 = arith.constant 0.000000e+00 : f32
    %lt3A_173 = vector.broadcast %lt3A_172 : f32 to vector<64x384xf32>
    %lt3A_174 = arith.cmpf olt, %slice3A_171, %lt3A_173 : vector<64x384xf32>
    %convert_element_type3A_175 = arith.extui %lt3A_174 : vector<64x384xi1> to vector<64x384xi32>
    %shift_left3A_176 = arith.constant 19 : i32
    %shift_left3A_177 = vector.broadcast %shift_left3A_176 : i32 to vector<64x384xi32>
    %shift_left3A_178 = arith.shli %convert_element_type3A_175, %shift_left3A_177 : vector<64x384xi32>
    %or3A_179 = arith.ori %or3A_170, %shift_left3A_178 : vector<64x384xi32>
    %slice3A_180 = vector.extract_strided_slice %concatenate3A {offsets = [0, 7680], sizes = [64, 384], strides = [1, 1]} : vector<64x12288xf32> to vector<64x384xf32>
    %lt3A_181 = arith.constant 0.000000e+00 : f32
    %lt3A_182 = vector.broadcast %lt3A_181 : f32 to vector<64x384xf32>
    %lt3A_183 = arith.cmpf olt, %slice3A_180, %lt3A_182 : vector<64x384xf32>
    %convert_element_type3A_184 = arith.extui %lt3A_183 : vector<64x384xi1> to vector<64x384xi32>
    %shift_left3A_185 = arith.constant 20 : i32
    %shift_left3A_186 = vector.broadcast %shift_left3A_185 : i32 to vector<64x384xi32>
    %shift_left3A_187 = arith.shli %convert_element_type3A_184, %shift_left3A_186 : vector<64x384xi32>
    %or3A_188 = arith.ori %or3A_179, %shift_left3A_187 : vector<64x384xi32>
    %slice3A_189 = vector.extract_strided_slice %concatenate3A {offsets = [0, 8064], sizes = [64, 384], strides = [1, 1]} : vector<64x12288xf32> to vector<64x384xf32>
    %lt3A_190 = arith.constant 0.000000e+00 : f32
    %lt3A_191 = vector.broadcast %lt3A_190 : f32 to vector<64x384xf32>
    %lt3A_192 = arith.cmpf olt, %slice3A_189, %lt3A_191 : vector<64x384xf32>
    %convert_element_type3A_193 = arith.extui %lt3A_192 : vector<64x384xi1> to vector<64x384xi32>
    %shift_left3A_194 = arith.constant 21 : i32
    %shift_left3A_195 = vector.broadcast %shift_left3A_194 : i32 to vector<64x384xi32>
    %shift_left3A_196 = arith.shli %convert_element_type3A_193, %shift_left3A_195 : vector<64x384xi32>
    %or3A_197 = arith.ori %or3A_188, %shift_left3A_196 : vector<64x384xi32>
    %slice3A_198 = vector.extract_strided_slice %concatenate3A {offsets = [0, 8448], sizes = [64, 384], strides = [1, 1]} : vector<64x12288xf32> to vector<64x384xf32>
    %lt3A_199 = arith.constant 0.000000e+00 : f32
    %lt3A_200 = vector.broadcast %lt3A_199 : f32 to vector<64x384xf32>
    %lt3A_201 = arith.cmpf olt, %slice3A_198, %lt3A_200 : vector<64x384xf32>
    %convert_element_type3A_202 = arith.extui %lt3A_201 : vector<64x384xi1> to vector<64x384xi32>
    %shift_left3A_203 = arith.constant 22 : i32
    %shift_left3A_204 = vector.broadcast %shift_left3A_203 : i32 to vector<64x384xi32>
    %shift_left3A_205 = arith.shli %convert_element_type3A_202, %shift_left3A_204 : vector<64x384xi32>
    %or3A_206 = arith.ori %or3A_197, %shift_left3A_205 : vector<64x384xi32>
    %slice3A_207 = vector.extract_strided_slice %concatenate3A {offsets = [0, 8832], sizes = [64, 384], strides = [1, 1]} : vector<64x12288xf32> to vector<64x384xf32>
    %lt3A_208 = arith.constant 0.000000e+00 : f32
    %lt3A_209 = vector.broadcast %lt3A_208 : f32 to vector<64x384xf32>
    %lt3A_210 = arith.cmpf olt, %slice3A_207, %lt3A_209 : vector<64x384xf32>
    %convert_element_type3A_211 = arith.extui %lt3A_210 : vector<64x384xi1> to vector<64x384xi32>
    %shift_left3A_212 = arith.constant 23 : i32
    %shift_left3A_213 = vector.broadcast %shift_left3A_212 : i32 to vector<64x384xi32>
    %shift_left3A_214 = arith.shli %convert_element_type3A_211, %shift_left3A_213 : vector<64x384xi32>
    %or3A_215 = arith.ori %or3A_206, %shift_left3A_214 : vector<64x384xi32>
    %slice3A_216 = vector.extract_strided_slice %concatenate3A {offsets = [0, 9216], sizes = [64, 384], strides = [1, 1]} : vector<64x12288xf32> to vector<64x384xf32>
    %lt3A_217 = arith.constant 0.000000e+00 : f32
    %lt3A_218 = vector.broadcast %lt3A_217 : f32 to vector<64x384xf32>
    %lt3A_219 = arith.cmpf olt, %slice3A_216, %lt3A_218 : vector<64x384xf32>
    %convert_element_type3A_220 = arith.extui %lt3A_219 : vector<64x384xi1> to vector<64x384xi32>
    %shift_left3A_221 = arith.constant 24 : i32
    %shift_left3A_222 = vector.broadcast %shift_left3A_221 : i32 to vector<64x384xi32>
    %shift_left3A_223 = arith.shli %convert_element_type3A_220, %shift_left3A_222 : vector<64x384xi32>
    %or3A_224 = arith.ori %or3A_215, %shift_left3A_223 : vector<64x384xi32>
    %slice3A_225 = vector.extract_strided_slice %concatenate3A {offsets = [0, 9600], sizes = [64, 384], strides = [1, 1]} : vector<64x12288xf32> to vector<64x384xf32>
    %lt3A_226 = arith.constant 0.000000e+00 : f32
    %lt3A_227 = vector.broadcast %lt3A_226 : f32 to vector<64x384xf32>
    %lt3A_228 = arith.cmpf olt, %slice3A_225, %lt3A_227 : vector<64x384xf32>
    %convert_element_type3A_229 = arith.extui %lt3A_228 : vector<64x384xi1> to vector<64x384xi32>
    %shift_left3A_230 = arith.constant 25 : i32
    %shift_left3A_231 = vector.broadcast %shift_left3A_230 : i32 to vector<64x384xi32>
    %shift_left3A_232 = arith.shli %convert_element_type3A_229, %shift_left3A_231 : vector<64x384xi32>
    %or3A_233 = arith.ori %or3A_224, %shift_left3A_232 : vector<64x384xi32>
    %slice3A_234 = vector.extract_strided_slice %concatenate3A {offsets = [0, 9984], sizes = [64, 384], strides = [1, 1]} : vector<64x12288xf32> to vector<64x384xf32>
    %lt3A_235 = arith.constant 0.000000e+00 : f32
    %lt3A_236 = vector.broadcast %lt3A_235 : f32 to vector<64x384xf32>
    %lt3A_237 = arith.cmpf olt, %slice3A_234, %lt3A_236 : vector<64x384xf32>
    %convert_element_type3A_238 = arith.extui %lt3A_237 : vector<64x384xi1> to vector<64x384xi32>
    %shift_left3A_239 = arith.constant 26 : i32
    %shift_left3A_240 = vector.broadcast %shift_left3A_239 : i32 to vector<64x384xi32>
    %shift_left3A_241 = arith.shli %convert_element_type3A_238, %shift_left3A_240 : vector<64x384xi32>
    %or3A_242 = arith.ori %or3A_233, %shift_left3A_241 : vector<64x384xi32>
    %slice3A_243 = vector.extract_strided_slice %concatenate3A {offsets = [0, 10368], sizes = [64, 384], strides = [1, 1]} : vector<64x12288xf32> to vector<64x384xf32>
    %lt3A_244 = arith.constant 0.000000e+00 : f32
    %lt3A_245 = vector.broadcast %lt3A_244 : f32 to vector<64x384xf32>
    %lt3A_246 = arith.cmpf olt, %slice3A_243, %lt3A_245 : vector<64x384xf32>
    %convert_element_type3A_247 = arith.extui %lt3A_246 : vector<64x384xi1> to vector<64x384xi32>
    %shift_left3A_248 = arith.constant 27 : i32
    %shift_left3A_249 = vector.broadcast %shift_left3A_248 : i32 to vector<64x384xi32>
    %shift_left3A_250 = arith.shli %convert_element_type3A_247, %shift_left3A_249 : vector<64x384xi32>
    %or3A_251 = arith.ori %or3A_242, %shift_left3A_250 : vector<64x384xi32>
    %slice3A_252 = vector.extract_strided_slice %concatenate3A {offsets = [0, 10752], sizes = [64, 384], strides = [1, 1]} : vector<64x12288xf32> to vector<64x384xf32>
    %lt3A_253 = arith.constant 0.000000e+00 : f32
    %lt3A_254 = vector.broadcast %lt3A_253 : f32 to vector<64x384xf32>
    %lt3A_255 = arith.cmpf olt, %slice3A_252, %lt3A_254 : vector<64x384xf32>
    %convert_element_type3A_256 = arith.extui %lt3A_255 : vector<64x384xi1> to vector<64x384xi32>
    %shift_left3A_257 = arith.constant 28 : i32
    %shift_left3A_258 = vector.broadcast %shift_left3A_257 : i32 to vector<64x384xi32>
    %shift_left3A_259 = arith.shli %convert_element_type3A_256, %shift_left3A_258 : vector<64x384xi32>
    %or3A_260 = arith.ori %or3A_251, %shift_left3A_259 : vector<64x384xi32>
    %slice3A_261 = vector.extract_strided_slice %concatenate3A {offsets = [0, 11136], sizes = [64, 384], strides = [1, 1]} : vector<64x12288xf32> to vector<64x384xf32>
    %lt3A_262 = arith.constant 0.000000e+00 : f32
    %lt3A_263 = vector.broadcast %lt3A_262 : f32 to vector<64x384xf32>
    %lt3A_264 = arith.cmpf olt, %slice3A_261, %lt3A_263 : vector<64x384xf32>
    %convert_element_type3A_265 = arith.extui %lt3A_264 : vector<64x384xi1> to vector<64x384xi32>
    %shift_left3A_266 = arith.constant 29 : i32
    %shift_left3A_267 = vector.broadcast %shift_left3A_266 : i32 to vector<64x384xi32>
    %shift_left3A_268 = arith.shli %convert_element_type3A_265, %shift_left3A_267 : vector<64x384xi32>
    %or3A_269 = arith.ori %or3A_260, %shift_left3A_268 : vector<64x384xi32>
    %slice3A_270 = vector.extract_strided_slice %concatenate3A {offsets = [0, 11520], sizes = [64, 384], strides = [1, 1]} : vector<64x12288xf32> to vector<64x384xf32>
    %lt3A_271 = arith.constant 0.000000e+00 : f32
    %lt3A_272 = vector.broadcast %lt3A_271 : f32 to vector<64x384xf32>
    %lt3A_273 = arith.cmpf olt, %slice3A_270, %lt3A_272 : vector<64x384xf32>
    %convert_element_type3A_274 = arith.extui %lt3A_273 : vector<64x384xi1> to vector<64x384xi32>
    %shift_left3A_275 = arith.constant 30 : i32
    %shift_left3A_276 = vector.broadcast %shift_left3A_275 : i32 to vector<64x384xi32>
    %shift_left3A_277 = arith.shli %convert_element_type3A_274, %shift_left3A_276 : vector<64x384xi32>
    %or3A_278 = arith.ori %or3A_269, %shift_left3A_277 : vector<64x384xi32>
    %slice3A_279 = vector.extract_strided_slice %concatenate3A {offsets = [0, 11904], sizes = [64, 384], strides = [1, 1]} : vector<64x12288xf32> to vector<64x384xf32>
    %lt3A_280 = arith.constant 0.000000e+00 : f32
    %lt3A_281 = vector.broadcast %lt3A_280 : f32 to vector<64x384xf32>
    %lt3A_282 = arith.cmpf olt, %slice3A_279, %lt3A_281 : vector<64x384xf32>
    %convert_element_type3A_283 = arith.extui %lt3A_282 : vector<64x384xi1> to vector<64x384xi32>
    %shift_left3A_284 = arith.constant 31 : i32
    %shift_left3A_285 = vector.broadcast %shift_left3A_284 : i32 to vector<64x384xi32>
    %shift_left3A_286 = arith.shli %convert_element_type3A_283, %shift_left3A_285 : vector<64x384xi32>
    %or3A_287 = arith.ori %or3A_278, %shift_left3A_286 : vector<64x384xi32>
    %swap3A = arith.constant 0 : index
    %swap3A_288 = arith.constant 0 : index
    %swap3A_289 = vector.load %arg2[%swap3A, %swap3A_288] : memref<64x384xi32, #tpu.memory_space<vmem>>, vector<64x384xi32>
    tpu.vector_store %arg2[%swap3A, %swap3A_288], %or3A_287 {strides = array<i32>} : memref<64x384xi32, #tpu.memory_space<vmem>>, vector<64x384xi32>,
    return
  }
  func.func @transform_0(%arg0: i32) -> (i32, i32) {
    %c0_i32 = arith.constant 0 : i32
    %c0_i32_0 = arith.constant 0 : i32
    return %arg0, %c0_i32 : i32, i32
  }
  func.func @transform_1(%arg0: i32) -> (i32, i32) {
    %c0_i32 = arith.constant 0 : i32
    %c0_i32_0 = arith.constant 0 : i32
    return %arg0, %c0_i32 : i32, i32
  }
}

module attributes {stable_mosaic.version = 14 : i64} {
  func.func @_pack_body(%arg0: i32, %arg1: memref<64x10000xf32, #tpu.memory_space<vmem>>, %arg2: memref<64x384xi32, #tpu.memory_space<vmem>>) attributes {dimension_semantics = [#tpu.dimension_semantics<arbitrary>], iteration_bounds = array<i64: 32>, scalar_prefetch = 0 : i64, scratch_operands = 0 : i64, tpu.core_type = #tpu.core_type<tc>, window_params = [{transform_indices = @transform_0, window_bounds = array<i64: 64, 10000>}, {transform_indices = @transform_1, window_bounds = array<i64: 64, 384>}]} {
    %get3A = arith.constant 0 : index
    %get3A_0 = arith.constant 0 : index
    %get3A_1 = vector.load %arg1[%get3A, %get3A_0] : memref<64x10000xf32, #tpu.memory_space<vmem>>, vector<64x10000xf32>
    %broadcast_in_dim3A = arith.constant 1.000000e+00 : f32
    %broadcast_in_dim3A_2 = vector.broadcast %broadcast_in_dim3A : f32 to vector<64x2288xf32>
    %concatenate3A = tpu.concatenate %get3A_1, %broadcast_in_dim3A_2 in 1 : vector<64x10000xf32>, vector<64x2288xf32> -> vector<64x12288xf32>
    %broadcast_in_dim3A_3 = arith.constant 0 : i32
    %broadcast_in_dim3A_4 = vector.broadcast %broadcast_in_dim3A_3 : i32 to vector<64x384xi32>
    %slice3A = vector.extract_strided_slice %concatenate3A {offsets = [0, 0], sizes = [64, 384], strides = [1, 1]} : vector<64x12288xf32> to vector<64x384xf32>
    %lt3A = arith.constant 0.000000e+00 : f32
    %lt3A_5 = vector.broadcast %lt3A : f32 to vector<64x384xf32>
    %lt3A_6 = arith.cmpf olt, %slice3A, %lt3A_5 : vector<64x384xf32>
    %convert_element_type3A = arith.extui %lt3A_6 : vector<64x384xi1> to vector<64x384xi32>
    %shift_left3A = arith.constant 0 : i32
    %shift_left3A_7 = vector.broadcast %shift_left3A : i32 to vector<64x384xi32>
    %shift_left3A_8 = arith.shli %convert_element_type3A, %shift_left3A_7 : vector<64x384xi32>
    %or3A = arith.ori %broadcast_in_dim3A_4, %shift_left3A_8 : vector<64x384xi32>
    %slice3A_9 = vector.extract_strided_slice %concatenate3A {offsets = [0, 384], sizes = [64, 384], strides = [1, 1]} : vector<64x12288xf32> to vector<64x384xf32>
    %lt3A_10 = arith.constant 0.000000e+00 : f32
    %lt3A_11 = vector.broadcast %lt3A_10 : f32 to vector<64x384xf32>
    %lt3A_12 = arith.cmpf olt, %slice3A_9, %lt3A_11 : vector<64x384xf32>
    %convert_element_type3A_13 = arith.extui %lt3A_12 : vector<64x384xi1> to vector<64x384xi32>
    %shift_left3A_14 = arith.constant 1 : i32
    %shift_left3A_15 = vector.broadcast %shift_left3A_14 : i32 to vector<64x384xi32>
    %shift_left3A_16 = arith.shli %convert_element_type3A_13, %shift_left3A_15 : vector<64x384xi32>
    %or3A_17 = arith.ori %or3A, %shift_left3A_16 : vector<64x384xi32>
    %slice3A_18 = vector.extract_strided_slice %concatenate3A {offsets = [0, 768], sizes = [64, 384], strides = [1, 1]} : vector<64x12288xf32> to vector<64x384xf32>
    %lt3A_19 = arith.constant 0.000000e+00 : f32
    %lt3A_20 = vector.broadcast %lt3A_19 : f32 to vector<64x384xf32>
    %lt3A_21 = arith.cmpf olt, %slice3A_18, %lt3A_20 : vector<64x384xf32>
    %convert_element_type3A_22 = arith.extui %lt3A_21 : vector<64x384xi1> to vector<64x384xi32>
    %shift_left3A_23 = arith.constant 2 : i32
    %shift_left3A_24 = vector.broadcast %shift_left3A_23 : i32 to vector<64x384xi32>
    %shift_left3A_25 = arith.shli %convert_element_type3A_22, %shift_left3A_24 : vector<64x384xi32>
    %or3A_26 = arith.ori %or3A_17, %shift_left3A_25 : vector<64x384xi32>
    %slice3A_27 = vector.extract_strided_slice %concatenate3A {offsets = [0, 1152], sizes = [64, 384], strides = [1, 1]} : vector<64x12288xf32> to vector<64x384xf32>
    %lt3A_28 = arith.constant 0.000000e+00 : f32
    %lt3A_29 = vector.broadcast %lt3A_28 : f32 to vector<64x384xf32>
    %lt3A_30 = arith.cmpf olt, %slice3A_27, %lt3A_29 : vector<64x384xf32>
    %convert_element_type3A_31 = arith.extui %lt3A_30 : vector<64x384xi1> to vector<64x384xi32>
    %shift_left3A_32 = arith.constant 3 : i32
    %shift_left3A_33 = vector.broadcast %shift_left3A_32 : i32 to vector<64x384xi32>
    %shift_left3A_34 = arith.shli %convert_element_type3A_31, %shift_left3A_33 : vector<64x384xi32>
    %or3A_35 = arith.ori %or3A_26, %shift_left3A_34 : vector<64x384xi32>
    %slice3A_36 = vector.extract_strided_slice %concatenate3A {offsets = [0, 1536], sizes = [64, 384], strides = [1, 1]} : vector<64x12288xf32> to vector<64x384xf32>
    %lt3A_37 = arith.constant 0.000000e+00 : f32
    %lt3A_38 = vector.broadcast %lt3A_37 : f32 to vector<64x384xf32>
    %lt3A_39 = arith.cmpf olt, %slice3A_36, %lt3A_38 : vector<64x384xf32>
    %convert_element_type3A_40 = arith.extui %lt3A_39 : vector<64x384xi1> to vector<64x384xi32>
    %shift_left3A_41 = arith.constant 4 : i32
    %shift_left3A_42 = vector.broadcast %shift_left3A_41 : i32 to vector<64x384xi32>
    %shift_left3A_43 = arith.shli %convert_element_type3A_40, %shift_left3A_42 : vector<64x384xi32>
    %or3A_44 = arith.ori %or3A_35, %shift_left3A_43 : vector<64x384xi32>
    %slice3A_45 = vector.extract_strided_slice %concatenate3A {offsets = [0, 1920], sizes = [64, 384], strides = [1, 1]} : vector<64x12288xf32> to vector<64x384xf32>
    %lt3A_46 = arith.constant 0.000000e+00 : f32
    %lt3A_47 = vector.broadcast %lt3A_46 : f32 to vector<64x384xf32>
    %lt3A_48 = arith.cmpf olt, %slice3A_45, %lt3A_47 : vector<64x384xf32>
    %convert_element_type3A_49 = arith.extui %lt3A_48 : vector<64x384xi1> to vector<64x384xi32>
    %shift_left3A_50 = arith.constant 5 : i32
    %shift_left3A_51 = vector.broadcast %shift_left3A_50 : i32 to vector<64x384xi32>
    %shift_left3A_52 = arith.shli %convert_element_type3A_49, %shift_left3A_51 : vector<64x384xi32>
    %or3A_53 = arith.ori %or3A_44, %shift_left3A_52 : vector<64x384xi32>
    %slice3A_54 = vector.extract_strided_slice %concatenate3A {offsets = [0, 2304], sizes = [64, 384], strides = [1, 1]} : vector<64x12288xf32> to vector<64x384xf32>
    %lt3A_55 = arith.constant 0.000000e+00 : f32
    %lt3A_56 = vector.broadcast %lt3A_55 : f32 to vector<64x384xf32>
    %lt3A_57 = arith.cmpf olt, %slice3A_54, %lt3A_56 : vector<64x384xf32>
    %convert_element_type3A_58 = arith.extui %lt3A_57 : vector<64x384xi1> to vector<64x384xi32>
    %shift_left3A_59 = arith.constant 6 : i32
    %shift_left3A_60 = vector.broadcast %shift_left3A_59 : i32 to vector<64x384xi32>
    %shift_left3A_61 = arith.shli %convert_element_type3A_58, %shift_left3A_60 : vector<64x384xi32>
    %or3A_62 = arith.ori %or3A_53, %shift_left3A_61 : vector<64x384xi32>
    %slice3A_63 = vector.extract_strided_slice %concatenate3A {offsets = [0, 2688], sizes = [64, 384], strides = [1, 1]} : vector<64x12288xf32> to vector<64x384xf32>
    %lt3A_64 = arith.constant 0.000000e+00 : f32
    %lt3A_65 = vector.broadcast %lt3A_64 : f32 to vector<64x384xf32>
    %lt3A_66 = arith.cmpf olt, %slice3A_63, %lt3A_65 : vector<64x384xf32>
    %convert_element_type3A_67 = arith.extui %lt3A_66 : vector<64x384xi1> to vector<64x384xi32>
    %shift_left3A_68 = arith.constant 7 : i32
    %shift_left3A_69 = vector.broadcast %shift_left3A_68 : i32 to vector<64x384xi32>
    %shift_left3A_70 = arith.shli %convert_element_type3A_67, %shift_left3A_69 : vector<64x384xi32>
    %or3A_71 = arith.ori %or3A_62, %shift_left3A_70 : vector<64x384xi32>
    %slice3A_72 = vector.extract_strided_slice %concatenate3A {offsets = [0, 3072], sizes = [64, 384], strides = [1, 1]} : vector<64x12288xf32> to vector<64x384xf32>
    %lt3A_73 = arith.constant 0.000000e+00 : f32
    %lt3A_74 = vector.broadcast %lt3A_73 : f32 to vector<64x384xf32>
    %lt3A_75 = arith.cmpf olt, %slice3A_72, %lt3A_74 : vector<64x384xf32>
    %convert_element_type3A_76 = arith.extui %lt3A_75 : vector<64x384xi1> to vector<64x384xi32>
    %shift_left3A_77 = arith.constant 8 : i32
    %shift_left3A_78 = vector.broadcast %shift_left3A_77 : i32 to vector<64x384xi32>
    %shift_left3A_79 = arith.shli %convert_element_type3A_76, %shift_left3A_78 : vector<64x384xi32>
    %or3A_80 = arith.ori %or3A_71, %shift_left3A_79 : vector<64x384xi32>
    %slice3A_81 = vector.extract_strided_slice %concatenate3A {offsets = [0, 3456], sizes = [64, 384], strides = [1, 1]} : vector<64x12288xf32> to vector<64x384xf32>
    %lt3A_82 = arith.constant 0.000000e+00 : f32
    %lt3A_83 = vector.broadcast %lt3A_82 : f32 to vector<64x384xf32>
    %lt3A_84 = arith.cmpf olt, %slice3A_81, %lt3A_83 : vector<64x384xf32>
    %convert_element_type3A_85 = arith.extui %lt3A_84 : vector<64x384xi1> to vector<64x384xi32>
    %shift_left3A_86 = arith.constant 9 : i32
    %shift_left3A_87 = vector.broadcast %shift_left3A_86 : i32 to vector<64x384xi32>
    %shift_left3A_88 = arith.shli %convert_element_type3A_85, %shift_left3A_87 : vector<64x384xi32>
    %or3A_89 = arith.ori %or3A_80, %shift_left3A_88 : vector<64x384xi32>
    %slice3A_90 = vector.extract_strided_slice %concatenate3A {offsets = [0, 3840], sizes = [64, 384], strides = [1, 1]} : vector<64x12288xf32> to vector<64x384xf32>
    %lt3A_91 = arith.constant 0.000000e+00 : f32
    %lt3A_92 = vector.broadcast %lt3A_91 : f32 to vector<64x384xf32>
    %lt3A_93 = arith.cmpf olt, %slice3A_90, %lt3A_92 : vector<64x384xf32>
    %convert_element_type3A_94 = arith.extui %lt3A_93 : vector<64x384xi1> to vector<64x384xi32>
    %shift_left3A_95 = arith.constant 10 : i32
    %shift_left3A_96 = vector.broadcast %shift_left3A_95 : i32 to vector<64x384xi32>
    %shift_left3A_97 = arith.shli %convert_element_type3A_94, %shift_left3A_96 : vector<64x384xi32>
    %or3A_98 = arith.ori %or3A_89, %shift_left3A_97 : vector<64x384xi32>
    %slice3A_99 = vector.extract_strided_slice %concatenate3A {offsets = [0, 4224], sizes = [64, 384], strides = [1, 1]} : vector<64x12288xf32> to vector<64x384xf32>
    %lt3A_100 = arith.constant 0.000000e+00 : f32
    %lt3A_101 = vector.broadcast %lt3A_100 : f32 to vector<64x384xf32>
    %lt3A_102 = arith.cmpf olt, %slice3A_99, %lt3A_101 : vector<64x384xf32>
    %convert_element_type3A_103 = arith.extui %lt3A_102 : vector<64x384xi1> to vector<64x384xi32>
    %shift_left3A_104 = arith.constant 11 : i32
    %shift_left3A_105 = vector.broadcast %shift_left3A_104 : i32 to vector<64x384xi32>
    %shift_left3A_106 = arith.shli %convert_element_type3A_103, %shift_left3A_105 : vector<64x384xi32>
    %or3A_107 = arith.ori %or3A_98, %shift_left3A_106 : vector<64x384xi32>
    %slice3A_108 = vector.extract_strided_slice %concatenate3A {offsets = [0, 4608], sizes = [64, 384], strides = [1, 1]} : vector<64x12288xf32> to vector<64x384xf32>
    %lt3A_109 = arith.constant 0.000000e+00 : f32
    %lt3A_110 = vector.broadcast %lt3A_109 : f32 to vector<64x384xf32>
    %lt3A_111 = arith.cmpf olt, %slice3A_108, %lt3A_110 : vector<64x384xf32>
    %convert_element_type3A_112 = arith.extui %lt3A_111 : vector<64x384xi1> to vector<64x384xi32>
    %shift_left3A_113 = arith.constant 12 : i32
    %shift_left3A_114 = vector.broadcast %shift_left3A_113 : i32 to vector<64x384xi32>
    %shift_left3A_115 = arith.shli %convert_element_type3A_112, %shift_left3A_114 : vector<64x384xi32>
    %or3A_116 = arith.ori %or3A_107, %shift_left3A_115 : vector<64x384xi32>
    %slice3A_117 = vector.extract_strided_slice %concatenate3A {offsets = [0, 4992], sizes = [64, 384], strides = [1, 1]} : vector<64x12288xf32> to vector<64x384xf32>
    %lt3A_118 = arith.constant 0.000000e+00 : f32
    %lt3A_119 = vector.broadcast %lt3A_118 : f32 to vector<64x384xf32>
    %lt3A_120 = arith.cmpf olt, %slice3A_117, %lt3A_119 : vector<64x384xf32>
    %convert_element_type3A_121 = arith.extui %lt3A_120 : vector<64x384xi1> to vector<64x384xi32>
    %shift_left3A_122 = arith.constant 13 : i32
    %shift_left3A_123 = vector.broadcast %shift_left3A_122 : i32 to vector<64x384xi32>
    %shift_left3A_124 = arith.shli %convert_element_type3A_121, %shift_left3A_123 : vector<64x384xi32>
    %or3A_125 = arith.ori %or3A_116, %shift_left3A_124 : vector<64x384xi32>
    %slice3A_126 = vector.extract_strided_slice %concatenate3A {offsets = [0, 5376], sizes = [64, 384], strides = [1, 1]} : vector<64x12288xf32> to vector<64x384xf32>
    %lt3A_127 = arith.constant 0.000000e+00 : f32
    %lt3A_128 = vector.broadcast %lt3A_127 : f32 to vector<64x384xf32>
    %lt3A_129 = arith.cmpf olt, %slice3A_126, %lt3A_128 : vector<64x384xf32>
    %convert_element_type3A_130 = arith.extui %lt3A_129 : vector<64x384xi1> to vector<64x384xi32>
    %shift_left3A_131 = arith.constant 14 : i32
    %shift_left3A_132 = vector.broadcast %shift_left3A_131 : i32 to vector<64x384xi32>
    %shift_left3A_133 = arith.shli %convert_element_type3A_130, %shift_left3A_132 : vector<64x384xi32>
    %or3A_134 = arith.ori %or3A_125, %shift_left3A_133 : vector<64x384xi32>
    %slice3A_135 = vector.extract_strided_slice %concatenate3A {offsets = [0, 5760], sizes = [64, 384], strides = [1, 1]} : vector<64x12288xf32> to vector<64x384xf32>
    %lt3A_136 = arith.constant 0.000000e+00 : f32
    %lt3A_137 = vector.broadcast %lt3A_136 : f32 to vector<64x384xf32>
    %lt3A_138 = arith.cmpf olt, %slice3A_135, %lt3A_137 : vector<64x384xf32>
    %convert_element_type3A_139 = arith.extui %lt3A_138 : vector<64x384xi1> to vector<64x384xi32>
    %shift_left3A_140 = arith.constant 15 : i32
    %shift_left3A_141 = vector.broadcast %shift_left3A_140 : i32 to vector<64x384xi32>
    %shift_left3A_142 = arith.shli %convert_element_type3A_139, %shift_left3A_141 : vector<64x384xi32>
    %or3A_143 = arith.ori %or3A_134, %shift_left3A_142 : vector<64x384xi32>
    %slice3A_144 = vector.extract_strided_slice %concatenate3A {offsets = [0, 6144], sizes = [64, 384], strides = [1, 1]} : vector<64x12288xf32> to vector<64x384xf32>
    %lt3A_145 = arith.constant 0.000000e+00 : f32
    %lt3A_146 = vector.broadcast %lt3A_145 : f32 to vector<64x384xf32>
    %lt3A_147 = arith.cmpf olt, %slice3A_144, %lt3A_146 : vector<64x384xf32>
    %convert_element_type3A_148 = arith.extui %lt3A_147 : vector<64x384xi1> to vector<64x384xi32>
    %shift_left3A_149 = arith.constant 16 : i32
    %shift_left3A_150 = vector.broadcast %shift_left3A_149 : i32 to vector<64x384xi32>
    %shift_left3A_151 = arith.shli %convert_element_type3A_148, %shift_left3A_150 : vector<64x384xi32>
    %or3A_152 = arith.ori %or3A_143, %shift_left3A_151 : vector<64x384xi32>
    %slice3A_153 = vector.extract_strided_slice %concatenate3A {offsets = [0, 6528], sizes = [64, 384], strides = [1, 1]} : vector<64x12288xf32> to vector<64x384xf32>
    %lt3A_154 = arith.constant 0.000000e+00 : f32
    %lt3A_155 = vector.broadcast %lt3A_154 : f32 to vector<64x384xf32>
    %lt3A_156 = arith.cmpf olt, %slice3A_153, %lt3A_155 : vector<64x384xf32>
    %convert_element_type3A_157 = arith.extui %lt3A_156 : vector<64x384xi1> to vector<64x384xi32>
    %shift_left3A_158 = arith.constant 17 : i32
    %shift_left3A_159 = vector.broadcast %shift_left3A_158 : i32 to vector<64x384xi32>
    %shift_left3A_160 = arith.shli %convert_element_type3A_157, %shift_left3A_159 : vector<64x384xi32>
    %or3A_161 = arith.ori %or3A_152, %shift_left3A_160 : vector<64x384xi32>
    %slice3A_162 = vector.extract_strided_slice %concatenate3A {offsets = [0, 6912], sizes = [64, 384], strides = [1, 1]} : vector<64x12288xf32> to vector<64x384xf32>
    %lt3A_163 = arith.constant 0.000000e+00 : f32
    %lt3A_164 = vector.broadcast %lt3A_163 : f32 to vector<64x384xf32>
    %lt3A_165 = arith.cmpf olt, %slice3A_162, %lt3A_164 : vector<64x384xf32>
    %convert_element_type3A_166 = arith.extui %lt3A_165 : vector<64x384xi1> to vector<64x384xi32>
    %shift_left3A_167 = arith.constant 18 : i32
    %shift_left3A_168 = vector.broadcast %shift_left3A_167 : i32 to vector<64x384xi32>
    %shift_left3A_169 = arith.shli %convert_element_type3A_166, %shift_left3A_168 : vector<64x384xi32>
    %or3A_170 = arith.ori %or3A_161, %shift_left3A_169 : vector<64x384xi32>
    %slice3A_171 = vector.extract_strided_slice %concatenate3A {offsets = [0, 7296], sizes = [64, 384], strides = [1, 1]} : vector<64x12288xf32> to vector<64x384xf32>
    %lt3A_172 = arith.constant 0.000000e+00 : f32
    %lt3A_173 = vector.broadcast %lt3A_172 : f32 to vector<64x384xf32>
    %lt3A_174 = arith.cmpf olt, %slice3A_171, %lt3A_173 : vector<64x384xf32>
    %convert_element_type3A_175 = arith.extui %lt3A_174 : vector<64x384xi1> to vector<64x384xi32>
    %shift_left3A_176 = arith.constant 19 : i32
    %shift_left3A_177 = vector.broadcast %shift_left3A_176 : i32 to vector<64x384xi32>
    %shift_left3A_178 = arith.shli %convert_element_type3A_175, %shift_left3A_177 : vector<64x384xi32>
    %or3A_179 = arith.ori %or3A_170, %shift_left3A_178 : vector<64x384xi32>
    %slice3A_180 = vector.extract_strided_slice %concatenate3A {offsets = [0, 7680], sizes = [64, 384], strides = [1, 1]} : vector<64x12288xf32> to vector<64x384xf32>
    %lt3A_181 = arith.constant 0.000000e+00 : f32
    %lt3A_182 = vector.broadcast %lt3A_181 : f32 to vector<64x384xf32>
    %lt3A_183 = arith.cmpf olt, %slice3A_180, %lt3A_182 : vector<64x384xf32>
    %convert_element_type3A_184 = arith.extui %lt3A_183 : vector<64x384xi1> to vector<64x384xi32>
    %shift_left3A_185 = arith.constant 20 : i32
    %shift_left3A_186 = vector.broadcast %shift_left3A_185 : i32 to vector<64x384xi32>
    %shift_left3A_187 = arith.shli %convert_element_type3A_184, %shift_left3A_186 : vector<64x384xi32>
    %or3A_188 = arith.ori %or3A_179, %shift_left3A_187 : vector<64x384xi32>
    %slice3A_189 = vector.extract_strided_slice %concatenate3A {offsets = [0, 8064], sizes = [64, 384], strides = [1, 1]} : vector<64x12288xf32> to vector<64x384xf32>
    %lt3A_190 = arith.constant 0.000000e+00 : f32
    %lt3A_191 = vector.broadcast %lt3A_190 : f32 to vector<64x384xf32>
    %lt3A_192 = arith.cmpf olt, %slice3A_189, %lt3A_191 : vector<64x384xf32>
    %convert_element_type3A_193 = arith.extui %lt3A_192 : vector<64x384xi1> to vector<64x384xi32>
    %shift_left3A_194 = arith.constant 21 : i32
    %shift_left3A_195 = vector.broadcast %shift_left3A_194 : i32 to vector<64x384xi32>
    %shift_left3A_196 = arith.shli %convert_element_type3A_193, %shift_left3A_195 : vector<64x384xi32>
    %or3A_197 = arith.ori %or3A_188, %shift_left3A_196 : vector<64x384xi32>
    %slice3A_198 = vector.extract_strided_slice %concatenate3A {offsets = [0, 8448], sizes = [64, 384], strides = [1, 1]} : vector<64x12288xf32> to vector<64x384xf32>
    %lt3A_199 = arith.constant 0.000000e+00 : f32
    %lt3A_200 = vector.broadcast %lt3A_199 : f32 to vector<64x384xf32>
    %lt3A_201 = arith.cmpf olt, %slice3A_198, %lt3A_200 : vector<64x384xf32>
    %convert_element_type3A_202 = arith.extui %lt3A_201 : vector<64x384xi1> to vector<64x384xi32>
    %shift_left3A_203 = arith.constant 22 : i32
    %shift_left3A_204 = vector.broadcast %shift_left3A_203 : i32 to vector<64x384xi32>
    %shift_left3A_205 = arith.shli %convert_element_type3A_202, %shift_left3A_204 : vector<64x384xi32>
    %or3A_206 = arith.ori %or3A_197, %shift_left3A_205 : vector<64x384xi32>
    %slice3A_207 = vector.extract_strided_slice %concatenate3A {offsets = [0, 8832], sizes = [64, 384], strides = [1, 1]} : vector<64x12288xf32> to vector<64x384xf32>
    %lt3A_208 = arith.constant 0.000000e+00 : f32
    %lt3A_209 = vector.broadcast %lt3A_208 : f32 to vector<64x384xf32>
    %lt3A_210 = arith.cmpf olt, %slice3A_207, %lt3A_209 : vector<64x384xf32>
    %convert_element_type3A_211 = arith.extui %lt3A_210 : vector<64x384xi1> to vector<64x384xi32>
    %shift_left3A_212 = arith.constant 23 : i32
    %shift_left3A_213 = vector.broadcast %shift_left3A_212 : i32 to vector<64x384xi32>
    %shift_left3A_214 = arith.shli %convert_element_type3A_211, %shift_left3A_213 : vector<64x384xi32>
    %or3A_215 = arith.ori %or3A_206, %shift_left3A_214 : vector<64x384xi32>
    %slice3A_216 = vector.extract_strided_slice %concatenate3A {offsets = [0, 9216], sizes = [64, 384], strides = [1, 1]} : vector<64x12288xf32> to vector<64x384xf32>
    %lt3A_217 = arith.constant 0.000000e+00 : f32
    %lt3A_218 = vector.broadcast %lt3A_217 : f32 to vector<64x384xf32>
    %lt3A_219 = arith.cmpf olt, %slice3A_216, %lt3A_218 : vector<64x384xf32>
    %convert_element_type3A_220 = arith.extui %lt3A_219 : vector<64x384xi1> to vector<64x384xi32>
    %shift_left3A_221 = arith.constant 24 : i32
    %shift_left3A_222 = vector.broadcast %shift_left3A_221 : i32 to vector<64x384xi32>
    %shift_left3A_223 = arith.shli %convert_element_type3A_220, %shift_left3A_222 : vector<64x384xi32>
    %or3A_224 = arith.ori %or3A_215, %shift_left3A_223 : vector<64x384xi32>
    %slice3A_225 = vector.extract_strided_slice %concatenate3A {offsets = [0, 9600], sizes = [64, 384], strides = [1, 1]} : vector<64x12288xf32> to vector<64x384xf32>
    %lt3A_226 = arith.constant 0.000000e+00 : f32
    %lt3A_227 = vector.broadcast %lt3A_226 : f32 to vector<64x384xf32>
    %lt3A_228 = arith.cmpf olt, %slice3A_225, %lt3A_227 : vector<64x384xf32>
    %convert_element_type3A_229 = arith.extui %lt3A_228 : vector<64x384xi1> to vector<64x384xi32>
    %shift_left3A_230 = arith.constant 25 : i32
    %shift_left3A_231 = vector.broadcast %shift_left3A_230 : i32 to vector<64x384xi32>
    %shift_left3A_232 = arith.shli %convert_element_type3A_229, %shift_left3A_231 : vector<64x384xi32>
    %or3A_233 = arith.ori %or3A_224, %shift_left3A_232 : vector<64x384xi32>
    %slice3A_234 = vector.extract_strided_slice %concatenate3A {offsets = [0, 9984], sizes = [64, 384], strides = [1, 1]} : vector<64x12288xf32> to vector<64x384xf32>
    %lt3A_235 = arith.constant 0.000000e+00 : f32
    %lt3A_236 = vector.broadcast %lt3A_235 : f32 to vector<64x384xf32>
    %lt3A_237 = arith.cmpf olt, %slice3A_234, %lt3A_236 : vector<64x384xf32>
    %convert_element_type3A_238 = arith.extui %lt3A_237 : vector<64x384xi1> to vector<64x384xi32>
    %shift_left3A_239 = arith.constant 26 : i32
    %shift_left3A_240 = vector.broadcast %shift_left3A_239 : i32 to vector<64x384xi32>
    %shift_left3A_241 = arith.shli %convert_element_type3A_238, %shift_left3A_240 : vector<64x384xi32>
    %or3A_242 = arith.ori %or3A_233, %shift_left3A_241 : vector<64x384xi32>
    %slice3A_243 = vector.extract_strided_slice %concatenate3A {offsets = [0, 10368], sizes = [64, 384], strides = [1, 1]} : vector<64x12288xf32> to vector<64x384xf32>
    %lt3A_244 = arith.constant 0.000000e+00 : f32
    %lt3A_245 = vector.broadcast %lt3A_244 : f32 to vector<64x384xf32>
    %lt3A_246 = arith.cmpf olt, %slice3A_243, %lt3A_245 : vector<64x384xf32>
    %convert_element_type3A_247 = arith.extui %lt3A_246 : vector<64x384xi1> to vector<64x384xi32>
    %shift_left3A_248 = arith.constant 27 : i32
    %shift_left3A_249 = vector.broadcast %shift_left3A_248 : i32 to vector<64x384xi32>
    %shift_left3A_250 = arith.shli %convert_element_type3A_247, %shift_left3A_249 : vector<64x384xi32>
    %or3A_251 = arith.ori %or3A_242, %shift_left3A_250 : vector<64x384xi32>
    %slice3A_252 = vector.extract_strided_slice %concatenate3A {offsets = [0, 10752], sizes = [64, 384], strides = [1, 1]} : vector<64x12288xf32> to vector<64x384xf32>
    %lt3A_253 = arith.constant 0.000000e+00 : f32
    %lt3A_254 = vector.broadcast %lt3A_253 : f32 to vector<64x384xf32>
    %lt3A_255 = arith.cmpf olt, %slice3A_252, %lt3A_254 : vector<64x384xf32>
    %convert_element_type3A_256 = arith.extui %lt3A_255 : vector<64x384xi1> to vector<64x384xi32>
    %shift_left3A_257 = arith.constant 28 : i32
    %shift_left3A_258 = vector.broadcast %shift_left3A_257 : i32 to vector<64x384xi32>
    %shift_left3A_259 = arith.shli %convert_element_type3A_256, %shift_left3A_258 : vector<64x384xi32>
    %or3A_260 = arith.ori %or3A_251, %shift_left3A_259 : vector<64x384xi32>
    %slice3A_261 = vector.extract_strided_slice %concatenate3A {offsets = [0, 11136], sizes = [64, 384], strides = [1, 1]} : vector<64x12288xf32> to vector<64x384xf32>
    %lt3A_262 = arith.constant 0.000000e+00 : f32
    %lt3A_263 = vector.broadcast %lt3A_262 : f32 to vector<64x384xf32>
    %lt3A_264 = arith.cmpf olt, %slice3A_261, %lt3A_263 : vector<64x384xf32>
    %convert_element_type3A_265 = arith.extui %lt3A_264 : vector<64x384xi1> to vector<64x384xi32>
    %shift_left3A_266 = arith.constant 29 : i32
    %shift_left3A_267 = vector.broadcast %shift_left3A_266 : i32 to vector<64x384xi32>
    %shift_left3A_268 = arith.shli %convert_element_type3A_265, %shift_left3A_267 : vector<64x384xi32>
    %or3A_269 = arith.ori %or3A_260, %shift_left3A_268 : vector<64x384xi32>
    %slice3A_270 = vector.extract_strided_slice %concatenate3A {offsets = [0, 11520], sizes = [64, 384], strides = [1, 1]} : vector<64x12288xf32> to vector<64x384xf32>
    %lt3A_271 = arith.constant 0.000000e+00 : f32
    %lt3A_272 = vector.broadcast %lt3A_271 : f32 to vector<64x384xf32>
    %lt3A_273 = arith.cmpf olt, %slice3A_270, %lt3A_272 : vector<64x384xf32>
    %convert_element_type3A_274 = arith.extui %lt3A_273 : vector<64x384xi1> to vector<64x384xi32>
    %shift_left3A_275 = arith.constant 30 : i32
    %shift_left3A_276 = vector.broadcast %shift_left3A_275 : i32 to vector<64x384xi32>
    %shift_left3A_277 = arith.shli %convert_element_type3A_274, %shift_left3A_276 : vector<64x384xi32>
    %or3A_278 = arith.ori %or3A_269, %shift_left3A_277 : vector<64x384xi32>
    %slice3A_279 = vector.extract_strided_slice %concatenate3A {offsets = [0, 11904], sizes = [64, 384], strides = [1, 1]} : vector<64x12288xf32> to vector<64x384xf32>
    %lt3A_280 = arith.constant 0.000000e+00 : f32
    %lt3A_281 = vector.broadcast %lt3A_280 : f32 to vector<64x384xf32>
    %lt3A_282 = arith.cmpf olt, %slice3A_279, %lt3A_281 : vector<64x384xf32>
    %convert_element_type3A_283 = arith.extui %lt3A_282 : vector<64x384xi1> to vector<64x384xi32>
    %shift_left3A_284 = arith.constant 31 : i32
    %shift_left3A_285 = vector.broadcast %shift_left3A_284 : i32 to vector<64x384xi32>
    %shift_left3A_286 = arith.shli %convert_element_type3A_283, %shift_left3A_285 : vector<64x384xi32>
    %or3A_287 = arith.ori %or3A_278, %shift_left3A_286 : vector<64x384xi32>
    %swap3A = arith.constant 0 : index
    %swap3A_288 = arith.constant 0 : index
    %swap3A_289 = vector.load %arg2[%swap3A, %swap3A_288] : memref<64x384xi32, #tpu.memory_space<vmem>>, vector<64x384xi32>
    tpu.vector_store %arg2[%swap3A, %swap3A_288], %or3A_287 {strides = array<i32>} : memref<64x384xi32, #tpu.memory_space<vmem>>, vector<64x384xi32>,
    return
  }
  func.func @transform_0(%arg0: i32) -> (i32, i32) {
    %c0_i32 = arith.constant 0 : i32
    %c0_i32_0 = arith.constant 0 : i32
    return %arg0, %c0_i32 : i32, i32
  }
  func.func @transform_1(%arg0: i32) -> (i32, i32) {
    %c0_i32 = arith.constant 0 : i32
    %c0_i32_0 = arith.constant 0 : i32
    return %arg0, %c0_i32 : i32, i32
  }
}

module attributes {stable_mosaic.version = 14 : i64} {
  func.func @_finale_body(%arg0: i32, %arg1: memref<32x12288xi32, #tpu.memory_space<vmem>>, %arg2: memref<3x10000xf32, #tpu.memory_space<vmem>>, %arg3: memref<1x10000xf32, #tpu.memory_space<vmem>>) attributes {dimension_semantics = [#tpu.dimension_semantics<arbitrary>], iteration_bounds = array<i64: 1>, scalar_prefetch = 0 : i64, scratch_operands = 0 : i64, tpu.core_type = #tpu.core_type<tc>, window_params = [{pipeline_mode = #tpu.pipeline_mode<synchronous>, transform_indices = @transform_0, window_bounds = array<i64: 32, 12288>}, {pipeline_mode = #tpu.pipeline_mode<synchronous>, transform_indices = @transform_1, window_bounds = array<i64: 3, 10000>}, {pipeline_mode = #tpu.pipeline_mode<synchronous>, transform_indices = @transform_2, window_bounds = array<i64: 1, 10000>}]} {
    %get3A = arith.constant 0 : index
    %get3A_0 = arith.constant 0 : index
    %get3A_1 = vector.load %arg1[%get3A, %get3A_0] : memref<32x12288xi32, #tpu.memory_space<vmem>>, vector<32x12288xi32>
    %reduce_sum3A = arith.constant dense<0> : vector<12288xi32>
    %reduce_sum3A_2 = vector.multi_reduction <add>, %get3A_1, %reduce_sum3A [0] : vector<32x12288xi32> to vector<12288xi32>
    %broadcast_in_dim3A = vector.shape_cast %reduce_sum3A_2 : vector<12288xi32> to vector<1x12288xi32>
    %convert_element_type3A = arith.sitofp %broadcast_in_dim3A : vector<1x12288xi32> to vector<1x12288xf32>
    %mul3A = arith.constant 2.000000e+00 : f32
    %mul3A_3 = vector.broadcast %mul3A : f32 to vector<1x12288xf32>
    %mul3A_4 = arith.mulf %mul3A_3, %convert_element_type3A : vector<1x12288xf32>
    %sub3A = arith.constant 2.048000e+03 : f32
    %sub3A_5 = vector.broadcast %sub3A : f32 to vector<1x12288xf32>
    %sub3A_6 = arith.subf %sub3A_5, %mul3A_4 : vector<1x12288xf32>
    %get3A_7 = arith.constant 0 : index
    %get3A_8 = arith.constant 0 : index
    %get3A_9 = vector.load %arg2[%get3A_7, %get3A_8] : memref<3x10000xf32, #tpu.memory_space<vmem>>, vector<1x10000xf32>
    %get3A_10 = arith.constant 1 : index
    %get3A_11 = arith.constant 0 : index
    %get3A_12 = vector.load %arg2[%get3A_10, %get3A_11] : memref<3x10000xf32, #tpu.memory_space<vmem>>, vector<1x10000xf32>
    %mul3A_13 = arith.mulf %get3A_9, %get3A_12 : vector<1x10000xf32>
    %get3A_14 = arith.constant 2 : index
    %get3A_15 = arith.constant 0 : index
    %get3A_16 = vector.load %arg2[%get3A_14, %get3A_15] : memref<3x10000xf32, #tpu.memory_space<vmem>>, vector<1x10000xf32>
    %mul3A_17 = arith.mulf %mul3A_13, %get3A_16 : vector<1x10000xf32>
    %slice3A = vector.extract_strided_slice %sub3A_6 {offsets = [0, 0], sizes = [1, 10000], strides = [1, 1]} : vector<1x12288xf32> to vector<1x10000xf32>
    %mul3A_18 = arith.mulf %slice3A, %mul3A_17 : vector<1x10000xf32>
    %tanh3A = math.tanh %mul3A_18 : vector<1x10000xf32>
    %swap3A = arith.constant 0 : index
    %swap3A_19 = arith.constant 0 : index
    %swap3A_20 = vector.load %arg3[%swap3A, %swap3A_19] : memref<1x10000xf32, #tpu.memory_space<vmem>>, vector<1x10000xf32>
    tpu.vector_store %arg3[%swap3A, %swap3A_19], %tanh3A {strides = array<i32>} : memref<1x10000xf32, #tpu.memory_space<vmem>>, vector<1x10000xf32>,
    return
  }
  func.func @transform_0(%arg0: i32) -> (i32, i32) {
    %c0_i32 = arith.constant 0 : i32
    %c0_i32_0 = arith.constant 0 : i32
    %c0_i32_1 = arith.constant 0 : i32
    return %c0_i32, %c0_i32_0 : i32, i32
  }
  func.func @transform_1(%arg0: i32) -> (i32, i32) {
    %c0_i32 = arith.constant 0 : i32
    %c0_i32_0 = arith.constant 0 : i32
    %c0_i32_1 = arith.constant 0 : i32
    return %c0_i32, %c0_i32_0 : i32, i32
  }
  func.func @transform_2(%arg0: i32) -> (i32, i32) {
    %c0_i32 = arith.constant 0 : i32
    %c0_i32_0 = arith.constant 0 : i32
    %c0_i32_1 = arith.constant 0 : i32
    return %c0_i32, %c0_i32_0 : i32, i32
  }
}

</mosaic_0001>

<sc_bundles>
// kernel: kernel.13.cloned.1.call-start
scs
__scs_entry_jumppad:
0x0: {  	(pc) =	sbr.rel $0x88, $3  }
0x1: {  	(tag) =	ssettag $0x0;
	lr =	simm.s32 $0x1  }
0x2: {  	[smem:$0x3F94] =	sst lr;
	_ =	strace $0xD0000000  }
0x3: {  	_ = 	snop  }
0x4: {  	_ = 	snop  }
0x5: {  	_ = 	snop  }
0x6: {  	_ = 	snop  }
0x7: {  	_ = 	snop  }
__scs_overlays_trampoline_lowered:
0x8: {  	[smem:$0x3FA3] =	sst s0  }
0x9: {  	[smem:$0x3FA4] =	sst s1  }
0xa: {  	[smem:$0x3FA5] =	sst s2  }
0xb: {  	[smem:$0x3FA6] =	sst s3  }
0xc: {  	[smem:$0x3FA7] =	sst s4  }
0xd: {  	[smem:$0x3FA8] =	sst s5  }
0xe: {  	[smem:$0x3FA9] =	sst s6  }
0xf: {  	[smem:$0x3FAA] =	sst s7  }
0x10: {  	[smem:$0x3FAB] =	sst s8  }
0x11: {  	[smem:$0x3FAC] =	sst s9;
	s0 =	simm.s32 @!p0 $0x0  }
0x12: {  	s1 =	sld [smem:$0x3F92];
	s0 =	simm.s32 @p0 $0x1  }
0x13: {  	[smem:$0x3FAD] =	sst s0;
	s0 =	simm.s32 @!p1 $0x0  }
0x14: {  	s2 =	sld [smem:$0x3F91];
	s0 =	simm.s32 @p1 $0x1  }
0x15: {  	[smem:$0x3FAE] =	sst s0;
	s0 =	simm.s32 @!p2 $0x0  }
0x16: {  	s3 =	sld [smem:$0x3FDB];
	s0 =	simm.s32 @p2 $0x1  }
0x17: {  	s4 =	simm.s32 $0x1BF5;
	[smem:$0x3FB0] =	sst s0  }
0x18: {  	s0 =	sld [smem:$0x3F93];
	_ =	swait.ge [sflag:s4], $0x0  }
0x19: {  	s7 =	sld [smem:$0x3F94]  }
0x1a: {  	s8 =	sadd.s32 $0xFFFFE003, lr  }
0x1b: {  	s9 =	sadd.s32 $0xFFFFFEF7, lr;
	s5 =	simm.s32 $0xFFFFFFFF;
	p2 =	slt.u32 s8, $0xFFFFF086  }
0x1c: {  	p1 =	slt.u32 s9, $0xF7A;
	s5 =	simm.s32 @!p2 $0x0  }
0x1d: {  	s5 =	simm.s32 @p1 $0x1;
	p0 =	seq.s32 s7, s2  }
0x1e: {  	s7 =	smul.u32 @!p0 $0xF7A, s2;
	p2 =	seq.s32 @!p0 s5, $0x0  }
0x1f: {  	s9 =	smul.u32 $0xF7A, s1;
	s8 =	simm.s32 @!p0 $0x1BF5;
	p2 =	por !p2, p0  }
0x20: {  	[sflag:s8] =	ssyncset.s32 @!p0 $0xFFFFF086;
	s6 =	sadd.s32 @!p0 s3, s7;
	s7 =	simm.s32 @!p0 $0x108  }
0x21: {  	s3 =	sadd.s32 s3, s9;
	s6 =	sadd.s32 @!p0 $0x88, s6;
	s7 =	simm.s32 @p2 $0x1082  }
0x22: {  	[simem:s7], [sflag:s8] =	dma.local @!p0 [hbm:s6], $0xF7A  }
0x23: {  	s9 =	sor.u32 $0xD0000000, s2;
	s6 =	simm.s32 $0x108;
	_ =	swait.ge @!p0 [sflag:s8], $0x0  }
0x24: {  	s3 =	sadd.s32 $0x88, s3;
	s6 =	simm.s32 @!p1 $0x1082;
	[sflag:s4] =	ssyncset.s32 $0xFFFFF086  }
0x25: {  	[simem:s6], [sflag:s4] =	dma.local [hbm:s3], $0xF7A  }
0x26: {  	[smem:$0x3F94] =	sst s1;
	(tag) =	ssettag s2;
	_ =	strace s9  }
0x27: {  	s1 =	sld [smem:$0x3FA4]  }
0x28: {  	s2 =	sld [smem:$0x3FA5]  }
0x29: {  	s4 =	sld [smem:$0x3FA7]  }
0x2a: {  	p0 =	seq.s32 s5, $0x0;
	s5 =	sld [smem:$0x3FA8]  }
0x2b: {  	s6 =	sld [smem:$0x3FA9]  }
0x2c: {  	s7 =	sld [smem:$0x3FAA]  }
0x2d: {  	s3 =	simm.s32 $0x108;
	s8 =	sld [smem:$0x3FAB]  }
0x2e: {  	s3 =	simm.s32 @!p0 $0x1082;
	s9 =	sld [smem:$0x3FAC]  }
0x2f: {  	lr =	sadd.s32 s0, s3;
	s0 =	sld [smem:$0x3FA3]  }
0x30: {  	s3 =	sld [smem:$0x3FA6]  }
0x31: {  	[smem:$0x3FAF] =	sst s10  }
0x32: {  	s10 =	sld [smem:$0x3FAD];
	_ =	sdelay $0x3  }
0x33: {  	p0 =	seq.s32 s10, $0x1;
	s10 =	sld [smem:$0x3FAF];
	_ =	sdelay $0x3  }
0x34: {  	[smem:$0x3FAF] =	sst s10  }
0x35: {  	s10 =	sld [smem:$0x3FAE];
	_ =	sdelay $0x3  }
0x36: {  	p1 =	seq.s32 s10, $0x1;
	s10 =	sld [smem:$0x3FAF];
	_ =	sdelay $0x3  }
0x37: {  	[smem:$0x3FAF] =	sst s10  }
0x38: {  	s10 =	sld [smem:$0x3FB0]  }
0x39: {  	_ = 	snop;
	(pc) =	sbr.ind lr, $3  }
0x3a: {  	_ = 	snop  }
0x3b: {  	_ = 	snop  }
0x3c: {  	p2 =	seq.s32 s10, $0x1;
	s10 =	sld [smem:$0x3FAF]  }
0x3d: {  	_ =	shalt  }
0x3e: {  	_ =	shalt  }
0x3f: {  	_ =	shalt  }
0x40: {  	_ =	shalt  }
0x41: {  	_ =	shalt  }
0x42: {  	_ =	shalt  }
0x43: {  	_ =	shalt  }
0x44: {  	_ =	shalt  }
0x45: {  	_ =	shalt  }
0x46: {  	_ =	shalt  }
0x47: {  	_ =	shalt  }
0x48: {  	_ =	shalt  }
0x49: {  	_ =	shalt  }
0x4a: {  	_ =	shalt  }
0x4b: {  	_ =	shalt  }
0x4c: {  	_ =	shalt  }
0x4d: {  	_ =	shalt  }
0x4e: {  	_ =	shalt  }
0x4f: {  	_ =	shalt  }
0x50: {  	_ =	shalt  }
0x51: {  	_ =	shalt  }
0x52: {  	_ =	shalt  }
0x53: {  	_ =	shalt  }
0x54: {  	_ =	shalt  }
0x55: {  	_ =	shalt  }
0x56: {  	_ =	shalt  }
0x57: {  	_ =	shalt  }
0x58: {  	_ =	shalt  }
0x59: {  	_ =	shalt  }
0x5a: {  	_ =	shalt  }
0x5b: {  	_ =	shalt  }
0x5c: {  	_ =	shalt  }
0x5d: {  	_ =	shalt  }
0x5e: {  	_ =	shalt  }
0x5f: {  	_ =	shalt  }
0x60: {  	_ =	shalt  }
0x61: {  	_ =	shalt  }
0x62: {  	_ =	shalt  }
0x63: {  	_ =	shalt  }
0x64: {  	_ =	shalt  }
0x65: {  	_ =	shalt  }
0x66: {  	_ =	shalt  }
0x67: {  	_ =	shalt  }
0x68: {  	_ =	shalt  }
0x69: {  	_ =	shalt  }
0x6a: {  	_ =	shalt  }
0x6b: {  	_ =	shalt  }
0x6c: {  	_ =	shalt  }
0x6d: {  	_ =	shalt  }
0x6e: {  	_ =	shalt  }
0x6f: {  	_ =	shalt  }
0x70: {  	_ =	shalt  }
0x71: {  	_ =	shalt  }
0x72: {  	_ =	shalt  }
0x73: {  	_ =	shalt  }
0x74: {  	_ =	shalt  }
0x75: {  	_ =	shalt  }
0x76: {  	_ =	shalt  }
0x77: {  	_ =	shalt  }
0x78: {  	_ =	shalt  }
0x79: {  	_ =	shalt  }
0x7a: {  	_ =	shalt  }
0x7b: {  	_ =	shalt  }
0x7c: {  	_ =	shalt  }
0x7d: {  	_ =	shalt  }
0x7e: {  	_ =	shalt  }
0x7f: {  	_ =	shalt  }
0x80: {  	_ =	shalt  }
0x81: {  	_ =	shalt  }
0x82: {  	_ =	shalt  }
0x83: {  	_ =	shalt  }
0x84: {  	_ =	shalt  }
0x85: {  	_ =	shalt  }
0x86: {  	_ =	shalt  }
0x87: {  	_ =	shalt  }
.Lfunc_end0:
.L_simem_size_0:
called_computation_lowered:
.L_overlay_start_0:
0x88: {  	s2 =	sld [smem:$0x3FD9]  }
0x89: {  	s3 =	sld [smem:$0x3FFE];
	_ =	sdelay $0x1  }
0x8a: {  	s1 =	srdreg.scid  }
0x8b: {  	s0 =	sand.u32 $0x1, s1  }
0x8c: {  	s16 =	sshll.u32 s0, $0xA;
	s2 =	sadd.s32 s3, s2  }
0x8d: {  	s2 =	sadd.s32 s2, s16  }
0x8e: {  	[smem:$0x3FBB] =	sst s2  }
0x8f: {  	_ = 	snop  }
0x90: {  	(tm) =	ssettm $0x1  }
0x91: {  	s17 =	sld [smem:$0x3FFB];
	_ =	sdelay $0x3  }
0x92: {  	_ =	strace s17  }
0x93: {  	s2 =	sld [smem:$0x3FFC];
	_ =	sdelay $0x3  }
0x94: {  	_ =	strace s2  }
0x95: {  	s2 =	sld [smem:$0x3FFD];
	_ =	sdelay $0x3  }
0x96: {  	_ =	strace s2  }
0x97: {  	_ =	strace $0x8FFFFFFF  }
0x98: {  	s18 =	sld [smem:$0x3FDB];
	_ =	sdelay $0x1  }
0x99: {  	s19 =	simm.s32 $_scs_section_size  }
0x9a: {  	s4 =	simm.s32 $_size__tile_overlayer_lowered;
	s5 =	simm.s32 $_tile_overlayer_lowered  }
0x9b: {  	s22 =	simm.s32 $0x1BFF;
	s21 =	sshll.u32 s5, $0x1;
	s2 =	sadd.s32 s19, s18  }
0x9c: {  	s6 =	simm.s32 $0x0;
	s20 =	sshll.u32 s4, $0x1;
	s4 =	sadd.s32 s21, s2  }
0x9d: {  	[timem:s6], [sflag:s22] =	dma.local [hbm:s4], s20  }
0x9e: {  	_ =	swait.ge [sflag:s22], s20  }
0x9f: {  	s3 =	ssub.s32 $0x0, s20;
	[sflag:s22] =	ssyncset.done $0x0  }
0xa0: {  	[sflag:s22] =	ssyncadd.s32 s3;
	_ =	sdelay $0x1  }
0xa1: {  	s23 =	simm.s32 $0x1B8B  }
0xa2: {  	_ =	swait.ge [sflag:s23], $0x1  }
0xa3: {  	[sflag:s23] =	ssyncset.done $0x0  }
0xa4: {  	s25 =	simm.s32 $0x1B8E;
	s24 =	sld [smem:$0x3FFE];
	[sflag:s23] =	ssyncadd.s32 $0xFFFFFFFF  }
0xa5: {  	s26 =	simm.s32 $execute0_lowered;
	[smem:$0x3FD2] =	sst s25  }
0xa6: {  	s4 =	sshll.u32 s26, $0x1;
	_ =	strace $0x80000046;
	[dreg:$0x1] =	wrdreg $0xFFFFFFFF  }
0xa7: {  	s28 =	simm.s32 $_size_execute0_lowered;
	s2 =	sadd.s32 s2, s4;
	[dreg:$0x0] =	wrdreg $0x0  }
0xa8: {  	s4 =	sshll.u32 s28, $0x1;
	[dreg:$0x2] =	wrdreg s2  }
0xa9: {  	[dreg:$0x3] =	wrdreg s4  }
0xaa: {  	[dreg:$0x4] =	wrdreg $0xC0  }
0xab: {  	_ =	task [dreg:s6], $0x5FFFF  }
0xac: {  	[dreg:$0x1] =	wrdreg $0xFFFFFFFF  }
0xad: {  	[dreg:$0x0] =	wrdreg $0x60  }
0xae: {  	[dreg:$0x2] =	wrdreg s24  }
0xaf: {  	[dreg:$0x3] =	wrdreg $0x9  }
0xb0: {  	_ =	task.clear_ibuf [dreg:s6], $0x4FFFF;
	_ =	strace $0x90000046  }
0xb1: {  	s29 =	simm.s32 $0x9;
	_ =	strace $0x80000048  }
0xb2: {  	_ =	swait.ge [sflag:s29], $0x1  }
0xb3: {  	[sflag:s29] =	ssyncadd.s32 $0xFFFFFFFF  }
0xb4: {  	_ =	strace $0x90000048  }
0xb5: {  	_ =	sfence  }
0xb6: {  	s30 =	sld [smem:$0x0];
	_ =	sdelay $0x2  }
0xb7: {  	s31 =	sshll.u32 s1, $0xD;
	s1 =	sshrl.u32 s1, $0x2  }
0xb8: {  	s3 =	sand.u32 $0x4000, s31;
	s1 =	sadd.s32 s1, s30  }
0xb9: {  	s0 =	sor.u32 s3, s0;
	s1 =	sshll.u32 s1, $0x11  }
0xba: {  	s0 =	sor.u32 s1, s0  }
0xbb: {  	s0 =	sadd.s32 $0x8F2B, s0  }
0xbc: {  	[sflag:s0] =	ssyncadd.remote.s32 $0x1  }
0xbd: {  	_ =	sfence.sel $0xFFFF  }
0xbe: {  	[dreg:$0x0] =	wrdreg $0xFFFFFFFF;
	(pc) =	sbr.abs _section_cstart, $3  }
0xbf: {  	[dreg:$0x1] =	wrdreg $0xFFFFFFFF  }
0xc0: {  	_ =	task.clear_ibuf [dreg:s6], $0x2FFFF;
	_ =	strace $0x9FFFFFFF  }
0xc1: {  	(tm) =	ssettm $0x7FFFFFFF  }
tec
execute0_lowered:
.L_overlay_start_1:
0x0: {  	(tag) =	ssettag $0x1  }
0x1: {  	s0 =	srdreg.scid  }
0x2: {  	s1 =	stileid.u32;
	s12 =	rddreg [dreg:$0x0]  }
0x3: {  	s2 =	simm.s32 $0x0;
	s16 =	simm.s32 $0x3;
	s22 =	simm.s32 $0xA200  }
0x4: {  	s23 =	simm.s32 $0xA500;
	s24 =	simm.s32 $0xA800;
	s28 =	simm.s32 $0xB100  }
0x5: {  	s29 =	simm.s32 $0xB400;
	s30 =	simm.s32 $0xB700;
	s31 =	simm.s32 $0xBA00  }
0x6: {  	s14 =	simm.s32 $0x2;
	s17 =	simm.s32 $0x0;
	s0 =	sand.u32 $0x1, s0  }
0x7: {  	s1 =	sshll.u32 s1, $0x1;
	[smem:$0x7FF] =	sst s2;
	s4 =	sadd.s32 $0x68200, s12  }
0x8: {  	s5 =	sadd.s32 $0x74200, s12;
	s6 =	sadd.s32 $0x80200, s12;
	s7 =	sadd.s32 $0x8C200, s12  }
0x9: {  	s8 =	sadd.s32 $0x98200, s12;
	s9 =	sadd.s32 $0xA4200, s12;
	s10 =	sadd.s32 $0x200, s12  }
0xa: {  	s11 =	sadd.s32 $0x44200, s12;
	s1 =	sor.u32 s0, s1;
	s0 =	ssub.s32 $0x2, s0  }
0xb: {  	_ =	strace $0x80000047;
	s3 =	smul.u32 $0x1200, s1;
	s25 =	sshrl.u32 s0, $0x1  }
0xc: {  	s1 =	smul.u32 $0x600, s1;
	s0 =	ssub.s32 s0, s25;
	s25 =	simm.s32 $0xAB00  }
.Ltmp0:
0xd: {  	s13 =	sadd.s32 s3, s12;
	s3 =	sadd.s32 $0x5C200, s12;
	(pc) =	sbr.rel .LBB2_1-.Ltmp0, $4  }
0xe: {  	s1 =	sadd.s32 s1, s12;
	s0 =	smax.u32 s0, $0x1;
	s12 =	simm.s32 $0xC300  }
0xf: {  	v1 =	vlaneseq.u32;
	s26 =	sadd.s32 $0xC200, s13;
	s1 =	sadd.s32 $0x30200, s1;
	[dreg:$0x4] =	wrdreg s0  }
0x10: {  	v0 =	vimm.s32 $0x0;
	v2 =	vshrl.u32 v1, $0x1;
	s0 =	simm.s32 $0xC000;
	s13 =	simm.s32 $0x1;
	[dreg:$0x2] =	wrdreg s26  }
0x11: {  	vm0 =	vmmov $0x3f;
	v1 =	vand.u32 $0x1, v1;
	v2 =	vmul.u32 $0x8, v2;
	[dreg:$0x3] =	wrdreg s1;
	s26 =	simm.s32 $0xAE00;
	s1 =	simm.s32 $0xBD00  }
.LBB2_14:
0x12: {  	s15 =	rddreg [dreg:$0x3];
	s16 =	simm.s32 $0xC600  }
0x13: {  	[hbm4b:s15+s2] =	stream.linear.scatter [tilespmem:s16], [sflag:$0x3], $0x3000, $0x38;
	[tilespmem:$0xF600] =	vst v63  }
0x14: {  	s16 =	simm.s32 $0x3  }
0x15: {  	_ =	swait.ge [sflag:s16], $0x3000  }
0x16: {  	s17 =	rddreg [dreg:$0x5]  }
0x17: {  	s21 =	rddreg [dreg:$0x4];
	s17 =	sadd.s32 $0x1, s17  }
0x18: {  	p0 =	sne.s32 s17, s21  }
.Ltmp1:
0x19: {  	_ = 	snop;
	(pc) =	sbr.rel @!p0 .LBB2_15-.Ltmp1, $3  }
0x1a: {  	_ =	sdelay $0x1  }
0x1b: {  	[sflag:s16] =	ssyncset.done $0x0  }
0x1c: {  	[sflag:s16] =	ssyncadd.s32 $0xFFFFD000  }
.LBB2_1:
0x1d: {  	[dreg:$0x5] =	wrdreg s17  }
0x1e: {  	s15 =	rddreg [dreg:$0x2]  }
0x1f: {  	[tilespmem:s2], [sflag:$0x3] =	stream.linear.gather [hbm4b:s15+s2], $0x9000, $0x38;
	[tilespmem:$0xF600] =	vst v63  }
0x20: {  	_ =	swait.ge [sflag:s16], $0x9000  }
0x21: {  	[sflag:s16] =	ssyncset.done $0x0  }
0x22: {  	s15 =	simm.s32 $0x0;
	[sflag:s16] =	ssyncadd.s32 $0xFFFF7000  }
.LBB2_2:
0x23: {  	s16 =	sshrl.u32 s15, $0x3  }
0x24: {  	s16 =	smul.u32 $0x3000, s16  }
0x25: {  	s17 =	sshll.u32 s15, $0x7  }
0x26: {  	s17 =	sand.u32 $0x380, s17;
	s16 =	sshra.s32 s16, $0x2  }
0x27: {  	s17 =	sor.u32 s17, s16;
	s16 =	simm.s32 $0x0  }
0x28: {  	s17 =	sadd.s32 $0xC600, s17;
	s18 =	sand.u32 $0xC00, s16  }
0x29: {  	s19 =	sand.u32 $0x70, s16;
	s20 =	sadd.s32 s18, s17  }
0x2a: {  	s18 =	simm.s32 $0x10;
	s19 =	sadd.s32 s19, s20  }
.LBB2_3:
0x2b: {  	p0 =	sne.s32 s18, $0x170  }
0x2c: {  	[tilespmem:s19+$0x0] =	vst v0;
	s16 =	sadd.s32 $0x80, s16;
	s19 =	smov.u32 s18;
	s18 =	sadd.s32 $0x10, s18  }
.Ltmp2:
0x2d: {  	(pc) =	sbr.rel @p0 .LBB2_3-.Ltmp2, $4  }
0x2e: {  	_ = 	snop  }
0x2f: {  	s20 =	sand.u32 $0xC00, s16  }
0x30: {  	s19 =	sand.u32 $0x70, s19;
	s20 =	sadd.s32 s20, s17  }
0x31: {  	s19 =	sadd.s32 s19, s20  }
0x32: {  	s15 =	sadd.s32 $0x1, s15  }
0x33: {  	p0 =	sne.s32 s15, $0x20  }
.Ltmp3:
0x34: {  	_ = 	snop;
	(pc) =	sbr.rel @p0 .LBB2_2-.Ltmp3, $2  }
0x35: {  	_ =	sdelay $0x2  }
0x36: {  	[tilespmem:s19+$0x0] =	vst v0  }
0x37: {  	v3 =	vld.msk [tilespmem:$0x0], $0x3;
	_ =	sdelay $0x4  }
0x38: {  	v4 =	vshrl.u32 v3, $0x3  }
0x39: {  	v4 =	vmul.u32 $0x18, v4  }
0x3a: {  	v3 =	vand.u32 $0x7, v3  }
0x3b: {  	v3 =	vor.u32 v3, v4  }
0x3c: {  	v3 =	vperm.xlane v3, v1;
	_ =	sdelay $0x1  }
0x3d: {  	v3 =	vadd.s32 v2, v3;
	_ =	sdelay $0x3  }
0x3e: {  	s15 =	simm.s32 $0x0;
	s16 =	simm.s32 $0x9000  }
0x3f: {  	[tilespmem:s16], [sflag:$0x1] =	stream.indirect_vreg.gather [hbm4b:s3+s15], $0x80, v3, vm0, $0xb8;
	[tilespmem:$0xF600] =	vst v63  }
0x40: {  	v3 =	vld.msk [tilespmem:$0x1000], $0x3;
	_ =	sdelay $0x4  }
0x41: {  	v47 =	vshrl.u32 v3, $0x3  }
0x42: {  	v4 =	vmul.u32 $0x18, v47  }
0x43: {  	v3 =	vand.u32 $0x7, v3  }
0x44: {  	v3 =	vor.u32 v3, v4  }
0x45: {  	v3 =	vperm.xlane v3, v1;
	_ =	sdelay $0x1  }
0x46: {  	v3 =	vadd.s32 v2, v3;
	_ =	sdelay $0x3  }
0x47: {  	s17 =	simm.s32 $0x9300  }
0x48: {  	[tilespmem:s17], [sflag:$0x1] =	stream.indirect_vreg.gather [hbm4b:s4+s15], $0x80, v3, vm0, $0xb8;
	[tilespmem:$0xF600] =	vst v63  }
0x49: {  	v3 =	vld.msk [tilespmem:$0x2000], $0x3;
	_ =	sdelay $0x4  }
0x4a: {  	v48 =	vshrl.u32 v3, $0x3  }
0x4b: {  	v4 =	vmul.u32 $0x18, v48  }
0x4c: {  	v3 =	vand.u32 $0x7, v3  }
0x4d: {  	v3 =	vor.u32 v3, v4  }
0x4e: {  	v3 =	vperm.xlane v3, v1;
	_ =	sdelay $0x1  }
0x4f: {  	v3 =	vadd.s32 v2, v3;
	_ =	sdelay $0x3  }
0x50: {  	s18 =	simm.s32 $0x9600  }
0x51: {  	[tilespmem:s18], [sflag:$0x1] =	stream.indirect_vreg.gather [hbm4b:s5+s15], $0x80, v3, vm0, $0xb8;
	[tilespmem:$0xF600] =	vst v63  }
0x52: {  	v3 =	vld.msk [tilespmem:$0x3000], $0x3;
	_ =	sdelay $0x4  }
0x53: {  	v49 =	vshrl.u32 v3, $0x3  }
0x54: {  	v4 =	vmul.u32 $0x18, v49  }
0x55: {  	v3 =	vand.u32 $0x7, v3  }
0x56: {  	v3 =	vor.u32 v3, v4  }
0x57: {  	v3 =	vperm.xlane v3, v1;
	_ =	sdelay $0x1  }
0x58: {  	v3 =	vadd.s32 v2, v3;
	_ =	sdelay $0x3  }
0x59: {  	s19 =	simm.s32 $0x9900  }
0x5a: {  	[tilespmem:s19], [sflag:$0x1] =	stream.indirect_vreg.gather [hbm4b:s6+s15], $0x80, v3, vm0, $0xb8;
	[tilespmem:$0xF600] =	vst v63  }
0x5b: {  	v3 =	vld.msk [tilespmem:$0x4000], $0x3;
	_ =	sdelay $0x4  }
0x5c: {  	v50 =	vshrl.u32 v3, $0x3  }
0x5d: {  	v4 =	vmul.u32 $0x18, v50  }
0x5e: {  	v3 =	vand.u32 $0x7, v3  }
0x5f: {  	v3 =	vor.u32 v3, v4  }
0x60: {  	v3 =	vperm.xlane v3, v1;
	_ =	sdelay $0x1  }
0x61: {  	v3 =	vadd.s32 v2, v3;
	_ =	sdelay $0x3  }
0x62: {  	s20 =	simm.s32 $0x9C00  }
0x63: {  	[tilespmem:s20], [sflag:$0x1] =	stream.indirect_vreg.gather [hbm4b:s7+s15], $0x80, v3, vm0, $0xb8;
	[tilespmem:$0xF600] =	vst v63  }
0x64: {  	v3 =	vld.msk [tilespmem:$0x5000], $0x3;
	_ =	sdelay $0x4  }
0x65: {  	v51 =	vshrl.u32 v3, $0x3  }
0x66: {  	v4 =	vmul.u32 $0x18, v51  }
0x67: {  	v3 =	vand.u32 $0x7, v3  }
0x68: {  	v3 =	vor.u32 v3, v4  }
0x69: {  	v3 =	vperm.xlane v3, v1;
	_ =	sdelay $0x1  }
0x6a: {  	v3 =	vadd.s32 v2, v3;
	_ =	sdelay $0x3  }
0x6b: {  	s21 =	simm.s32 $0x9F00  }
0x6c: {  	[tilespmem:s21], [sflag:$0x1] =	stream.indirect_vreg.gather [hbm4b:s8+s15], $0x80, v3, vm0, $0xb8;
	[tilespmem:$0xF600] =	vst v63  }
0x6d: {  	v3 =	vld.msk [tilespmem:$0x6000], $0x3;
	_ =	sdelay $0x4  }
0x6e: {  	v52 =	vshrl.u32 v3, $0x3  }
0x6f: {  	v4 =	vmul.u32 $0x18, v52  }
0x70: {  	v3 =	vand.u32 $0x7, v3  }
0x71: {  	v3 =	vor.u32 v3, v4  }
0x72: {  	v3 =	vperm.xlane v3, v1;
	_ =	sdelay $0x1  }
0x73: {  	v3 =	vadd.s32 v2, v3;
	_ =	sdelay $0x4  }
0x74: {  	[tilespmem:s22], [sflag:$0x1] =	stream.indirect_vreg.gather [hbm4b:s9+s15], $0x80, v3, vm0, $0xb8;
	[tilespmem:$0xF600] =	vst v63  }
0x75: {  	v3 =	vld.msk [tilespmem:$0x7000], $0x3;
	_ =	sdelay $0x4  }
0x76: {  	v53 =	vshrl.u32 v3, $0x3  }
0x77: {  	v4 =	vmul.u32 $0x18, v53  }
0x78: {  	v3 =	vand.u32 $0x7, v3  }
0x79: {  	v3 =	vor.u32 v3, v4  }
0x7a: {  	v3 =	vperm.xlane v3, v1;
	_ =	sdelay $0x1  }
0x7b: {  	v3 =	vadd.s32 v2, v3;
	_ =	sdelay $0x4  }
0x7c: {  	[tilespmem:s23], [sflag:$0x1] =	stream.indirect_vreg.gather [hbm4b:s10+s15], $0x80, v3, vm0, $0xb8;
	[tilespmem:$0xF600] =	vst v63  }
0x7d: {  	v3 =	vld.msk [tilespmem:$0x8000], $0x3;
	_ =	sdelay $0x4  }
0x7e: {  	v54 =	vshrl.u32 v3, $0x3  }
0x7f: {  	v4 =	vmul.u32 $0x18, v54  }
0x80: {  	v3 =	vand.u32 $0x7, v3  }
0x81: {  	v3 =	vor.u32 v3, v4  }
0x82: {  	v3 =	vperm.xlane v3, v1;
	_ =	sdelay $0x1  }
0x83: {  	v3 =	vadd.s32 v2, v3;
	_ =	sdelay $0x4  }
0x84: {  	[tilespmem:s24], [sflag:$0x1] =	stream.indirect_vreg.gather [hbm4b:s11+s15], $0x80, v3, vm0, $0xb8;
	[tilespmem:$0xF600] =	vst v63  }
0x85: {  	v3 =	vld.msk [tilespmem:$0x80], $0x3;
	_ =	sdelay $0x4  }
0x86: {  	v55 =	vshrl.u32 v3, $0x3  }
0x87: {  	v4 =	vmul.u32 $0x18, v55  }
0x88: {  	v3 =	vand.u32 $0x7, v3  }
0x89: {  	v3 =	vor.u32 v3, v4  }
0x8a: {  	v3 =	vperm.xlane v3, v1;
	_ =	sdelay $0x1  }
0x8b: {  	v3 =	vadd.s32 v2, v3;
	_ =	sdelay $0x4  }
0x8c: {  	[tilespmem:s25], [sflag:$0x2] =	stream.indirect_vreg.gather [hbm4b:s3+s15], $0x80, v3, vm0, $0xb8;
	[tilespmem:$0xF600] =	vst v63  }
0x8d: {  	v3 =	vld.msk [tilespmem:$0x1080], $0x3;
	_ =	sdelay $0x4  }
0x8e: {  	v56 =	vshrl.u32 v3, $0x3  }
0x8f: {  	v4 =	vmul.u32 $0x18, v56  }
0x90: {  	v3 =	vand.u32 $0x7, v3  }
0x91: {  	v3 =	vor.u32 v3, v4  }
0x92: {  	v3 =	vperm.xlane v3, v1;
	_ =	sdelay $0x1  }
0x93: {  	v3 =	vadd.s32 v2, v3;
	_ =	sdelay $0x4  }
0x94: {  	[tilespmem:s26], [sflag:$0x2] =	stream.indirect_vreg.gather [hbm4b:s4+s15], $0x80, v3, vm0, $0xb8;
	[tilespmem:$0xF600] =	vst v63  }
0x95: {  	v3 =	vld.msk [tilespmem:$0x2080], $0x3;
	_ =	sdelay $0x4  }
0x96: {  	v57 =	vshrl.u32 v3, $0x3  }
0x97: {  	v4 =	vmul.u32 $0x18, v57  }
0x98: {  	v3 =	vand.u32 $0x7, v3  }
0x99: {  	v3 =	vor.u32 v3, v4  }
0x9a: {  	v3 =	vperm.xlane v3, v1;
	_ =	sdelay $0x1  }
0x9b: {  	v3 =	vadd.s32 v2, v3;
	_ =	sdelay $0x4  }
0x9c: {  	[tilespmem:s28], [sflag:$0x2] =	stream.indirect_vreg.gather [hbm4b:s5+s15], $0x80, v3, vm0, $0xb8;
	[tilespmem:$0xF600] =	vst v63  }
0x9d: {  	v3 =	vld.msk [tilespmem:$0x3080], $0x3;
	_ =	sdelay $0x4  }
0x9e: {  	v58 =	vshrl.u32 v3, $0x3  }
0x9f: {  	v4 =	vmul.u32 $0x18, v58  }
0xa0: {  	v3 =	vand.u32 $0x7, v3  }
0xa1: {  	v3 =	vor.u32 v3, v4  }
0xa2: {  	v3 =	vperm.xlane v3, v1;
	_ =	sdelay $0x1  }
0xa3: {  	v3 =	vadd.s32 v2, v3;
	_ =	sdelay $0x4  }
0xa4: {  	[tilespmem:s29], [sflag:$0x2] =	stream.indirect_vreg.gather [hbm4b:s6+s15], $0x80, v3, vm0, $0xb8;
	[tilespmem:$0xF600] =	vst v63  }
0xa5: {  	v3 =	vld.msk [tilespmem:$0x4080], $0x3;
	_ =	sdelay $0x4  }
0xa6: {  	v59 =	vshrl.u32 v3, $0x3  }
0xa7: {  	v4 =	vmul.u32 $0x18, v59  }
0xa8: {  	v3 =	vand.u32 $0x7, v3  }
0xa9: {  	v3 =	vor.u32 v3, v4  }
0xaa: {  	v3 =	vperm.xlane v3, v1;
	_ =	sdelay $0x1  }
0xab: {  	v3 =	vadd.s32 v2, v3;
	_ =	sdelay $0x4  }
0xac: {  	[tilespmem:s30], [sflag:$0x2] =	stream.indirect_vreg.gather [hbm4b:s7+s15], $0x80, v3, vm0, $0xb8;
	[tilespmem:$0xF600] =	vst v63  }
0xad: {  	v3 =	vld.msk [tilespmem:$0x5080], $0x3;
	_ =	sdelay $0x4  }
0xae: {  	v60 =	vshrl.u32 v3, $0x3  }
0xaf: {  	v4 =	vmul.u32 $0x18, v60  }
0xb0: {  	v3 =	vand.u32 $0x7, v3  }
0xb1: {  	v3 =	vor.u32 v3, v4  }
0xb2: {  	v3 =	vperm.xlane v3, v1;
	_ =	sdelay $0x1  }
0xb3: {  	v3 =	vadd.s32 v2, v3;
	_ =	sdelay $0x4  }
0xb4: {  	[tilespmem:s31], [sflag:$0x2] =	stream.indirect_vreg.gather [hbm4b:s8+s15], $0x80, v3, vm0, $0xb8;
	[tilespmem:$0xF600] =	vst v63  }
0xb5: {  	v3 =	vld.msk [tilespmem:$0x6080], $0x3;
	_ =	sdelay $0x4  }
0xb6: {  	v61 =	vshrl.u32 v3, $0x3  }
0xb7: {  	v4 =	vmul.u32 $0x18, v61  }
0xb8: {  	v3 =	vand.u32 $0x7, v3  }
0xb9: {  	v3 =	vor.u32 v3, v4  }
0xba: {  	v3 =	vperm.xlane v3, v1;
	_ =	sdelay $0x1  }
0xbb: {  	v3 =	vadd.s32 v2, v3;
	_ =	sdelay $0x4  }
0xbc: {  	[tilespmem:s1], [sflag:$0x2] =	stream.indirect_vreg.gather [hbm4b:s9+s15], $0x80, v3, vm0, $0xb8;
	[tilespmem:$0xF600] =	vst v63  }
0xbd: {  	v3 =	vld.msk [tilespmem:$0x7080], $0x3;
	_ =	sdelay $0x4  }
0xbe: {  	v62 =	vshrl.u32 v3, $0x3  }
0xbf: {  	v4 =	vmul.u32 $0x18, v62  }
0xc0: {  	v3 =	vand.u32 $0x7, v3  }
0xc1: {  	v3 =	vor.u32 v3, v4  }
0xc2: {  	v3 =	vperm.xlane v3, v1;
	_ =	sdelay $0x1  }
0xc3: {  	v3 =	vadd.s32 v2, v3;
	_ =	sdelay $0x4  }
0xc4: {  	[tilespmem:s0], [sflag:$0x2] =	stream.indirect_vreg.gather [hbm4b:s10+s15], $0x80, v3, vm0, $0xb8;
	[tilespmem:$0xF600] =	vst v63  }
0xc5: {  	v3 =	vld.msk [tilespmem:$0x8080], $0x3;
	_ =	sdelay $0x4  }
0xc6: {  	v63 =	vshrl.u32 v3, $0x3  }
0xc7: {  	v4 =	vmul.u32 $0x18, v63  }
0xc8: {  	v3 =	vand.u32 $0x7, v3  }
0xc9: {  	v3 =	vor.u32 v3, v4  }
0xca: {  	v3 =	vperm.xlane v3, v1;
	_ =	sdelay $0x1  }
0xcb: {  	v3 =	vadd.s32 v2, v3;
	_ =	sdelay $0x4  }
0xcc: {  	[tilespmem:s12], [sflag:$0x2] =	stream.indirect_vreg.gather [hbm4b:s11+s15], $0x80, v3, vm0, $0xb8;
	[tilespmem:$0xF600] =	vst v63  }
.LBB2_6:
0xcd: {  	_ =	swait.ge [sflag:s13], $0x300  }
0xce: {  	[sflag:s13] =	ssyncset.done $0x0  }
0xcf: {  	[sflag:s13] =	ssyncadd.s32 $0xFFFFFD00  }
0xd0: {  	_ =	swait.ge [sflag:s13], $0x300  }
0xd1: {  	[sflag:s13] =	ssyncset.done $0x0  }
0xd2: {  	[sflag:s13] =	ssyncadd.s32 $0xFFFFFD00  }
0xd3: {  	_ =	swait.ge [sflag:s13], $0x300  }
0xd4: {  	[sflag:s13] =	ssyncset.done $0x0  }
0xd5: {  	[sflag:s13] =	ssyncadd.s32 $0xFFFFFD00  }
0xd6: {  	_ =	swait.ge [sflag:s13], $0x300  }
0xd7: {  	[sflag:s13] =	ssyncset.done $0x0  }
0xd8: {  	[sflag:s13] =	ssyncadd.s32 $0xFFFFFD00  }
0xd9: {  	_ =	swait.ge [sflag:s13], $0x300  }
0xda: {  	[sflag:s13] =	ssyncset.done $0x0  }
0xdb: {  	[sflag:s13] =	ssyncadd.s32 $0xFFFFFD00  }
0xdc: {  	_ =	swait.ge [sflag:s13], $0x300  }
0xdd: {  	[sflag:s13] =	ssyncset.done $0x0  }
0xde: {  	[sflag:s13] =	ssyncadd.s32 $0xFFFFFD00  }
0xdf: {  	_ =	swait.ge [sflag:s13], $0x300  }
0xe0: {  	[sflag:s13] =	ssyncset.done $0x0  }
0xe1: {  	[sflag:s13] =	ssyncadd.s32 $0xFFFFFD00  }
0xe2: {  	_ =	swait.ge [sflag:s13], $0x300  }
0xe3: {  	[sflag:s13] =	ssyncset.done $0x0  }
0xe4: {  	[sflag:s13] =	ssyncadd.s32 $0xFFFFFD00  }
0xe5: {  	_ =	swait.ge [sflag:s13], $0x300  }
0xe6: {  	[sflag:s13] =	ssyncset.done $0x0  }
0xe7: {  	s16 =	simm.s32 $0x0;
	s17 =	simm.s32 $0x0;
	[sflag:s13] =	ssyncadd.s32 $0xFFFFFD00  }
.LBB2_7:
0xe8: {  	s18 =	sshll.u32 s17, $0x7  }
0xe9: {  	s19 =	sshra.s32 s18, $0x2  }
0xea: {  	s20 =	sand.u32 $0x70, s16;
	s19 =	sand.u32 $0xFFFFFF00, s19  }
0xeb: {  	s19 =	sor.u32 s20, s19  }
0xec: {  	v3 =	vld [tilespmem:s19+$0x9000]  }
0xed: {  	v4 =	vld [tilespmem:s19+$0x9080]  }
0xee: {  	v5 =	vld [tilespmem:s19+$0x9300]  }
0xef: {  	v6 =	vld [tilespmem:s19+$0x9380]  }
0xf0: {  	v7 =	vld [tilespmem:s19+$0x9600]  }
0xf1: {  	v8 =	vld [tilespmem:s19+$0x9680]  }
0xf2: {  	v9 =	vld [tilespmem:s19+$0x9900]  }
0xf3: {  	v10 =	vld [tilespmem:s19+$0x9980]  }
0xf4: {  	v11 =	vld [tilespmem:s19+$0x9C00]  }
0xf5: {  	v12 =	vld [tilespmem:s19+$0x9C80]  }
0xf6: {  	v13 =	vld [tilespmem:s19+$0x9F00]  }
0xf7: {  	v14 =	vld [tilespmem:s19+$0x9F80]  }
0xf8: {  	v15 =	vld [tilespmem:s19+$0xA200]  }
0xf9: {  	v16 =	vld [tilespmem:s19+$0xA280]  }
0xfa: {  	v17 =	vld [tilespmem:s19+$0xA500]  }
0xfb: {  	v46 =	vld [tilespmem:s19+$0xA580];
	v3 =	vxor.u32 v3, v5;
	v4 =	vxor.u32 v4, v6  }
0xfc: {  	v47 =	vld [tilespmem:s19+$0xA800];
	v3 =	vxor.u32 v7, v3;
	v4 =	vxor.u32 v8, v4  }
0xfd: {  	v48 =	vld [tilespmem:s19+$0xA880];
	v3 =	vxor.u32 v9, v3;
	v4 =	vxor.u32 v10, v4  }
0xfe: {  	v3 =	vxor.u32 v11, v3;
	v4 =	vxor.u32 v12, v4  }
0xff: {  	v3 =	vxor.u32 v13, v3;
	v4 =	vxor.u32 v14, v4  }
0x100: {  	v3 =	vxor.u32 v15, v3;
	v4 =	vxor.u32 v16, v4  }
0x101: {  	v3 =	vxor.u32 v17, v3;
	v4 =	vxor.u32 v46, v4  }
0x102: {  	v3 =	vxor.u32 v47, v3;
	v4 =	vxor.u32 v48, v4  }
0x103: {  	v6 =	vand.u32 $0x1, v3;
	v7 =	vand.u32 $0x1, v4  }
0x104: {  	v51 =	vshrl.u32 v3, $0x1;
	v52 =	vshrl.u32 v4, $0x1;
	v56 =	vshrl.u32 v3, $0x2  }
0x105: {  	v57 =	vshrl.u32 v4, $0x2;
	v61 =	vshrl.u32 v3, $0x3;
	v62 =	vshrl.u32 v4, $0x3  }
0x106: {  	v16 =	vshrl.u32 v3, $0x4;
	v17 =	vshrl.u32 v4, $0x4;
	v19 =	vshrl.u32 v3, $0x5  }
0x107: {  	v20 =	vshrl.u32 v4, $0x5;
	v22 =	vshrl.u32 v3, $0x6;
	v23 =	vshrl.u32 v4, $0x6  }
0x108: {  	s18 =	sand.u32 $0x3FFFFC00, s18;
	v25 =	vshrl.u32 v3, $0x7;
	v26 =	vshrl.u32 v4, $0x7;
	v28 =	vshrl.u32 v3, $0x8  }
0x109: {  	s18 =	sor.u32 s20, s18;
	v29 =	vshrl.u32 v4, $0x8;
	v31 =	vshrl.u32 v3, $0x9;
	v32 =	vshrl.u32 v4, $0x9  }
0x10a: {  	v49 =	vld [tilespmem:s18+$0xC600];
	v33 =	vshrl.u32 v3, $0xA;
	v34 =	vshrl.u32 v4, $0xA;
	v35 =	vshrl.u32 v3, $0xB  }
0x10b: {  	v36 =	vshrl.u32 v4, $0xB;
	v37 =	vshrl.u32 v3, $0xC;
	v38 =	vshrl.u32 v4, $0xC  }
0x10c: {  	v39 =	vshrl.u32 v3, $0xD;
	v40 =	vshrl.u32 v4, $0xD;
	v41 =	vshrl.u32 v3, $0xE  }
0x10d: {  	v42 =	vshrl.u32 v4, $0xE;
	v43 =	vshrl.u32 v3, $0xF;
	v44 =	vshrl.u32 v4, $0xF  }
0x10e: {  	v45 =	vshrl.u32 v3, $0x10;
	v46 =	vshrl.u32 v4, $0x10;
	v48 =	vshrl.u32 v3, $0x11  }
0x10f: {  	v6 =	vadd.s32 v6, v49;
	v54 =	vand.u32 $0x1, v51;
	v55 =	vand.u32 $0x1, v52  }
0x110: {  	v59 =	vand.u32 $0x1, v56;
	v60 =	vand.u32 $0x1, v57;
	v8 =	vand.u32 $0x1, v61  }
0x111: {  	v9 =	vand.u32 $0x1, v62;
	v10 =	vand.u32 $0x1, v17;
	v11 =	vand.u32 $0x1, v20  }
0x112: {  	v12 =	vand.u32 $0x1, v23;
	v13 =	vand.u32 $0x1, v26;
	v14 =	vand.u32 $0x1, v29  }
0x113: {  	v50 =	vld [tilespmem:s18+$0xC680];
	v15 =	vand.u32 $0x1, v32;
	v17 =	vand.u32 $0x1, v36;
	v49 =	vshrl.u32 v4, $0x11  }
0x114: {  	v58 =	vld [tilespmem:s18+$0xC780];
	v52 =	vand.u32 $0x1, v48;
	v61 =	vshrl.u32 v3, $0x14;
	v62 =	vshrl.u32 v4, $0x14  }
0x115: {  	v26 =	vshrl.u32 v4, $0x16;
	v48 =	vshrl.u32 v4, $0x1B;
	v6 =	vadd.s32 v7, v6  }
0x116: {  	v53 =	vld [tilespmem:s18+$0xC700];
	v7 =	vadd.s32 v54, v55;
	v8 =	vadd.s32 v8, v9;
	v9 =	vand.u32 $0x1, v16  }
0x117: {  	v63 =	vld [tilespmem:s18+$0xC800];
	v16 =	vand.u32 $0x1, v34;
	v54 =	vshrl.u32 v3, $0x12;
	v55 =	vshrl.u32 v4, $0x12  }
0x118: {  	v29 =	vand.u32 $0x1, v26;
	v34 =	vshrl.u32 v3, $0x18;
	v5 =	vadd.s32 v50, v7  }
0x119: {  	v18 =	vld [tilespmem:s18+$0xC880];
	v7 =	vadd.s32 v59, v60;
	v8 =	vadd.s32 v58, v8;
	v9 =	vadd.s32 v9, v10  }
0x11a: {  	v10 =	vand.u32 $0x1, v19;
	v57 =	vand.u32 $0x1, v55;
	v58 =	vshrl.u32 v3, $0x13  }
0x11b: {  	v21 =	vld [tilespmem:s18+$0xC900];
	v59 =	vshrl.u32 v4, $0x13;
	v55 =	vshrl.u32 v4, $0x1D;
	v7 =	vadd.s32 v53, v7  }
0x11c: {  	[tilespmem:s18+$0xC600] =	vst v6;
	v9 =	vadd.s32 v63, v9;
	v10 =	vadd.s32 v10, v11;
	v11 =	vand.u32 $0x1, v22  }
0x11d: {  	v53 =	vand.u32 $0x1, v49;
	[tilespmem:s18+$0xC780] =	vst v8;
	v8 =	vand.u32 $0x1, v58;
	v58 =	vand.u32 $0x1, v55  }
0x11e: {  	v24 =	vld [tilespmem:s18+$0xC980];
	v10 =	vadd.s32 v18, v10;
	v11 =	vadd.s32 v11, v12;
	v12 =	vand.u32 $0x1, v25;
	[tilespmem:s18+$0xC700] =	vst v7  }
0x11f: {  	v56 =	vld [tilespmem:s18+$0xDF80];
	v6 =	vadd.s32 v52, v53;
	v7 =	vand.u32 $0x1, v54;
	[tilespmem:s18+$0xC800] =	vst v9;
	v9 =	vand.u32 $0x1, v59  }
0x120: {  	v27 =	vld [tilespmem:s18+$0xD200];
	v54 =	vshrl.u32 v3, $0x1D;
	v11 =	vadd.s32 v21, v11;
	v12 =	vadd.s32 v12, v13  }
0x121: {  	v50 =	vld [tilespmem:s18+$0xDF00];
	v13 =	vand.u32 $0x1, v28;
	v7 =	vadd.s32 v7, v57;
	v8 =	vadd.s32 v8, v9  }
0x122: {  	v60 =	vld [tilespmem:s18+$0xE000];
	[tilespmem:s18+$0xC880] =	vst v10;
	v9 =	vand.u32 $0x1, v61;
	v10 =	vand.u32 $0x1, v62;
	v57 =	vand.u32 $0x1, v54  }
0x123: {  	v30 =	vld [tilespmem:s18+$0xD280];
	v61 =	vshrl.u32 v4, $0x1E;
	v12 =	vadd.s32 v24, v12;
	v13 =	vadd.s32 v13, v14  }
0x124: {  	v14 =	vand.u32 $0x1, v31;
	v8 =	vadd.s32 v56, v8;
	v9 =	vadd.s32 v9, v10  }
0x125: {  	v18 =	vld [tilespmem:s18+$0xD300];
	v31 =	vshrl.u32 v4, $0x17;
	v62 =	vand.u32 $0x1, v61;
	v13 =	vadd.s32 v27, v13  }
0x126: {  	v14 =	vadd.s32 v14, v15;
	v15 =	vand.u32 $0x1, v33;
	v7 =	vadd.s32 v50, v7  }
0x127: {  	v25 =	vld [tilespmem:s18+$0xDE80];
	v9 =	vadd.s32 v60, v9;
	v33 =	vand.u32 $0x1, v31;
	v50 =	vshrl.u32 v3, $0x1C  }
0x128: {  	v19 =	vld [tilespmem:s18+$0xD380];
	v60 =	vshrl.u32 v3, $0x1E;
	v14 =	vadd.s32 v30, v14;
	v15 =	vadd.s32 v15, v16  }
0x129: {  	v16 =	vand.u32 $0x1, v35;
	[tilespmem:s18+$0xD200] =	vst v13;
	v30 =	vshrl.u32 v3, $0x17;
	v35 =	vshrl.u32 v4, $0x18  }
0x12a: {  	v20 =	vld [tilespmem:s18+$0xD400];
	v13 =	vand.u32 $0x1, v34;
	[tilespmem:s18+$0xE000] =	vst v9;
	v9 =	vand.u32 $0x1, v48;
	v15 =	vadd.s32 v18, v15  }
0x12b: {  	[tilespmem:s18+$0xC680] =	vst v5;
	v16 =	vadd.s32 v16, v17;
	v17 =	vand.u32 $0x1, v37;
	v18 =	vand.u32 $0x1, v38  }
0x12c: {  	v32 =	vld [tilespmem:s18+$0xEA00];
	v6 =	vadd.s32 v25, v6;
	[tilespmem:s18+$0xD280] =	vst v14;
	v25 =	vshrl.u32 v3, $0x16;
	v14 =	vand.u32 $0x1, v35  }
0x12d: {  	v21 =	vld [tilespmem:s18+$0xD480];
	[tilespmem:s18+$0xC900] =	vst v11;
	v38 =	vshrl.u32 v3, $0x19;
	v16 =	vadd.s32 v19, v16;
	v17 =	vadd.s32 v17, v18  }
0x12e: {  	[tilespmem:s18+$0xC980] =	vst v12;
	v18 =	vand.u32 $0x1, v39;
	v19 =	vand.u32 $0x1, v40;
	v28 =	vand.u32 $0x1, v25  }
0x12f: {  	v22 =	vld [tilespmem:s18+$0xD500];
	[tilespmem:s18+$0xDF80] =	vst v8;
	v37 =	vadd.s32 v13, v14;
	v39 =	vshrl.u32 v4, $0x19;
	v17 =	vadd.s32 v20, v17  }
0x130: {  	v36 =	vld [tilespmem:s18+$0xEA80];
	[tilespmem:s18+$0xDF00] =	vst v7;
	v18 =	vadd.s32 v18, v19;
	v19 =	vand.u32 $0x1, v41;
	v20 =	vand.u32 $0x1, v42  }
0x131: {  	v23 =	vld [tilespmem:s18+$0xD580];
	[tilespmem:s18+$0xD300] =	vst v15;
	v5 =	vadd.s32 v32, v37;
	v41 =	vand.u32 $0x1, v38;
	v42 =	vand.u32 $0x1, v39  }
0x132: {  	[tilespmem:s18+$0xDE80] =	vst v6;
	v18 =	vadd.s32 v21, v18;
	v19 =	vadd.s32 v19, v20;
	v20 =	vand.u32 $0x1, v43  }
0x133: {  	v24 =	vld [tilespmem:s18+$0xDE00];
	[tilespmem:s18+$0xD380] =	vst v16;
	v21 =	vand.u32 $0x1, v44;
	v6 =	vadd.s32 v41, v42;
	v43 =	vshrl.u32 v3, $0x1A  }
0x134: {  	v52 =	vld [tilespmem:s18+$0xEC80];
	[tilespmem:s18+$0xD400] =	vst v17;
	v44 =	vshrl.u32 v4, $0x1A;
	v19 =	vadd.s32 v22, v19;
	v20 =	vadd.s32 v20, v21  }
0x135: {  	v40 =	vld [tilespmem:s18+$0xEB00];
	[tilespmem:s18+$0xEA00] =	vst v5;
	v21 =	vand.u32 $0x1, v45;
	v22 =	vand.u32 $0x1, v46;
	v6 =	vadd.s32 v36, v6  }
0x136: {  	[tilespmem:s18+$0xD480] =	vst v18;
	v7 =	vand.u32 $0x1, v43;
	v46 =	vand.u32 $0x1, v44;
	v20 =	vadd.s32 v23, v20  }
0x137: {  	v63 =	vld [tilespmem:s18+$0xE080];
	v47 =	vadd.s32 v21, v22;
	v22 =	vshrl.u32 v3, $0x15;
	v23 =	vshrl.u32 v4, $0x15;
	[tilespmem:s18+$0xD500] =	vst v19  }
0x138: {  	v27 =	vld [tilespmem:s18+$0xE180];
	v7 =	vadd.s32 v7, v46;
	[tilespmem:s18+$0xEA80] =	vst v6;
	v6 =	vadd.s32 v57, v58;
	v51 =	vadd.s32 v24, v47  }
0x139: {  	v45 =	vld [tilespmem:s18+$0xEB80];
	v10 =	vand.u32 $0x1, v22;
	v12 =	vand.u32 $0x1, v23;
	[tilespmem:s18+$0xD580] =	vst v20;
	v47 =	vshrl.u32 v3, $0x1B  }
0x13a: {  	v59 =	vld [tilespmem:s18+$0xED80];
	v7 =	vadd.s32 v40, v7;
	v6 =	vadd.s32 v52, v6;
	v3 =	vshrl.u32 v3, $0x1F;
	[tilespmem:s18+$0xDE00] =	vst v51  }
0x13b: {  	v24 =	vld [tilespmem:s18+$0xE100];
	v10 =	vadd.s32 v10, v12;
	v12 =	vand.u32 $0x1, v30;
	v8 =	vand.u32 $0x1, v47;
	[tilespmem:s18+$0xEB00] =	vst v7  }
0x13c: {  	v49 =	vld [tilespmem:s18+$0xEC00];
	v51 =	vshrl.u32 v4, $0x1C;
	[tilespmem:s18+$0xEC80] =	vst v6;
	v10 =	vadd.s32 v63, v10;
	v12 =	vadd.s32 v12, v33  }
0x13d: {  	v56 =	vld [tilespmem:s18+$0xED00];
	v4 =	vshrl.u32 v4, $0x1F;
	v8 =	vadd.s32 v8, v9;
	v12 =	vadd.s32 v27, v12;
	[tilespmem:s18+$0xE080] =	vst v10  }
0x13e: {  	p0 =	sne.s32 s17, $0x17;
	v11 =	vadd.s32 v28, v29;
	v3 =	vadd.s32 v3, v4;
	v8 =	vadd.s32 v45, v8;
	[tilespmem:s18+$0xE180] =	vst v12  }
.Ltmp4:
0x13f: {  	v9 =	vand.u32 $0x1, v50;
	v10 =	vand.u32 $0x1, v51;
	v3 =	vadd.s32 v59, v3;
	[tilespmem:s18+$0xEB80] =	vst v8;
	(pc) =	sbr.rel @p0 .LBB2_7-.Ltmp4, $4  }
0x140: {  	v7 =	vand.u32 $0x1, v60;
	v53 =	vadd.s32 v9, v10;
	[tilespmem:s18+$0xED80] =	vst v3;
	v11 =	vadd.s32 v24, v11  }
0x141: {  	v63 =	vadd.s32 v7, v62;
	v5 =	vadd.s32 v49, v53;
	[tilespmem:s18+$0xE100] =	vst v11  }
0x142: {  	[tilespmem:s18+$0xEC00] =	vst v5;
	v5 =	vadd.s32 v56, v63  }
0x143: {  	s16 =	sadd.s32 $0x10, s16;
	s17 =	sadd.s32 $0x1, s17;
	[tilespmem:s18+$0xED00] =	vst v5  }
0x144: {  	p0 =	seq.s32 s15, $0xF  }
.Ltmp5:
0x145: {  	_ = 	snop;
	(pc) =	sbr.rel @p0 .LBB2_10-.Ltmp5, $2  }
0x146: {  	_ =	sdelay $0x2  }
0x147: {  	s16 =	sshll.u32 s15, $0x8  }
0x148: {  	v3 =	vld.msk [tilespmem:s16+$0x100], $0x3;
	_ =	sdelay $0x4  }
0x149: {  	v4 =	vshrl.u32 v3, $0x3  }
0x14a: {  	v4 =	vmul.u32 $0x18, v4  }
0x14b: {  	v3 =	vand.u32 $0x7, v3  }
0x14c: {  	v3 =	vor.u32 v3, v4  }
0x14d: {  	v3 =	vperm.xlane v3, v1;
	_ =	sdelay $0x1  }
0x14e: {  	v3 =	vadd.s32 v2, v3;
	_ =	sdelay $0x3  }
0x14f: {  	s17 =	simm.s32 $0x9000  }
0x150: {  	[tilespmem:s17], [sflag:$0x1] =	stream.indirect_vreg.gather [hbm4b:s3+s2], $0x80, v3, vm0, $0xb8;
	[tilespmem:$0xF600] =	vst v63  }
0x151: {  	v3 =	vld.msk [tilespmem:s16+$0x1100], $0x3;
	_ =	sdelay $0x4  }
0x152: {  	v56 =	vshrl.u32 v3, $0x3  }
0x153: {  	v4 =	vmul.u32 $0x18, v56  }
0x154: {  	v3 =	vand.u32 $0x7, v3  }
0x155: {  	v3 =	vor.u32 v3, v4  }
0x156: {  	v3 =	vperm.xlane v3, v1;
	_ =	sdelay $0x1  }
0x157: {  	v3 =	vadd.s32 v2, v3;
	_ =	sdelay $0x3  }
0x158: {  	s21 =	simm.s32 $0x9300  }
0x159: {  	[tilespmem:s21], [sflag:$0x1] =	stream.indirect_vreg.gather [hbm4b:s4+s2], $0x80, v3, vm0, $0xb8;
	[tilespmem:$0xF600] =	vst v63  }
0x15a: {  	v3 =	vld.msk [tilespmem:s16+$0x2100], $0x3;
	_ =	sdelay $0x4  }
0x15b: {  	v57 =	vshrl.u32 v3, $0x3  }
0x15c: {  	v4 =	vmul.u32 $0x18, v57  }
0x15d: {  	v3 =	vand.u32 $0x7, v3  }
0x15e: {  	v3 =	vor.u32 v3, v4  }
0x15f: {  	v3 =	vperm.xlane v3, v1;
	_ =	sdelay $0x1  }
0x160: {  	v3 =	vadd.s32 v2, v3;
	_ =	sdelay $0x3  }
0x161: {  	s18 =	simm.s32 $0x9600  }
0x162: {  	[tilespmem:s18], [sflag:$0x1] =	stream.indirect_vreg.gather [hbm4b:s5+s2], $0x80, v3, vm0, $0xb8;
	[tilespmem:$0xF600] =	vst v63  }
0x163: {  	v3 =	vld.msk [tilespmem:s16+$0x3100], $0x3;
	_ =	sdelay $0x4  }
0x164: {  	v58 =	vshrl.u32 v3, $0x3  }
0x165: {  	v4 =	vmul.u32 $0x18, v58  }
0x166: {  	v3 =	vand.u32 $0x7, v3  }
0x167: {  	v3 =	vor.u32 v3, v4  }
0x168: {  	v3 =	vperm.xlane v3, v1;
	_ =	sdelay $0x1  }
0x169: {  	v3 =	vadd.s32 v2, v3;
	_ =	sdelay $0x3  }
0x16a: {  	s19 =	simm.s32 $0x9900  }
0x16b: {  	[tilespmem:s19], [sflag:$0x1] =	stream.indirect_vreg.gather [hbm4b:s6+s2], $0x80, v3, vm0, $0xb8;
	[tilespmem:$0xF600] =	vst v63  }
0x16c: {  	v3 =	vld.msk [tilespmem:s16+$0x4100], $0x3;
	_ =	sdelay $0x4  }
0x16d: {  	v59 =	vshrl.u32 v3, $0x3  }
0x16e: {  	v4 =	vmul.u32 $0x18, v59  }
0x16f: {  	v3 =	vand.u32 $0x7, v3  }
0x170: {  	v3 =	vor.u32 v3, v4  }
0x171: {  	v3 =	vperm.xlane v3, v1;
	_ =	sdelay $0x1  }
0x172: {  	v3 =	vadd.s32 v2, v3;
	_ =	sdelay $0x3  }
0x173: {  	s20 =	simm.s32 $0x9C00  }
0x174: {  	[tilespmem:s20], [sflag:$0x1] =	stream.indirect_vreg.gather [hbm4b:s7+s2], $0x80, v3, vm0, $0xb8;
	[tilespmem:$0xF600] =	vst v63  }
0x175: {  	v3 =	vld.msk [tilespmem:s16+$0x5100], $0x3;
	_ =	sdelay $0x4  }
0x176: {  	v60 =	vshrl.u32 v3, $0x3  }
0x177: {  	v4 =	vmul.u32 $0x18, v60  }
0x178: {  	v3 =	vand.u32 $0x7, v3  }
0x179: {  	v3 =	vor.u32 v3, v4  }
0x17a: {  	v3 =	vperm.xlane v3, v1;
	_ =	sdelay $0x1  }
0x17b: {  	v3 =	vadd.s32 v2, v3;
	_ =	sdelay $0x3  }
0x17c: {  	s21 =	simm.s32 $0x9F00  }
0x17d: {  	[tilespmem:s21], [sflag:$0x1] =	stream.indirect_vreg.gather [hbm4b:s8+s2], $0x80, v3, vm0, $0xb8;
	[tilespmem:$0xF600] =	vst v63  }
0x17e: {  	v3 =	vld.msk [tilespmem:s16+$0x6100], $0x3;
	_ =	sdelay $0x4  }
0x17f: {  	v61 =	vshrl.u32 v3, $0x3  }
0x180: {  	v4 =	vmul.u32 $0x18, v61  }
0x181: {  	v3 =	vand.u32 $0x7, v3  }
0x182: {  	v3 =	vor.u32 v3, v4  }
0x183: {  	v3 =	vperm.xlane v3, v1;
	_ =	sdelay $0x1  }
0x184: {  	v3 =	vadd.s32 v2, v3;
	_ =	sdelay $0x4  }
0x185: {  	[tilespmem:s22], [sflag:$0x1] =	stream.indirect_vreg.gather [hbm4b:s9+s2], $0x80, v3, vm0, $0xb8;
	[tilespmem:$0xF600] =	vst v63  }
0x186: {  	v3 =	vld.msk [tilespmem:s16+$0x7100], $0x3;
	_ =	sdelay $0x4  }
0x187: {  	v62 =	vshrl.u32 v3, $0x3  }
0x188: {  	v4 =	vmul.u32 $0x18, v62  }
0x189: {  	v3 =	vand.u32 $0x7, v3  }
0x18a: {  	v3 =	vor.u32 v3, v4  }
0x18b: {  	v3 =	vperm.xlane v3, v1;
	_ =	sdelay $0x1  }
0x18c: {  	v3 =	vadd.s32 v2, v3;
	_ =	sdelay $0x4  }
0x18d: {  	[tilespmem:s23], [sflag:$0x1] =	stream.indirect_vreg.gather [hbm4b:s10+s2], $0x80, v3, vm0, $0xb8;
	[tilespmem:$0xF600] =	vst v63  }
0x18e: {  	v3 =	vld.msk [tilespmem:s16+$0x8100], $0x3;
	_ =	sdelay $0x4  }
0x18f: {  	v63 =	vshrl.u32 v3, $0x3  }
0x190: {  	v4 =	vmul.u32 $0x18, v63  }
0x191: {  	v3 =	vand.u32 $0x7, v3  }
0x192: {  	v3 =	vor.u32 v3, v4  }
0x193: {  	v3 =	vperm.xlane v3, v1;
	_ =	sdelay $0x1  }
0x194: {  	v3 =	vadd.s32 v2, v3;
	_ =	sdelay $0x4  }
0x195: {  	[tilespmem:s24], [sflag:$0x1] =	stream.indirect_vreg.gather [hbm4b:s11+s2], $0x80, v3, vm0, $0xb8;
	[tilespmem:$0xF600] =	vst v63  }
.LBB2_10:
0x196: {  	_ =	swait.ge [sflag:s14], $0x300  }
0x197: {  	[sflag:s14] =	ssyncset.done $0x0  }
0x198: {  	[sflag:s14] =	ssyncadd.s32 $0xFFFFFD00  }
0x199: {  	_ =	swait.ge [sflag:s14], $0x300  }
0x19a: {  	[sflag:s14] =	ssyncset.done $0x0  }
0x19b: {  	[sflag:s14] =	ssyncadd.s32 $0xFFFFFD00  }
0x19c: {  	_ =	swait.ge [sflag:s14], $0x300  }
0x19d: {  	[sflag:s14] =	ssyncset.done $0x0  }
0x19e: {  	[sflag:s14] =	ssyncadd.s32 $0xFFFFFD00  }
0x19f: {  	_ =	swait.ge [sflag:s14], $0x300  }
0x1a0: {  	[sflag:s14] =	ssyncset.done $0x0  }
0x1a1: {  	[sflag:s14] =	ssyncadd.s32 $0xFFFFFD00  }
0x1a2: {  	_ =	swait.ge [sflag:s14], $0x300  }
0x1a3: {  	[sflag:s14] =	ssyncset.done $0x0  }
0x1a4: {  	[sflag:s14] =	ssyncadd.s32 $0xFFFFFD00  }
0x1a5: {  	_ =	swait.ge [sflag:s14], $0x300  }
0x1a6: {  	[sflag:s14] =	ssyncset.done $0x0  }
0x1a7: {  	[sflag:s14] =	ssyncadd.s32 $0xFFFFFD00  }
0x1a8: {  	_ =	swait.ge [sflag:s14], $0x300  }
0x1a9: {  	[sflag:s14] =	ssyncset.done $0x0  }
0x1aa: {  	[sflag:s14] =	ssyncadd.s32 $0xFFFFFD00  }
0x1ab: {  	_ =	swait.ge [sflag:s14], $0x300  }
0x1ac: {  	[sflag:s14] =	ssyncset.done $0x0  }
0x1ad: {  	[sflag:s14] =	ssyncadd.s32 $0xFFFFFD00  }
0x1ae: {  	_ =	swait.ge [sflag:s14], $0x300  }
0x1af: {  	[sflag:s14] =	ssyncset.done $0x0  }
0x1b0: {  	s17 =	simm.s32 $0x0;
	s18 =	simm.s32 $0x0;
	[sflag:s14] =	ssyncadd.s32 $0xFFFFFD00  }
.LBB2_11:
0x1b1: {  	s19 =	sshll.u32 s18, $0x7  }
0x1b2: {  	s20 =	sshra.s32 s19, $0x2  }
0x1b3: {  	s21 =	sand.u32 $0x70, s17;
	s20 =	sand.u32 $0xFFFFFF00, s20  }
0x1b4: {  	s20 =	sor.u32 s21, s20  }
0x1b5: {  	v3 =	vld [tilespmem:s20+$0xAB00]  }
0x1b6: {  	v4 =	vld [tilespmem:s20+$0xAB80]  }
0x1b7: {  	v5 =	vld [tilespmem:s20+$0xAE00]  }
0x1b8: {  	v6 =	vld [tilespmem:s20+$0xAE80]  }
0x1b9: {  	v7 =	vld [tilespmem:s20+$0xB100]  }
0x1ba: {  	v8 =	vld [tilespmem:s20+$0xB180]  }
0x1bb: {  	v9 =	vld [tilespmem:s20+$0xB400]  }
0x1bc: {  	v10 =	vld [tilespmem:s20+$0xB480]  }
0x1bd: {  	v11 =	vld [tilespmem:s20+$0xB700]  }
0x1be: {  	v12 =	vld [tilespmem:s20+$0xB780]  }
0x1bf: {  	v13 =	vld [tilespmem:s20+$0xBA00]  }
0x1c0: {  	v14 =	vld [tilespmem:s20+$0xBA80]  }
0x1c1: {  	v15 =	vld [tilespmem:s20+$0xBD00]  }
0x1c2: {  	v16 =	vld [tilespmem:s20+$0xBD80]  }
0x1c3: {  	v17 =	vld [tilespmem:s20+$0xC000]  }
0x1c4: {  	v46 =	vld [tilespmem:s20+$0xC080];
	v3 =	vxor.u32 v3, v5;
	v4 =	vxor.u32 v4, v6  }
0x1c5: {  	v47 =	vld [tilespmem:s20+$0xC300];
	v3 =	vxor.u32 v7, v3;
	v4 =	vxor.u32 v8, v4  }
0x1c6: {  	v48 =	vld [tilespmem:s20+$0xC380];
	v3 =	vxor.u32 v9, v3;
	v4 =	vxor.u32 v10, v4  }
0x1c7: {  	v3 =	vxor.u32 v11, v3;
	v4 =	vxor.u32 v12, v4  }
0x1c8: {  	v3 =	vxor.u32 v13, v3;
	v4 =	vxor.u32 v14, v4  }
0x1c9: {  	v3 =	vxor.u32 v15, v3;
	v4 =	vxor.u32 v16, v4  }
0x1ca: {  	v3 =	vxor.u32 v17, v3;
	v4 =	vxor.u32 v46, v4  }
0x1cb: {  	v3 =	vxor.u32 v47, v3;
	v4 =	vxor.u32 v48, v4  }
0x1cc: {  	v6 =	vand.u32 $0x1, v3;
	v7 =	vand.u32 $0x1, v4  }
0x1cd: {  	v51 =	vshrl.u32 v3, $0x1;
	v52 =	vshrl.u32 v4, $0x1;
	v56 =	vshrl.u32 v3, $0x2  }
0x1ce: {  	v57 =	vshrl.u32 v4, $0x2;
	v61 =	vshrl.u32 v3, $0x3;
	v62 =	vshrl.u32 v4, $0x3  }
0x1cf: {  	v16 =	vshrl.u32 v3, $0x4;
	v17 =	vshrl.u32 v4, $0x4;
	v19 =	vshrl.u32 v3, $0x5  }
0x1d0: {  	v20 =	vshrl.u32 v4, $0x5;
	v22 =	vshrl.u32 v3, $0x6;
	v23 =	vshrl.u32 v4, $0x6  }
0x1d1: {  	s19 =	sand.u32 $0x3FFFFC00, s19;
	v25 =	vshrl.u32 v3, $0x7;
	v26 =	vshrl.u32 v4, $0x7;
	v28 =	vshrl.u32 v3, $0x8  }
0x1d2: {  	s19 =	sor.u32 s21, s19;
	v29 =	vshrl.u32 v4, $0x8;
	v31 =	vshrl.u32 v3, $0x9;
	v32 =	vshrl.u32 v4, $0x9  }
0x1d3: {  	v49 =	vld [tilespmem:s19+$0xC600];
	v33 =	vshrl.u32 v3, $0xA;
	v34 =	vshrl.u32 v4, $0xA;
	v35 =	vshrl.u32 v3, $0xB  }
0x1d4: {  	v36 =	vshrl.u32 v4, $0xB;
	v37 =	vshrl.u32 v3, $0xC;
	v38 =	vshrl.u32 v4, $0xC  }
0x1d5: {  	v39 =	vshrl.u32 v3, $0xD;
	v40 =	vshrl.u32 v4, $0xD;
	v41 =	vshrl.u32 v3, $0xE  }
0x1d6: {  	v42 =	vshrl.u32 v4, $0xE;
	v43 =	vshrl.u32 v3, $0xF;
	v44 =	vshrl.u32 v4, $0xF  }
0x1d7: {  	v45 =	vshrl.u32 v3, $0x10;
	v46 =	vshrl.u32 v4, $0x10;
	v48 =	vshrl.u32 v3, $0x11  }
0x1d8: {  	v6 =	vadd.s32 v6, v49;
	v54 =	vand.u32 $0x1, v51;
	v55 =	vand.u32 $0x1, v52  }
0x1d9: {  	v59 =	vand.u32 $0x1, v56;
	v60 =	vand.u32 $0x1, v57;
	v8 =	vand.u32 $0x1, v61  }
0x1da: {  	v9 =	vand.u32 $0x1, v62;
	v10 =	vand.u32 $0x1, v17;
	v11 =	vand.u32 $0x1, v20  }
0x1db: {  	v12 =	vand.u32 $0x1, v23;
	v13 =	vand.u32 $0x1, v26;
	v14 =	vand.u32 $0x1, v29  }
0x1dc: {  	v50 =	vld [tilespmem:s19+$0xC680];
	v15 =	vand.u32 $0x1, v32;
	v17 =	vand.u32 $0x1, v36;
	v49 =	vshrl.u32 v4, $0x11  }
0x1dd: {  	v58 =	vld [tilespmem:s19+$0xC780];
	v52 =	vand.u32 $0x1, v48;
	v61 =	vshrl.u32 v3, $0x14;
	v62 =	vshrl.u32 v4, $0x14  }
0x1de: {  	v26 =	vshrl.u32 v4, $0x16;
	v48 =	vshrl.u32 v4, $0x1B;
	v6 =	vadd.s32 v7, v6  }
0x1df: {  	v53 =	vld [tilespmem:s19+$0xC700];
	v7 =	vadd.s32 v54, v55;
	v8 =	vadd.s32 v8, v9;
	v9 =	vand.u32 $0x1, v16  }
0x1e0: {  	v63 =	vld [tilespmem:s19+$0xC800];
	v16 =	vand.u32 $0x1, v34;
	v54 =	vshrl.u32 v3, $0x12;
	v55 =	vshrl.u32 v4, $0x12  }
0x1e1: {  	v29 =	vand.u32 $0x1, v26;
	v34 =	vshrl.u32 v3, $0x18;
	v5 =	vadd.s32 v50, v7  }
0x1e2: {  	v18 =	vld [tilespmem:s19+$0xC880];
	v7 =	vadd.s32 v59, v60;
	v8 =	vadd.s32 v58, v8;
	v9 =	vadd.s32 v9, v10  }
0x1e3: {  	v10 =	vand.u32 $0x1, v19;
	v57 =	vand.u32 $0x1, v55;
	v58 =	vshrl.u32 v3, $0x13  }
0x1e4: {  	v21 =	vld [tilespmem:s19+$0xC900];
	v59 =	vshrl.u32 v4, $0x13;
	v55 =	vshrl.u32 v4, $0x1D;
	v7 =	vadd.s32 v53, v7  }
0x1e5: {  	[tilespmem:s19+$0xC600] =	vst v6;
	v9 =	vadd.s32 v63, v9;
	v10 =	vadd.s32 v10, v11;
	v11 =	vand.u32 $0x1, v22  }
0x1e6: {  	v53 =	vand.u32 $0x1, v49;
	[tilespmem:s19+$0xC780] =	vst v8;
	v8 =	vand.u32 $0x1, v58;
	v58 =	vand.u32 $0x1, v55  }
0x1e7: {  	v24 =	vld [tilespmem:s19+$0xC980];
	v10 =	vadd.s32 v18, v10;
	v11 =	vadd.s32 v11, v12;
	v12 =	vand.u32 $0x1, v25;
	[tilespmem:s19+$0xC700] =	vst v7  }
0x1e8: {  	v56 =	vld [tilespmem:s19+$0xDF80];
	v6 =	vadd.s32 v52, v53;
	v7 =	vand.u32 $0x1, v54;
	[tilespmem:s19+$0xC800] =	vst v9;
	v9 =	vand.u32 $0x1, v59  }
0x1e9: {  	v27 =	vld [tilespmem:s19+$0xD200];
	v54 =	vshrl.u32 v3, $0x1D;
	v11 =	vadd.s32 v21, v11;
	v12 =	vadd.s32 v12, v13  }
0x1ea: {  	v50 =	vld [tilespmem:s19+$0xDF00];
	v13 =	vand.u32 $0x1, v28;
	v7 =	vadd.s32 v7, v57;
	v8 =	vadd.s32 v8, v9  }
0x1eb: {  	v60 =	vld [tilespmem:s19+$0xE000];
	[tilespmem:s19+$0xC880] =	vst v10;
	v9 =	vand.u32 $0x1, v61;
	v10 =	vand.u32 $0x1, v62;
	v57 =	vand.u32 $0x1, v54  }
0x1ec: {  	v30 =	vld [tilespmem:s19+$0xD280];
	v61 =	vshrl.u32 v4, $0x1E;
	v12 =	vadd.s32 v24, v12;
	v13 =	vadd.s32 v13, v14  }
0x1ed: {  	v14 =	vand.u32 $0x1, v31;
	v8 =	vadd.s32 v56, v8;
	v9 =	vadd.s32 v9, v10  }
0x1ee: {  	v18 =	vld [tilespmem:s19+$0xD300];
	v31 =	vshrl.u32 v4, $0x17;
	v62 =	vand.u32 $0x1, v61;
	v13 =	vadd.s32 v27, v13  }
0x1ef: {  	v14 =	vadd.s32 v14, v15;
	v15 =	vand.u32 $0x1, v33;
	v7 =	vadd.s32 v50, v7  }
0x1f0: {  	v25 =	vld [tilespmem:s19+$0xDE80];
	v9 =	vadd.s32 v60, v9;
	v33 =	vand.u32 $0x1, v31;
	v50 =	vshrl.u32 v3, $0x1C  }
0x1f1: {  	v19 =	vld [tilespmem:s19+$0xD380];
	v60 =	vshrl.u32 v3, $0x1E;
	v14 =	vadd.s32 v30, v14;
	v15 =	vadd.s32 v15, v16  }
0x1f2: {  	v16 =	vand.u32 $0x1, v35;
	[tilespmem:s19+$0xD200] =	vst v13;
	v30 =	vshrl.u32 v3, $0x17;
	v35 =	vshrl.u32 v4, $0x18  }
0x1f3: {  	v20 =	vld [tilespmem:s19+$0xD400];
	v13 =	vand.u32 $0x1, v34;
	[tilespmem:s19+$0xE000] =	vst v9;
	v9 =	vand.u32 $0x1, v48;
	v15 =	vadd.s32 v18, v15  }
0x1f4: {  	[tilespmem:s19+$0xC680] =	vst v5;
	v16 =	vadd.s32 v16, v17;
	v17 =	vand.u32 $0x1, v37;
	v18 =	vand.u32 $0x1, v38  }
0x1f5: {  	v32 =	vld [tilespmem:s19+$0xEA00];
	v6 =	vadd.s32 v25, v6;
	[tilespmem:s19+$0xD280] =	vst v14;
	v25 =	vshrl.u32 v3, $0x16;
	v14 =	vand.u32 $0x1, v35  }
0x1f6: {  	v21 =	vld [tilespmem:s19+$0xD480];
	[tilespmem:s19+$0xC900] =	vst v11;
	v38 =	vshrl.u32 v3, $0x19;
	v16 =	vadd.s32 v19, v16;
	v17 =	vadd.s32 v17, v18  }
0x1f7: {  	[tilespmem:s19+$0xC980] =	vst v12;
	v18 =	vand.u32 $0x1, v39;
	v19 =	vand.u32 $0x1, v40;
	v28 =	vand.u32 $0x1, v25  }
0x1f8: {  	v22 =	vld [tilespmem:s19+$0xD500];
	[tilespmem:s19+$0xDF80] =	vst v8;
	v37 =	vadd.s32 v13, v14;
	v39 =	vshrl.u32 v4, $0x19;
	v17 =	vadd.s32 v20, v17  }
0x1f9: {  	v36 =	vld [tilespmem:s19+$0xEA80];
	[tilespmem:s19+$0xDF00] =	vst v7;
	v18 =	vadd.s32 v18, v19;
	v19 =	vand.u32 $0x1, v41;
	v20 =	vand.u32 $0x1, v42  }
0x1fa: {  	v23 =	vld [tilespmem:s19+$0xD580];
	[tilespmem:s19+$0xD300] =	vst v15;
	v5 =	vadd.s32 v32, v37;
	v41 =	vand.u32 $0x1, v38;
	v42 =	vand.u32 $0x1, v39  }
0x1fb: {  	[tilespmem:s19+$0xDE80] =	vst v6;
	v18 =	vadd.s32 v21, v18;
	v19 =	vadd.s32 v19, v20;
	v20 =	vand.u32 $0x1, v43  }
0x1fc: {  	v24 =	vld [tilespmem:s19+$0xDE00];
	[tilespmem:s19+$0xD380] =	vst v16;
	v21 =	vand.u32 $0x1, v44;
	v6 =	vadd.s32 v41, v42;
	v43 =	vshrl.u32 v3, $0x1A  }
0x1fd: {  	v52 =	vld [tilespmem:s19+$0xEC80];
	[tilespmem:s19+$0xD400] =	vst v17;
	v44 =	vshrl.u32 v4, $0x1A;
	v19 =	vadd.s32 v22, v19;
	v20 =	vadd.s32 v20, v21  }
0x1fe: {  	v40 =	vld [tilespmem:s19+$0xEB00];
	[tilespmem:s19+$0xEA00] =	vst v5;
	v21 =	vand.u32 $0x1, v45;
	v22 =	vand.u32 $0x1, v46;
	v6 =	vadd.s32 v36, v6  }
0x1ff: {  	[tilespmem:s19+$0xD480] =	vst v18;
	v7 =	vand.u32 $0x1, v43;
	v46 =	vand.u32 $0x1, v44;
	v20 =	vadd.s32 v23, v20  }
0x200: {  	v63 =	vld [tilespmem:s19+$0xE080];
	v47 =	vadd.s32 v21, v22;
	v22 =	vshrl.u32 v3, $0x15;
	v23 =	vshrl.u32 v4, $0x15;
	[tilespmem:s19+$0xD500] =	vst v19  }
0x201: {  	v27 =	vld [tilespmem:s19+$0xE180];
	v7 =	vadd.s32 v7, v46;
	[tilespmem:s19+$0xEA80] =	vst v6;
	v6 =	vadd.s32 v57, v58;
	v51 =	vadd.s32 v24, v47  }
0x202: {  	v45 =	vld [tilespmem:s19+$0xEB80];
	v10 =	vand.u32 $0x1, v22;
	v12 =	vand.u32 $0x1, v23;
	[tilespmem:s19+$0xD580] =	vst v20;
	v47 =	vshrl.u32 v3, $0x1B  }
0x203: {  	v59 =	vld [tilespmem:s19+$0xED80];
	v7 =	vadd.s32 v40, v7;
	v6 =	vadd.s32 v52, v6;
	v3 =	vshrl.u32 v3, $0x1F;
	[tilespmem:s19+$0xDE00] =	vst v51  }
0x204: {  	v24 =	vld [tilespmem:s19+$0xE100];
	v10 =	vadd.s32 v10, v12;
	v12 =	vand.u32 $0x1, v30;
	v8 =	vand.u32 $0x1, v47;
	[tilespmem:s19+$0xEB00] =	vst v7  }
0x205: {  	v49 =	vld [tilespmem:s19+$0xEC00];
	v51 =	vshrl.u32 v4, $0x1C;
	[tilespmem:s19+$0xEC80] =	vst v6;
	v10 =	vadd.s32 v63, v10;
	v12 =	vadd.s32 v12, v33  }
0x206: {  	v56 =	vld [tilespmem:s19+$0xED00];
	v4 =	vshrl.u32 v4, $0x1F;
	v8 =	vadd.s32 v8, v9;
	v12 =	vadd.s32 v27, v12;
	[tilespmem:s19+$0xE080] =	vst v10  }
0x207: {  	p1 =	sne.s32 s18, $0x17;
	v11 =	vadd.s32 v28, v29;
	v3 =	vadd.s32 v3, v4;
	v8 =	vadd.s32 v45, v8;
	[tilespmem:s19+$0xE180] =	vst v12  }
.Ltmp6:
0x208: {  	v9 =	vand.u32 $0x1, v50;
	v10 =	vand.u32 $0x1, v51;
	v3 =	vadd.s32 v59, v3;
	[tilespmem:s19+$0xEB80] =	vst v8;
	(pc) =	sbr.rel @p1 .LBB2_11-.Ltmp6, $4  }
0x209: {  	v7 =	vand.u32 $0x1, v60;
	v53 =	vadd.s32 v9, v10;
	[tilespmem:s19+$0xED80] =	vst v3;
	v11 =	vadd.s32 v24, v11  }
0x20a: {  	v63 =	vadd.s32 v7, v62;
	v5 =	vadd.s32 v49, v53;
	[tilespmem:s19+$0xE100] =	vst v11  }
0x20b: {  	[tilespmem:s19+$0xEC00] =	vst v5;
	v5 =	vadd.s32 v56, v63  }
0x20c: {  	s17 =	sadd.s32 $0x10, s17;
	s18 =	sadd.s32 $0x1, s18;
	[tilespmem:s19+$0xED00] =	vst v5  }
.Ltmp7:
0x20d: {  	(pc) =	sbr.rel @p0 .LBB2_14-.Ltmp7, $1  }
0x20e: {  	_ =	sdelay $0x3  }
0x20f: {  	v3 =	vld.msk [tilespmem:s16+$0x180], $0x3;
	_ =	sdelay $0x4  }
0x210: {  	v4 =	vshrl.u32 v3, $0x3  }
0x211: {  	v4 =	vmul.u32 $0x18, v4  }
0x212: {  	v3 =	vand.u32 $0x7, v3  }
0x213: {  	v3 =	vor.u32 v3, v4  }
0x214: {  	v3 =	vperm.xlane v3, v1;
	_ =	sdelay $0x1  }
0x215: {  	v3 =	vadd.s32 v2, v3;
	_ =	sdelay $0x4  }
0x216: {  	[tilespmem:s25], [sflag:$0x2] =	stream.indirect_vreg.gather [hbm4b:s3+s2], $0x80, v3, vm0, $0xb8;
	[tilespmem:$0xF600] =	vst v63  }
0x217: {  	v3 =	vld.msk [tilespmem:s16+$0x1180], $0x3;
	_ =	sdelay $0x4  }
0x218: {  	v56 =	vshrl.u32 v3, $0x3  }
0x219: {  	v4 =	vmul.u32 $0x18, v56  }
0x21a: {  	v3 =	vand.u32 $0x7, v3  }
0x21b: {  	v3 =	vor.u32 v3, v4  }
0x21c: {  	v3 =	vperm.xlane v3, v1;
	_ =	sdelay $0x1  }
0x21d: {  	v3 =	vadd.s32 v2, v3;
	_ =	sdelay $0x4  }
0x21e: {  	[tilespmem:s26], [sflag:$0x2] =	stream.indirect_vreg.gather [hbm4b:s4+s2], $0x80, v3, vm0, $0xb8;
	[tilespmem:$0xF600] =	vst v63  }
0x21f: {  	v3 =	vld.msk [tilespmem:s16+$0x2180], $0x3;
	_ =	sdelay $0x4  }
0x220: {  	v57 =	vshrl.u32 v3, $0x3  }
0x221: {  	v4 =	vmul.u32 $0x18, v57  }
0x222: {  	v3 =	vand.u32 $0x7, v3  }
0x223: {  	v3 =	vor.u32 v3, v4  }
0x224: {  	v3 =	vperm.xlane v3, v1;
	_ =	sdelay $0x1  }
0x225: {  	v3 =	vadd.s32 v2, v3;
	_ =	sdelay $0x4  }
0x226: {  	[tilespmem:s28], [sflag:$0x2] =	stream.indirect_vreg.gather [hbm4b:s5+s2], $0x80, v3, vm0, $0xb8;
	[tilespmem:$0xF600] =	vst v63  }
0x227: {  	v3 =	vld.msk [tilespmem:s16+$0x3180], $0x3;
	_ =	sdelay $0x4  }
0x228: {  	v58 =	vshrl.u32 v3, $0x3  }
0x229: {  	v4 =	vmul.u32 $0x18, v58  }
0x22a: {  	v3 =	vand.u32 $0x7, v3  }
0x22b: {  	v3 =	vor.u32 v3, v4  }
0x22c: {  	v3 =	vperm.xlane v3, v1;
	_ =	sdelay $0x1  }
0x22d: {  	v3 =	vadd.s32 v2, v3;
	_ =	sdelay $0x4  }
0x22e: {  	[tilespmem:s29], [sflag:$0x2] =	stream.indirect_vreg.gather [hbm4b:s6+s2], $0x80, v3, vm0, $0xb8;
	[tilespmem:$0xF600] =	vst v63  }
0x22f: {  	v3 =	vld.msk [tilespmem:s16+$0x4180], $0x3;
	_ =	sdelay $0x4  }
0x230: {  	v59 =	vshrl.u32 v3, $0x3  }
0x231: {  	v4 =	vmul.u32 $0x18, v59  }
0x232: {  	v3 =	vand.u32 $0x7, v3  }
0x233: {  	v3 =	vor.u32 v3, v4  }
0x234: {  	v3 =	vperm.xlane v3, v1;
	_ =	sdelay $0x1  }
0x235: {  	v3 =	vadd.s32 v2, v3;
	_ =	sdelay $0x4  }
0x236: {  	[tilespmem:s30], [sflag:$0x2] =	stream.indirect_vreg.gather [hbm4b:s7+s2], $0x80, v3, vm0, $0xb8;
	[tilespmem:$0xF600] =	vst v63  }
0x237: {  	v3 =	vld.msk [tilespmem:s16+$0x5180], $0x3;
	_ =	sdelay $0x4  }
0x238: {  	v60 =	vshrl.u32 v3, $0x3  }
0x239: {  	v4 =	vmul.u32 $0x18, v60  }
0x23a: {  	v3 =	vand.u32 $0x7, v3  }
0x23b: {  	v3 =	vor.u32 v3, v4  }
0x23c: {  	v3 =	vperm.xlane v3, v1;
	_ =	sdelay $0x1  }
0x23d: {  	v3 =	vadd.s32 v2, v3;
	_ =	sdelay $0x4  }
0x23e: {  	[tilespmem:s31], [sflag:$0x2] =	stream.indirect_vreg.gather [hbm4b:s8+s2], $0x80, v3, vm0, $0xb8;
	[tilespmem:$0xF600] =	vst v63  }
0x23f: {  	v3 =	vld.msk [tilespmem:s16+$0x6180], $0x3;
	_ =	sdelay $0x4  }
0x240: {  	v61 =	vshrl.u32 v3, $0x3  }
0x241: {  	v4 =	vmul.u32 $0x18, v61  }
0x242: {  	v3 =	vand.u32 $0x7, v3  }
0x243: {  	v3 =	vor.u32 v3, v4  }
0x244: {  	v3 =	vperm.xlane v3, v1;
	_ =	sdelay $0x1  }
0x245: {  	v3 =	vadd.s32 v2, v3;
	_ =	sdelay $0x4  }
0x246: {  	[tilespmem:s1], [sflag:$0x2] =	stream.indirect_vreg.gather [hbm4b:s9+s2], $0x80, v3, vm0, $0xb8;
	[tilespmem:$0xF600] =	vst v63  }
0x247: {  	v3 =	vld.msk [tilespmem:s16+$0x7180], $0x3;
	_ =	sdelay $0x4  }
0x248: {  	v62 =	vshrl.u32 v3, $0x3  }
0x249: {  	v4 =	vmul.u32 $0x18, v62  }
0x24a: {  	v3 =	vand.u32 $0x7, v3  }
0x24b: {  	v3 =	vor.u32 v3, v4  }
0x24c: {  	v3 =	vperm.xlane v3, v1;
	_ =	sdelay $0x1  }
0x24d: {  	v3 =	vadd.s32 v2, v3;
	_ =	sdelay $0x4  }
0x24e: {  	[tilespmem:s0], [sflag:$0x2] =	stream.indirect_vreg.gather [hbm4b:s10+s2], $0x80, v3, vm0, $0xb8;
	[tilespmem:$0xF600] =	vst v63  }
0x24f: {  	v3 =	vld.msk [tilespmem:s16+$0x8180], $0x3;
	_ =	sdelay $0x4  }
0x250: {  	v63 =	vshrl.u32 v3, $0x3  }
0x251: {  	v4 =	vmul.u32 $0x18, v63  }
0x252: {  	v3 =	vand.u32 $0x7, v3  }
0x253: {  	v3 =	vor.u32 v3, v4  }
0x254: {  	v3 =	vperm.xlane v3, v1;
	_ =	sdelay $0x1  }
0x255: {  	v3 =	vadd.s32 v2, v3  }
.Ltmp8:
0x256: {  	_ = 	snop;
	(pc) =	sbr.rel .LBB2_6-.Ltmp8, $3  }
0x257: {  	_ =	sdelay $0x1  }
0x258: {  	s15 =	sadd.s32 $0x1, s15  }
0x259: {  	[tilespmem:s12], [sflag:$0x2] =	stream.indirect_vreg.gather [hbm4b:s11+s2], $0x80, v3, vm0, $0xb8;
	[tilespmem:$0xF600] =	vst v63  }
.LBB2_15:
0x25a: {  	_ =	sfence.sel $0x180000  }
0x25b: {  	[bflag:$0x0] =	sbarrier.arrive $0xFFFF  }
0x25c: {  	_ =	strace $0x90000047  }
0x25d: {  	s0 =	stileid.u32;
	[bflag:$0x2] =	sbarrier.arrive $0xFFFF  }
0x25e: {  	p0 =	sne.s32 s0, $0x0;
	s0 =	rddreg [dreg:$0x1]  }
0x25f: {  	s0 =	sadd.s32 @!p0 $0x100000, s0  }
0x260: {  	[sflag:s0] =	ssyncadd.tile.s32 @!p0 $0x1;
	_ =	shalt  }
.Lfunc_end2:
_tile_overlayer_lowered:
.L_overlay_start_2:
0x261: {  	(tag) =	ssettag $0x2  }
0x262: {  	s0 =	rddreg [dreg:$0x0];
	s2 =	stileid.u32  }
0x263: {  	s1 =	rddreg [dreg:$0x1];
	p0 =	sne.s32 s2, $0x0  }
0x264: {  	s3 =	rddreg [dreg:$0x2];
	[bflag:$0x3] =	sbarrier.arrive $0xFFFF;
	s2 =	simm.s32 @!p0 $0x1C03  }
0x265: {  	[timem:s3], [sflag:s2] =	dma.local @!p0 [hbm:s0], s1  }
0x266: {  	s0 =	simm.s32 @!p0 $0x3  }
0x267: {  	_ =	swait.ge @!p0 [sflag:s0], s1  }
0x268: {  	s1 =	ssub.s32 @!p0 $0x0, s1;
	[sflag:s0] =	ssyncset.done @!p0 $0x0  }
0x269: {  	[sflag:s0] =	ssyncadd.s32 @!p0 s1  }
0x26a: {  	[bflag:$0x3] =	sbarrier.arrive $0xFFFF  }
0x26b: {  	_ =	shalt  }

</sc_bundles>
